<compile_context>
chip_gen: v7x
topology: tpu7x:2x2x1
jax: 0.10.2.dev20260603
libtpu: 0.0.44.dev20260713+nightly
codegen_flags: <defaults>
</compile_context>

<pallas_src>
import functools

import jax
import jax.numpy as jnp
from jax import lax
from jax.experimental import pallas as pl
from jax.experimental.pallas import tpu as pltpu
from jax.experimental.pallas import tpu_sc as plsc

NN = 10000
EE = 320000
DIN = 128
HID = 64
NOUT = 16
NR = 4
NG = 64

NC = 2
NS = 16
NW = NC * NS
CHUNK = 128
CPW = 80
CPW0 = 108
CPW1 = 52
TOTCH = NS * (CPW0 + CPW1)
EPW = CPW * CHUNK
EPAD = NW * EPW
NACC = 10240
RPT = NACC // NS

BN = 400
NB = NN // BN

@functools.lru_cache(maxsize=None)
def _mesh():
    return plsc.VectorSubcoreMesh(core_axis_name="c", subcore_axis_name="s")



ZR = 64


def _zero_acc(zbuf, acc_sh, sid):
    def zrow(j, _):
        for c in range(HID // 16):
            zbuf[j, pl.ds(c * 16, 16)] = jnp.zeros((16,), jnp.float32)
        return 0
    lax.fori_loop(0, ZR, zrow, 0)
    for q in range(RPT // ZR):
        pltpu.sync_copy(zbuf, acc_sh.at[pl.ds(sid * RPT + q * ZR, ZR)])


NCR = NACC * NR
RPTC = NCR // NS


def _cnt_body(fgc_hbm, out_hbm, fg_v, ones, zbuf, acc_sh):
    cid = lax.axis_index("c")
    sid = lax.axis_index("s")
    wid = sid * NC + cid

    def zrow(j, _):
        zbuf[j, :] = jnp.zeros((16,), jnp.float32)
        return 0
    lax.fori_loop(0, ZR, zrow, 0)

    def orow(j, _):
        ones[j, :] = jnp.full((16,), 1.0, jnp.float32)
        return 0
    lax.fori_loop(0, CHUNK, orow, 0)

    base = sid * RPTC
    for q in range(RPTC // ZR):
        pltpu.sync_copy(zbuf, acc_sh.at[pl.ds(base + q * ZR, ZR)])
    pltpu.sync_copy(fgc_hbm.at[wid], fg_v)
    plsc.subcore_barrier()

    def chunk(k, _):
        pltpu.sync_copy(ones, acc_sh.at[fg_v.at[k]], add=True)
        return 0
    lax.fori_loop(0, CPW, chunk, 0)

    plsc.subcore_barrier()
    pltpu.sync_copy(acc_sh.at[pl.ds(sid * RPTC, RPTC)],
                    out_hbm.at[cid, pl.ds(sid * RPTC, RPTC)])


def _cnt_call():
    return pl.kernel(
        _cnt_body, mesh=_mesh(),
    out_type=jax.ShapeDtypeStruct((NC, NCR, 16), jnp.float32),
    compiler_params=pltpu.CompilerParams(use_tc_tiling_on_sc=False),
    scratch_types=[
        pltpu.VMEM((CPW, CHUNK), jnp.int32),
        pltpu.VMEM((CHUNK, 16), jnp.float32),
        pltpu.VMEM((ZR, 16), jnp.float32),
        pltpu.VMEM_SHARED((NCR, 16), jnp.float32),
    ],
)


def _edge_body(lin_hbm, f_hbm, xg_hbm, fg_hbm, d_hbm, out_hbm,
               xg_v, fg_v, d_v, xrows, frows, msg, zbuf, acc_sh,
               sem1, sem2, sem3, sem4):
    cid = lax.axis_index("c")
    sid = lax.axis_index("s")

    _zero_acc(zbuf, acc_sh, sid)

    H = CHUNK // 2

    def run(base_ch, cpwc):
        pltpu.sync_copy(xg_hbm.at[pl.ds(base_ch, cpwc)],
                        xg_v.at[pl.ds(0, cpwc)])
        pltpu.sync_copy(fg_hbm.at[pl.ds(base_ch, cpwc)],
                        fg_v.at[pl.ds(0, cpwc)])
        pltpu.sync_copy(d_hbm.at[pl.ds(base_ch, cpwc)],
                        d_v.at[pl.ds(0, cpwc)])
        plsc.subcore_barrier()

        def chunk(k, _):
            c1 = pltpu.async_copy(lin_hbm.at[xg_v.at[k, pl.ds(0, H)]],
                                  xrows.at[pl.ds(0, H)], sem1)
            c2 = pltpu.async_copy(lin_hbm.at[xg_v.at[k, pl.ds(H, H)]],
                                  xrows.at[pl.ds(H, H)], sem2)
            c3 = pltpu.async_copy(f_hbm.at[fg_v.at[k, pl.ds(0, H)]],
                                  frows.at[pl.ds(0, H)], sem3)
            c4 = pltpu.async_copy(f_hbm.at[fg_v.at[k, pl.ds(H, H)]],
                                  frows.at[pl.ds(H, H)], sem4)
            def ebody(j, _):
                for c in range(4):
                    xv = xrows[j, pl.ds(c * 16, 16)]
                    bv = frows[j, pl.ds(c * 16, 16)]
                    gv = frows[j, pl.ds(64 + c * 16, 16)]
                    msg[j, pl.ds(c * 16, 16)] = jnp.maximum(gv * xv + bv, 0.0)
                return 0
            c1.wait()
            c3.wait()
            lax.fori_loop(0, H, ebody, 0)
            c2.wait()
            c4.wait()
            lax.fori_loop(H, CHUNK, ebody, 0)
            pltpu.sync_copy(msg, acc_sh.at[d_v.at[k]], add=True)
            return 0
        lax.fori_loop(0, cpwc, chunk, 0)

    @pl.when(cid == 0)
    def _():
        run(sid * CPW0, CPW0)

    @pl.when(cid == 1)
    def _():
        run(NS * CPW0 + sid * CPW1, CPW1)

    plsc.subcore_barrier()
    pltpu.sync_copy(acc_sh.at[pl.ds(sid * RPT, RPT)],
                    out_hbm.at[cid, pl.ds(sid * RPT, RPT)])


def _edge_call():
    return pl.kernel(
        _edge_body, mesh=_mesh(),
    out_type=jax.ShapeDtypeStruct((NC, NACC, HID), jnp.float32),
    compiler_params=pltpu.CompilerParams(use_tc_tiling_on_sc=False),
    scratch_types=[
        pltpu.VMEM((CPW0, CHUNK), jnp.int32),
        pltpu.VMEM((CPW0, CHUNK), jnp.int32),
        pltpu.VMEM((CPW0, CHUNK), jnp.int32),
        pltpu.VMEM((CHUNK, HID), jnp.float32),
        pltpu.VMEM((CHUNK, 2 * HID), jnp.float32),
        pltpu.VMEM((CHUNK, HID), jnp.float32),
        pltpu.VMEM((ZR, HID), jnp.float32),
        pltpu.VMEM_SHARED((NACC, HID), jnp.float32),
        pltpu.SemaphoreType.DMA,
        pltpu.SemaphoreType.DMA,
        pltpu.SemaphoreType.DMA,
        pltpu.SemaphoreType.DMA,
    ],
)



def _tables_common(h, cnt_ref, wall_ref, bf_ref, lin_ref, f_ref, skip_ref):
    t = jnp.dot(h, wall_ref[...], preferred_element_type=jnp.float32)
    lin_ref[...] = t[:, :NR * HID]
    fs = t[:, 768:896]
    sk = t[:, 896:960]
    skip_ref[...] = jnp.maximum(fs[:, HID:] * sk + fs[:, :HID], 0.0)
    cnt = cnt_ref[0] + cnt_ref[1]
    for r in range(NR):
        invr = 1.0 / jnp.maximum(cnt[:, r:r + 1], 1.0)
        lo = NR * HID + r * 2 * HID
        f_ref[:, r * 2 * HID:(r + 1) * 2 * HID] = (
            t[:, lo:lo + 2 * HID] + bf_ref[0, r * 2 * HID:(r + 1) * 2 * HID]
        ) * invr


def _layer0_body(x_ref, cnt_ref, wenc_ref, benc_ref, wall_ref, bf_ref,
                 lin_ref, f_ref, skip_ref):
    h = jnp.dot(x_ref[...], wenc_ref[...],
                preferred_element_type=jnp.float32) + benc_ref[...]
    _tables_common(h, cnt_ref, wall_ref, bf_ref, lin_ref, f_ref, skip_ref)


def _layer1_body(skin_ref, acc_ref, cnt_ref, bns_ref, bnb_ref, wall_ref,
                 bf_ref, lin_ref, f_ref, skip_ref):
    h = skin_ref[...] + acc_ref[0] + acc_ref[1]
    h = jnp.maximum(h * bns_ref[...] + bnb_ref[...], 0.0)
    _tables_common(h, cnt_ref, wall_ref, bf_ref, lin_ref, f_ref, skip_ref)


def _head_body(skin_ref, acc_ref, batch_ref, wl_ref, bl_ref, wc_ref, bc_ref,
               out_ref, accm_ref):
    i = pl.program_id(0)

    @pl.when(i == 0)
    def _():
        accm_ref[...] = jnp.zeros((NG, HID), jnp.float32)

    y = skin_ref[...] + acc_ref[0] + acc_ref[1]
    b = batch_ref[0]
    oh = (b == lax.broadcasted_iota(jnp.int32, (NG, BN), 0)).astype(jnp.float32)
    accm_ref[...] += jnp.dot(oh, y, preferred_element_type=jnp.float32)

    @pl.when(i == NB - 1)
    def _():
        g = jnp.maximum(
            jnp.dot(accm_ref[...], wl_ref[...],
                    preferred_element_type=jnp.float32) + bl_ref[...], 0.0)
        out_ref[...] = jnp.dot(g, wc_ref[...],
                               preferred_element_type=jnp.float32) + bc_ref[...]


def _fixed(shape):
    return pl.BlockSpec(shape, lambda i: tuple(0 for _ in shape))


_tables_out = [
    jax.ShapeDtypeStruct((NN, NR * HID), jnp.float32),
    jax.ShapeDtypeStruct((NN, NR * 2 * HID), jnp.float32),
    jax.ShapeDtypeStruct((NN, HID), jnp.float32),
]
_tables_out_specs = [
    pl.BlockSpec((BN, NR * HID), lambda i: (i, 0)),
    pl.BlockSpec((BN, NR * 2 * HID), lambda i: (i, 0)),
    pl.BlockSpec((BN, HID), lambda i: (i, 0)),
]

_layer0_call = pl.pallas_call(
    _layer0_body,
    grid=(NB,),
    in_specs=[
        pl.BlockSpec((BN, DIN), lambda i: (i, 0)),
        pl.BlockSpec((NC, BN, 4), lambda i: (0, i, 0)),
        _fixed((DIN, HID)),
        _fixed((1, HID)),
        _fixed((HID, 960)),
        _fixed((1, NR * 2 * HID)),
    ],
    out_specs=_tables_out_specs,
    out_shape=_tables_out,
)

_layer1_call = pl.pallas_call(
    _layer1_body,
    grid=(NB,),
    in_specs=[
        pl.BlockSpec((BN, HID), lambda i: (i, 0)),
        pl.BlockSpec((NC, BN, HID), lambda i: (0, i, 0)),
        pl.BlockSpec((NC, BN, 4), lambda i: (0, i, 0)),
        _fixed((1, HID)),
        _fixed((1, HID)),
        _fixed((HID, 960)),
        _fixed((1, NR * 2 * HID)),
    ],
    out_specs=_tables_out_specs,
    out_shape=_tables_out,
)

_head_call = pl.pallas_call(
    _head_body,
    grid=(NB,),
    in_specs=[
        pl.BlockSpec((BN, HID), lambda i: (i, 0)),
        pl.BlockSpec((NC, BN, HID), lambda i: (0, i, 0)),
        pl.BlockSpec((1, 1, BN), lambda i: (i, 0, 0)),
        _fixed((HID, HID)),
        _fixed((1, HID)),
        _fixed((HID, NOUT)),
        _fixed((1, NOUT)),
    ],
    out_specs=pl.BlockSpec((NG, NOUT), lambda i: (0, 0)),
    out_shape=jax.ShapeDtypeStruct((NG, NOUT), jnp.float32),
    scratch_shapes=[pltpu.VMEM((NG, HID), jnp.float32)],
)



def _wall(p, l):
    wcat = jnp.concatenate([p['W_rel_%d' % l][r] for r in range(NR)], axis=1)
    wfcat = jnp.concatenate([p['Wf_rel_%d' % l][r] for r in range(NR)], axis=1)
    wall = jnp.concatenate(
        [wcat, wfcat, p['Wf_skip_%d' % l], p['W_skip_%d' % l]], axis=1)
    bfcat = jnp.concatenate([p['bf_rel_%d' % l][r] for r in range(NR)], axis=0)
    return wall, bfcat.reshape(1, NR * 2 * HID)


def kernel(x, edge_index, edge_type, batch, params):
    p = params
    src = edge_index[0].astype(jnp.int32)
    dst = edge_index[1].astype(jnp.int32)
    et = edge_type.astype(jnp.int32)

    pad = EPAD - EE
    zpad = jnp.zeros((pad,), jnp.int32)
    xg = jnp.concatenate([src * NR + et, zpad]).reshape(TOTCH, CHUNK)
    fg = jnp.concatenate([dst * NR + et, zpad]).reshape(TOTCH, CHUNK)
    d3 = jnp.concatenate([dst, jnp.full((pad,), NN, jnp.int32)]
                         ).reshape(TOTCH, CHUNK)
    dpad = jnp.concatenate([dst, jnp.full((pad,), NN, jnp.int32)])
    etpad = jnp.concatenate([et, zpad])
    fgc3 = (dpad * NR + etpad).reshape(NW, CPW, CHUNK)

    cntf = _cnt_call()(fgc3)
    cnt2 = cntf[:, :NN * NR, 0].reshape(NC, NN, NR)

    wall0, bf0 = _wall(p, 0)
    wall1, bf1 = _wall(p, 1)
    bns = (p['bn_w'] / jnp.sqrt(p['bn_rv'] + 1e-5)).reshape(1, HID)
    bnb = (p['bn_b'] - p['bn_rm'] * bns[0]).reshape(1, HID)

    lin_t, f_t, skip0 = _layer0_call(
        x, cnt2, p['W_enc'], p['b_enc'].reshape(1, HID), wall0, bf0)
    acc0 = _edge_call()(lin_t.reshape(NN * NR, HID),
                        f_t.reshape(NN * NR, 2 * HID), xg, fg, d3)

    lin_t1, f_t1, skip1 = _layer1_call(
        skip0, acc0[:, :NN, :HID], cnt2, bns, bnb, wall1, bf1)
    acc1 = _edge_call()(lin_t1.reshape(NN * NR, HID),
                        f_t1.reshape(NN * NR, 2 * HID), xg, fg, d3)

    out = _head_call(skip1, acc1[:, :NN, :HID],
                     batch.astype(jnp.int32).reshape(NB, 1, BN),
                     p['W_lin'], p['b_lin'].reshape(1, HID),
                     p['W_clf'], p['b_clf'].reshape(1, NOUT))
    return out

# --- scband reference (transcript-rebuilt; emitter-appended) ---
"""Pipeline reference for scband-fi-lm-net-graph-71975061946540 (READ-ONLY COPY).

The authoritative reference and input builder live on the scoring server;
editing this copy changes nothing except your own understanding.
"""

import jax, jax.numpy as jnp
import numpy as np

N = 10000
E = 320000
D_IN = 128
HID = 64
OUT = 16
R = 4
G = 64


def setup_inputs(seed: int = 0):
    key = jax.random.key(seed)
    ks = jax.random.split(key, 32)
    x = jax.random.normal(ks[0], (N, D_IN), dtype=jnp.float32)
    edge_index = jax.random.randint(ks[1], (2, E), 0, N, dtype=jnp.int32)
    edge_type = jax.random.randint(ks[2], (E,), 0, R, dtype=jnp.int32)
    batch = jnp.sort(jax.random.randint(ks[3], (N,), 0, G, dtype=jnp.int32))
    s = 0.05
    params = {
        'W_enc': jax.random.normal(ks[4], (D_IN, HID), dtype=jnp.float32) * s,
        'b_enc': jnp.zeros((HID,), jnp.float32),
        'bn_w': jnp.ones((HID,), jnp.float32),
        'bn_b': jnp.zeros((HID,), jnp.float32),
        'bn_rm': jnp.zeros((HID,), jnp.float32),
        'bn_rv': jnp.ones((HID,), jnp.float32),
        'W_lin': jax.random.normal(ks[5], (HID, HID), dtype=jnp.float32) * s,
        'b_lin': jnp.zeros((HID,), jnp.float32),
        'W_clf': jax.random.normal(ks[6], (HID, OUT), dtype=jnp.float32) * s,
        'b_clf': jnp.zeros((OUT,), jnp.float32),
    }
    ki = 8
    for l in range(2):
        params['W_skip_%d' % l] = jax.random.normal(ks[ki], (HID, HID), dtype=jnp.float32) * s
        params['Wf_skip_%d' % l] = jax.random.normal(ks[ki + 1], (HID, 2 * HID), dtype=jnp.float32) * s
        params['W_rel_%d' % l] = jax.random.normal(ks[ki + 2], (R, HID, HID), dtype=jnp.float32) * s
        params['Wf_rel_%d' % l] = jax.random.normal(ks[ki + 3], (R, HID, 2 * HID), dtype=jnp.float32) * s
        params['bf_rel_%d' % l] = jnp.zeros((R, 2 * HID), jnp.float32)
        ki += 4
    return {'x': x, 'edge_index': edge_index, 'edge_type': edge_type, 'batch': batch, 'params': params}


def film_conv(x, edge_index, edge_type, W_skip, Wf_skip, W_rel, Wf_rel, bf_rel):
    oc = W_skip.shape[1]
    fs = x @ Wf_skip
    beta_s, gamma_s = fs[:, :oc], fs[:, oc:]
    out = jax.nn.relu(gamma_s * (x @ W_skip) + beta_s)
    src, dst = edge_index[0], edge_index[1]
    n = x.shape[0]
    for i in range(R):
        x_lin = x @ W_rel[i]
        f = x @ Wf_rel[i] + bf_rel[i]
        beta, gamma = f[:, :oc], f[:, oc:]
        mask = (edge_type == i).astype(x.dtype)
        msg = jax.nn.relu(gamma[dst] * x_lin[src] + beta[dst]) * mask[:, None]
        sums = jax.ops.segment_sum(msg, dst, num_segments=n)
        cnt = jax.ops.segment_sum(mask, dst, num_segments=n)
        out = out + sums / jnp.clip(cnt, 1.0)[:, None]
    return out


def reference(x, edge_index, edge_type, batch, params):
    p = params
    h = x @ p['W_enc'] + p['b_enc']
    h = film_conv(h, edge_index, edge_type, p['W_skip_0'], p['Wf_skip_0'], p['W_rel_0'], p['Wf_rel_0'], p['bf_rel_0'])
    h = (h - p['bn_rm']) / jnp.sqrt(p['bn_rv'] + 1e-5) * p['bn_w'] + p['bn_b']
    h = jax.nn.relu(h)
    h = film_conv(h, edge_index, edge_type, p['W_skip_1'], p['Wf_skip_1'], p['W_rel_1'], p['Wf_rel_1'], p['bf_rel_1'])
    g = jax.ops.segment_sum(h, batch, num_segments=G)
    g = jax.nn.relu(g @ p['W_lin'] + p['b_lin'])
    out = g @ p['W_clf'] + p['b_clf']
    return out

if __name__ == "__main__":
    import jax
    _d = setup_inputs()
    print(jax.jit(kernel)(*tuple(_d.values())))

</pallas_src>

<mosaic_0001>
#map = affine_map<(d0, d1) -> (0, 0)>
#map1 = affine_map<(d0, d1) -> (0, 0, 0)>
module attributes {stable_mosaic.version = 14 : i64} {
  func.func @_edge_body(%arg0: i32, %arg1: i32, %arg2: memref<40000x64xf32, #tpu.memory_space<hbm>>, %arg3: memref<40000x128xf32, #tpu.memory_space<hbm>>, %arg4: memref<2560x128xi32, #tpu.memory_space<hbm>>, %arg5: memref<2560x128xi32, #tpu.memory_space<hbm>>, %arg6: memref<2560x128xi32, #tpu.memory_space<hbm>>, %arg7: memref<2x10240x64xf32, #tpu.memory_space<hbm>>, %arg8: memref<108x128xi32, #tpu.memory_space<vmem>>, %arg9: memref<108x128xi32, #tpu.memory_space<vmem>>, %arg10: memref<108x128xi32, #tpu.memory_space<vmem>>, %arg11: memref<128x64xf32, #tpu.memory_space<vmem>>, %arg12: memref<128x128xf32, #tpu.memory_space<vmem>>, %arg13: memref<128x64xf32, #tpu.memory_space<vmem>>, %arg14: memref<64x64xf32, #tpu.memory_space<vmem>>, %arg15: memref<10240x64xf32, #tpu.memory_space<vmem_shared>>, %arg16: memref<!tpu.dma_semaphore, #tpu.memory_space<semaphore_mem>>, %arg17: memref<!tpu.dma_semaphore, #tpu.memory_space<semaphore_mem>>, %arg18: memref<!tpu.dma_semaphore, #tpu.memory_space<semaphore_mem>>, %arg19: memref<!tpu.dma_semaphore, #tpu.memory_space<semaphore_mem>>) attributes {dimension_semantics = [#tpu.dimension_semantics<core_parallel>, #tpu.dimension_semantics<subcore_parallel>], iteration_bounds = array<i64: 2, 16>, scalar_prefetch = 0 : i64, scratch_operands = 12 : i64, tpu.core_type = #tpu.core_type<sc_vector_subcore>, window_params = [{transform_indices = #map}, {transform_indices = #map}, {transform_indices = #map}, {transform_indices = #map}, {transform_indices = #map}, {transform_indices = #map1}]} {
    %scan3A = arith.constant 0 : i32
    %scan3A_0 = arith.constant 0 : i32
    %scan3A_1 = arith.constant 64 : i32
    %scan3A_2 = arith.addi %scan3A_0, %scan3A_1 : i32
    %scan3A_3 = arith.constant 1 : i32
    %scan3A_4 = scf.for %scan3A_55 = %scan3A_0 to %scan3A_2 step %scan3A_3 iter_args(%scan3A_56 = %scan3A) -> (i32)  : i32 {
      %broadcast_in_dim3A = arith.constant 0.000000e+00 : f32
      %broadcast_in_dim3A_57 = vector.broadcast %broadcast_in_dim3A : f32 to vector<16xf32>
      %swap3A = arith.index_cast %scan3A_55 : i32 to index
      %swap3A_58 = arith.constant 0 : index
      %swap3A_59 = tpu.vector_load %arg14[%swap3A, %swap3A_58] {strides = array<i32>} : memref<64x64xf32, #tpu.memory_space<vmem>>, vector<1x16xf32>,
      %swap3A_60 = vector.shape_cast %swap3A_59 : vector<1x16xf32> to vector<16xf32>
      %swap3A_61 = vector.shape_cast %broadcast_in_dim3A_57 : vector<16xf32> to vector<1x16xf32>
      tpu.vector_store %arg14[%swap3A, %swap3A_58], %swap3A_61 {strides = array<i32>} : memref<64x64xf32, #tpu.memory_space<vmem>>, vector<1x16xf32>,
      %broadcast_in_dim3A_62 = arith.constant 0.000000e+00 : f32
      %broadcast_in_dim3A_63 = vector.broadcast %broadcast_in_dim3A_62 : f32 to vector<16xf32>
      %swap3A_64 = arith.index_cast %scan3A_55 : i32 to index
      %swap3A_65 = arith.constant 16 : index
      %swap3A_66 = tpu.vector_load %arg14[%swap3A_64, %swap3A_65] {strides = array<i32>} : memref<64x64xf32, #tpu.memory_space<vmem>>, vector<1x16xf32>,
      %swap3A_67 = vector.shape_cast %swap3A_66 : vector<1x16xf32> to vector<16xf32>
      %swap3A_68 = vector.shape_cast %broadcast_in_dim3A_63 : vector<16xf32> to vector<1x16xf32>
      tpu.vector_store %arg14[%swap3A_64, %swap3A_65], %swap3A_68 {strides = array<i32>} : memref<64x64xf32, #tpu.memory_space<vmem>>, vector<1x16xf32>,
      %broadcast_in_dim3A_69 = arith.constant 0.000000e+00 : f32
      %broadcast_in_dim3A_70 = vector.broadcast %broadcast_in_dim3A_69 : f32 to vector<16xf32>
      %swap3A_71 = arith.index_cast %scan3A_55 : i32 to index
      %swap3A_72 = arith.constant 32 : index
      %swap3A_73 = tpu.vector_load %arg14[%swap3A_71, %swap3A_72] {strides = array<i32>} : memref<64x64xf32, #tpu.memory_space<vmem>>, vector<1x16xf32>,
      %swap3A_74 = vector.shape_cast %swap3A_73 : vector<1x16xf32> to vector<16xf32>
      %swap3A_75 = vector.shape_cast %broadcast_in_dim3A_70 : vector<16xf32> to vector<1x16xf32>
      tpu.vector_store %arg14[%swap3A_71, %swap3A_72], %swap3A_75 {strides = array<i32>} : memref<64x64xf32, #tpu.memory_space<vmem>>, vector<1x16xf32>,
      %broadcast_in_dim3A_76 = arith.constant 0.000000e+00 : f32
      %broadcast_in_dim3A_77 = vector.broadcast %broadcast_in_dim3A_76 : f32 to vector<16xf32>
      %swap3A_78 = arith.index_cast %scan3A_55 : i32 to index
      %swap3A_79 = arith.constant 48 : index
      %swap3A_80 = tpu.vector_load %arg14[%swap3A_78, %swap3A_79] {strides = array<i32>} : memref<64x64xf32, #tpu.memory_space<vmem>>, vector<1x16xf32>,
      %swap3A_81 = vector.shape_cast %swap3A_80 : vector<1x16xf32> to vector<16xf32>
      %swap3A_82 = vector.shape_cast %broadcast_in_dim3A_77 : vector<16xf32> to vector<1x16xf32>
      tpu.vector_store %arg14[%swap3A_78, %swap3A_79], %swap3A_82 {strides = array<i32>} : memref<64x64xf32, #tpu.memory_space<vmem>>, vector<1x16xf32>,
      %scan3A_83 = arith.constant 0 : i32
      scf.yield %scan3A_83 : i32
    }
    %scan3A_5 = arith.constant 64 : i32
    %mul3A = arith.constant 640 : i32
    %mul3A_6 = arith.muli %arg1, %mul3A : i32
    %add3A = arith.constant 0 : i32
    %add3A_7 = arith.addi %mul3A_6, %add3A : i32
    "tpu.region"() ({
      %run_scoped3A = tpu.sem_alloc : memref<!tpu.dma_semaphore, #tpu.memory_space<semaphore_mem>>
      %dma_start3A = arith.constant 0 : i32
      %dma_start3A_55 = tpu.memref_slice %arg15[%add3A_7, %dma_start3A] : memref<10240x64xf32, #tpu.memory_space<vmem_shared>> -> memref<64x64xf32, #tpu.memory_space<vmem_shared>>
      %dma_start3A_56 = arith.constant 0 : i32
      %dma_start3A_57 = tpu.memref_slice %arg15[%add3A_7, %dma_start3A_56] : memref<10240x64xf32, #tpu.memory_space<vmem_shared>> -> memref<64x64xf32, #tpu.memory_space<vmem_shared>>
      tpu.enqueue_dma source(%arg14 : memref<64x64xf32, #tpu.memory_space<vmem>>) target(%dma_start3A_57 : memref<64x64xf32, #tpu.memory_space<vmem_shared>>) target_semaphore(%run_scoped3A : memref<!tpu.dma_semaphore, #tpu.memory_space<semaphore_mem>>)
      %dma_wait3A = arith.constant 0 : i32
      %dma_wait3A_58 = tpu.memref_slice %arg15[%add3A_7, %dma_wait3A] : memref<10240x64xf32, #tpu.memory_space<vmem_shared>> -> memref<64x64xf32, #tpu.memory_space<vmem_shared>>
      %dma_wait3A_59 = arith.constant 0 : i32
      %dma_wait3A_60 = tpu.memref_slice %arg15[%add3A_7, %dma_wait3A_59] : memref<10240x64xf32, #tpu.memory_space<vmem_shared>> -> memref<64x64xf32, #tpu.memory_space<vmem_shared>>
      tpu.wait_dma2 semaphore(%run_scoped3A : memref<!tpu.dma_semaphore, #tpu.memory_space<semaphore_mem>>) src(%arg14 : memref<64x64xf32, #tpu.memory_space<vmem>>) dst(%dma_wait3A_60 : memref<64x64xf32, #tpu.memory_space<vmem_shared>>)
      tpu.yield
    }) : () -> ()
    %mul3A_8 = arith.constant 640 : i32
    %mul3A_9 = arith.muli %arg1, %mul3A_8 : i32
    %add3A_10 = arith.constant 64 : i32
    %add3A_11 = arith.addi %mul3A_9, %add3A_10 : i32
    "tpu.region"() ({
      %run_scoped3A = tpu.sem_alloc : memref<!tpu.dma_semaphore, #tpu.memory_space<semaphore_mem>>
      %dma_start3A = arith.constant 0 : i32
      %dma_start3A_55 = tpu.memref_slice %arg15[%add3A_11, %dma_start3A] : memref<10240x64xf32, #tpu.memory_space<vmem_shared>> -> memref<64x64xf32, #tpu.memory_space<vmem_shared>>
      %dma_start3A_56 = arith.constant 0 : i32
      %dma_start3A_57 = tpu.memref_slice %arg15[%add3A_11, %dma_start3A_56] : memref<10240x64xf32, #tpu.memory_space<vmem_shared>> -> memref<64x64xf32, #tpu.memory_space<vmem_shared>>
      tpu.enqueue_dma source(%arg14 : memref<64x64xf32, #tpu.memory_space<vmem>>) target(%dma_start3A_57 : memref<64x64xf32, #tpu.memory_space<vmem_shared>>) target_semaphore(%run_scoped3A : memref<!tpu.dma_semaphore, #tpu.memory_space<semaphore_mem>>)
      %dma_wait3A = arith.constant 0 : i32
      %dma_wait3A_58 = tpu.memref_slice %arg15[%add3A_11, %dma_wait3A] : memref<10240x64xf32, #tpu.memory_space<vmem_shared>> -> memref<64x64xf32, #tpu.memory_space<vmem_shared>>
      %dma_wait3A_59 = arith.constant 0 : i32
      %dma_wait3A_60 = tpu.memref_slice %arg15[%add3A_11, %dma_wait3A_59] : memref<10240x64xf32, #tpu.memory_space<vmem_shared>> -> memref<64x64xf32, #tpu.memory_space<vmem_shared>>
      tpu.wait_dma2 semaphore(%run_scoped3A : memref<!tpu.dma_semaphore, #tpu.memory_space<semaphore_mem>>) src(%arg14 : memref<64x64xf32, #tpu.memory_space<vmem>>) dst(%dma_wait3A_60 : memref<64x64xf32, #tpu.memory_space<vmem_shared>>)
      tpu.yield
    }) : () -> ()
    %mul3A_12 = arith.constant 640 : i32
    %mul3A_13 = arith.muli %arg1, %mul3A_12 : i32
    %add3A_14 = arith.constant 128 : i32
    %add3A_15 = arith.addi %mul3A_13, %add3A_14 : i32
    "tpu.region"() ({
      %run_scoped3A = tpu.sem_alloc : memref<!tpu.dma_semaphore, #tpu.memory_space<semaphore_mem>>
      %dma_start3A = arith.constant 0 : i32
      %dma_start3A_55 = tpu.memref_slice %arg15[%add3A_15, %dma_start3A] : memref<10240x64xf32, #tpu.memory_space<vmem_shared>> -> memref<64x64xf32, #tpu.memory_space<vmem_shared>>
      %dma_start3A_56 = arith.constant 0 : i32
      %dma_start3A_57 = tpu.memref_slice %arg15[%add3A_15, %dma_start3A_56] : memref<10240x64xf32, #tpu.memory_space<vmem_shared>> -> memref<64x64xf32, #tpu.memory_space<vmem_shared>>
      tpu.enqueue_dma source(%arg14 : memref<64x64xf32, #tpu.memory_space<vmem>>) target(%dma_start3A_57 : memref<64x64xf32, #tpu.memory_space<vmem_shared>>) target_semaphore(%run_scoped3A : memref<!tpu.dma_semaphore, #tpu.memory_space<semaphore_mem>>)
      %dma_wait3A = arith.constant 0 : i32
      %dma_wait3A_58 = tpu.memref_slice %arg15[%add3A_15, %dma_wait3A] : memref<10240x64xf32, #tpu.memory_space<vmem_shared>> -> memref<64x64xf32, #tpu.memory_space<vmem_shared>>
      %dma_wait3A_59 = arith.constant 0 : i32
      %dma_wait3A_60 = tpu.memref_slice %arg15[%add3A_15, %dma_wait3A_59] : memref<10240x64xf32, #tpu.memory_space<vmem_shared>> -> memref<64x64xf32, #tpu.memory_space<vmem_shared>>
      tpu.wait_dma2 semaphore(%run_scoped3A : memref<!tpu.dma_semaphore, #tpu.memory_space<semaphore_mem>>) src(%arg14 : memref<64x64xf32, #tpu.memory_space<vmem>>) dst(%dma_wait3A_60 : memref<64x64xf32, #tpu.memory_space<vmem_shared>>)
      tpu.yield
    }) : () -> ()
    %mul3A_16 = arith.constant 640 : i32
    %mul3A_17 = arith.muli %arg1, %mul3A_16 : i32
    %add3A_18 = arith.constant 192 : i32
    %add3A_19 = arith.addi %mul3A_17, %add3A_18 : i32
    "tpu.region"() ({
      %run_scoped3A = tpu.sem_alloc : memref<!tpu.dma_semaphore, #tpu.memory_space<semaphore_mem>>
      %dma_start3A = arith.constant 0 : i32
      %dma_start3A_55 = tpu.memref_slice %arg15[%add3A_19, %dma_start3A] : memref<10240x64xf32, #tpu.memory_space<vmem_shared>> -> memref<64x64xf32, #tpu.memory_space<vmem_shared>>
      %dma_start3A_56 = arith.constant 0 : i32
      %dma_start3A_57 = tpu.memref_slice %arg15[%add3A_19, %dma_start3A_56] : memref<10240x64xf32, #tpu.memory_space<vmem_shared>> -> memref<64x64xf32, #tpu.memory_space<vmem_shared>>
      tpu.enqueue_dma source(%arg14 : memref<64x64xf32, #tpu.memory_space<vmem>>) target(%dma_start3A_57 : memref<64x64xf32, #tpu.memory_space<vmem_shared>>) target_semaphore(%run_scoped3A : memref<!tpu.dma_semaphore, #tpu.memory_space<semaphore_mem>>)
      %dma_wait3A = arith.constant 0 : i32
      %dma_wait3A_58 = tpu.memref_slice %arg15[%add3A_19, %dma_wait3A] : memref<10240x64xf32, #tpu.memory_space<vmem_shared>> -> memref<64x64xf32, #tpu.memory_space<vmem_shared>>
      %dma_wait3A_59 = arith.constant 0 : i32
      %dma_wait3A_60 = tpu.memref_slice %arg15[%add3A_19, %dma_wait3A_59] : memref<10240x64xf32, #tpu.memory_space<vmem_shared>> -> memref<64x64xf32, #tpu.memory_space<vmem_shared>>
      tpu.wait_dma2 semaphore(%run_scoped3A : memref<!tpu.dma_semaphore, #tpu.memory_space<semaphore_mem>>) src(%arg14 : memref<64x64xf32, #tpu.memory_space<vmem>>) dst(%dma_wait3A_60 : memref<64x64xf32, #tpu.memory_space<vmem_shared>>)
      tpu.yield
    }) : () -> ()
    %mul3A_20 = arith.constant 640 : i32
    %mul3A_21 = arith.muli %arg1, %mul3A_20 : i32
    %add3A_22 = arith.constant 256 : i32
    %add3A_23 = arith.addi %mul3A_21, %add3A_22 : i32
    "tpu.region"() ({
      %run_scoped3A = tpu.sem_alloc : memref<!tpu.dma_semaphore, #tpu.memory_space<semaphore_mem>>
      %dma_start3A = arith.constant 0 : i32
      %dma_start3A_55 = tpu.memref_slice %arg15[%add3A_23, %dma_start3A] : memref<10240x64xf32, #tpu.memory_space<vmem_shared>> -> memref<64x64xf32, #tpu.memory_space<vmem_shared>>
      %dma_start3A_56 = arith.constant 0 : i32
      %dma_start3A_57 = tpu.memref_slice %arg15[%add3A_23, %dma_start3A_56] : memref<10240x64xf32, #tpu.memory_space<vmem_shared>> -> memref<64x64xf32, #tpu.memory_space<vmem_shared>>
      tpu.enqueue_dma source(%arg14 : memref<64x64xf32, #tpu.memory_space<vmem>>) target(%dma_start3A_57 : memref<64x64xf32, #tpu.memory_space<vmem_shared>>) target_semaphore(%run_scoped3A : memref<!tpu.dma_semaphore, #tpu.memory_space<semaphore_mem>>)
      %dma_wait3A = arith.constant 0 : i32
      %dma_wait3A_58 = tpu.memref_slice %arg15[%add3A_23, %dma_wait3A] : memref<10240x64xf32, #tpu.memory_space<vmem_shared>> -> memref<64x64xf32, #tpu.memory_space<vmem_shared>>
      %dma_wait3A_59 = arith.constant 0 : i32
      %dma_wait3A_60 = tpu.memref_slice %arg15[%add3A_23, %dma_wait3A_59] : memref<10240x64xf32, #tpu.memory_space<vmem_shared>> -> memref<64x64xf32, #tpu.memory_space<vmem_shared>>
      tpu.wait_dma2 semaphore(%run_scoped3A : memref<!tpu.dma_semaphore, #tpu.memory_space<semaphore_mem>>) src(%arg14 : memref<64x64xf32, #tpu.memory_space<vmem>>) dst(%dma_wait3A_60 : memref<64x64xf32, #tpu.memory_space<vmem_shared>>)
      tpu.yield
    }) : () -> ()
    %mul3A_24 = arith.constant 640 : i32
    %mul3A_25 = arith.muli %arg1, %mul3A_24 : i32
    %add3A_26 = arith.constant 320 : i32
    %add3A_27 = arith.addi %mul3A_25, %add3A_26 : i32
    "tpu.region"() ({
      %run_scoped3A = tpu.sem_alloc : memref<!tpu.dma_semaphore, #tpu.memory_space<semaphore_mem>>
      %dma_start3A = arith.constant 0 : i32
      %dma_start3A_55 = tpu.memref_slice %arg15[%add3A_27, %dma_start3A] : memref<10240x64xf32, #tpu.memory_space<vmem_shared>> -> memref<64x64xf32, #tpu.memory_space<vmem_shared>>
      %dma_start3A_56 = arith.constant 0 : i32
      %dma_start3A_57 = tpu.memref_slice %arg15[%add3A_27, %dma_start3A_56] : memref<10240x64xf32, #tpu.memory_space<vmem_shared>> -> memref<64x64xf32, #tpu.memory_space<vmem_shared>>
      tpu.enqueue_dma source(%arg14 : memref<64x64xf32, #tpu.memory_space<vmem>>) target(%dma_start3A_57 : memref<64x64xf32, #tpu.memory_space<vmem_shared>>) target_semaphore(%run_scoped3A : memref<!tpu.dma_semaphore, #tpu.memory_space<semaphore_mem>>)
      %dma_wait3A = arith.constant 0 : i32
      %dma_wait3A_58 = tpu.memref_slice %arg15[%add3A_27, %dma_wait3A] : memref<10240x64xf32, #tpu.memory_space<vmem_shared>> -> memref<64x64xf32, #tpu.memory_space<vmem_shared>>
      %dma_wait3A_59 = arith.constant 0 : i32
      %dma_wait3A_60 = tpu.memref_slice %arg15[%add3A_27, %dma_wait3A_59] : memref<10240x64xf32, #tpu.memory_space<vmem_shared>> -> memref<64x64xf32, #tpu.memory_space<vmem_shared>>
      tpu.wait_dma2 semaphore(%run_scoped3A : memref<!tpu.dma_semaphore, #tpu.memory_space<semaphore_mem>>) src(%arg14 : memref<64x64xf32, #tpu.memory_space<vmem>>) dst(%dma_wait3A_60 : memref<64x64xf32, #tpu.memory_space<vmem_shared>>)
      tpu.yield
    }) : () -> ()
    %mul3A_28 = arith.constant 640 : i32
    %mul3A_29 = arith.muli %arg1, %mul3A_28 : i32
    %add3A_30 = arith.constant 384 : i32
    %add3A_31 = arith.addi %mul3A_29, %add3A_30 : i32
    "tpu.region"() ({
      %run_scoped3A = tpu.sem_alloc : memref<!tpu.dma_semaphore, #tpu.memory_space<semaphore_mem>>
      %dma_start3A = arith.constant 0 : i32
      %dma_start3A_55 = tpu.memref_slice %arg15[%add3A_31, %dma_start3A] : memref<10240x64xf32, #tpu.memory_space<vmem_shared>> -> memref<64x64xf32, #tpu.memory_space<vmem_shared>>
      %dma_start3A_56 = arith.constant 0 : i32
      %dma_start3A_57 = tpu.memref_slice %arg15[%add3A_31, %dma_start3A_56] : memref<10240x64xf32, #tpu.memory_space<vmem_shared>> -> memref<64x64xf32, #tpu.memory_space<vmem_shared>>
      tpu.enqueue_dma source(%arg14 : memref<64x64xf32, #tpu.memory_space<vmem>>) target(%dma_start3A_57 : memref<64x64xf32, #tpu.memory_space<vmem_shared>>) target_semaphore(%run_scoped3A : memref<!tpu.dma_semaphore, #tpu.memory_space<semaphore_mem>>)
      %dma_wait3A = arith.constant 0 : i32
      %dma_wait3A_58 = tpu.memref_slice %arg15[%add3A_31, %dma_wait3A] : memref<10240x64xf32, #tpu.memory_space<vmem_shared>> -> memref<64x64xf32, #tpu.memory_space<vmem_shared>>
      %dma_wait3A_59 = arith.constant 0 : i32
      %dma_wait3A_60 = tpu.memref_slice %arg15[%add3A_31, %dma_wait3A_59] : memref<10240x64xf32, #tpu.memory_space<vmem_shared>> -> memref<64x64xf32, #tpu.memory_space<vmem_shared>>
      tpu.wait_dma2 semaphore(%run_scoped3A : memref<!tpu.dma_semaphore, #tpu.memory_space<semaphore_mem>>) src(%arg14 : memref<64x64xf32, #tpu.memory_space<vmem>>) dst(%dma_wait3A_60 : memref<64x64xf32, #tpu.memory_space<vmem_shared>>)
      tpu.yield
    }) : () -> ()
    %mul3A_32 = arith.constant 640 : i32
    %mul3A_33 = arith.muli %arg1, %mul3A_32 : i32
    %add3A_34 = arith.constant 448 : i32
    %add3A_35 = arith.addi %mul3A_33, %add3A_34 : i32
    "tpu.region"() ({
      %run_scoped3A = tpu.sem_alloc : memref<!tpu.dma_semaphore, #tpu.memory_space<semaphore_mem>>
      %dma_start3A = arith.constant 0 : i32
      %dma_start3A_55 = tpu.memref_slice %arg15[%add3A_35, %dma_start3A] : memref<10240x64xf32, #tpu.memory_space<vmem_shared>> -> memref<64x64xf32, #tpu.memory_space<vmem_shared>>
      %dma_start3A_56 = arith.constant 0 : i32
      %dma_start3A_57 = tpu.memref_slice %arg15[%add3A_35, %dma_start3A_56] : memref<10240x64xf32, #tpu.memory_space<vmem_shared>> -> memref<64x64xf32, #tpu.memory_space<vmem_shared>>
      tpu.enqueue_dma source(%arg14 : memref<64x64xf32, #tpu.memory_space<vmem>>) target(%dma_start3A_57 : memref<64x64xf32, #tpu.memory_space<vmem_shared>>) target_semaphore(%run_scoped3A : memref<!tpu.dma_semaphore, #tpu.memory_space<semaphore_mem>>)
      %dma_wait3A = arith.constant 0 : i32
      %dma_wait3A_58 = tpu.memref_slice %arg15[%add3A_35, %dma_wait3A] : memref<10240x64xf32, #tpu.memory_space<vmem_shared>> -> memref<64x64xf32, #tpu.memory_space<vmem_shared>>
      %dma_wait3A_59 = arith.constant 0 : i32
      %dma_wait3A_60 = tpu.memref_slice %arg15[%add3A_35, %dma_wait3A_59] : memref<10240x64xf32, #tpu.memory_space<vmem_shared>> -> memref<64x64xf32, #tpu.memory_space<vmem_shared>>
      tpu.wait_dma2 semaphore(%run_scoped3A : memref<!tpu.dma_semaphore, #tpu.memory_space<semaphore_mem>>) src(%arg14 : memref<64x64xf32, #tpu.memory_space<vmem>>) dst(%dma_wait3A_60 : memref<64x64xf32, #tpu.memory_space<vmem_shared>>)
      tpu.yield
    }) : () -> ()
    %mul3A_36 = arith.constant 640 : i32
    %mul3A_37 = arith.muli %arg1, %mul3A_36 : i32
    %add3A_38 = arith.constant 512 : i32
    %add3A_39 = arith.addi %mul3A_37, %add3A_38 : i32
    "tpu.region"() ({
      %run_scoped3A = tpu.sem_alloc : memref<!tpu.dma_semaphore, #tpu.memory_space<semaphore_mem>>
      %dma_start3A = arith.constant 0 : i32
      %dma_start3A_55 = tpu.memref_slice %arg15[%add3A_39, %dma_start3A] : memref<10240x64xf32, #tpu.memory_space<vmem_shared>> -> memref<64x64xf32, #tpu.memory_space<vmem_shared>>
      %dma_start3A_56 = arith.constant 0 : i32
      %dma_start3A_57 = tpu.memref_slice %arg15[%add3A_39, %dma_start3A_56] : memref<10240x64xf32, #tpu.memory_space<vmem_shared>> -> memref<64x64xf32, #tpu.memory_space<vmem_shared>>
      tpu.enqueue_dma source(%arg14 : memref<64x64xf32, #tpu.memory_space<vmem>>) target(%dma_start3A_57 : memref<64x64xf32, #tpu.memory_space<vmem_shared>>) target_semaphore(%run_scoped3A : memref<!tpu.dma_semaphore, #tpu.memory_space<semaphore_mem>>)
      %dma_wait3A = arith.constant 0 : i32
      %dma_wait3A_58 = tpu.memref_slice %arg15[%add3A_39, %dma_wait3A] : memref<10240x64xf32, #tpu.memory_space<vmem_shared>> -> memref<64x64xf32, #tpu.memory_space<vmem_shared>>
      %dma_wait3A_59 = arith.constant 0 : i32
      %dma_wait3A_60 = tpu.memref_slice %arg15[%add3A_39, %dma_wait3A_59] : memref<10240x64xf32, #tpu.memory_space<vmem_shared>> -> memref<64x64xf32, #tpu.memory_space<vmem_shared>>
      tpu.wait_dma2 semaphore(%run_scoped3A : memref<!tpu.dma_semaphore, #tpu.memory_space<semaphore_mem>>) src(%arg14 : memref<64x64xf32, #tpu.memory_space<vmem>>) dst(%dma_wait3A_60 : memref<64x64xf32, #tpu.memory_space<vmem_shared>>)
      tpu.yield
    }) : () -> ()
    %mul3A_40 = arith.constant 640 : i32
    %mul3A_41 = arith.muli %arg1, %mul3A_40 : i32
    %add3A_42 = arith.constant 576 : i32
    %add3A_43 = arith.addi %mul3A_41, %add3A_42 : i32
    "tpu.region"() ({
      %run_scoped3A = tpu.sem_alloc : memref<!tpu.dma_semaphore, #tpu.memory_space<semaphore_mem>>
      %dma_start3A = arith.constant 0 : i32
      %dma_start3A_55 = tpu.memref_slice %arg15[%add3A_43, %dma_start3A] : memref<10240x64xf32, #tpu.memory_space<vmem_shared>> -> memref<64x64xf32, #tpu.memory_space<vmem_shared>>
      %dma_start3A_56 = arith.constant 0 : i32
      %dma_start3A_57 = tpu.memref_slice %arg15[%add3A_43, %dma_start3A_56] : memref<10240x64xf32, #tpu.memory_space<vmem_shared>> -> memref<64x64xf32, #tpu.memory_space<vmem_shared>>
      tpu.enqueue_dma source(%arg14 : memref<64x64xf32, #tpu.memory_space<vmem>>) target(%dma_start3A_57 : memref<64x64xf32, #tpu.memory_space<vmem_shared>>) target_semaphore(%run_scoped3A : memref<!tpu.dma_semaphore, #tpu.memory_space<semaphore_mem>>)
      %dma_wait3A = arith.constant 0 : i32
      %dma_wait3A_58 = tpu.memref_slice %arg15[%add3A_43, %dma_wait3A] : memref<10240x64xf32, #tpu.memory_space<vmem_shared>> -> memref<64x64xf32, #tpu.memory_space<vmem_shared>>
      %dma_wait3A_59 = arith.constant 0 : i32
      %dma_wait3A_60 = tpu.memref_slice %arg15[%add3A_43, %dma_wait3A_59] : memref<10240x64xf32, #tpu.memory_space<vmem_shared>> -> memref<64x64xf32, #tpu.memory_space<vmem_shared>>
      tpu.wait_dma2 semaphore(%run_scoped3A : memref<!tpu.dma_semaphore, #tpu.memory_space<semaphore_mem>>) src(%arg14 : memref<64x64xf32, #tpu.memory_space<vmem>>) dst(%dma_wait3A_60 : memref<64x64xf32, #tpu.memory_space<vmem_shared>>)
      tpu.yield
    }) : () -> ()
    %eq3A = arith.constant 0 : i32
    %eq3A_44 = arith.cmpi eq, %arg0, %eq3A : i32
    %convert_element_type3A = arith.extui %eq3A_44 : i1 to i32
    %cond3A = arith.constant 0 : i32
    %cond3A_45 = arith.cmpi ne, %convert_element_type3A, %cond3A : i32
    scf.if %cond3A_45 {
      %mul3A_55 = arith.constant 108 : i32
      %mul3A_56 = arith.muli %arg1, %mul3A_55 : i32
      "tpu.region"() ({
        %run_scoped3A = tpu.sem_alloc : memref<!tpu.dma_semaphore, #tpu.memory_space<semaphore_mem>>
        %dma_start3A = arith.constant 0 : i32
        %dma_start3A_65 = arith.constant 0 : i32
        %dma_start3A_66 = tpu.memref_slice %arg8[%dma_start3A, %dma_start3A_65] : memref<108x128xi32, #tpu.memory_space<vmem>> -> memref<108x128xi32, #tpu.memory_space<vmem>>
        %dma_start3A_67 = arith.constant 0 : i32
        %dma_start3A_68 = tpu.memref_slice %arg4[%mul3A_56, %dma_start3A_67] : memref<2560x128xi32, #tpu.memory_space<hbm>> -> memref<108x128xi32, #tpu.memory_space<hbm>>
        %dma_start3A_69 = arith.constant 0 : i32
        %dma_start3A_70 = arith.constant 0 : i32
        %dma_start3A_71 = tpu.memref_slice %arg8[%dma_start3A_69, %dma_start3A_70] : memref<108x128xi32, #tpu.memory_space<vmem>> -> memref<108x128xi32, #tpu.memory_space<vmem>>
        %dma_start3A_72 = arith.constant 0 : i32
        %dma_start3A_73 = tpu.memref_slice %arg4[%mul3A_56, %dma_start3A_72] : memref<2560x128xi32, #tpu.memory_space<hbm>> -> memref<108x128xi32, #tpu.memory_space<hbm>>
        tpu.enqueue_dma source(%dma_start3A_73 : memref<108x128xi32, #tpu.memory_space<hbm>>) target(%dma_start3A_71 : memref<108x128xi32, #tpu.memory_space<vmem>>) target_semaphore(%run_scoped3A : memref<!tpu.dma_semaphore, #tpu.memory_space<semaphore_mem>>)
        %dma_wait3A = arith.constant 0 : i32
        %dma_wait3A_74 = arith.constant 0 : i32
        %dma_wait3A_75 = tpu.memref_slice %arg8[%dma_wait3A, %dma_wait3A_74] : memref<108x128xi32, #tpu.memory_space<vmem>> -> memref<108x128xi32, #tpu.memory_space<vmem>>
        %dma_wait3A_76 = arith.constant 0 : i32
        %dma_wait3A_77 = tpu.memref_slice %arg4[%mul3A_56, %dma_wait3A_76] : memref<2560x128xi32, #tpu.memory_space<hbm>> -> memref<108x128xi32, #tpu.memory_space<hbm>>
        %dma_wait3A_78 = arith.constant 0 : i32
        %dma_wait3A_79 = arith.constant 0 : i32
        %dma_wait3A_80 = tpu.memref_slice %arg8[%dma_wait3A_78, %dma_wait3A_79] : memref<108x128xi32, #tpu.memory_space<vmem>> -> memref<108x128xi32, #tpu.memory_space<vmem>>
        %dma_wait3A_81 = arith.constant 0 : i32
        %dma_wait3A_82 = tpu.memref_slice %arg4[%mul3A_56, %dma_wait3A_81] : memref<2560x128xi32, #tpu.memory_space<hbm>> -> memref<108x128xi32, #tpu.memory_space<hbm>>
        tpu.wait_dma2 semaphore(%run_scoped3A : memref<!tpu.dma_semaphore, #tpu.memory_space<semaphore_mem>>) src(%dma_wait3A_82 : memref<108x128xi32, #tpu.memory_space<hbm>>) dst(%dma_wait3A_80 : memref<108x128xi32, #tpu.memory_space<vmem>>)
        tpu.yield
      }) : () -> ()
      "tpu.region"() ({
        %run_scoped3A = tpu.sem_alloc : memref<!tpu.dma_semaphore, #tpu.memory_space<semaphore_mem>>
        %dma_start3A = arith.constant 0 : i32
        %dma_start3A_65 = arith.constant 0 : i32
        %dma_start3A_66 = tpu.memref_slice %arg9[%dma_start3A, %dma_start3A_65] : memref<108x128xi32, #tpu.memory_space<vmem>> -> memref<108x128xi32, #tpu.memory_space<vmem>>
        %dma_start3A_67 = arith.constant 0 : i32
        %dma_start3A_68 = tpu.memref_slice %arg5[%mul3A_56, %dma_start3A_67] : memref<2560x128xi32, #tpu.memory_space<hbm>> -> memref<108x128xi32, #tpu.memory_space<hbm>>
        %dma_start3A_69 = arith.constant 0 : i32
        %dma_start3A_70 = arith.constant 0 : i32
        %dma_start3A_71 = tpu.memref_slice %arg9[%dma_start3A_69, %dma_start3A_70] : memref<108x128xi32, #tpu.memory_space<vmem>> -> memref<108x128xi32, #tpu.memory_space<vmem>>
        %dma_start3A_72 = arith.constant 0 : i32
        %dma_start3A_73 = tpu.memref_slice %arg5[%mul3A_56, %dma_start3A_72] : memref<2560x128xi32, #tpu.memory_space<hbm>> -> memref<108x128xi32, #tpu.memory_space<hbm>>
        tpu.enqueue_dma source(%dma_start3A_73 : memref<108x128xi32, #tpu.memory_space<hbm>>) target(%dma_start3A_71 : memref<108x128xi32, #tpu.memory_space<vmem>>) target_semaphore(%run_scoped3A : memref<!tpu.dma_semaphore, #tpu.memory_space<semaphore_mem>>)
        %dma_wait3A = arith.constant 0 : i32
        %dma_wait3A_74 = arith.constant 0 : i32
        %dma_wait3A_75 = tpu.memref_slice %arg9[%dma_wait3A, %dma_wait3A_74] : memref<108x128xi32, #tpu.memory_space<vmem>> -> memref<108x128xi32, #tpu.memory_space<vmem>>
        %dma_wait3A_76 = arith.constant 0 : i32
        %dma_wait3A_77 = tpu.memref_slice %arg5[%mul3A_56, %dma_wait3A_76] : memref<2560x128xi32, #tpu.memory_space<hbm>> -> memref<108x128xi32, #tpu.memory_space<hbm>>
        %dma_wait3A_78 = arith.constant 0 : i32
        %dma_wait3A_79 = arith.constant 0 : i32
        %dma_wait3A_80 = tpu.memref_slice %arg9[%dma_wait3A_78, %dma_wait3A_79] : memref<108x128xi32, #tpu.memory_space<vmem>> -> memref<108x128xi32, #tpu.memory_space<vmem>>
        %dma_wait3A_81 = arith.constant 0 : i32
        %dma_wait3A_82 = tpu.memref_slice %arg5[%mul3A_56, %dma_wait3A_81] : memref<2560x128xi32, #tpu.memory_space<hbm>> -> memref<108x128xi32, #tpu.memory_space<hbm>>
        tpu.wait_dma2 semaphore(%run_scoped3A : memref<!tpu.dma_semaphore, #tpu.memory_space<semaphore_mem>>) src(%dma_wait3A_82 : memref<108x128xi32, #tpu.memory_space<hbm>>) dst(%dma_wait3A_80 : memref<108x128xi32, #tpu.memory_space<vmem>>)
        tpu.yield
      }) : () -> ()
      "tpu.region"() ({
        %run_scoped3A = tpu.sem_alloc : memref<!tpu.dma_semaphore, #tpu.memory_space<semaphore_mem>>
        %dma_start3A = arith.constant 0 : i32
        %dma_start3A_65 = arith.constant 0 : i32
        %dma_start3A_66 = tpu.memref_slice %arg10[%dma_start3A, %dma_start3A_65] : memref<108x128xi32, #tpu.memory_space<vmem>> -> memref<108x128xi32, #tpu.memory_space<vmem>>
        %dma_start3A_67 = arith.constant 0 : i32
        %dma_start3A_68 = tpu.memref_slice %arg6[%mul3A_56, %dma_start3A_67] : memref<2560x128xi32, #tpu.memory_space<hbm>> -> memref<108x128xi32, #tpu.memory_space<hbm>>
        %dma_start3A_69 = arith.constant 0 : i32
        %dma_start3A_70 = arith.constant 0 : i32
        %dma_start3A_71 = tpu.memref_slice %arg10[%dma_start3A_69, %dma_start3A_70] : memref<108x128xi32, #tpu.memory_space<vmem>> -> memref<108x128xi32, #tpu.memory_space<vmem>>
        %dma_start3A_72 = arith.constant 0 : i32
        %dma_start3A_73 = tpu.memref_slice %arg6[%mul3A_56, %dma_start3A_72] : memref<2560x128xi32, #tpu.memory_space<hbm>> -> memref<108x128xi32, #tpu.memory_space<hbm>>
        tpu.enqueue_dma source(%dma_start3A_73 : memref<108x128xi32, #tpu.memory_space<hbm>>) target(%dma_start3A_71 : memref<108x128xi32, #tpu.memory_space<vmem>>) target_semaphore(%run_scoped3A : memref<!tpu.dma_semaphore, #tpu.memory_space<semaphore_mem>>)
        %dma_wait3A = arith.constant 0 : i32
        %dma_wait3A_74 = arith.constant 0 : i32
        %dma_wait3A_75 = tpu.memref_slice %arg10[%dma_wait3A, %dma_wait3A_74] : memref<108x128xi32, #tpu.memory_space<vmem>> -> memref<108x128xi32, #tpu.memory_space<vmem>>
        %dma_wait3A_76 = arith.constant 0 : i32
        %dma_wait3A_77 = tpu.memref_slice %arg6[%mul3A_56, %dma_wait3A_76] : memref<2560x128xi32, #tpu.memory_space<hbm>> -> memref<108x128xi32, #tpu.memory_space<hbm>>
        %dma_wait3A_78 = arith.constant 0 : i32
        %dma_wait3A_79 = arith.constant 0 : i32
        %dma_wait3A_80 = tpu.memref_slice %arg10[%dma_wait3A_78, %dma_wait3A_79] : memref<108x128xi32, #tpu.memory_space<vmem>> -> memref<108x128xi32, #tpu.memory_space<vmem>>
        %dma_wait3A_81 = arith.constant 0 : i32
        %dma_wait3A_82 = tpu.memref_slice %arg6[%mul3A_56, %dma_wait3A_81] : memref<2560x128xi32, #tpu.memory_space<hbm>> -> memref<108x128xi32, #tpu.memory_space<hbm>>
        tpu.wait_dma2 semaphore(%run_scoped3A : memref<!tpu.dma_semaphore, #tpu.memory_space<semaphore_mem>>) src(%dma_wait3A_82 : memref<108x128xi32, #tpu.memory_space<hbm>>) dst(%dma_wait3A_80 : memref<108x128xi32, #tpu.memory_space<vmem>>)
        tpu.yield
      }) : () -> ()
      %barrier3A_57 = arith.constant 0 : index
      tpu.barrier barrier_id(%barrier3A_57)
      %scan3A_58 = arith.constant 0 : i32
      %scan3A_59 = arith.constant 0 : i32
      %scan3A_60 = arith.constant 108 : i32
      %scan3A_61 = arith.addi %scan3A_59, %scan3A_60 : i32
      %scan3A_62 = arith.constant 1 : i32
      %scan3A_63 = scf.for %scan3A_65 = %scan3A_59 to %scan3A_61 step %scan3A_62 iter_args(%scan3A_66 = %scan3A_58) -> (i32)  : i32 {
        %dma_start3A = arith.constant 0 : i32
        %dma_start3A_67 = arith.constant 0 : i32
        %dma_start3A_68 = tpu.memref_slice %arg11[%dma_start3A, %dma_start3A_67] : memref<128x64xf32, #tpu.memory_space<vmem>> -> memref<64x64xf32, #tpu.memory_space<vmem>>
        %dma_start3A_69 = arith.constant 0 : i32
        %dma_start3A_70 = tpu.memref_slice %arg8[%scan3A_65, %dma_start3A_69] : memref<108x128xi32, #tpu.memory_space<vmem>> -> memref<1x64xi32, #tpu.memory_space<vmem>>
        %dma_start3A_71 = tpu.memref_squeeze %dma_start3A_70 : memref<1x64xi32, #tpu.memory_space<vmem>> -> memref<64xi32, #tpu.memory_space<vmem>>
        %dma_start3A_72 = arith.constant 0 : i32
        %dma_start3A_73 = arith.constant 0 : i32
        %dma_start3A_74 = tpu.memref_slice %arg2[%dma_start3A_72, %dma_start3A_73] : memref<40000x64xf32, #tpu.memory_space<hbm>> -> memref<40000x64xf32, #tpu.memory_space<hbm>>
        tpu.enqueue_indirect_dma source(%dma_start3A_74 : memref<40000x64xf32, #tpu.memory_space<hbm>>) target(%dma_start3A_68 : memref<64x64xf32, #tpu.memory_space<vmem>>) offsets(%dma_start3A_71 : memref<64xi32, #tpu.memory_space<vmem>>) semaphore(%arg16 : memref<!tpu.dma_semaphore, #tpu.memory_space<semaphore_mem>>)
        %dma_start3A_75 = arith.constant 64 : i32
        %dma_start3A_76 = arith.constant 0 : i32
        %dma_start3A_77 = tpu.memref_slice %arg11[%dma_start3A_75, %dma_start3A_76] : memref<128x64xf32, #tpu.memory_space<vmem>> -> memref<64x64xf32, #tpu.memory_space<vmem>>
        %dma_start3A_78 = arith.constant 64 : i32
        %dma_start3A_79 = tpu.memref_slice %arg8[%scan3A_65, %dma_start3A_78] : memref<108x128xi32, #tpu.memory_space<vmem>> -> memref<1x64xi32, #tpu.memory_space<vmem>>
        %dma_start3A_80 = tpu.memref_squeeze %dma_start3A_79 : memref<1x64xi32, #tpu.memory_space<vmem>> -> memref<64xi32, #tpu.memory_space<vmem>>
        %dma_start3A_81 = arith.constant 0 : i32
        %dma_start3A_82 = arith.constant 0 : i32
        %dma_start3A_83 = tpu.memref_slice %arg2[%dma_start3A_81, %dma_start3A_82] : memref<40000x64xf32, #tpu.memory_space<hbm>> -> memref<40000x64xf32, #tpu.memory_space<hbm>>
        tpu.enqueue_indirect_dma source(%dma_start3A_83 : memref<40000x64xf32, #tpu.memory_space<hbm>>) target(%dma_start3A_77 : memref<64x64xf32, #tpu.memory_space<vmem>>) offsets(%dma_start3A_80 : memref<64xi32, #tpu.memory_space<vmem>>) semaphore(%arg17 : memref<!tpu.dma_semaphore, #tpu.memory_space<semaphore_mem>>)
        %dma_start3A_84 = arith.constant 0 : i32
        %dma_start3A_85 = arith.constant 0 : i32
        %dma_start3A_86 = tpu.memref_slice %arg12[%dma_start3A_84, %dma_start3A_85] : memref<128x128xf32, #tpu.memory_space<vmem>> -> memref<64x128xf32, #tpu.memory_space<vmem>>
        %dma_start3A_87 = arith.constant 0 : i32
        %dma_start3A_88 = tpu.memref_slice %arg9[%scan3A_65, %dma_start3A_87] : memref<108x128xi32, #tpu.memory_space<vmem>> -> memref<1x64xi32, #tpu.memory_space<vmem>>
        %dma_start3A_89 = tpu.memref_squeeze %dma_start3A_88 : memref<1x64xi32, #tpu.memory_space<vmem>> -> memref<64xi32, #tpu.memory_space<vmem>>
        %dma_start3A_90 = arith.constant 0 : i32
        %dma_start3A_91 = arith.constant 0 : i32
        %dma_start3A_92 = tpu.memref_slice %arg3[%dma_start3A_90, %dma_start3A_91] : memref<40000x128xf32, #tpu.memory_space<hbm>> -> memref<40000x128xf32, #tpu.memory_space<hbm>>
        tpu.enqueue_indirect_dma source(%dma_start3A_92 : memref<40000x128xf32, #tpu.memory_space<hbm>>) target(%dma_start3A_86 : memref<64x128xf32, #tpu.memory_space<vmem>>) offsets(%dma_start3A_89 : memref<64xi32, #tpu.memory_space<vmem>>) semaphore(%arg18 : memref<!tpu.dma_semaphore, #tpu.memory_space<semaphore_mem>>)
        %dma_start3A_93 = arith.constant 64 : i32
        %dma_start3A_94 = arith.constant 0 : i32
        %dma_start3A_95 = tpu.memref_slice %arg12[%dma_start3A_93, %dma_start3A_94] : memref<128x128xf32, #tpu.memory_space<vmem>> -> memref<64x128xf32, #tpu.memory_space<vmem>>
        %dma_start3A_96 = arith.constant 64 : i32
        %dma_start3A_97 = tpu.memref_slice %arg9[%scan3A_65, %dma_start3A_96] : memref<108x128xi32, #tpu.memory_space<vmem>> -> memref<1x64xi32, #tpu.memory_space<vmem>>
        %dma_start3A_98 = tpu.memref_squeeze %dma_start3A_97 : memref<1x64xi32, #tpu.memory_space<vmem>> -> memref<64xi32, #tpu.memory_space<vmem>>
        %dma_start3A_99 = arith.constant 0 : i32
        %dma_start3A_100 = arith.constant 0 : i32
        %dma_start3A_101 = tpu.memref_slice %arg3[%dma_start3A_99, %dma_start3A_100] : memref<40000x128xf32, #tpu.memory_space<hbm>> -> memref<40000x128xf32, #tpu.memory_space<hbm>>
        tpu.enqueue_indirect_dma source(%dma_start3A_101 : memref<40000x128xf32, #tpu.memory_space<hbm>>) target(%dma_start3A_95 : memref<64x128xf32, #tpu.memory_space<vmem>>) offsets(%dma_start3A_98 : memref<64xi32, #tpu.memory_space<vmem>>) semaphore(%arg19 : memref<!tpu.dma_semaphore, #tpu.memory_space<semaphore_mem>>)
        %dma_wait3A = arith.constant 0 : i32
        %dma_wait3A_102 = arith.constant 0 : i32
        %dma_wait3A_103 = tpu.memref_slice %arg11[%dma_wait3A, %dma_wait3A_102] : memref<128x64xf32, #tpu.memory_space<vmem>> -> memref<64x64xf32, #tpu.memory_space<vmem>>
        %dma_wait3A_104 = arith.constant 0 : i32
        %dma_wait3A_105 = tpu.memref_slice %arg8[%scan3A_65, %dma_wait3A_104] : memref<108x128xi32, #tpu.memory_space<vmem>> -> memref<1x64xi32, #tpu.memory_space<vmem>>
        %dma_wait3A_106 = tpu.memref_squeeze %dma_wait3A_105 : memref<1x64xi32, #tpu.memory_space<vmem>> -> memref<64xi32, #tpu.memory_space<vmem>>
        %dma_wait3A_107 = arith.constant 0 : i32
        %dma_wait3A_108 = arith.constant 0 : i32
        %dma_wait3A_109 = tpu.memref_slice %arg2[%dma_wait3A_107, %dma_wait3A_108] : memref<40000x64xf32, #tpu.memory_space<hbm>> -> memref<40000x64xf32, #tpu.memory_space<hbm>>
        tpu.wait_indirect_dma semaphore(%arg16 : memref<!tpu.dma_semaphore, #tpu.memory_space<semaphore_mem>>) src(%dma_wait3A_109 : memref<40000x64xf32, #tpu.memory_space<hbm>>) dst(%dma_wait3A_103 : memref<64x64xf32, #tpu.memory_space<vmem>>)
        %dma_wait3A_110 = arith.constant 0 : i32
        %dma_wait3A_111 = arith.constant 0 : i32
        %dma_wait3A_112 = tpu.memref_slice %arg12[%dma_wait3A_110, %dma_wait3A_111] : memref<128x128xf32, #tpu.memory_space<vmem>> -> memref<64x128xf32, #tpu.memory_space<vmem>>
        %dma_wait3A_113 = arith.constant 0 : i32
        %dma_wait3A_114 = tpu.memref_slice %arg9[%scan3A_65, %dma_wait3A_113] : memref<108x128xi32, #tpu.memory_space<vmem>> -> memref<1x64xi32, #tpu.memory_space<vmem>>
        %dma_wait3A_115 = tpu.memref_squeeze %dma_wait3A_114 : memref<1x64xi32, #tpu.memory_space<vmem>> -> memref<64xi32, #tpu.memory_space<vmem>>
        %dma_wait3A_116 = arith.constant 0 : i32
        %dma_wait3A_117 = arith.constant 0 : i32
        %dma_wait3A_118 = tpu.memref_slice %arg3[%dma_wait3A_116, %dma_wait3A_117] : memref<40000x128xf32, #tpu.memory_space<hbm>> -> memref<40000x128xf32, #tpu.memory_space<hbm>>
        tpu.wait_indirect_dma semaphore(%arg18 : memref<!tpu.dma_semaphore, #tpu.memory_space<semaphore_mem>>) src(%dma_wait3A_118 : memref<40000x128xf32, #tpu.memory_space<hbm>>) dst(%dma_wait3A_112 : memref<64x128xf32, #tpu.memory_space<vmem>>)
        %scan3A_119 = arith.constant 0 : i32
        %scan3A_120 = arith.constant 0 : i32
        %scan3A_121 = arith.constant 64 : i32
        %scan3A_122 = arith.addi %scan3A_120, %scan3A_121 : i32
        %scan3A_123 = arith.constant 1 : i32
        %scan3A_124 = scf.for %scan3A_152 = %scan3A_120 to %scan3A_122 step %scan3A_123 iter_args(%scan3A_153 = %scan3A_119) -> (i32)  : i32 {
          %get3A = arith.index_cast %scan3A_152 : i32 to index
          %get3A_154 = arith.constant 0 : index
          %get3A_155 = tpu.vector_load %arg11[%get3A, %get3A_154] {strides = array<i32>} : memref<128x64xf32, #tpu.memory_space<vmem>>, vector<1x16xf32>,
          %get3A_156 = vector.shape_cast %get3A_155 : vector<1x16xf32> to vector<16xf32>
          %get3A_157 = arith.index_cast %scan3A_152 : i32 to index
          %get3A_158 = arith.constant 0 : index
          %get3A_159 = tpu.vector_load %arg12[%get3A_157, %get3A_158] {strides = array<i32>} : memref<128x128xf32, #tpu.memory_space<vmem>>, vector<1x16xf32>,
          %get3A_160 = vector.shape_cast %get3A_159 : vector<1x16xf32> to vector<16xf32>
          %get3A_161 = arith.index_cast %scan3A_152 : i32 to index
          %get3A_162 = arith.constant 64 : index
          %get3A_163 = tpu.vector_load %arg12[%get3A_161, %get3A_162] {strides = array<i32>} : memref<128x128xf32, #tpu.memory_space<vmem>>, vector<1x16xf32>,
          %get3A_164 = vector.shape_cast %get3A_163 : vector<1x16xf32> to vector<16xf32>
          %mul3A_165 = arith.mulf %get3A_164, %get3A_156 : vector<16xf32>
          %add3A_166 = arith.addf %mul3A_165, %get3A_160 : vector<16xf32>
          %max3A = arith.constant 0.000000e+00 : f32
          %max3A_167 = vector.broadcast %max3A : f32 to vector<16xf32>
          %max3A_168 = arith.maximumf %add3A_166, %max3A_167 : vector<16xf32>
          %swap3A = arith.index_cast %scan3A_152 : i32 to index
          %swap3A_169 = arith.constant 0 : index
          %swap3A_170 = tpu.vector_load %arg13[%swap3A, %swap3A_169] {strides = array<i32>} : memref<128x64xf32, #tpu.memory_space<vmem>>, vector<1x16xf32>,
          %swap3A_171 = vector.shape_cast %swap3A_170 : vector<1x16xf32> to vector<16xf32>
          %swap3A_172 = vector.shape_cast %max3A_168 : vector<16xf32> to vector<1x16xf32>
          tpu.vector_store %arg13[%swap3A, %swap3A_169], %swap3A_172 {strides = array<i32>} : memref<128x64xf32, #tpu.memory_space<vmem>>, vector<1x16xf32>,
          %get3A_173 = arith.index_cast %scan3A_152 : i32 to index
          %get3A_174 = arith.constant 16 : index
          %get3A_175 = tpu.vector_load %arg11[%get3A_173, %get3A_174] {strides = array<i32>} : memref<128x64xf32, #tpu.memory_space<vmem>>, vector<1x16xf32>,
          %get3A_176 = vector.shape_cast %get3A_175 : vector<1x16xf32> to vector<16xf32>
          %get3A_177 = arith.index_cast %scan3A_152 : i32 to index
          %get3A_178 = arith.constant 16 : index
          %get3A_179 = tpu.vector_load %arg12[%get3A_177, %get3A_178] {strides = array<i32>} : memref<128x128xf32, #tpu.memory_space<vmem>>, vector<1x16xf32>,
          %get3A_180 = vector.shape_cast %get3A_179 : vector<1x16xf32> to vector<16xf32>
          %get3A_181 = arith.index_cast %scan3A_152 : i32 to index
          %get3A_182 = arith.constant 80 : index
          %get3A_183 = tpu.vector_load %arg12[%get3A_181, %get3A_182] {strides = array<i32>} : memref<128x128xf32, #tpu.memory_space<vmem>>, vector<1x16xf32>,
          %get3A_184 = vector.shape_cast %get3A_183 : vector<1x16xf32> to vector<16xf32>
          %mul3A_185 = arith.mulf %get3A_184, %get3A_176 : vector<16xf32>
          %add3A_186 = arith.addf %mul3A_185, %get3A_180 : vector<16xf32>
          %max3A_187 = arith.constant 0.000000e+00 : f32
          %max3A_188 = vector.broadcast %max3A_187 : f32 to vector<16xf32>
          %max3A_189 = arith.maximumf %add3A_186, %max3A_188 : vector<16xf32>
          %swap3A_190 = arith.index_cast %scan3A_152 : i32 to index
          %swap3A_191 = arith.constant 16 : index
          %swap3A_192 = tpu.vector_load %arg13[%swap3A_190, %swap3A_191] {strides = array<i32>} : memref<128x64xf32, #tpu.memory_space<vmem>>, vector<1x16xf32>,
          %swap3A_193 = vector.shape_cast %swap3A_192 : vector<1x16xf32> to vector<16xf32>
          %swap3A_194 = vector.shape_cast %max3A_189 : vector<16xf32> to vector<1x16xf32>
          tpu.vector_store %arg13[%swap3A_190, %swap3A_191], %swap3A_194 {strides = array<i32>} : memref<128x64xf32, #tpu.memory_space<vmem>>, vector<1x16xf32>,
          %get3A_195 = arith.index_cast %scan3A_152 : i32 to index
          %get3A_196 = arith.constant 32 : index
          %get3A_197 = tpu.vector_load %arg11[%get3A_195, %get3A_196] {strides = array<i32>} : memref<128x64xf32, #tpu.memory_space<vmem>>, vector<1x16xf32>,
          %get3A_198 = vector.shape_cast %get3A_197 : vector<1x16xf32> to vector<16xf32>
          %get3A_199 = arith.index_cast %scan3A_152 : i32 to index
          %get3A_200 = arith.constant 32 : index
          %get3A_201 = tpu.vector_load %arg12[%get3A_199, %get3A_200] {strides = array<i32>} : memref<128x128xf32, #tpu.memory_space<vmem>>, vector<1x16xf32>,
          %get3A_202 = vector.shape_cast %get3A_201 : vector<1x16xf32> to vector<16xf32>
          %get3A_203 = arith.index_cast %scan3A_152 : i32 to index
          %get3A_204 = arith.constant 96 : index
          %get3A_205 = tpu.vector_load %arg12[%get3A_203, %get3A_204] {strides = array<i32>} : memref<128x128xf32, #tpu.memory_space<vmem>>, vector<1x16xf32>,
          %get3A_206 = vector.shape_cast %get3A_205 : vector<1x16xf32> to vector<16xf32>
          %mul3A_207 = arith.mulf %get3A_206, %get3A_198 : vector<16xf32>
          %add3A_208 = arith.addf %mul3A_207, %get3A_202 : vector<16xf32>
          %max3A_209 = arith.constant 0.000000e+00 : f32
          %max3A_210 = vector.broadcast %max3A_209 : f32 to vector<16xf32>
          %max3A_211 = arith.maximumf %add3A_208, %max3A_210 : vector<16xf32>
          %swap3A_212 = arith.index_cast %scan3A_152 : i32 to index
          %swap3A_213 = arith.constant 32 : index
          %swap3A_214 = tpu.vector_load %arg13[%swap3A_212, %swap3A_213] {strides = array<i32>} : memref<128x64xf32, #tpu.memory_space<vmem>>, vector<1x16xf32>,
          %swap3A_215 = vector.shape_cast %swap3A_214 : vector<1x16xf32> to vector<16xf32>
          %swap3A_216 = vector.shape_cast %max3A_211 : vector<16xf32> to vector<1x16xf32>
          tpu.vector_store %arg13[%swap3A_212, %swap3A_213], %swap3A_216 {strides = array<i32>} : memref<128x64xf32, #tpu.memory_space<vmem>>, vector<1x16xf32>,
          %get3A_217 = arith.index_cast %scan3A_152 : i32 to index
          %get3A_218 = arith.constant 48 : index
          %get3A_219 = tpu.vector_load %arg11[%get3A_217, %get3A_218] {strides = array<i32>} : memref<128x64xf32, #tpu.memory_space<vmem>>, vector<1x16xf32>,
          %get3A_220 = vector.shape_cast %get3A_219 : vector<1x16xf32> to vector<16xf32>
          %get3A_221 = arith.index_cast %scan3A_152 : i32 to index
          %get3A_222 = arith.constant 48 : index
          %get3A_223 = tpu.vector_load %arg12[%get3A_221, %get3A_222] {strides = array<i32>} : memref<128x128xf32, #tpu.memory_space<vmem>>, vector<1x16xf32>,
          %get3A_224 = vector.shape_cast %get3A_223 : vector<1x16xf32> to vector<16xf32>
          %get3A_225 = arith.index_cast %scan3A_152 : i32 to index
          %get3A_226 = arith.constant 112 : index
          %get3A_227 = tpu.vector_load %arg12[%get3A_225, %get3A_226] {strides = array<i32>} : memref<128x128xf32, #tpu.memory_space<vmem>>, vector<1x16xf32>,
          %get3A_228 = vector.shape_cast %get3A_227 : vector<1x16xf32> to vector<16xf32>
          %mul3A_229 = arith.mulf %get3A_228, %get3A_220 : vector<16xf32>
          %add3A_230 = arith.addf %mul3A_229, %get3A_224 : vector<16xf32>
          %max3A_231 = arith.constant 0.000000e+00 : f32
          %max3A_232 = vector.broadcast %max3A_231 : f32 to vector<16xf32>
          %max3A_233 = arith.maximumf %add3A_230, %max3A_232 : vector<16xf32>
          %swap3A_234 = arith.index_cast %scan3A_152 : i32 to index
          %swap3A_235 = arith.constant 48 : index
          %swap3A_236 = tpu.vector_load %arg13[%swap3A_234, %swap3A_235] {strides = array<i32>} : memref<128x64xf32, #tpu.memory_space<vmem>>, vector<1x16xf32>,
          %swap3A_237 = vector.shape_cast %swap3A_236 : vector<1x16xf32> to vector<16xf32>
          %swap3A_238 = vector.shape_cast %max3A_233 : vector<16xf32> to vector<1x16xf32>
          tpu.vector_store %arg13[%swap3A_234, %swap3A_235], %swap3A_238 {strides = array<i32>} : memref<128x64xf32, #tpu.memory_space<vmem>>, vector<1x16xf32>,
          %scan3A_239 = arith.constant 0 : i32
          scf.yield %scan3A_239 : i32
        }
        %scan3A_125 = arith.constant 64 : i32
        %dma_wait3A_126 = arith.constant 64 : i32
        %dma_wait3A_127 = arith.constant 0 : i32
        %dma_wait3A_128 = tpu.memref_slice %arg11[%dma_wait3A_126, %dma_wait3A_127] : memref<128x64xf32, #tpu.memory_space<vmem>> -> memref<64x64xf32, #tpu.memory_space<vmem>>
        %dma_wait3A_129 = arith.constant 64 : i32
        %dma_wait3A_130 = tpu.memref_slice %arg8[%scan3A_65, %dma_wait3A_129] : memref<108x128xi32, #tpu.memory_space<vmem>> -> memref<1x64xi32, #tpu.memory_space<vmem>>
        %dma_wait3A_131 = tpu.memref_squeeze %dma_wait3A_130 : memref<1x64xi32, #tpu.memory_space<vmem>> -> memref<64xi32, #tpu.memory_space<vmem>>
        %dma_wait3A_132 = arith.constant 0 : i32
        %dma_wait3A_133 = arith.constant 0 : i32
        %dma_wait3A_134 = tpu.memref_slice %arg2[%dma_wait3A_132, %dma_wait3A_133] : memref<40000x64xf32, #tpu.memory_space<hbm>> -> memref<40000x64xf32, #tpu.memory_space<hbm>>
        tpu.wait_indirect_dma semaphore(%arg17 : memref<!tpu.dma_semaphore, #tpu.memory_space<semaphore_mem>>) src(%dma_wait3A_134 : memref<40000x64xf32, #tpu.memory_space<hbm>>) dst(%dma_wait3A_128 : memref<64x64xf32, #tpu.memory_space<vmem>>)
        %dma_wait3A_135 = arith.constant 64 : i32
        %dma_wait3A_136 = arith.constant 0 : i32
        %dma_wait3A_137 = tpu.memref_slice %arg12[%dma_wait3A_135, %dma_wait3A_136] : memref<128x128xf32, #tpu.memory_space<vmem>> -> memref<64x128xf32, #tpu.memory_space<vmem>>
        %dma_wait3A_138 = arith.constant 64 : i32
        %dma_wait3A_139 = tpu.memref_slice %arg9[%scan3A_65, %dma_wait3A_138] : memref<108x128xi32, #tpu.memory_space<vmem>> -> memref<1x64xi32, #tpu.memory_space<vmem>>
        %dma_wait3A_140 = tpu.memref_squeeze %dma_wait3A_139 : memref<1x64xi32, #tpu.memory_space<vmem>> -> memref<64xi32, #tpu.memory_space<vmem>>
        %dma_wait3A_141 = arith.constant 0 : i32
        %dma_wait3A_142 = arith.constant 0 : i32
        %dma_wait3A_143 = tpu.memref_slice %arg3[%dma_wait3A_141, %dma_wait3A_142] : memref<40000x128xf32, #tpu.memory_space<hbm>> -> memref<40000x128xf32, #tpu.memory_space<hbm>>
        tpu.wait_indirect_dma semaphore(%arg19 : memref<!tpu.dma_semaphore, #tpu.memory_space<semaphore_mem>>) src(%dma_wait3A_143 : memref<40000x128xf32, #tpu.memory_space<hbm>>) dst(%dma_wait3A_137 : memref<64x128xf32, #tpu.memory_space<vmem>>)
        %scan3A_144 = arith.constant 0 : i32
        %scan3A_145 = arith.constant 64 : i32
        %scan3A_146 = arith.constant 64 : i32
        %scan3A_147 = arith.addi %scan3A_145, %scan3A_146 : i32
        %scan3A_148 = arith.constant 1 : i32
        %scan3A_149 = scf.for %scan3A_152 = %scan3A_145 to %scan3A_147 step %scan3A_148 iter_args(%scan3A_153 = %scan3A_144) -> (i32)  : i32 {
          %get3A = arith.index_cast %scan3A_152 : i32 to index
          %get3A_154 = arith.constant 0 : index
          %get3A_155 = tpu.vector_load %arg11[%get3A, %get3A_154] {strides = array<i32>} : memref<128x64xf32, #tpu.memory_space<vmem>>, vector<1x16xf32>,
          %get3A_156 = vector.shape_cast %get3A_155 : vector<1x16xf32> to vector<16xf32>
          %get3A_157 = arith.index_cast %scan3A_152 : i32 to index
          %get3A_158 = arith.constant 0 : index
          %get3A_159 = tpu.vector_load %arg12[%get3A_157, %get3A_158] {strides = array<i32>} : memref<128x128xf32, #tpu.memory_space<vmem>>, vector<1x16xf32>,
          %get3A_160 = vector.shape_cast %get3A_159 : vector<1x16xf32> to vector<16xf32>
          %get3A_161 = arith.index_cast %scan3A_152 : i32 to index
          %get3A_162 = arith.constant 64 : index
          %get3A_163 = tpu.vector_load %arg12[%get3A_161, %get3A_162] {strides = array<i32>} : memref<128x128xf32, #tpu.memory_space<vmem>>, vector<1x16xf32>,
          %get3A_164 = vector.shape_cast %get3A_163 : vector<1x16xf32> to vector<16xf32>
          %mul3A_165 = arith.mulf %get3A_164, %get3A_156 : vector<16xf32>
          %add3A_166 = arith.addf %mul3A_165, %get3A_160 : vector<16xf32>
          %max3A = arith.constant 0.000000e+00 : f32
          %max3A_167 = vector.broadcast %max3A : f32 to vector<16xf32>
          %max3A_168 = arith.maximumf %add3A_166, %max3A_167 : vector<16xf32>
          %swap3A = arith.index_cast %scan3A_152 : i32 to index
          %swap3A_169 = arith.constant 0 : index
          %swap3A_170 = tpu.vector_load %arg13[%swap3A, %swap3A_169] {strides = array<i32>} : memref<128x64xf32, #tpu.memory_space<vmem>>, vector<1x16xf32>,
          %swap3A_171 = vector.shape_cast %swap3A_170 : vector<1x16xf32> to vector<16xf32>
          %swap3A_172 = vector.shape_cast %max3A_168 : vector<16xf32> to vector<1x16xf32>
          tpu.vector_store %arg13[%swap3A, %swap3A_169], %swap3A_172 {strides = array<i32>} : memref<128x64xf32, #tpu.memory_space<vmem>>, vector<1x16xf32>,
          %get3A_173 = arith.index_cast %scan3A_152 : i32 to index
          %get3A_174 = arith.constant 16 : index
          %get3A_175 = tpu.vector_load %arg11[%get3A_173, %get3A_174] {strides = array<i32>} : memref<128x64xf32, #tpu.memory_space<vmem>>, vector<1x16xf32>,
          %get3A_176 = vector.shape_cast %get3A_175 : vector<1x16xf32> to vector<16xf32>
          %get3A_177 = arith.index_cast %scan3A_152 : i32 to index
          %get3A_178 = arith.constant 16 : index
          %get3A_179 = tpu.vector_load %arg12[%get3A_177, %get3A_178] {strides = array<i32>} : memref<128x128xf32, #tpu.memory_space<vmem>>, vector<1x16xf32>,
          %get3A_180 = vector.shape_cast %get3A_179 : vector<1x16xf32> to vector<16xf32>
          %get3A_181 = arith.index_cast %scan3A_152 : i32 to index
          %get3A_182 = arith.constant 80 : index
          %get3A_183 = tpu.vector_load %arg12[%get3A_181, %get3A_182] {strides = array<i32>} : memref<128x128xf32, #tpu.memory_space<vmem>>, vector<1x16xf32>,
          %get3A_184 = vector.shape_cast %get3A_183 : vector<1x16xf32> to vector<16xf32>
          %mul3A_185 = arith.mulf %get3A_184, %get3A_176 : vector<16xf32>
          %add3A_186 = arith.addf %mul3A_185, %get3A_180 : vector<16xf32>
          %max3A_187 = arith.constant 0.000000e+00 : f32
          %max3A_188 = vector.broadcast %max3A_187 : f32 to vector<16xf32>
          %max3A_189 = arith.maximumf %add3A_186, %max3A_188 : vector<16xf32>
          %swap3A_190 = arith.index_cast %scan3A_152 : i32 to index
          %swap3A_191 = arith.constant 16 : index
          %swap3A_192 = tpu.vector_load %arg13[%swap3A_190, %swap3A_191] {strides = array<i32>} : memref<128x64xf32, #tpu.memory_space<vmem>>, vector<1x16xf32>,
          %swap3A_193 = vector.shape_cast %swap3A_192 : vector<1x16xf32> to vector<16xf32>
          %swap3A_194 = vector.shape_cast %max3A_189 : vector<16xf32> to vector<1x16xf32>
          tpu.vector_store %arg13[%swap3A_190, %swap3A_191], %swap3A_194 {strides = array<i32>} : memref<128x64xf32, #tpu.memory_space<vmem>>, vector<1x16xf32>,
          %get3A_195 = arith.index_cast %scan3A_152 : i32 to index
          %get3A_196 = arith.constant 32 : index
          %get3A_197 = tpu.vector_load %arg11[%get3A_195, %get3A_196] {strides = array<i32>} : memref<128x64xf32, #tpu.memory_space<vmem>>, vector<1x16xf32>,
          %get3A_198 = vector.shape_cast %get3A_197 : vector<1x16xf32> to vector<16xf32>
          %get3A_199 = arith.index_cast %scan3A_152 : i32 to index
          %get3A_200 = arith.constant 32 : index
          %get3A_201 = tpu.vector_load %arg12[%get3A_199, %get3A_200] {strides = array<i32>} : memref<128x128xf32, #tpu.memory_space<vmem>>, vector<1x16xf32>,
          %get3A_202 = vector.shape_cast %get3A_201 : vector<1x16xf32> to vector<16xf32>
          %get3A_203 = arith.index_cast %scan3A_152 : i32 to index
          %get3A_204 = arith.constant 96 : index
          %get3A_205 = tpu.vector_load %arg12[%get3A_203, %get3A_204] {strides = array<i32>} : memref<128x128xf32, #tpu.memory_space<vmem>>, vector<1x16xf32>,
          %get3A_206 = vector.shape_cast %get3A_205 : vector<1x16xf32> to vector<16xf32>
          %mul3A_207 = arith.mulf %get3A_206, %get3A_198 : vector<16xf32>
          %add3A_208 = arith.addf %mul3A_207, %get3A_202 : vector<16xf32>
          %max3A_209 = arith.constant 0.000000e+00 : f32
          %max3A_210 = vector.broadcast %max3A_209 : f32 to vector<16xf32>
          %max3A_211 = arith.maximumf %add3A_208, %max3A_210 : vector<16xf32>
          %swap3A_212 = arith.index_cast %scan3A_152 : i32 to index
          %swap3A_213 = arith.constant 32 : index
          %swap3A_214 = tpu.vector_load %arg13[%swap3A_212, %swap3A_213] {strides = array<i32>} : memref<128x64xf32, #tpu.memory_space<vmem>>, vector<1x16xf32>,
          %swap3A_215 = vector.shape_cast %swap3A_214 : vector<1x16xf32> to vector<16xf32>
          %swap3A_216 = vector.shape_cast %max3A_211 : vector<16xf32> to vector<1x16xf32>
          tpu.vector_store %arg13[%swap3A_212, %swap3A_213], %swap3A_216 {strides = array<i32>} : memref<128x64xf32, #tpu.memory_space<vmem>>, vector<1x16xf32>,
          %get3A_217 = arith.index_cast %scan3A_152 : i32 to index
          %get3A_218 = arith.constant 48 : index
          %get3A_219 = tpu.vector_load %arg11[%get3A_217, %get3A_218] {strides = array<i32>} : memref<128x64xf32, #tpu.memory_space<vmem>>, vector<1x16xf32>,
          %get3A_220 = vector.shape_cast %get3A_219 : vector<1x16xf32> to vector<16xf32>
          %get3A_221 = arith.index_cast %scan3A_152 : i32 to index
          %get3A_222 = arith.constant 48 : index
          %get3A_223 = tpu.vector_load %arg12[%get3A_221, %get3A_222] {strides = array<i32>} : memref<128x128xf32, #tpu.memory_space<vmem>>, vector<1x16xf32>,
          %get3A_224 = vector.shape_cast %get3A_223 : vector<1x16xf32> to vector<16xf32>
          %get3A_225 = arith.index_cast %scan3A_152 : i32 to index
          %get3A_226 = arith.constant 112 : index
          %get3A_227 = tpu.vector_load %arg12[%get3A_225, %get3A_226] {strides = array<i32>} : memref<128x128xf32, #tpu.memory_space<vmem>>, vector<1x16xf32>,
          %get3A_228 = vector.shape_cast %get3A_227 : vector<1x16xf32> to vector<16xf32>
          %mul3A_229 = arith.mulf %get3A_228, %get3A_220 : vector<16xf32>
          %add3A_230 = arith.addf %mul3A_229, %get3A_224 : vector<16xf32>
          %max3A_231 = arith.constant 0.000000e+00 : f32
          %max3A_232 = vector.broadcast %max3A_231 : f32 to vector<16xf32>
          %max3A_233 = arith.maximumf %add3A_230, %max3A_232 : vector<16xf32>
          %swap3A_234 = arith.index_cast %scan3A_152 : i32 to index
          %swap3A_235 = arith.constant 48 : index
          %swap3A_236 = tpu.vector_load %arg13[%swap3A_234, %swap3A_235] {strides = array<i32>} : memref<128x64xf32, #tpu.memory_space<vmem>>, vector<1x16xf32>,
          %swap3A_237 = vector.shape_cast %swap3A_236 : vector<1x16xf32> to vector<16xf32>
          %swap3A_238 = vector.shape_cast %max3A_233 : vector<16xf32> to vector<1x16xf32>
          tpu.vector_store %arg13[%swap3A_234, %swap3A_235], %swap3A_238 {strides = array<i32>} : memref<128x64xf32, #tpu.memory_space<vmem>>, vector<1x16xf32>,
          %scan3A_239 = arith.constant 0 : i32
          scf.yield %scan3A_239 : i32
        }
        %scan3A_150 = arith.constant 64 : i32
        "tpu.region"() ({
          %run_scoped3A = tpu.sem_alloc : memref<!tpu.dma_semaphore, #tpu.memory_space<semaphore_mem>>
          %dma_start3A_152 = arith.constant 0 : i32
          %dma_start3A_153 = tpu.memref_slice %arg10[%scan3A_65, %dma_start3A_152] : memref<108x128xi32, #tpu.memory_space<vmem>> -> memref<1x128xi32, #tpu.memory_space<vmem>>
          %dma_start3A_154 = tpu.memref_squeeze %dma_start3A_153 : memref<1x128xi32, #tpu.memory_space<vmem>> -> memref<128xi32, #tpu.memory_space<vmem>>
          %dma_start3A_155 = arith.constant 0 : i32
          %dma_start3A_156 = arith.constant 0 : i32
          %dma_start3A_157 = tpu.memref_slice %arg15[%dma_start3A_155, %dma_start3A_156] : memref<10240x64xf32, #tpu.memory_space<vmem_shared>> -> memref<10240x64xf32, #tpu.memory_space<vmem_shared>>
          tpu.enqueue_indirect_dma source(%arg13 : memref<128x64xf32, #tpu.memory_space<vmem>>) target(%dma_start3A_157 : memref<10240x64xf32, #tpu.memory_space<vmem_shared>>) offsets(%dma_start3A_154 : memref<128xi32, #tpu.memory_space<vmem>>) semaphore(%run_scoped3A : memref<!tpu.dma_semaphore, #tpu.memory_space<semaphore_mem>>) {add = true}
          %dma_wait3A_158 = arith.constant 0 : i32
          %dma_wait3A_159 = tpu.memref_slice %arg10[%scan3A_65, %dma_wait3A_158] : memref<108x128xi32, #tpu.memory_space<vmem>> -> memref<1x128xi32, #tpu.memory_space<vmem>>
          %dma_wait3A_160 = tpu.memref_squeeze %dma_wait3A_159 : memref<1x128xi32, #tpu.memory_space<vmem>> -> memref<128xi32, #tpu.memory_space<vmem>>
          %dma_wait3A_161 = arith.constant 0 : i32
          %dma_wait3A_162 = arith.constant 0 : i32
          %dma_wait3A_163 = tpu.memref_slice %arg15[%dma_wait3A_161, %dma_wait3A_162] : memref<10240x64xf32, #tpu.memory_space<vmem_shared>> -> memref<10240x64xf32, #tpu.memory_space<vmem_shared>>
          tpu.wait_indirect_dma semaphore(%run_scoped3A : memref<!tpu.dma_semaphore, #tpu.memory_space<semaphore_mem>>) src(%arg13 : memref<128x64xf32, #tpu.memory_space<vmem>>) dst(%dma_wait3A_163 : memref<10240x64xf32, #tpu.memory_space<vmem_shared>>)
          tpu.yield
        }) : () -> ()
        %scan3A_151 = arith.constant 0 : i32
        scf.yield %scan3A_151 : i32
      }
      %scan3A_64 = arith.constant 108 : i32
    } else {
    }
    %eq3A_46 = arith.constant 1 : i32
    %eq3A_47 = arith.cmpi eq, %arg0, %eq3A_46 : i32
    %convert_element_type3A_48 = arith.extui %eq3A_47 : i1 to i32
    %cond3A_49 = arith.constant 0 : i32
    %cond3A_50 = arith.cmpi ne, %convert_element_type3A_48, %cond3A_49 : i32
    scf.if %cond3A_50 {
      %mul3A_55 = arith.constant 52 : i32
      %mul3A_56 = arith.muli %arg1, %mul3A_55 : i32
      %add3A_57 = arith.constant 1728 : i32
      %add3A_58 = arith.addi %add3A_57, %mul3A_56 : i32
      "tpu.region"() ({
        %run_scoped3A = tpu.sem_alloc : memref<!tpu.dma_semaphore, #tpu.memory_space<semaphore_mem>>
        %dma_start3A = arith.constant 0 : i32
        %dma_start3A_67 = arith.constant 0 : i32
        %dma_start3A_68 = tpu.memref_slice %arg8[%dma_start3A, %dma_start3A_67] : memref<108x128xi32, #tpu.memory_space<vmem>> -> memref<52x128xi32, #tpu.memory_space<vmem>>
        %dma_start3A_69 = arith.constant 0 : i32
        %dma_start3A_70 = tpu.memref_slice %arg4[%add3A_58, %dma_start3A_69] : memref<2560x128xi32, #tpu.memory_space<hbm>> -> memref<52x128xi32, #tpu.memory_space<hbm>>
        %dma_start3A_71 = arith.constant 0 : i32
        %dma_start3A_72 = arith.constant 0 : i32
        %dma_start3A_73 = tpu.memref_slice %arg8[%dma_start3A_71, %dma_start3A_72] : memref<108x128xi32, #tpu.memory_space<vmem>> -> memref<52x128xi32, #tpu.memory_space<vmem>>
        %dma_start3A_74 = arith.constant 0 : i32
        %dma_start3A_75 = tpu.memref_slice %arg4[%add3A_58, %dma_start3A_74] : memref<2560x128xi32, #tpu.memory_space<hbm>> -> memref<52x128xi32, #tpu.memory_space<hbm>>
        tpu.enqueue_dma source(%dma_start3A_75 : memref<52x128xi32, #tpu.memory_space<hbm>>) target(%dma_start3A_73 : memref<52x128xi32, #tpu.memory_space<vmem>>) target_semaphore(%run_scoped3A : memref<!tpu.dma_semaphore, #tpu.memory_space<semaphore_mem>>)
        %dma_wait3A = arith.constant 0 : i32
        %dma_wait3A_76 = arith.constant 0 : i32
        %dma_wait3A_77 = tpu.memref_slice %arg8[%dma_wait3A, %dma_wait3A_76] : memref<108x128xi32, #tpu.memory_space<vmem>> -> memref<52x128xi32, #tpu.memory_space<vmem>>
        %dma_wait3A_78 = arith.constant 0 : i32
        %dma_wait3A_79 = tpu.memref_slice %arg4[%add3A_58, %dma_wait3A_78] : memref<2560x128xi32, #tpu.memory_space<hbm>> -> memref<52x128xi32, #tpu.memory_space<hbm>>
        %dma_wait3A_80 = arith.constant 0 : i32
        %dma_wait3A_81 = arith.constant 0 : i32
        %dma_wait3A_82 = tpu.memref_slice %arg8[%dma_wait3A_80, %dma_wait3A_81] : memref<108x128xi32, #tpu.memory_space<vmem>> -> memref<52x128xi32, #tpu.memory_space<vmem>>
        %dma_wait3A_83 = arith.constant 0 : i32
        %dma_wait3A_84 = tpu.memref_slice %arg4[%add3A_58, %dma_wait3A_83] : memref<2560x128xi32, #tpu.memory_space<hbm>> -> memref<52x128xi32, #tpu.memory_space<hbm>>
        tpu.wait_dma2 semaphore(%run_scoped3A : memref<!tpu.dma_semaphore, #tpu.memory_space<semaphore_mem>>) src(%dma_wait3A_84 : memref<52x128xi32, #tpu.memory_space<hbm>>) dst(%dma_wait3A_82 : memref<52x128xi32, #tpu.memory_space<vmem>>)
        tpu.yield
      }) : () -> ()
      "tpu.region"() ({
        %run_scoped3A = tpu.sem_alloc : memref<!tpu.dma_semaphore, #tpu.memory_space<semaphore_mem>>
        %dma_start3A = arith.constant 0 : i32
        %dma_start3A_67 = arith.constant 0 : i32
        %dma_start3A_68 = tpu.memref_slice %arg9[%dma_start3A, %dma_start3A_67] : memref<108x128xi32, #tpu.memory_space<vmem>> -> memref<52x128xi32, #tpu.memory_space<vmem>>
        %dma_start3A_69 = arith.constant 0 : i32
        %dma_start3A_70 = tpu.memref_slice %arg5[%add3A_58, %dma_start3A_69] : memref<2560x128xi32, #tpu.memory_space<hbm>> -> memref<52x128xi32, #tpu.memory_space<hbm>>
        %dma_start3A_71 = arith.constant 0 : i32
        %dma_start3A_72 = arith.constant 0 : i32
        %dma_start3A_73 = tpu.memref_slice %arg9[%dma_start3A_71, %dma_start3A_72] : memref<108x128xi32, #tpu.memory_space<vmem>> -> memref<52x128xi32, #tpu.memory_space<vmem>>
        %dma_start3A_74 = arith.constant 0 : i32
        %dma_start3A_75 = tpu.memref_slice %arg5[%add3A_58, %dma_start3A_74] : memref<2560x128xi32, #tpu.memory_space<hbm>> -> memref<52x128xi32, #tpu.memory_space<hbm>>
        tpu.enqueue_dma source(%dma_start3A_75 : memref<52x128xi32, #tpu.memory_space<hbm>>) target(%dma_start3A_73 : memref<52x128xi32, #tpu.memory_space<vmem>>) target_semaphore(%run_scoped3A : memref<!tpu.dma_semaphore, #tpu.memory_space<semaphore_mem>>)
        %dma_wait3A = arith.constant 0 : i32
        %dma_wait3A_76 = arith.constant 0 : i32
        %dma_wait3A_77 = tpu.memref_slice %arg9[%dma_wait3A, %dma_wait3A_76] : memref<108x128xi32, #tpu.memory_space<vmem>> -> memref<52x128xi32, #tpu.memory_space<vmem>>
        %dma_wait3A_78 = arith.constant 0 : i32
        %dma_wait3A_79 = tpu.memref_slice %arg5[%add3A_58, %dma_wait3A_78] : memref<2560x128xi32, #tpu.memory_space<hbm>> -> memref<52x128xi32, #tpu.memory_space<hbm>>
        %dma_wait3A_80 = arith.constant 0 : i32
        %dma_wait3A_81 = arith.constant 0 : i32
        %dma_wait3A_82 = tpu.memref_slice %arg9[%dma_wait3A_80, %dma_wait3A_81] : memref<108x128xi32, #tpu.memory_space<vmem>> -> memref<52x128xi32, #tpu.memory_space<vmem>>
        %dma_wait3A_83 = arith.constant 0 : i32
        %dma_wait3A_84 = tpu.memref_slice %arg5[%add3A_58, %dma_wait3A_83] : memref<2560x128xi32, #tpu.memory_space<hbm>> -> memref<52x128xi32, #tpu.memory_space<hbm>>
        tpu.wait_dma2 semaphore(%run_scoped3A : memref<!tpu.dma_semaphore, #tpu.memory_space<semaphore_mem>>) src(%dma_wait3A_84 : memref<52x128xi32, #tpu.memory_space<hbm>>) dst(%dma_wait3A_82 : memref<52x128xi32, #tpu.memory_space<vmem>>)
        tpu.yield
      }) : () -> ()
      "tpu.region"() ({
        %run_scoped3A = tpu.sem_alloc : memref<!tpu.dma_semaphore, #tpu.memory_space<semaphore_mem>>
        %dma_start3A = arith.constant 0 : i32
        %dma_start3A_67 = arith.constant 0 : i32
        %dma_start3A_68 = tpu.memref_slice %arg10[%dma_start3A, %dma_start3A_67] : memref<108x128xi32, #tpu.memory_space<vmem>> -> memref<52x128xi32, #tpu.memory_space<vmem>>
        %dma_start3A_69 = arith.constant 0 : i32
        %dma_start3A_70 = tpu.memref_slice %arg6[%add3A_58, %dma_start3A_69] : memref<2560x128xi32, #tpu.memory_space<hbm>> -> memref<52x128xi32, #tpu.memory_space<hbm>>
        %dma_start3A_71 = arith.constant 0 : i32
        %dma_start3A_72 = arith.constant 0 : i32
        %dma_start3A_73 = tpu.memref_slice %arg10[%dma_start3A_71, %dma_start3A_72] : memref<108x128xi32, #tpu.memory_space<vmem>> -> memref<52x128xi32, #tpu.memory_space<vmem>>
        %dma_start3A_74 = arith.constant 0 : i32
        %dma_start3A_75 = tpu.memref_slice %arg6[%add3A_58, %dma_start3A_74] : memref<2560x128xi32, #tpu.memory_space<hbm>> -> memref<52x128xi32, #tpu.memory_space<hbm>>
        tpu.enqueue_dma source(%dma_start3A_75 : memref<52x128xi32, #tpu.memory_space<hbm>>) target(%dma_start3A_73 : memref<52x128xi32, #tpu.memory_space<vmem>>) target_semaphore(%run_scoped3A : memref<!tpu.dma_semaphore, #tpu.memory_space<semaphore_mem>>)
        %dma_wait3A = arith.constant 0 : i32
        %dma_wait3A_76 = arith.constant 0 : i32
        %dma_wait3A_77 = tpu.memref_slice %arg10[%dma_wait3A, %dma_wait3A_76] : memref<108x128xi32, #tpu.memory_space<vmem>> -> memref<52x128xi32, #tpu.memory_space<vmem>>
        %dma_wait3A_78 = arith.constant 0 : i32
        %dma_wait3A_79 = tpu.memref_slice %arg6[%add3A_58, %dma_wait3A_78] : memref<2560x128xi32, #tpu.memory_space<hbm>> -> memref<52x128xi32, #tpu.memory_space<hbm>>
        %dma_wait3A_80 = arith.constant 0 : i32
        %dma_wait3A_81 = arith.constant 0 : i32
        %dma_wait3A_82 = tpu.memref_slice %arg10[%dma_wait3A_80, %dma_wait3A_81] : memref<108x128xi32, #tpu.memory_space<vmem>> -> memref<52x128xi32, #tpu.memory_space<vmem>>
        %dma_wait3A_83 = arith.constant 0 : i32
        %dma_wait3A_84 = tpu.memref_slice %arg6[%add3A_58, %dma_wait3A_83] : memref<2560x128xi32, #tpu.memory_space<hbm>> -> memref<52x128xi32, #tpu.memory_space<hbm>>
        tpu.wait_dma2 semaphore(%run_scoped3A : memref<!tpu.dma_semaphore, #tpu.memory_space<semaphore_mem>>) src(%dma_wait3A_84 : memref<52x128xi32, #tpu.memory_space<hbm>>) dst(%dma_wait3A_82 : memref<52x128xi32, #tpu.memory_space<vmem>>)
        tpu.yield
      }) : () -> ()
      %barrier3A_59 = arith.constant 0 : index
      tpu.barrier barrier_id(%barrier3A_59)
      %scan3A_60 = arith.constant 0 : i32
      %scan3A_61 = arith.constant 0 : i32
      %scan3A_62 = arith.constant 52 : i32
      %scan3A_63 = arith.addi %scan3A_61, %scan3A_62 : i32
      %scan3A_64 = arith.constant 1 : i32
      %scan3A_65 = scf.for %scan3A_67 = %scan3A_61 to %scan3A_63 step %scan3A_64 iter_args(%scan3A_68 = %scan3A_60) -> (i32)  : i32 {
        %dma_start3A = arith.constant 0 : i32
        %dma_start3A_69 = arith.constant 0 : i32
        %dma_start3A_70 = tpu.memref_slice %arg11[%dma_start3A, %dma_start3A_69] : memref<128x64xf32, #tpu.memory_space<vmem>> -> memref<64x64xf32, #tpu.memory_space<vmem>>
        %dma_start3A_71 = arith.constant 0 : i32
        %dma_start3A_72 = tpu.memref_slice %arg8[%scan3A_67, %dma_start3A_71] : memref<108x128xi32, #tpu.memory_space<vmem>> -> memref<1x64xi32, #tpu.memory_space<vmem>>
        %dma_start3A_73 = tpu.memref_squeeze %dma_start3A_72 : memref<1x64xi32, #tpu.memory_space<vmem>> -> memref<64xi32, #tpu.memory_space<vmem>>
        %dma_start3A_74 = arith.constant 0 : i32
        %dma_start3A_75 = arith.constant 0 : i32
        %dma_start3A_76 = tpu.memref_slice %arg2[%dma_start3A_74, %dma_start3A_75] : memref<40000x64xf32, #tpu.memory_space<hbm>> -> memref<40000x64xf32, #tpu.memory_space<hbm>>
        tpu.enqueue_indirect_dma source(%dma_start3A_76 : memref<40000x64xf32, #tpu.memory_space<hbm>>) target(%dma_start3A_70 : memref<64x64xf32, #tpu.memory_space<vmem>>) offsets(%dma_start3A_73 : memref<64xi32, #tpu.memory_space<vmem>>) semaphore(%arg16 : memref<!tpu.dma_semaphore, #tpu.memory_space<semaphore_mem>>)
        %dma_start3A_77 = arith.constant 64 : i32
        %dma_start3A_78 = arith.constant 0 : i32
        %dma_start3A_79 = tpu.memref_slice %arg11[%dma_start3A_77, %dma_start3A_78] : memref<128x64xf32, #tpu.memory_space<vmem>> -> memref<64x64xf32, #tpu.memory_space<vmem>>
        %dma_start3A_80 = arith.constant 64 : i32
        %dma_start3A_81 = tpu.memref_slice %arg8[%scan3A_67, %dma_start3A_80] : memref<108x128xi32, #tpu.memory_space<vmem>> -> memref<1x64xi32, #tpu.memory_space<vmem>>
        %dma_start3A_82 = tpu.memref_squeeze %dma_start3A_81 : memref<1x64xi32, #tpu.memory_space<vmem>> -> memref<64xi32, #tpu.memory_space<vmem>>
        %dma_start3A_83 = arith.constant 0 : i32
        %dma_start3A_84 = arith.constant 0 : i32
        %dma_start3A_85 = tpu.memref_slice %arg2[%dma_start3A_83, %dma_start3A_84] : memref<40000x64xf32, #tpu.memory_space<hbm>> -> memref<40000x64xf32, #tpu.memory_space<hbm>>
        tpu.enqueue_indirect_dma source(%dma_start3A_85 : memref<40000x64xf32, #tpu.memory_space<hbm>>) target(%dma_start3A_79 : memref<64x64xf32, #tpu.memory_space<vmem>>) offsets(%dma_start3A_82 : memref<64xi32, #tpu.memory_space<vmem>>) semaphore(%arg17 : memref<!tpu.dma_semaphore, #tpu.memory_space<semaphore_mem>>)
        %dma_start3A_86 = arith.constant 0 : i32
        %dma_start3A_87 = arith.constant 0 : i32
        %dma_start3A_88 = tpu.memref_slice %arg12[%dma_start3A_86, %dma_start3A_87] : memref<128x128xf32, #tpu.memory_space<vmem>> -> memref<64x128xf32, #tpu.memory_space<vmem>>
        %dma_start3A_89 = arith.constant 0 : i32
        %dma_start3A_90 = tpu.memref_slice %arg9[%scan3A_67, %dma_start3A_89] : memref<108x128xi32, #tpu.memory_space<vmem>> -> memref<1x64xi32, #tpu.memory_space<vmem>>
        %dma_start3A_91 = tpu.memref_squeeze %dma_start3A_90 : memref<1x64xi32, #tpu.memory_space<vmem>> -> memref<64xi32, #tpu.memory_space<vmem>>
        %dma_start3A_92 = arith.constant 0 : i32
        %dma_start3A_93 = arith.constant 0 : i32
        %dma_start3A_94 = tpu.memref_slice %arg3[%dma_start3A_92, %dma_start3A_93] : memref<40000x128xf32, #tpu.memory_space<hbm>> -> memref<40000x128xf32, #tpu.memory_space<hbm>>
        tpu.enqueue_indirect_dma source(%dma_start3A_94 : memref<40000x128xf32, #tpu.memory_space<hbm>>) target(%dma_start3A_88 : memref<64x128xf32, #tpu.memory_space<vmem>>) offsets(%dma_start3A_91 : memref<64xi32, #tpu.memory_space<vmem>>) semaphore(%arg18 : memref<!tpu.dma_semaphore, #tpu.memory_space<semaphore_mem>>)
        %dma_start3A_95 = arith.constant 64 : i32
        %dma_start3A_96 = arith.constant 0 : i32
        %dma_start3A_97 = tpu.memref_slice %arg12[%dma_start3A_95, %dma_start3A_96] : memref<128x128xf32, #tpu.memory_space<vmem>> -> memref<64x128xf32, #tpu.memory_space<vmem>>
        %dma_start3A_98 = arith.constant 64 : i32
        %dma_start3A_99 = tpu.memref_slice %arg9[%scan3A_67, %dma_start3A_98] : memref<108x128xi32, #tpu.memory_space<vmem>> -> memref<1x64xi32, #tpu.memory_space<vmem>>
        %dma_start3A_100 = tpu.memref_squeeze %dma_start3A_99 : memref<1x64xi32, #tpu.memory_space<vmem>> -> memref<64xi32, #tpu.memory_space<vmem>>
        %dma_start3A_101 = arith.constant 0 : i32
        %dma_start3A_102 = arith.constant 0 : i32
        %dma_start3A_103 = tpu.memref_slice %arg3[%dma_start3A_101, %dma_start3A_102] : memref<40000x128xf32, #tpu.memory_space<hbm>> -> memref<40000x128xf32, #tpu.memory_space<hbm>>
        tpu.enqueue_indirect_dma source(%dma_start3A_103 : memref<40000x128xf32, #tpu.memory_space<hbm>>) target(%dma_start3A_97 : memref<64x128xf32, #tpu.memory_space<vmem>>) offsets(%dma_start3A_100 : memref<64xi32, #tpu.memory_space<vmem>>) semaphore(%arg19 : memref<!tpu.dma_semaphore, #tpu.memory_space<semaphore_mem>>)
        %dma_wait3A = arith.constant 0 : i32
        %dma_wait3A_104 = arith.constant 0 : i32
        %dma_wait3A_105 = tpu.memref_slice %arg11[%dma_wait3A, %dma_wait3A_104] : memref<128x64xf32, #tpu.memory_space<vmem>> -> memref<64x64xf32, #tpu.memory_space<vmem>>
        %dma_wait3A_106 = arith.constant 0 : i32
        %dma_wait3A_107 = tpu.memref_slice %arg8[%scan3A_67, %dma_wait3A_106] : memref<108x128xi32, #tpu.memory_space<vmem>> -> memref<1x64xi32, #tpu.memory_space<vmem>>
        %dma_wait3A_108 = tpu.memref_squeeze %dma_wait3A_107 : memref<1x64xi32, #tpu.memory_space<vmem>> -> memref<64xi32, #tpu.memory_space<vmem>>
        %dma_wait3A_109 = arith.constant 0 : i32
        %dma_wait3A_110 = arith.constant 0 : i32
        %dma_wait3A_111 = tpu.memref_slice %arg2[%dma_wait3A_109, %dma_wait3A_110] : memref<40000x64xf32, #tpu.memory_space<hbm>> -> memref<40000x64xf32, #tpu.memory_space<hbm>>
        tpu.wait_indirect_dma semaphore(%arg16 : memref<!tpu.dma_semaphore, #tpu.memory_space<semaphore_mem>>) src(%dma_wait3A_111 : memref<40000x64xf32, #tpu.memory_space<hbm>>) dst(%dma_wait3A_105 : memref<64x64xf32, #tpu.memory_space<vmem>>)
        %dma_wait3A_112 = arith.constant 0 : i32
        %dma_wait3A_113 = arith.constant 0 : i32
        %dma_wait3A_114 = tpu.memref_slice %arg12[%dma_wait3A_112, %dma_wait3A_113] : memref<128x128xf32, #tpu.memory_space<vmem>> -> memref<64x128xf32, #tpu.memory_space<vmem>>
        %dma_wait3A_115 = arith.constant 0 : i32
        %dma_wait3A_116 = tpu.memref_slice %arg9[%scan3A_67, %dma_wait3A_115] : memref<108x128xi32, #tpu.memory_space<vmem>> -> memref<1x64xi32, #tpu.memory_space<vmem>>
        %dma_wait3A_117 = tpu.memref_squeeze %dma_wait3A_116 : memref<1x64xi32, #tpu.memory_space<vmem>> -> memref<64xi32, #tpu.memory_space<vmem>>
        %dma_wait3A_118 = arith.constant 0 : i32
        %dma_wait3A_119 = arith.constant 0 : i32
        %dma_wait3A_120 = tpu.memref_slice %arg3[%dma_wait3A_118, %dma_wait3A_119] : memref<40000x128xf32, #tpu.memory_space<hbm>> -> memref<40000x128xf32, #tpu.memory_space<hbm>>
        tpu.wait_indirect_dma semaphore(%arg18 : memref<!tpu.dma_semaphore, #tpu.memory_space<semaphore_mem>>) src(%dma_wait3A_120 : memref<40000x128xf32, #tpu.memory_space<hbm>>) dst(%dma_wait3A_114 : memref<64x128xf32, #tpu.memory_space<vmem>>)
        %scan3A_121 = arith.constant 0 : i32
        %scan3A_122 = arith.constant 0 : i32
        %scan3A_123 = arith.constant 64 : i32
        %scan3A_124 = arith.addi %scan3A_122, %scan3A_123 : i32
        %scan3A_125 = arith.constant 1 : i32
        %scan3A_126 = scf.for %scan3A_154 = %scan3A_122 to %scan3A_124 step %scan3A_125 iter_args(%scan3A_155 = %scan3A_121) -> (i32)  : i32 {
          %get3A = arith.index_cast %scan3A_154 : i32 to index
          %get3A_156 = arith.constant 0 : index
          %get3A_157 = tpu.vector_load %arg11[%get3A, %get3A_156] {strides = array<i32>} : memref<128x64xf32, #tpu.memory_space<vmem>>, vector<1x16xf32>,
          %get3A_158 = vector.shape_cast %get3A_157 : vector<1x16xf32> to vector<16xf32>
          %get3A_159 = arith.index_cast %scan3A_154 : i32 to index
          %get3A_160 = arith.constant 0 : index
          %get3A_161 = tpu.vector_load %arg12[%get3A_159, %get3A_160] {strides = array<i32>} : memref<128x128xf32, #tpu.memory_space<vmem>>, vector<1x16xf32>,
          %get3A_162 = vector.shape_cast %get3A_161 : vector<1x16xf32> to vector<16xf32>
          %get3A_163 = arith.index_cast %scan3A_154 : i32 to index
          %get3A_164 = arith.constant 64 : index
          %get3A_165 = tpu.vector_load %arg12[%get3A_163, %get3A_164] {strides = array<i32>} : memref<128x128xf32, #tpu.memory_space<vmem>>, vector<1x16xf32>,
          %get3A_166 = vector.shape_cast %get3A_165 : vector<1x16xf32> to vector<16xf32>
          %mul3A_167 = arith.mulf %get3A_166, %get3A_158 : vector<16xf32>
          %add3A_168 = arith.addf %mul3A_167, %get3A_162 : vector<16xf32>
          %max3A = arith.constant 0.000000e+00 : f32
          %max3A_169 = vector.broadcast %max3A : f32 to vector<16xf32>
          %max3A_170 = arith.maximumf %add3A_168, %max3A_169 : vector<16xf32>
          %swap3A = arith.index_cast %scan3A_154 : i32 to index
          %swap3A_171 = arith.constant 0 : index
          %swap3A_172 = tpu.vector_load %arg13[%swap3A, %swap3A_171] {strides = array<i32>} : memref<128x64xf32, #tpu.memory_space<vmem>>, vector<1x16xf32>,
          %swap3A_173 = vector.shape_cast %swap3A_172 : vector<1x16xf32> to vector<16xf32>
          %swap3A_174 = vector.shape_cast %max3A_170 : vector<16xf32> to vector<1x16xf32>
          tpu.vector_store %arg13[%swap3A, %swap3A_171], %swap3A_174 {strides = array<i32>} : memref<128x64xf32, #tpu.memory_space<vmem>>, vector<1x16xf32>,
          %get3A_175 = arith.index_cast %scan3A_154 : i32 to index
          %get3A_176 = arith.constant 16 : index
          %get3A_177 = tpu.vector_load %arg11[%get3A_175, %get3A_176] {strides = array<i32>} : memref<128x64xf32, #tpu.memory_space<vmem>>, vector<1x16xf32>,
          %get3A_178 = vector.shape_cast %get3A_177 : vector<1x16xf32> to vector<16xf32>
          %get3A_179 = arith.index_cast %scan3A_154 : i32 to index
          %get3A_180 = arith.constant 16 : index
          %get3A_181 = tpu.vector_load %arg12[%get3A_179, %get3A_180] {strides = array<i32>} : memref<128x128xf32, #tpu.memory_space<vmem>>, vector<1x16xf32>,
          %get3A_182 = vector.shape_cast %get3A_181 : vector<1x16xf32> to vector<16xf32>
          %get3A_183 = arith.index_cast %scan3A_154 : i32 to index
          %get3A_184 = arith.constant 80 : index
          %get3A_185 = tpu.vector_load %arg12[%get3A_183, %get3A_184] {strides = array<i32>} : memref<128x128xf32, #tpu.memory_space<vmem>>, vector<1x16xf32>,
          %get3A_186 = vector.shape_cast %get3A_185 : vector<1x16xf32> to vector<16xf32>
          %mul3A_187 = arith.mulf %get3A_186, %get3A_178 : vector<16xf32>
          %add3A_188 = arith.addf %mul3A_187, %get3A_182 : vector<16xf32>
          %max3A_189 = arith.constant 0.000000e+00 : f32
          %max3A_190 = vector.broadcast %max3A_189 : f32 to vector<16xf32>
          %max3A_191 = arith.maximumf %add3A_188, %max3A_190 : vector<16xf32>
          %swap3A_192 = arith.index_cast %scan3A_154 : i32 to index
          %swap3A_193 = arith.constant 16 : index
          %swap3A_194 = tpu.vector_load %arg13[%swap3A_192, %swap3A_193] {strides = array<i32>} : memref<128x64xf32, #tpu.memory_space<vmem>>, vector<1x16xf32>,
          %swap3A_195 = vector.shape_cast %swap3A_194 : vector<1x16xf32> to vector<16xf32>
          %swap3A_196 = vector.shape_cast %max3A_191 : vector<16xf32> to vector<1x16xf32>
          tpu.vector_store %arg13[%swap3A_192, %swap3A_193], %swap3A_196 {strides = array<i32>} : memref<128x64xf32, #tpu.memory_space<vmem>>, vector<1x16xf32>,
          %get3A_197 = arith.index_cast %scan3A_154 : i32 to index
          %get3A_198 = arith.constant 32 : index
          %get3A_199 = tpu.vector_load %arg11[%get3A_197, %get3A_198] {strides = array<i32>} : memref<128x64xf32, #tpu.memory_space<vmem>>, vector<1x16xf32>,
          %get3A_200 = vector.shape_cast %get3A_199 : vector<1x16xf32> to vector<16xf32>
          %get3A_201 = arith.index_cast %scan3A_154 : i32 to index
          %get3A_202 = arith.constant 32 : index
          %get3A_203 = tpu.vector_load %arg12[%get3A_201, %get3A_202] {strides = array<i32>} : memref<128x128xf32, #tpu.memory_space<vmem>>, vector<1x16xf32>,
          %get3A_204 = vector.shape_cast %get3A_203 : vector<1x16xf32> to vector<16xf32>
          %get3A_205 = arith.index_cast %scan3A_154 : i32 to index
          %get3A_206 = arith.constant 96 : index
          %get3A_207 = tpu.vector_load %arg12[%get3A_205, %get3A_206] {strides = array<i32>} : memref<128x128xf32, #tpu.memory_space<vmem>>, vector<1x16xf32>,
          %get3A_208 = vector.shape_cast %get3A_207 : vector<1x16xf32> to vector<16xf32>
          %mul3A_209 = arith.mulf %get3A_208, %get3A_200 : vector<16xf32>
          %add3A_210 = arith.addf %mul3A_209, %get3A_204 : vector<16xf32>
          %max3A_211 = arith.constant 0.000000e+00 : f32
          %max3A_212 = vector.broadcast %max3A_211 : f32 to vector<16xf32>
          %max3A_213 = arith.maximumf %add3A_210, %max3A_212 : vector<16xf32>
          %swap3A_214 = arith.index_cast %scan3A_154 : i32 to index
          %swap3A_215 = arith.constant 32 : index
          %swap3A_216 = tpu.vector_load %arg13[%swap3A_214, %swap3A_215] {strides = array<i32>} : memref<128x64xf32, #tpu.memory_space<vmem>>, vector<1x16xf32>,
          %swap3A_217 = vector.shape_cast %swap3A_216 : vector<1x16xf32> to vector<16xf32>
          %swap3A_218 = vector.shape_cast %max3A_213 : vector<16xf32> to vector<1x16xf32>
          tpu.vector_store %arg13[%swap3A_214, %swap3A_215], %swap3A_218 {strides = array<i32>} : memref<128x64xf32, #tpu.memory_space<vmem>>, vector<1x16xf32>,
          %get3A_219 = arith.index_cast %scan3A_154 : i32 to index
          %get3A_220 = arith.constant 48 : index
          %get3A_221 = tpu.vector_load %arg11[%get3A_219, %get3A_220] {strides = array<i32>} : memref<128x64xf32, #tpu.memory_space<vmem>>, vector<1x16xf32>,
          %get3A_222 = vector.shape_cast %get3A_221 : vector<1x16xf32> to vector<16xf32>
          %get3A_223 = arith.index_cast %scan3A_154 : i32 to index
          %get3A_224 = arith.constant 48 : index
          %get3A_225 = tpu.vector_load %arg12[%get3A_223, %get3A_224] {strides = array<i32>} : memref<128x128xf32, #tpu.memory_space<vmem>>, vector<1x16xf32>,
          %get3A_226 = vector.shape_cast %get3A_225 : vector<1x16xf32> to vector<16xf32>
          %get3A_227 = arith.index_cast %scan3A_154 : i32 to index
          %get3A_228 = arith.constant 112 : index
          %get3A_229 = tpu.vector_load %arg12[%get3A_227, %get3A_228] {strides = array<i32>} : memref<128x128xf32, #tpu.memory_space<vmem>>, vector<1x16xf32>,
          %get3A_230 = vector.shape_cast %get3A_229 : vector<1x16xf32> to vector<16xf32>
          %mul3A_231 = arith.mulf %get3A_230, %get3A_222 : vector<16xf32>
          %add3A_232 = arith.addf %mul3A_231, %get3A_226 : vector<16xf32>
          %max3A_233 = arith.constant 0.000000e+00 : f32
          %max3A_234 = vector.broadcast %max3A_233 : f32 to vector<16xf32>
          %max3A_235 = arith.maximumf %add3A_232, %max3A_234 : vector<16xf32>
          %swap3A_236 = arith.index_cast %scan3A_154 : i32 to index
          %swap3A_237 = arith.constant 48 : index
          %swap3A_238 = tpu.vector_load %arg13[%swap3A_236, %swap3A_237] {strides = array<i32>} : memref<128x64xf32, #tpu.memory_space<vmem>>, vector<1x16xf32>,
          %swap3A_239 = vector.shape_cast %swap3A_238 : vector<1x16xf32> to vector<16xf32>
          %swap3A_240 = vector.shape_cast %max3A_235 : vector<16xf32> to vector<1x16xf32>
          tpu.vector_store %arg13[%swap3A_236, %swap3A_237], %swap3A_240 {strides = array<i32>} : memref<128x64xf32, #tpu.memory_space<vmem>>, vector<1x16xf32>,
          %scan3A_241 = arith.constant 0 : i32
          scf.yield %scan3A_241 : i32
        }
        %scan3A_127 = arith.constant 64 : i32
        %dma_wait3A_128 = arith.constant 64 : i32
        %dma_wait3A_129 = arith.constant 0 : i32
        %dma_wait3A_130 = tpu.memref_slice %arg11[%dma_wait3A_128, %dma_wait3A_129] : memref<128x64xf32, #tpu.memory_space<vmem>> -> memref<64x64xf32, #tpu.memory_space<vmem>>
        %dma_wait3A_131 = arith.constant 64 : i32
        %dma_wait3A_132 = tpu.memref_slice %arg8[%scan3A_67, %dma_wait3A_131] : memref<108x128xi32, #tpu.memory_space<vmem>> -> memref<1x64xi32, #tpu.memory_space<vmem>>
        %dma_wait3A_133 = tpu.memref_squeeze %dma_wait3A_132 : memref<1x64xi32, #tpu.memory_space<vmem>> -> memref<64xi32, #tpu.memory_space<vmem>>
        %dma_wait3A_134 = arith.constant 0 : i32
        %dma_wait3A_135 = arith.constant 0 : i32
        %dma_wait3A_136 = tpu.memref_slice %arg2[%dma_wait3A_134, %dma_wait3A_135] : memref<40000x64xf32, #tpu.memory_space<hbm>> -> memref<40000x64xf32, #tpu.memory_space<hbm>>
        tpu.wait_indirect_dma semaphore(%arg17 : memref<!tpu.dma_semaphore, #tpu.memory_space<semaphore_mem>>) src(%dma_wait3A_136 : memref<40000x64xf32, #tpu.memory_space<hbm>>) dst(%dma_wait3A_130 : memref<64x64xf32, #tpu.memory_space<vmem>>)
        %dma_wait3A_137 = arith.constant 64 : i32
        %dma_wait3A_138 = arith.constant 0 : i32
        %dma_wait3A_139 = tpu.memref_slice %arg12[%dma_wait3A_137, %dma_wait3A_138] : memref<128x128xf32, #tpu.memory_space<vmem>> -> memref<64x128xf32, #tpu.memory_space<vmem>>
        %dma_wait3A_140 = arith.constant 64 : i32
        %dma_wait3A_141 = tpu.memref_slice %arg9[%scan3A_67, %dma_wait3A_140] : memref<108x128xi32, #tpu.memory_space<vmem>> -> memref<1x64xi32, #tpu.memory_space<vmem>>
        %dma_wait3A_142 = tpu.memref_squeeze %dma_wait3A_141 : memref<1x64xi32, #tpu.memory_space<vmem>> -> memref<64xi32, #tpu.memory_space<vmem>>
        %dma_wait3A_143 = arith.constant 0 : i32
        %dma_wait3A_144 = arith.constant 0 : i32
        %dma_wait3A_145 = tpu.memref_slice %arg3[%dma_wait3A_143, %dma_wait3A_144] : memref<40000x128xf32, #tpu.memory_space<hbm>> -> memref<40000x128xf32, #tpu.memory_space<hbm>>
        tpu.wait_indirect_dma semaphore(%arg19 : memref<!tpu.dma_semaphore, #tpu.memory_space<semaphore_mem>>) src(%dma_wait3A_145 : memref<40000x128xf32, #tpu.memory_space<hbm>>) dst(%dma_wait3A_139 : memref<64x128xf32, #tpu.memory_space<vmem>>)
        %scan3A_146 = arith.constant 0 : i32
        %scan3A_147 = arith.constant 64 : i32
        %scan3A_148 = arith.constant 64 : i32
        %scan3A_149 = arith.addi %scan3A_147, %scan3A_148 : i32
        %scan3A_150 = arith.constant 1 : i32
        %scan3A_151 = scf.for %scan3A_154 = %scan3A_147 to %scan3A_149 step %scan3A_150 iter_args(%scan3A_155 = %scan3A_146) -> (i32)  : i32 {
          %get3A = arith.index_cast %scan3A_154 : i32 to index
          %get3A_156 = arith.constant 0 : index
          %get3A_157 = tpu.vector_load %arg11[%get3A, %get3A_156] {strides = array<i32>} : memref<128x64xf32, #tpu.memory_space<vmem>>, vector<1x16xf32>,
          %get3A_158 = vector.shape_cast %get3A_157 : vector<1x16xf32> to vector<16xf32>
          %get3A_159 = arith.index_cast %scan3A_154 : i32 to index
          %get3A_160 = arith.constant 0 : index
          %get3A_161 = tpu.vector_load %arg12[%get3A_159, %get3A_160] {strides = array<i32>} : memref<128x128xf32, #tpu.memory_space<vmem>>, vector<1x16xf32>,
          %get3A_162 = vector.shape_cast %get3A_161 : vector<1x16xf32> to vector<16xf32>
          %get3A_163 = arith.index_cast %scan3A_154 : i32 to index
          %get3A_164 = arith.constant 64 : index
          %get3A_165 = tpu.vector_load %arg12[%get3A_163, %get3A_164] {strides = array<i32>} : memref<128x128xf32, #tpu.memory_space<vmem>>, vector<1x16xf32>,
          %get3A_166 = vector.shape_cast %get3A_165 : vector<1x16xf32> to vector<16xf32>
          %mul3A_167 = arith.mulf %get3A_166, %get3A_158 : vector<16xf32>
          %add3A_168 = arith.addf %mul3A_167, %get3A_162 : vector<16xf32>
          %max3A = arith.constant 0.000000e+00 : f32
          %max3A_169 = vector.broadcast %max3A : f32 to vector<16xf32>
          %max3A_170 = arith.maximumf %add3A_168, %max3A_169 : vector<16xf32>
          %swap3A = arith.index_cast %scan3A_154 : i32 to index
          %swap3A_171 = arith.constant 0 : index
          %swap3A_172 = tpu.vector_load %arg13[%swap3A, %swap3A_171] {strides = array<i32>} : memref<128x64xf32, #tpu.memory_space<vmem>>, vector<1x16xf32>,
          %swap3A_173 = vector.shape_cast %swap3A_172 : vector<1x16xf32> to vector<16xf32>
          %swap3A_174 = vector.shape_cast %max3A_170 : vector<16xf32> to vector<1x16xf32>
          tpu.vector_store %arg13[%swap3A, %swap3A_171], %swap3A_174 {strides = array<i32>} : memref<128x64xf32, #tpu.memory_space<vmem>>, vector<1x16xf32>,
          %get3A_175 = arith.index_cast %scan3A_154 : i32 to index
          %get3A_176 = arith.constant 16 : index
          %get3A_177 = tpu.vector_load %arg11[%get3A_175, %get3A_176] {strides = array<i32>} : memref<128x64xf32, #tpu.memory_space<vmem>>, vector<1x16xf32>,
          %get3A_178 = vector.shape_cast %get3A_177 : vector<1x16xf32> to vector<16xf32>
          %get3A_179 = arith.index_cast %scan3A_154 : i32 to index
          %get3A_180 = arith.constant 16 : index
          %get3A_181 = tpu.vector_load %arg12[%get3A_179, %get3A_180] {strides = array<i32>} : memref<128x128xf32, #tpu.memory_space<vmem>>, vector<1x16xf32>,
          %get3A_182 = vector.shape_cast %get3A_181 : vector<1x16xf32> to vector<16xf32>
          %get3A_183 = arith.index_cast %scan3A_154 : i32 to index
          %get3A_184 = arith.constant 80 : index
          %get3A_185 = tpu.vector_load %arg12[%get3A_183, %get3A_184] {strides = array<i32>} : memref<128x128xf32, #tpu.memory_space<vmem>>, vector<1x16xf32>,
          %get3A_186 = vector.shape_cast %get3A_185 : vector<1x16xf32> to vector<16xf32>
          %mul3A_187 = arith.mulf %get3A_186, %get3A_178 : vector<16xf32>
          %add3A_188 = arith.addf %mul3A_187, %get3A_182 : vector<16xf32>
          %max3A_189 = arith.constant 0.000000e+00 : f32
          %max3A_190 = vector.broadcast %max3A_189 : f32 to vector<16xf32>
          %max3A_191 = arith.maximumf %add3A_188, %max3A_190 : vector<16xf32>
          %swap3A_192 = arith.index_cast %scan3A_154 : i32 to index
          %swap3A_193 = arith.constant 16 : index
          %swap3A_194 = tpu.vector_load %arg13[%swap3A_192, %swap3A_193] {strides = array<i32>} : memref<128x64xf32, #tpu.memory_space<vmem>>, vector<1x16xf32>,
          %swap3A_195 = vector.shape_cast %swap3A_194 : vector<1x16xf32> to vector<16xf32>
          %swap3A_196 = vector.shape_cast %max3A_191 : vector<16xf32> to vector<1x16xf32>
          tpu.vector_store %arg13[%swap3A_192, %swap3A_193], %swap3A_196 {strides = array<i32>} : memref<128x64xf32, #tpu.memory_space<vmem>>, vector<1x16xf32>,
          %get3A_197 = arith.index_cast %scan3A_154 : i32 to index
          %get3A_198 = arith.constant 32 : index
          %get3A_199 = tpu.vector_load %arg11[%get3A_197, %get3A_198] {strides = array<i32>} : memref<128x64xf32, #tpu.memory_space<vmem>>, vector<1x16xf32>,
          %get3A_200 = vector.shape_cast %get3A_199 : vector<1x16xf32> to vector<16xf32>
          %get3A_201 = arith.index_cast %scan3A_154 : i32 to index
          %get3A_202 = arith.constant 32 : index
          %get3A_203 = tpu.vector_load %arg12[%get3A_201, %get3A_202] {strides = array<i32>} : memref<128x128xf32, #tpu.memory_space<vmem>>, vector<1x16xf32>,
          %get3A_204 = vector.shape_cast %get3A_203 : vector<1x16xf32> to vector<16xf32>
          %get3A_205 = arith.index_cast %scan3A_154 : i32 to index
          %get3A_206 = arith.constant 96 : index
          %get3A_207 = tpu.vector_load %arg12[%get3A_205, %get3A_206] {strides = array<i32>} : memref<128x128xf32, #tpu.memory_space<vmem>>, vector<1x16xf32>,
          %get3A_208 = vector.shape_cast %get3A_207 : vector<1x16xf32> to vector<16xf32>
          %mul3A_209 = arith.mulf %get3A_208, %get3A_200 : vector<16xf32>
          %add3A_210 = arith.addf %mul3A_209, %get3A_204 : vector<16xf32>
          %max3A_211 = arith.constant 0.000000e+00 : f32
          %max3A_212 = vector.broadcast %max3A_211 : f32 to vector<16xf32>
          %max3A_213 = arith.maximumf %add3A_210, %max3A_212 : vector<16xf32>
          %swap3A_214 = arith.index_cast %scan3A_154 : i32 to index
          %swap3A_215 = arith.constant 32 : index
          %swap3A_216 = tpu.vector_load %arg13[%swap3A_214, %swap3A_215] {strides = array<i32>} : memref<128x64xf32, #tpu.memory_space<vmem>>, vector<1x16xf32>,
          %swap3A_217 = vector.shape_cast %swap3A_216 : vector<1x16xf32> to vector<16xf32>
          %swap3A_218 = vector.shape_cast %max3A_213 : vector<16xf32> to vector<1x16xf32>
          tpu.vector_store %arg13[%swap3A_214, %swap3A_215], %swap3A_218 {strides = array<i32>} : memref<128x64xf32, #tpu.memory_space<vmem>>, vector<1x16xf32>,
          %get3A_219 = arith.index_cast %scan3A_154 : i32 to index
          %get3A_220 = arith.constant 48 : index
          %get3A_221 = tpu.vector_load %arg11[%get3A_219, %get3A_220] {strides = array<i32>} : memref<128x64xf32, #tpu.memory_space<vmem>>, vector<1x16xf32>,
          %get3A_222 = vector.shape_cast %get3A_221 : vector<1x16xf32> to vector<16xf32>
          %get3A_223 = arith.index_cast %scan3A_154 : i32 to index
          %get3A_224 = arith.constant 48 : index
          %get3A_225 = tpu.vector_load %arg12[%get3A_223, %get3A_224] {strides = array<i32>} : memref<128x128xf32, #tpu.memory_space<vmem>>, vector<1x16xf32>,
          %get3A_226 = vector.shape_cast %get3A_225 : vector<1x16xf32> to vector<16xf32>
          %get3A_227 = arith.index_cast %scan3A_154 : i32 to index
          %get3A_228 = arith.constant 112 : index
          %get3A_229 = tpu.vector_load %arg12[%get3A_227, %get3A_228] {strides = array<i32>} : memref<128x128xf32, #tpu.memory_space<vmem>>, vector<1x16xf32>,
          %get3A_230 = vector.shape_cast %get3A_229 : vector<1x16xf32> to vector<16xf32>
          %mul3A_231 = arith.mulf %get3A_230, %get3A_222 : vector<16xf32>
          %add3A_232 = arith.addf %mul3A_231, %get3A_226 : vector<16xf32>
          %max3A_233 = arith.constant 0.000000e+00 : f32
          %max3A_234 = vector.broadcast %max3A_233 : f32 to vector<16xf32>
          %max3A_235 = arith.maximumf %add3A_232, %max3A_234 : vector<16xf32>
          %swap3A_236 = arith.index_cast %scan3A_154 : i32 to index
          %swap3A_237 = arith.constant 48 : index
          %swap3A_238 = tpu.vector_load %arg13[%swap3A_236, %swap3A_237] {strides = array<i32>} : memref<128x64xf32, #tpu.memory_space<vmem>>, vector<1x16xf32>,
          %swap3A_239 = vector.shape_cast %swap3A_238 : vector<1x16xf32> to vector<16xf32>
          %swap3A_240 = vector.shape_cast %max3A_235 : vector<16xf32> to vector<1x16xf32>
          tpu.vector_store %arg13[%swap3A_236, %swap3A_237], %swap3A_240 {strides = array<i32>} : memref<128x64xf32, #tpu.memory_space<vmem>>, vector<1x16xf32>,
          %scan3A_241 = arith.constant 0 : i32
          scf.yield %scan3A_241 : i32
        }
        %scan3A_152 = arith.constant 64 : i32
        "tpu.region"() ({
          %run_scoped3A = tpu.sem_alloc : memref<!tpu.dma_semaphore, #tpu.memory_space<semaphore_mem>>
          %dma_start3A_154 = arith.constant 0 : i32
          %dma_start3A_155 = tpu.memref_slice %arg10[%scan3A_67, %dma_start3A_154] : memref<108x128xi32, #tpu.memory_space<vmem>> -> memref<1x128xi32, #tpu.memory_space<vmem>>
          %dma_start3A_156 = tpu.memref_squeeze %dma_start3A_155 : memref<1x128xi32, #tpu.memory_space<vmem>> -> memref<128xi32, #tpu.memory_space<vmem>>
          %dma_start3A_157 = arith.constant 0 : i32
          %dma_start3A_158 = arith.constant 0 : i32
          %dma_start3A_159 = tpu.memref_slice %arg15[%dma_start3A_157, %dma_start3A_158] : memref<10240x64xf32, #tpu.memory_space<vmem_shared>> -> memref<10240x64xf32, #tpu.memory_space<vmem_shared>>
          tpu.enqueue_indirect_dma source(%arg13 : memref<128x64xf32, #tpu.memory_space<vmem>>) target(%dma_start3A_159 : memref<10240x64xf32, #tpu.memory_space<vmem_shared>>) offsets(%dma_start3A_156 : memref<128xi32, #tpu.memory_space<vmem>>) semaphore(%run_scoped3A : memref<!tpu.dma_semaphore, #tpu.memory_space<semaphore_mem>>) {add = true}
          %dma_wait3A_160 = arith.constant 0 : i32
          %dma_wait3A_161 = tpu.memref_slice %arg10[%scan3A_67, %dma_wait3A_160] : memref<108x128xi32, #tpu.memory_space<vmem>> -> memref<1x128xi32, #tpu.memory_space<vmem>>
          %dma_wait3A_162 = tpu.memref_squeeze %dma_wait3A_161 : memref<1x128xi32, #tpu.memory_space<vmem>> -> memref<128xi32, #tpu.memory_space<vmem>>
          %dma_wait3A_163 = arith.constant 0 : i32
          %dma_wait3A_164 = arith.constant 0 : i32
          %dma_wait3A_165 = tpu.memref_slice %arg15[%dma_wait3A_163, %dma_wait3A_164] : memref<10240x64xf32, #tpu.memory_space<vmem_shared>> -> memref<10240x64xf32, #tpu.memory_space<vmem_shared>>
          tpu.wait_indirect_dma semaphore(%run_scoped3A : memref<!tpu.dma_semaphore, #tpu.memory_space<semaphore_mem>>) src(%arg13 : memref<128x64xf32, #tpu.memory_space<vmem>>) dst(%dma_wait3A_165 : memref<10240x64xf32, #tpu.memory_space<vmem_shared>>)
          tpu.yield
        }) : () -> ()
        %scan3A_153 = arith.constant 0 : i32
        scf.yield %scan3A_153 : i32
      }
      %scan3A_66 = arith.constant 52 : i32
    } else {
    }
    %barrier3A = arith.constant 0 : index
    tpu.barrier barrier_id(%barrier3A)
    %mul3A_51 = arith.constant 640 : i32
    %mul3A_52 = arith.muli %arg1, %mul3A_51 : i32
    %mul3A_53 = arith.constant 640 : i32
    %mul3A_54 = arith.muli %arg1, %mul3A_53 : i32
    "tpu.region"() ({
      %run_scoped3A = tpu.sem_alloc : memref<!tpu.dma_semaphore, #tpu.memory_space<semaphore_mem>>
      %dma_start3A = arith.constant 0 : i32
      %dma_start3A_55 = tpu.memref_slice %arg7[%arg0, %mul3A_54, %dma_start3A] : memref<2x10240x64xf32, #tpu.memory_space<hbm>> -> memref<1x640x64xf32, #tpu.memory_space<hbm>>
      %dma_start3A_56 = tpu.memref_squeeze %dma_start3A_55 : memref<1x640x64xf32, #tpu.memory_space<hbm>> -> memref<640x64xf32, #tpu.memory_space<hbm>>
      %dma_start3A_57 = arith.constant 0 : i32
      %dma_start3A_58 = tpu.memref_slice %arg15[%mul3A_52, %dma_start3A_57] : memref<10240x64xf32, #tpu.memory_space<vmem_shared>> -> memref<640x64xf32, #tpu.memory_space<vmem_shared>>
      tpu.enqueue_dma source(%dma_start3A_58 : memref<640x64xf32, #tpu.memory_space<vmem_shared>>) target(%dma_start3A_56 : memref<640x64xf32, #tpu.memory_space<hbm>>) target_semaphore(%run_scoped3A : memref<!tpu.dma_semaphore, #tpu.memory_space<semaphore_mem>>)
      %dma_wait3A = arith.constant 0 : i32
      %dma_wait3A_59 = tpu.memref_slice %arg7[%arg0, %mul3A_54, %dma_wait3A] : memref<2x10240x64xf32, #tpu.memory_space<hbm>> -> memref<1x640x64xf32, #tpu.memory_space<hbm>>
      %dma_wait3A_60 = tpu.memref_squeeze %dma_wait3A_59 : memref<1x640x64xf32, #tpu.memory_space<hbm>> -> memref<640x64xf32, #tpu.memory_space<hbm>>
      %dma_wait3A_61 = arith.constant 0 : i32
      %dma_wait3A_62 = tpu.memref_slice %arg15[%mul3A_52, %dma_wait3A_61] : memref<10240x64xf32, #tpu.memory_space<vmem_shared>> -> memref<640x64xf32, #tpu.memory_space<vmem_shared>>
      tpu.wait_dma2 semaphore(%run_scoped3A : memref<!tpu.dma_semaphore, #tpu.memory_space<semaphore_mem>>) src(%dma_wait3A_62 : memref<640x64xf32, #tpu.memory_space<vmem_shared>>) dst(%dma_wait3A_60 : memref<640x64xf32, #tpu.memory_space<hbm>>)
      tpu.yield
    }) : () -> ()
    return
  }
}

#map = affine_map<(d0, d1) -> (0, 0, 0)>
module attributes {stable_mosaic.version = 14 : i64} {
  func.func @_cnt_body(%arg0: i32, %arg1: i32, %arg2: memref<32x80x128xi32, #tpu.memory_space<hbm>>, %arg3: memref<2x40960x16xf32, #tpu.memory_space<hbm>>, %arg4: memref<80x128xi32, #tpu.memory_space<vmem>>, %arg5: memref<128x16xf32, #tpu.memory_space<vmem>>, %arg6: memref<64x16xf32, #tpu.memory_space<vmem>>, %arg7: memref<40960x16xf32, #tpu.memory_space<vmem_shared>>) attributes {dimension_semantics = [#tpu.dimension_semantics<core_parallel>, #tpu.dimension_semantics<subcore_parallel>], iteration_bounds = array<i64: 2, 16>, scalar_prefetch = 0 : i64, scratch_operands = 4 : i64, tpu.core_type = #tpu.core_type<sc_vector_subcore>, window_params = [{transform_indices = #map}, {transform_indices = #map}]} {
    %mul3A = arith.constant 2 : i32
    %mul3A_0 = arith.muli %arg1, %mul3A : i32
    %add3A = arith.addi %mul3A_0, %arg0 : i32
    %scan3A = arith.constant 0 : i32
    %scan3A_1 = arith.constant 0 : i32
    %scan3A_2 = arith.constant 64 : i32
    %scan3A_3 = arith.addi %scan3A_1, %scan3A_2 : i32
    %scan3A_4 = arith.constant 1 : i32
    %scan3A_5 = scf.for %scan3A_108 = %scan3A_1 to %scan3A_3 step %scan3A_4 iter_args(%scan3A_109 = %scan3A) -> (i32)  : i32 {
      %broadcast_in_dim3A = arith.constant 0.000000e+00 : f32
      %broadcast_in_dim3A_110 = vector.broadcast %broadcast_in_dim3A : f32 to vector<16xf32>
      %swap3A = arith.index_cast %scan3A_108 : i32 to index
      %swap3A_111 = arith.constant 0 : index
      %swap3A_112 = tpu.vector_load %arg6[%swap3A, %swap3A_111] {strides = array<i32>} : memref<64x16xf32, #tpu.memory_space<vmem>>, vector<1x16xf32>,
      %swap3A_113 = vector.shape_cast %swap3A_112 : vector<1x16xf32> to vector<16xf32>
      %swap3A_114 = vector.shape_cast %broadcast_in_dim3A_110 : vector<16xf32> to vector<1x16xf32>
      tpu.vector_store %arg6[%swap3A, %swap3A_111], %swap3A_114 {strides = array<i32>} : memref<64x16xf32, #tpu.memory_space<vmem>>, vector<1x16xf32>,
      %scan3A_115 = arith.constant 0 : i32
      scf.yield %scan3A_115 : i32
    }
    %scan3A_6 = arith.constant 64 : i32
    %scan3A_7 = arith.constant 0 : i32
    %scan3A_8 = arith.constant 0 : i32
    %scan3A_9 = arith.constant 128 : i32
    %scan3A_10 = arith.addi %scan3A_8, %scan3A_9 : i32
    %scan3A_11 = arith.constant 1 : i32
    %scan3A_12 = scf.for %scan3A_108 = %scan3A_8 to %scan3A_10 step %scan3A_11 iter_args(%scan3A_109 = %scan3A_7) -> (i32)  : i32 {
      %broadcast_in_dim3A = arith.constant 1.000000e+00 : f32
      %broadcast_in_dim3A_110 = vector.broadcast %broadcast_in_dim3A : f32 to vector<16xf32>
      %swap3A = arith.index_cast %scan3A_108 : i32 to index
      %swap3A_111 = arith.constant 0 : index
      %swap3A_112 = tpu.vector_load %arg5[%swap3A, %swap3A_111] {strides = array<i32>} : memref<128x16xf32, #tpu.memory_space<vmem>>, vector<1x16xf32>,
      %swap3A_113 = vector.shape_cast %swap3A_112 : vector<1x16xf32> to vector<16xf32>
      %swap3A_114 = vector.shape_cast %broadcast_in_dim3A_110 : vector<16xf32> to vector<1x16xf32>
      tpu.vector_store %arg5[%swap3A, %swap3A_111], %swap3A_114 {strides = array<i32>} : memref<128x16xf32, #tpu.memory_space<vmem>>, vector<1x16xf32>,
      %scan3A_115 = arith.constant 0 : i32
      scf.yield %scan3A_115 : i32
    }
    %scan3A_13 = arith.constant 128 : i32
    %mul3A_14 = arith.constant 2560 : i32
    %mul3A_15 = arith.muli %arg1, %mul3A_14 : i32
    %add3A_16 = arith.constant 0 : i32
    %add3A_17 = arith.addi %mul3A_15, %add3A_16 : i32
    "tpu.region"() ({
      %run_scoped3A = tpu.sem_alloc : memref<!tpu.dma_semaphore, #tpu.memory_space<semaphore_mem>>
      %dma_start3A = arith.constant 0 : i32
      %dma_start3A_108 = tpu.memref_slice %arg7[%add3A_17, %dma_start3A] : memref<40960x16xf32, #tpu.memory_space<vmem_shared>> -> memref<64x16xf32, #tpu.memory_space<vmem_shared>>
      %dma_start3A_109 = arith.constant 0 : i32
      %dma_start3A_110 = tpu.memref_slice %arg7[%add3A_17, %dma_start3A_109] : memref<40960x16xf32, #tpu.memory_space<vmem_shared>> -> memref<64x16xf32, #tpu.memory_space<vmem_shared>>
      tpu.enqueue_dma source(%arg6 : memref<64x16xf32, #tpu.memory_space<vmem>>) target(%dma_start3A_110 : memref<64x16xf32, #tpu.memory_space<vmem_shared>>) target_semaphore(%run_scoped3A : memref<!tpu.dma_semaphore, #tpu.memory_space<semaphore_mem>>)
      %dma_wait3A = arith.constant 0 : i32
      %dma_wait3A_111 = tpu.memref_slice %arg7[%add3A_17, %dma_wait3A] : memref<40960x16xf32, #tpu.memory_space<vmem_shared>> -> memref<64x16xf32, #tpu.memory_space<vmem_shared>>
      %dma_wait3A_112 = arith.constant 0 : i32
      %dma_wait3A_113 = tpu.memref_slice %arg7[%add3A_17, %dma_wait3A_112] : memref<40960x16xf32, #tpu.memory_space<vmem_shared>> -> memref<64x16xf32, #tpu.memory_space<vmem_shared>>
      tpu.wait_dma2 semaphore(%run_scoped3A : memref<!tpu.dma_semaphore, #tpu.memory_space<semaphore_mem>>) src(%arg6 : memref<64x16xf32, #tpu.memory_space<vmem>>) dst(%dma_wait3A_113 : memref<64x16xf32, #tpu.memory_space<vmem_shared>>)
      tpu.yield
    }) : () -> ()
    %add3A_18 = arith.constant 64 : i32
    %add3A_19 = arith.addi %mul3A_15, %add3A_18 : i32
    "tpu.region"() ({
      %run_scoped3A = tpu.sem_alloc : memref<!tpu.dma_semaphore, #tpu.memory_space<semaphore_mem>>
      %dma_start3A = arith.constant 0 : i32
      %dma_start3A_108 = tpu.memref_slice %arg7[%add3A_19, %dma_start3A] : memref<40960x16xf32, #tpu.memory_space<vmem_shared>> -> memref<64x16xf32, #tpu.memory_space<vmem_shared>>
      %dma_start3A_109 = arith.constant 0 : i32
      %dma_start3A_110 = tpu.memref_slice %arg7[%add3A_19, %dma_start3A_109] : memref<40960x16xf32, #tpu.memory_space<vmem_shared>> -> memref<64x16xf32, #tpu.memory_space<vmem_shared>>
      tpu.enqueue_dma source(%arg6 : memref<64x16xf32, #tpu.memory_space<vmem>>) target(%dma_start3A_110 : memref<64x16xf32, #tpu.memory_space<vmem_shared>>) target_semaphore(%run_scoped3A : memref<!tpu.dma_semaphore, #tpu.memory_space<semaphore_mem>>)
      %dma_wait3A = arith.constant 0 : i32
      %dma_wait3A_111 = tpu.memref_slice %arg7[%add3A_19, %dma_wait3A] : memref<40960x16xf32, #tpu.memory_space<vmem_shared>> -> memref<64x16xf32, #tpu.memory_space<vmem_shared>>
      %dma_wait3A_112 = arith.constant 0 : i32
      %dma_wait3A_113 = tpu.memref_slice %arg7[%add3A_19, %dma_wait3A_112] : memref<40960x16xf32, #tpu.memory_space<vmem_shared>> -> memref<64x16xf32, #tpu.memory_space<vmem_shared>>
      tpu.wait_dma2 semaphore(%run_scoped3A : memref<!tpu.dma_semaphore, #tpu.memory_space<semaphore_mem>>) src(%arg6 : memref<64x16xf32, #tpu.memory_space<vmem>>) dst(%dma_wait3A_113 : memref<64x16xf32, #tpu.memory_space<vmem_shared>>)
      tpu.yield
    }) : () -> ()
    %add3A_20 = arith.constant 128 : i32
    %add3A_21 = arith.addi %mul3A_15, %add3A_20 : i32
    "tpu.region"() ({
      %run_scoped3A = tpu.sem_alloc : memref<!tpu.dma_semaphore, #tpu.memory_space<semaphore_mem>>
      %dma_start3A = arith.constant 0 : i32
      %dma_start3A_108 = tpu.memref_slice %arg7[%add3A_21, %dma_start3A] : memref<40960x16xf32, #tpu.memory_space<vmem_shared>> -> memref<64x16xf32, #tpu.memory_space<vmem_shared>>
      %dma_start3A_109 = arith.constant 0 : i32
      %dma_start3A_110 = tpu.memref_slice %arg7[%add3A_21, %dma_start3A_109] : memref<40960x16xf32, #tpu.memory_space<vmem_shared>> -> memref<64x16xf32, #tpu.memory_space<vmem_shared>>
      tpu.enqueue_dma source(%arg6 : memref<64x16xf32, #tpu.memory_space<vmem>>) target(%dma_start3A_110 : memref<64x16xf32, #tpu.memory_space<vmem_shared>>) target_semaphore(%run_scoped3A : memref<!tpu.dma_semaphore, #tpu.memory_space<semaphore_mem>>)
      %dma_wait3A = arith.constant 0 : i32
      %dma_wait3A_111 = tpu.memref_slice %arg7[%add3A_21, %dma_wait3A] : memref<40960x16xf32, #tpu.memory_space<vmem_shared>> -> memref<64x16xf32, #tpu.memory_space<vmem_shared>>
      %dma_wait3A_112 = arith.constant 0 : i32
      %dma_wait3A_113 = tpu.memref_slice %arg7[%add3A_21, %dma_wait3A_112] : memref<40960x16xf32, #tpu.memory_space<vmem_shared>> -> memref<64x16xf32, #tpu.memory_space<vmem_shared>>
      tpu.wait_dma2 semaphore(%run_scoped3A : memref<!tpu.dma_semaphore, #tpu.memory_space<semaphore_mem>>) src(%arg6 : memref<64x16xf32, #tpu.memory_space<vmem>>) dst(%dma_wait3A_113 : memref<64x16xf32, #tpu.memory_space<vmem_shared>>)
      tpu.yield
    }) : () -> ()
    %add3A_22 = arith.constant 192 : i32
    %add3A_23 = arith.addi %mul3A_15, %add3A_22 : i32
    "tpu.region"() ({
      %run_scoped3A = tpu.sem_alloc : memref<!tpu.dma_semaphore, #tpu.memory_space<semaphore_mem>>
      %dma_start3A = arith.constant 0 : i32
      %dma_start3A_108 = tpu.memref_slice %arg7[%add3A_23, %dma_start3A] : memref<40960x16xf32, #tpu.memory_space<vmem_shared>> -> memref<64x16xf32, #tpu.memory_space<vmem_shared>>
      %dma_start3A_109 = arith.constant 0 : i32
      %dma_start3A_110 = tpu.memref_slice %arg7[%add3A_23, %dma_start3A_109] : memref<40960x16xf32, #tpu.memory_space<vmem_shared>> -> memref<64x16xf32, #tpu.memory_space<vmem_shared>>
      tpu.enqueue_dma source(%arg6 : memref<64x16xf32, #tpu.memory_space<vmem>>) target(%dma_start3A_110 : memref<64x16xf32, #tpu.memory_space<vmem_shared>>) target_semaphore(%run_scoped3A : memref<!tpu.dma_semaphore, #tpu.memory_space<semaphore_mem>>)
      %dma_wait3A = arith.constant 0 : i32
      %dma_wait3A_111 = tpu.memref_slice %arg7[%add3A_23, %dma_wait3A] : memref<40960x16xf32, #tpu.memory_space<vmem_shared>> -> memref<64x16xf32, #tpu.memory_space<vmem_shared>>
      %dma_wait3A_112 = arith.constant 0 : i32
      %dma_wait3A_113 = tpu.memref_slice %arg7[%add3A_23, %dma_wait3A_112] : memref<40960x16xf32, #tpu.memory_space<vmem_shared>> -> memref<64x16xf32, #tpu.memory_space<vmem_shared>>
      tpu.wait_dma2 semaphore(%run_scoped3A : memref<!tpu.dma_semaphore, #tpu.memory_space<semaphore_mem>>) src(%arg6 : memref<64x16xf32, #tpu.memory_space<vmem>>) dst(%dma_wait3A_113 : memref<64x16xf32, #tpu.memory_space<vmem_shared>>)
      tpu.yield
    }) : () -> ()
    %add3A_24 = arith.constant 256 : i32
    %add3A_25 = arith.addi %mul3A_15, %add3A_24 : i32
    "tpu.region"() ({
      %run_scoped3A = tpu.sem_alloc : memref<!tpu.dma_semaphore, #tpu.memory_space<semaphore_mem>>
      %dma_start3A = arith.constant 0 : i32
      %dma_start3A_108 = tpu.memref_slice %arg7[%add3A_25, %dma_start3A] : memref<40960x16xf32, #tpu.memory_space<vmem_shared>> -> memref<64x16xf32, #tpu.memory_space<vmem_shared>>
      %dma_start3A_109 = arith.constant 0 : i32
      %dma_start3A_110 = tpu.memref_slice %arg7[%add3A_25, %dma_start3A_109] : memref<40960x16xf32, #tpu.memory_space<vmem_shared>> -> memref<64x16xf32, #tpu.memory_space<vmem_shared>>
      tpu.enqueue_dma source(%arg6 : memref<64x16xf32, #tpu.memory_space<vmem>>) target(%dma_start3A_110 : memref<64x16xf32, #tpu.memory_space<vmem_shared>>) target_semaphore(%run_scoped3A : memref<!tpu.dma_semaphore, #tpu.memory_space<semaphore_mem>>)
      %dma_wait3A = arith.constant 0 : i32
      %dma_wait3A_111 = tpu.memref_slice %arg7[%add3A_25, %dma_wait3A] : memref<40960x16xf32, #tpu.memory_space<vmem_shared>> -> memref<64x16xf32, #tpu.memory_space<vmem_shared>>
      %dma_wait3A_112 = arith.constant 0 : i32
      %dma_wait3A_113 = tpu.memref_slice %arg7[%add3A_25, %dma_wait3A_112] : memref<40960x16xf32, #tpu.memory_space<vmem_shared>> -> memref<64x16xf32, #tpu.memory_space<vmem_shared>>
      tpu.wait_dma2 semaphore(%run_scoped3A : memref<!tpu.dma_semaphore, #tpu.memory_space<semaphore_mem>>) src(%arg6 : memref<64x16xf32, #tpu.memory_space<vmem>>) dst(%dma_wait3A_113 : memref<64x16xf32, #tpu.memory_space<vmem_shared>>)
      tpu.yield
    }) : () -> ()
    %add3A_26 = arith.constant 320 : i32
    %add3A_27 = arith.addi %mul3A_15, %add3A_26 : i32
    "tpu.region"() ({
      %run_scoped3A = tpu.sem_alloc : memref<!tpu.dma_semaphore, #tpu.memory_space<semaphore_mem>>
      %dma_start3A = arith.constant 0 : i32
      %dma_start3A_108 = tpu.memref_slice %arg7[%add3A_27, %dma_start3A] : memref<40960x16xf32, #tpu.memory_space<vmem_shared>> -> memref<64x16xf32, #tpu.memory_space<vmem_shared>>
      %dma_start3A_109 = arith.constant 0 : i32
      %dma_start3A_110 = tpu.memref_slice %arg7[%add3A_27, %dma_start3A_109] : memref<40960x16xf32, #tpu.memory_space<vmem_shared>> -> memref<64x16xf32, #tpu.memory_space<vmem_shared>>
      tpu.enqueue_dma source(%arg6 : memref<64x16xf32, #tpu.memory_space<vmem>>) target(%dma_start3A_110 : memref<64x16xf32, #tpu.memory_space<vmem_shared>>) target_semaphore(%run_scoped3A : memref<!tpu.dma_semaphore, #tpu.memory_space<semaphore_mem>>)
      %dma_wait3A = arith.constant 0 : i32
      %dma_wait3A_111 = tpu.memref_slice %arg7[%add3A_27, %dma_wait3A] : memref<40960x16xf32, #tpu.memory_space<vmem_shared>> -> memref<64x16xf32, #tpu.memory_space<vmem_shared>>
      %dma_wait3A_112 = arith.constant 0 : i32
      %dma_wait3A_113 = tpu.memref_slice %arg7[%add3A_27, %dma_wait3A_112] : memref<40960x16xf32, #tpu.memory_space<vmem_shared>> -> memref<64x16xf32, #tpu.memory_space<vmem_shared>>
      tpu.wait_dma2 semaphore(%run_scoped3A : memref<!tpu.dma_semaphore, #tpu.memory_space<semaphore_mem>>) src(%arg6 : memref<64x16xf32, #tpu.memory_space<vmem>>) dst(%dma_wait3A_113 : memref<64x16xf32, #tpu.memory_space<vmem_shared>>)
      tpu.yield
    }) : () -> ()
    %add3A_28 = arith.constant 384 : i32
    %add3A_29 = arith.addi %mul3A_15, %add3A_28 : i32
    "tpu.region"() ({
      %run_scoped3A = tpu.sem_alloc : memref<!tpu.dma_semaphore, #tpu.memory_space<semaphore_mem>>
      %dma_start3A = arith.constant 0 : i32
      %dma_start3A_108 = tpu.memref_slice %arg7[%add3A_29, %dma_start3A] : memref<40960x16xf32, #tpu.memory_space<vmem_shared>> -> memref<64x16xf32, #tpu.memory_space<vmem_shared>>
      %dma_start3A_109 = arith.constant 0 : i32
      %dma_start3A_110 = tpu.memref_slice %arg7[%add3A_29, %dma_start3A_109] : memref<40960x16xf32, #tpu.memory_space<vmem_shared>> -> memref<64x16xf32, #tpu.memory_space<vmem_shared>>
      tpu.enqueue_dma source(%arg6 : memref<64x16xf32, #tpu.memory_space<vmem>>) target(%dma_start3A_110 : memref<64x16xf32, #tpu.memory_space<vmem_shared>>) target_semaphore(%run_scoped3A : memref<!tpu.dma_semaphore, #tpu.memory_space<semaphore_mem>>)
      %dma_wait3A = arith.constant 0 : i32
      %dma_wait3A_111 = tpu.memref_slice %arg7[%add3A_29, %dma_wait3A] : memref<40960x16xf32, #tpu.memory_space<vmem_shared>> -> memref<64x16xf32, #tpu.memory_space<vmem_shared>>
      %dma_wait3A_112 = arith.constant 0 : i32
      %dma_wait3A_113 = tpu.memref_slice %arg7[%add3A_29, %dma_wait3A_112] : memref<40960x16xf32, #tpu.memory_space<vmem_shared>> -> memref<64x16xf32, #tpu.memory_space<vmem_shared>>
      tpu.wait_dma2 semaphore(%run_scoped3A : memref<!tpu.dma_semaphore, #tpu.memory_space<semaphore_mem>>) src(%arg6 : memref<64x16xf32, #tpu.memory_space<vmem>>) dst(%dma_wait3A_113 : memref<64x16xf32, #tpu.memory_space<vmem_shared>>)
      tpu.yield
    }) : () -> ()
    %add3A_30 = arith.constant 448 : i32
    %add3A_31 = arith.addi %mul3A_15, %add3A_30 : i32
    "tpu.region"() ({
      %run_scoped3A = tpu.sem_alloc : memref<!tpu.dma_semaphore, #tpu.memory_space<semaphore_mem>>
      %dma_start3A = arith.constant 0 : i32
      %dma_start3A_108 = tpu.memref_slice %arg7[%add3A_31, %dma_start3A] : memref<40960x16xf32, #tpu.memory_space<vmem_shared>> -> memref<64x16xf32, #tpu.memory_space<vmem_shared>>
      %dma_start3A_109 = arith.constant 0 : i32
      %dma_start3A_110 = tpu.memref_slice %arg7[%add3A_31, %dma_start3A_109] : memref<40960x16xf32, #tpu.memory_space<vmem_shared>> -> memref<64x16xf32, #tpu.memory_space<vmem_shared>>
      tpu.enqueue_dma source(%arg6 : memref<64x16xf32, #tpu.memory_space<vmem>>) target(%dma_start3A_110 : memref<64x16xf32, #tpu.memory_space<vmem_shared>>) target_semaphore(%run_scoped3A : memref<!tpu.dma_semaphore, #tpu.memory_space<semaphore_mem>>)
      %dma_wait3A = arith.constant 0 : i32
      %dma_wait3A_111 = tpu.memref_slice %arg7[%add3A_31, %dma_wait3A] : memref<40960x16xf32, #tpu.memory_space<vmem_shared>> -> memref<64x16xf32, #tpu.memory_space<vmem_shared>>
      %dma_wait3A_112 = arith.constant 0 : i32
      %dma_wait3A_113 = tpu.memref_slice %arg7[%add3A_31, %dma_wait3A_112] : memref<40960x16xf32, #tpu.memory_space<vmem_shared>> -> memref<64x16xf32, #tpu.memory_space<vmem_shared>>
      tpu.wait_dma2 semaphore(%run_scoped3A : memref<!tpu.dma_semaphore, #tpu.memory_space<semaphore_mem>>) src(%arg6 : memref<64x16xf32, #tpu.memory_space<vmem>>) dst(%dma_wait3A_113 : memref<64x16xf32, #tpu.memory_space<vmem_shared>>)
      tpu.yield
    }) : () -> ()
    %add3A_32 = arith.constant 512 : i32
    %add3A_33 = arith.addi %mul3A_15, %add3A_32 : i32
    "tpu.region"() ({
      %run_scoped3A = tpu.sem_alloc : memref<!tpu.dma_semaphore, #tpu.memory_space<semaphore_mem>>
      %dma_start3A = arith.constant 0 : i32
      %dma_start3A_108 = tpu.memref_slice %arg7[%add3A_33, %dma_start3A] : memref<40960x16xf32, #tpu.memory_space<vmem_shared>> -> memref<64x16xf32, #tpu.memory_space<vmem_shared>>
      %dma_start3A_109 = arith.constant 0 : i32
      %dma_start3A_110 = tpu.memref_slice %arg7[%add3A_33, %dma_start3A_109] : memref<40960x16xf32, #tpu.memory_space<vmem_shared>> -> memref<64x16xf32, #tpu.memory_space<vmem_shared>>
      tpu.enqueue_dma source(%arg6 : memref<64x16xf32, #tpu.memory_space<vmem>>) target(%dma_start3A_110 : memref<64x16xf32, #tpu.memory_space<vmem_shared>>) target_semaphore(%run_scoped3A : memref<!tpu.dma_semaphore, #tpu.memory_space<semaphore_mem>>)
      %dma_wait3A = arith.constant 0 : i32
      %dma_wait3A_111 = tpu.memref_slice %arg7[%add3A_33, %dma_wait3A] : memref<40960x16xf32, #tpu.memory_space<vmem_shared>> -> memref<64x16xf32, #tpu.memory_space<vmem_shared>>
      %dma_wait3A_112 = arith.constant 0 : i32
      %dma_wait3A_113 = tpu.memref_slice %arg7[%add3A_33, %dma_wait3A_112] : memref<40960x16xf32, #tpu.memory_space<vmem_shared>> -> memref<64x16xf32, #tpu.memory_space<vmem_shared>>
      tpu.wait_dma2 semaphore(%run_scoped3A : memref<!tpu.dma_semaphore, #tpu.memory_space<semaphore_mem>>) src(%arg6 : memref<64x16xf32, #tpu.memory_space<vmem>>) dst(%dma_wait3A_113 : memref<64x16xf32, #tpu.memory_space<vmem_shared>>)
      tpu.yield
    }) : () -> ()
    %add3A_34 = arith.constant 576 : i32
    %add3A_35 = arith.addi %mul3A_15, %add3A_34 : i32
    "tpu.region"() ({
      %run_scoped3A = tpu.sem_alloc : memref<!tpu.dma_semaphore, #tpu.memory_space<semaphore_mem>>
      %dma_start3A = arith.constant 0 : i32
      %dma_start3A_108 = tpu.memref_slice %arg7[%add3A_35, %dma_start3A] : memref<40960x16xf32, #tpu.memory_space<vmem_shared>> -> memref<64x16xf32, #tpu.memory_space<vmem_shared>>
      %dma_start3A_109 = arith.constant 0 : i32
      %dma_start3A_110 = tpu.memref_slice %arg7[%add3A_35, %dma_start3A_109] : memref<40960x16xf32, #tpu.memory_space<vmem_shared>> -> memref<64x16xf32, #tpu.memory_space<vmem_shared>>
      tpu.enqueue_dma source(%arg6 : memref<64x16xf32, #tpu.memory_space<vmem>>) target(%dma_start3A_110 : memref<64x16xf32, #tpu.memory_space<vmem_shared>>) target_semaphore(%run_scoped3A : memref<!tpu.dma_semaphore, #tpu.memory_space<semaphore_mem>>)
      %dma_wait3A = arith.constant 0 : i32
      %dma_wait3A_111 = tpu.memref_slice %arg7[%add3A_35, %dma_wait3A] : memref<40960x16xf32, #tpu.memory_space<vmem_shared>> -> memref<64x16xf32, #tpu.memory_space<vmem_shared>>
      %dma_wait3A_112 = arith.constant 0 : i32
      %dma_wait3A_113 = tpu.memref_slice %arg7[%add3A_35, %dma_wait3A_112] : memref<40960x16xf32, #tpu.memory_space<vmem_shared>> -> memref<64x16xf32, #tpu.memory_space<vmem_shared>>
      tpu.wait_dma2 semaphore(%run_scoped3A : memref<!tpu.dma_semaphore, #tpu.memory_space<semaphore_mem>>) src(%arg6 : memref<64x16xf32, #tpu.memory_space<vmem>>) dst(%dma_wait3A_113 : memref<64x16xf32, #tpu.memory_space<vmem_shared>>)
      tpu.yield
    }) : () -> ()
    %add3A_36 = arith.constant 640 : i32
    %add3A_37 = arith.addi %mul3A_15, %add3A_36 : i32
    "tpu.region"() ({
      %run_scoped3A = tpu.sem_alloc : memref<!tpu.dma_semaphore, #tpu.memory_space<semaphore_mem>>
      %dma_start3A = arith.constant 0 : i32
      %dma_start3A_108 = tpu.memref_slice %arg7[%add3A_37, %dma_start3A] : memref<40960x16xf32, #tpu.memory_space<vmem_shared>> -> memref<64x16xf32, #tpu.memory_space<vmem_shared>>
      %dma_start3A_109 = arith.constant 0 : i32
      %dma_start3A_110 = tpu.memref_slice %arg7[%add3A_37, %dma_start3A_109] : memref<40960x16xf32, #tpu.memory_space<vmem_shared>> -> memref<64x16xf32, #tpu.memory_space<vmem_shared>>
      tpu.enqueue_dma source(%arg6 : memref<64x16xf32, #tpu.memory_space<vmem>>) target(%dma_start3A_110 : memref<64x16xf32, #tpu.memory_space<vmem_shared>>) target_semaphore(%run_scoped3A : memref<!tpu.dma_semaphore, #tpu.memory_space<semaphore_mem>>)
      %dma_wait3A = arith.constant 0 : i32
      %dma_wait3A_111 = tpu.memref_slice %arg7[%add3A_37, %dma_wait3A] : memref<40960x16xf32, #tpu.memory_space<vmem_shared>> -> memref<64x16xf32, #tpu.memory_space<vmem_shared>>
      %dma_wait3A_112 = arith.constant 0 : i32
      %dma_wait3A_113 = tpu.memref_slice %arg7[%add3A_37, %dma_wait3A_112] : memref<40960x16xf32, #tpu.memory_space<vmem_shared>> -> memref<64x16xf32, #tpu.memory_space<vmem_shared>>
      tpu.wait_dma2 semaphore(%run_scoped3A : memref<!tpu.dma_semaphore, #tpu.memory_space<semaphore_mem>>) src(%arg6 : memref<64x16xf32, #tpu.memory_space<vmem>>) dst(%dma_wait3A_113 : memref<64x16xf32, #tpu.memory_space<vmem_shared>>)
      tpu.yield
    }) : () -> ()
    %add3A_38 = arith.constant 704 : i32
    %add3A_39 = arith.addi %mul3A_15, %add3A_38 : i32
    "tpu.region"() ({
      %run_scoped3A = tpu.sem_alloc : memref<!tpu.dma_semaphore, #tpu.memory_space<semaphore_mem>>
      %dma_start3A = arith.constant 0 : i32
      %dma_start3A_108 = tpu.memref_slice %arg7[%add3A_39, %dma_start3A] : memref<40960x16xf32, #tpu.memory_space<vmem_shared>> -> memref<64x16xf32, #tpu.memory_space<vmem_shared>>
      %dma_start3A_109 = arith.constant 0 : i32
      %dma_start3A_110 = tpu.memref_slice %arg7[%add3A_39, %dma_start3A_109] : memref<40960x16xf32, #tpu.memory_space<vmem_shared>> -> memref<64x16xf32, #tpu.memory_space<vmem_shared>>
      tpu.enqueue_dma source(%arg6 : memref<64x16xf32, #tpu.memory_space<vmem>>) target(%dma_start3A_110 : memref<64x16xf32, #tpu.memory_space<vmem_shared>>) target_semaphore(%run_scoped3A : memref<!tpu.dma_semaphore, #tpu.memory_space<semaphore_mem>>)
      %dma_wait3A = arith.constant 0 : i32
      %dma_wait3A_111 = tpu.memref_slice %arg7[%add3A_39, %dma_wait3A] : memref<40960x16xf32, #tpu.memory_space<vmem_shared>> -> memref<64x16xf32, #tpu.memory_space<vmem_shared>>
      %dma_wait3A_112 = arith.constant 0 : i32
      %dma_wait3A_113 = tpu.memref_slice %arg7[%add3A_39, %dma_wait3A_112] : memref<40960x16xf32, #tpu.memory_space<vmem_shared>> -> memref<64x16xf32, #tpu.memory_space<vmem_shared>>
      tpu.wait_dma2 semaphore(%run_scoped3A : memref<!tpu.dma_semaphore, #tpu.memory_space<semaphore_mem>>) src(%arg6 : memref<64x16xf32, #tpu.memory_space<vmem>>) dst(%dma_wait3A_113 : memref<64x16xf32, #tpu.memory_space<vmem_shared>>)
      tpu.yield
    }) : () -> ()
    %add3A_40 = arith.constant 768 : i32
    %add3A_41 = arith.addi %mul3A_15, %add3A_40 : i32
    "tpu.region"() ({
      %run_scoped3A = tpu.sem_alloc : memref<!tpu.dma_semaphore, #tpu.memory_space<semaphore_mem>>
      %dma_start3A = arith.constant 0 : i32
      %dma_start3A_108 = tpu.memref_slice %arg7[%add3A_41, %dma_start3A] : memref<40960x16xf32, #tpu.memory_space<vmem_shared>> -> memref<64x16xf32, #tpu.memory_space<vmem_shared>>
      %dma_start3A_109 = arith.constant 0 : i32
      %dma_start3A_110 = tpu.memref_slice %arg7[%add3A_41, %dma_start3A_109] : memref<40960x16xf32, #tpu.memory_space<vmem_shared>> -> memref<64x16xf32, #tpu.memory_space<vmem_shared>>
      tpu.enqueue_dma source(%arg6 : memref<64x16xf32, #tpu.memory_space<vmem>>) target(%dma_start3A_110 : memref<64x16xf32, #tpu.memory_space<vmem_shared>>) target_semaphore(%run_scoped3A : memref<!tpu.dma_semaphore, #tpu.memory_space<semaphore_mem>>)
      %dma_wait3A = arith.constant 0 : i32
      %dma_wait3A_111 = tpu.memref_slice %arg7[%add3A_41, %dma_wait3A] : memref<40960x16xf32, #tpu.memory_space<vmem_shared>> -> memref<64x16xf32, #tpu.memory_space<vmem_shared>>
      %dma_wait3A_112 = arith.constant 0 : i32
      %dma_wait3A_113 = tpu.memref_slice %arg7[%add3A_41, %dma_wait3A_112] : memref<40960x16xf32, #tpu.memory_space<vmem_shared>> -> memref<64x16xf32, #tpu.memory_space<vmem_shared>>
      tpu.wait_dma2 semaphore(%run_scoped3A : memref<!tpu.dma_semaphore, #tpu.memory_space<semaphore_mem>>) src(%arg6 : memref<64x16xf32, #tpu.memory_space<vmem>>) dst(%dma_wait3A_113 : memref<64x16xf32, #tpu.memory_space<vmem_shared>>)
      tpu.yield
    }) : () -> ()
    %add3A_42 = arith.constant 832 : i32
    %add3A_43 = arith.addi %mul3A_15, %add3A_42 : i32
    "tpu.region"() ({
      %run_scoped3A = tpu.sem_alloc : memref<!tpu.dma_semaphore, #tpu.memory_space<semaphore_mem>>
      %dma_start3A = arith.constant 0 : i32
      %dma_start3A_108 = tpu.memref_slice %arg7[%add3A_43, %dma_start3A] : memref<40960x16xf32, #tpu.memory_space<vmem_shared>> -> memref<64x16xf32, #tpu.memory_space<vmem_shared>>
      %dma_start3A_109 = arith.constant 0 : i32
      %dma_start3A_110 = tpu.memref_slice %arg7[%add3A_43, %dma_start3A_109] : memref<40960x16xf32, #tpu.memory_space<vmem_shared>> -> memref<64x16xf32, #tpu.memory_space<vmem_shared>>
      tpu.enqueue_dma source(%arg6 : memref<64x16xf32, #tpu.memory_space<vmem>>) target(%dma_start3A_110 : memref<64x16xf32, #tpu.memory_space<vmem_shared>>) target_semaphore(%run_scoped3A : memref<!tpu.dma_semaphore, #tpu.memory_space<semaphore_mem>>)
      %dma_wait3A = arith.constant 0 : i32
      %dma_wait3A_111 = tpu.memref_slice %arg7[%add3A_43, %dma_wait3A] : memref<40960x16xf32, #tpu.memory_space<vmem_shared>> -> memref<64x16xf32, #tpu.memory_space<vmem_shared>>
      %dma_wait3A_112 = arith.constant 0 : i32
      %dma_wait3A_113 = tpu.memref_slice %arg7[%add3A_43, %dma_wait3A_112] : memref<40960x16xf32, #tpu.memory_space<vmem_shared>> -> memref<64x16xf32, #tpu.memory_space<vmem_shared>>
      tpu.wait_dma2 semaphore(%run_scoped3A : memref<!tpu.dma_semaphore, #tpu.memory_space<semaphore_mem>>) src(%arg6 : memref<64x16xf32, #tpu.memory_space<vmem>>) dst(%dma_wait3A_113 : memref<64x16xf32, #tpu.memory_space<vmem_shared>>)
      tpu.yield
    }) : () -> ()
    %add3A_44 = arith.constant 896 : i32
    %add3A_45 = arith.addi %mul3A_15, %add3A_44 : i32
    "tpu.region"() ({
      %run_scoped3A = tpu.sem_alloc : memref<!tpu.dma_semaphore, #tpu.memory_space<semaphore_mem>>
      %dma_start3A = arith.constant 0 : i32
      %dma_start3A_108 = tpu.memref_slice %arg7[%add3A_45, %dma_start3A] : memref<40960x16xf32, #tpu.memory_space<vmem_shared>> -> memref<64x16xf32, #tpu.memory_space<vmem_shared>>
      %dma_start3A_109 = arith.constant 0 : i32
      %dma_start3A_110 = tpu.memref_slice %arg7[%add3A_45, %dma_start3A_109] : memref<40960x16xf32, #tpu.memory_space<vmem_shared>> -> memref<64x16xf32, #tpu.memory_space<vmem_shared>>
      tpu.enqueue_dma source(%arg6 : memref<64x16xf32, #tpu.memory_space<vmem>>) target(%dma_start3A_110 : memref<64x16xf32, #tpu.memory_space<vmem_shared>>) target_semaphore(%run_scoped3A : memref<!tpu.dma_semaphore, #tpu.memory_space<semaphore_mem>>)
      %dma_wait3A = arith.constant 0 : i32
      %dma_wait3A_111 = tpu.memref_slice %arg7[%add3A_45, %dma_wait3A] : memref<40960x16xf32, #tpu.memory_space<vmem_shared>> -> memref<64x16xf32, #tpu.memory_space<vmem_shared>>
      %dma_wait3A_112 = arith.constant 0 : i32
      %dma_wait3A_113 = tpu.memref_slice %arg7[%add3A_45, %dma_wait3A_112] : memref<40960x16xf32, #tpu.memory_space<vmem_shared>> -> memref<64x16xf32, #tpu.memory_space<vmem_shared>>
      tpu.wait_dma2 semaphore(%run_scoped3A : memref<!tpu.dma_semaphore, #tpu.memory_space<semaphore_mem>>) src(%arg6 : memref<64x16xf32, #tpu.memory_space<vmem>>) dst(%dma_wait3A_113 : memref<64x16xf32, #tpu.memory_space<vmem_shared>>)
      tpu.yield
    }) : () -> ()
    %add3A_46 = arith.constant 960 : i32
    %add3A_47 = arith.addi %mul3A_15, %add3A_46 : i32
    "tpu.region"() ({
      %run_scoped3A = tpu.sem_alloc : memref<!tpu.dma_semaphore, #tpu.memory_space<semaphore_mem>>
      %dma_start3A = arith.constant 0 : i32
      %dma_start3A_108 = tpu.memref_slice %arg7[%add3A_47, %dma_start3A] : memref<40960x16xf32, #tpu.memory_space<vmem_shared>> -> memref<64x16xf32, #tpu.memory_space<vmem_shared>>
      %dma_start3A_109 = arith.constant 0 : i32
      %dma_start3A_110 = tpu.memref_slice %arg7[%add3A_47, %dma_start3A_109] : memref<40960x16xf32, #tpu.memory_space<vmem_shared>> -> memref<64x16xf32, #tpu.memory_space<vmem_shared>>
      tpu.enqueue_dma source(%arg6 : memref<64x16xf32, #tpu.memory_space<vmem>>) target(%dma_start3A_110 : memref<64x16xf32, #tpu.memory_space<vmem_shared>>) target_semaphore(%run_scoped3A : memref<!tpu.dma_semaphore, #tpu.memory_space<semaphore_mem>>)
      %dma_wait3A = arith.constant 0 : i32
      %dma_wait3A_111 = tpu.memref_slice %arg7[%add3A_47, %dma_wait3A] : memref<40960x16xf32, #tpu.memory_space<vmem_shared>> -> memref<64x16xf32, #tpu.memory_space<vmem_shared>>
      %dma_wait3A_112 = arith.constant 0 : i32
      %dma_wait3A_113 = tpu.memref_slice %arg7[%add3A_47, %dma_wait3A_112] : memref<40960x16xf32, #tpu.memory_space<vmem_shared>> -> memref<64x16xf32, #tpu.memory_space<vmem_shared>>
      tpu.wait_dma2 semaphore(%run_scoped3A : memref<!tpu.dma_semaphore, #tpu.memory_space<semaphore_mem>>) src(%arg6 : memref<64x16xf32, #tpu.memory_space<vmem>>) dst(%dma_wait3A_113 : memref<64x16xf32, #tpu.memory_space<vmem_shared>>)
      tpu.yield
    }) : () -> ()
    %add3A_48 = arith.constant 1024 : i32
    %add3A_49 = arith.addi %mul3A_15, %add3A_48 : i32
    "tpu.region"() ({
      %run_scoped3A = tpu.sem_alloc : memref<!tpu.dma_semaphore, #tpu.memory_space<semaphore_mem>>
      %dma_start3A = arith.constant 0 : i32
      %dma_start3A_108 = tpu.memref_slice %arg7[%add3A_49, %dma_start3A] : memref<40960x16xf32, #tpu.memory_space<vmem_shared>> -> memref<64x16xf32, #tpu.memory_space<vmem_shared>>
      %dma_start3A_109 = arith.constant 0 : i32
      %dma_start3A_110 = tpu.memref_slice %arg7[%add3A_49, %dma_start3A_109] : memref<40960x16xf32, #tpu.memory_space<vmem_shared>> -> memref<64x16xf32, #tpu.memory_space<vmem_shared>>
      tpu.enqueue_dma source(%arg6 : memref<64x16xf32, #tpu.memory_space<vmem>>) target(%dma_start3A_110 : memref<64x16xf32, #tpu.memory_space<vmem_shared>>) target_semaphore(%run_scoped3A : memref<!tpu.dma_semaphore, #tpu.memory_space<semaphore_mem>>)
      %dma_wait3A = arith.constant 0 : i32
      %dma_wait3A_111 = tpu.memref_slice %arg7[%add3A_49, %dma_wait3A] : memref<40960x16xf32, #tpu.memory_space<vmem_shared>> -> memref<64x16xf32, #tpu.memory_space<vmem_shared>>
      %dma_wait3A_112 = arith.constant 0 : i32
      %dma_wait3A_113 = tpu.memref_slice %arg7[%add3A_49, %dma_wait3A_112] : memref<40960x16xf32, #tpu.memory_space<vmem_shared>> -> memref<64x16xf32, #tpu.memory_space<vmem_shared>>
      tpu.wait_dma2 semaphore(%run_scoped3A : memref<!tpu.dma_semaphore, #tpu.memory_space<semaphore_mem>>) src(%arg6 : memref<64x16xf32, #tpu.memory_space<vmem>>) dst(%dma_wait3A_113 : memref<64x16xf32, #tpu.memory_space<vmem_shared>>)
      tpu.yield
    }) : () -> ()
    %add3A_50 = arith.constant 1088 : i32
    %add3A_51 = arith.addi %mul3A_15, %add3A_50 : i32
    "tpu.region"() ({
      %run_scoped3A = tpu.sem_alloc : memref<!tpu.dma_semaphore, #tpu.memory_space<semaphore_mem>>
      %dma_start3A = arith.constant 0 : i32
      %dma_start3A_108 = tpu.memref_slice %arg7[%add3A_51, %dma_start3A] : memref<40960x16xf32, #tpu.memory_space<vmem_shared>> -> memref<64x16xf32, #tpu.memory_space<vmem_shared>>
      %dma_start3A_109 = arith.constant 0 : i32
      %dma_start3A_110 = tpu.memref_slice %arg7[%add3A_51, %dma_start3A_109] : memref<40960x16xf32, #tpu.memory_space<vmem_shared>> -> memref<64x16xf32, #tpu.memory_space<vmem_shared>>
      tpu.enqueue_dma source(%arg6 : memref<64x16xf32, #tpu.memory_space<vmem>>) target(%dma_start3A_110 : memref<64x16xf32, #tpu.memory_space<vmem_shared>>) target_semaphore(%run_scoped3A : memref<!tpu.dma_semaphore, #tpu.memory_space<semaphore_mem>>)
      %dma_wait3A = arith.constant 0 : i32
      %dma_wait3A_111 = tpu.memref_slice %arg7[%add3A_51, %dma_wait3A] : memref<40960x16xf32, #tpu.memory_space<vmem_shared>> -> memref<64x16xf32, #tpu.memory_space<vmem_shared>>
      %dma_wait3A_112 = arith.constant 0 : i32
      %dma_wait3A_113 = tpu.memref_slice %arg7[%add3A_51, %dma_wait3A_112] : memref<40960x16xf32, #tpu.memory_space<vmem_shared>> -> memref<64x16xf32, #tpu.memory_space<vmem_shared>>
      tpu.wait_dma2 semaphore(%run_scoped3A : memref<!tpu.dma_semaphore, #tpu.memory_space<semaphore_mem>>) src(%arg6 : memref<64x16xf32, #tpu.memory_space<vmem>>) dst(%dma_wait3A_113 : memref<64x16xf32, #tpu.memory_space<vmem_shared>>)
      tpu.yield
    }) : () -> ()
    %add3A_52 = arith.constant 1152 : i32
    %add3A_53 = arith.addi %mul3A_15, %add3A_52 : i32
    "tpu.region"() ({
      %run_scoped3A = tpu.sem_alloc : memref<!tpu.dma_semaphore, #tpu.memory_space<semaphore_mem>>
      %dma_start3A = arith.constant 0 : i32
      %dma_start3A_108 = tpu.memref_slice %arg7[%add3A_53, %dma_start3A] : memref<40960x16xf32, #tpu.memory_space<vmem_shared>> -> memref<64x16xf32, #tpu.memory_space<vmem_shared>>
      %dma_start3A_109 = arith.constant 0 : i32
      %dma_start3A_110 = tpu.memref_slice %arg7[%add3A_53, %dma_start3A_109] : memref<40960x16xf32, #tpu.memory_space<vmem_shared>> -> memref<64x16xf32, #tpu.memory_space<vmem_shared>>
      tpu.enqueue_dma source(%arg6 : memref<64x16xf32, #tpu.memory_space<vmem>>) target(%dma_start3A_110 : memref<64x16xf32, #tpu.memory_space<vmem_shared>>) target_semaphore(%run_scoped3A : memref<!tpu.dma_semaphore, #tpu.memory_space<semaphore_mem>>)
      %dma_wait3A = arith.constant 0 : i32
      %dma_wait3A_111 = tpu.memref_slice %arg7[%add3A_53, %dma_wait3A] : memref<40960x16xf32, #tpu.memory_space<vmem_shared>> -> memref<64x16xf32, #tpu.memory_space<vmem_shared>>
      %dma_wait3A_112 = arith.constant 0 : i32
      %dma_wait3A_113 = tpu.memref_slice %arg7[%add3A_53, %dma_wait3A_112] : memref<40960x16xf32, #tpu.memory_space<vmem_shared>> -> memref<64x16xf32, #tpu.memory_space<vmem_shared>>
      tpu.wait_dma2 semaphore(%run_scoped3A : memref<!tpu.dma_semaphore, #tpu.memory_space<semaphore_mem>>) src(%arg6 : memref<64x16xf32, #tpu.memory_space<vmem>>) dst(%dma_wait3A_113 : memref<64x16xf32, #tpu.memory_space<vmem_shared>>)
      tpu.yield
    }) : () -> ()
    %add3A_54 = arith.constant 1216 : i32
    %add3A_55 = arith.addi %mul3A_15, %add3A_54 : i32
    "tpu.region"() ({
      %run_scoped3A = tpu.sem_alloc : memref<!tpu.dma_semaphore, #tpu.memory_space<semaphore_mem>>
      %dma_start3A = arith.constant 0 : i32
      %dma_start3A_108 = tpu.memref_slice %arg7[%add3A_55, %dma_start3A] : memref<40960x16xf32, #tpu.memory_space<vmem_shared>> -> memref<64x16xf32, #tpu.memory_space<vmem_shared>>
      %dma_start3A_109 = arith.constant 0 : i32
      %dma_start3A_110 = tpu.memref_slice %arg7[%add3A_55, %dma_start3A_109] : memref<40960x16xf32, #tpu.memory_space<vmem_shared>> -> memref<64x16xf32, #tpu.memory_space<vmem_shared>>
      tpu.enqueue_dma source(%arg6 : memref<64x16xf32, #tpu.memory_space<vmem>>) target(%dma_start3A_110 : memref<64x16xf32, #tpu.memory_space<vmem_shared>>) target_semaphore(%run_scoped3A : memref<!tpu.dma_semaphore, #tpu.memory_space<semaphore_mem>>)
      %dma_wait3A = arith.constant 0 : i32
      %dma_wait3A_111 = tpu.memref_slice %arg7[%add3A_55, %dma_wait3A] : memref<40960x16xf32, #tpu.memory_space<vmem_shared>> -> memref<64x16xf32, #tpu.memory_space<vmem_shared>>
      %dma_wait3A_112 = arith.constant 0 : i32
      %dma_wait3A_113 = tpu.memref_slice %arg7[%add3A_55, %dma_wait3A_112] : memref<40960x16xf32, #tpu.memory_space<vmem_shared>> -> memref<64x16xf32, #tpu.memory_space<vmem_shared>>
      tpu.wait_dma2 semaphore(%run_scoped3A : memref<!tpu.dma_semaphore, #tpu.memory_space<semaphore_mem>>) src(%arg6 : memref<64x16xf32, #tpu.memory_space<vmem>>) dst(%dma_wait3A_113 : memref<64x16xf32, #tpu.memory_space<vmem_shared>>)
      tpu.yield
    }) : () -> ()
    %add3A_56 = arith.constant 1280 : i32
    %add3A_57 = arith.addi %mul3A_15, %add3A_56 : i32
    "tpu.region"() ({
      %run_scoped3A = tpu.sem_alloc : memref<!tpu.dma_semaphore, #tpu.memory_space<semaphore_mem>>
      %dma_start3A = arith.constant 0 : i32
      %dma_start3A_108 = tpu.memref_slice %arg7[%add3A_57, %dma_start3A] : memref<40960x16xf32, #tpu.memory_space<vmem_shared>> -> memref<64x16xf32, #tpu.memory_space<vmem_shared>>
      %dma_start3A_109 = arith.constant 0 : i32
      %dma_start3A_110 = tpu.memref_slice %arg7[%add3A_57, %dma_start3A_109] : memref<40960x16xf32, #tpu.memory_space<vmem_shared>> -> memref<64x16xf32, #tpu.memory_space<vmem_shared>>
      tpu.enqueue_dma source(%arg6 : memref<64x16xf32, #tpu.memory_space<vmem>>) target(%dma_start3A_110 : memref<64x16xf32, #tpu.memory_space<vmem_shared>>) target_semaphore(%run_scoped3A : memref<!tpu.dma_semaphore, #tpu.memory_space<semaphore_mem>>)
      %dma_wait3A = arith.constant 0 : i32
      %dma_wait3A_111 = tpu.memref_slice %arg7[%add3A_57, %dma_wait3A] : memref<40960x16xf32, #tpu.memory_space<vmem_shared>> -> memref<64x16xf32, #tpu.memory_space<vmem_shared>>
      %dma_wait3A_112 = arith.constant 0 : i32
      %dma_wait3A_113 = tpu.memref_slice %arg7[%add3A_57, %dma_wait3A_112] : memref<40960x16xf32, #tpu.memory_space<vmem_shared>> -> memref<64x16xf32, #tpu.memory_space<vmem_shared>>
      tpu.wait_dma2 semaphore(%run_scoped3A : memref<!tpu.dma_semaphore, #tpu.memory_space<semaphore_mem>>) src(%arg6 : memref<64x16xf32, #tpu.memory_space<vmem>>) dst(%dma_wait3A_113 : memref<64x16xf32, #tpu.memory_space<vmem_shared>>)
      tpu.yield
    }) : () -> ()
    %add3A_58 = arith.constant 1344 : i32
    %add3A_59 = arith.addi %mul3A_15, %add3A_58 : i32
    "tpu.region"() ({
      %run_scoped3A = tpu.sem_alloc : memref<!tpu.dma_semaphore, #tpu.memory_space<semaphore_mem>>
      %dma_start3A = arith.constant 0 : i32
      %dma_start3A_108 = tpu.memref_slice %arg7[%add3A_59, %dma_start3A] : memref<40960x16xf32, #tpu.memory_space<vmem_shared>> -> memref<64x16xf32, #tpu.memory_space<vmem_shared>>
      %dma_start3A_109 = arith.constant 0 : i32
      %dma_start3A_110 = tpu.memref_slice %arg7[%add3A_59, %dma_start3A_109] : memref<40960x16xf32, #tpu.memory_space<vmem_shared>> -> memref<64x16xf32, #tpu.memory_space<vmem_shared>>
      tpu.enqueue_dma source(%arg6 : memref<64x16xf32, #tpu.memory_space<vmem>>) target(%dma_start3A_110 : memref<64x16xf32, #tpu.memory_space<vmem_shared>>) target_semaphore(%run_scoped3A : memref<!tpu.dma_semaphore, #tpu.memory_space<semaphore_mem>>)
      %dma_wait3A = arith.constant 0 : i32
      %dma_wait3A_111 = tpu.memref_slice %arg7[%add3A_59, %dma_wait3A] : memref<40960x16xf32, #tpu.memory_space<vmem_shared>> -> memref<64x16xf32, #tpu.memory_space<vmem_shared>>
      %dma_wait3A_112 = arith.constant 0 : i32
      %dma_wait3A_113 = tpu.memref_slice %arg7[%add3A_59, %dma_wait3A_112] : memref<40960x16xf32, #tpu.memory_space<vmem_shared>> -> memref<64x16xf32, #tpu.memory_space<vmem_shared>>
      tpu.wait_dma2 semaphore(%run_scoped3A : memref<!tpu.dma_semaphore, #tpu.memory_space<semaphore_mem>>) src(%arg6 : memref<64x16xf32, #tpu.memory_space<vmem>>) dst(%dma_wait3A_113 : memref<64x16xf32, #tpu.memory_space<vmem_shared>>)
      tpu.yield
    }) : () -> ()
    %add3A_60 = arith.constant 1408 : i32
    %add3A_61 = arith.addi %mul3A_15, %add3A_60 : i32
    "tpu.region"() ({
      %run_scoped3A = tpu.sem_alloc : memref<!tpu.dma_semaphore, #tpu.memory_space<semaphore_mem>>
      %dma_start3A = arith.constant 0 : i32
      %dma_start3A_108 = tpu.memref_slice %arg7[%add3A_61, %dma_start3A] : memref<40960x16xf32, #tpu.memory_space<vmem_shared>> -> memref<64x16xf32, #tpu.memory_space<vmem_shared>>
      %dma_start3A_109 = arith.constant 0 : i32
      %dma_start3A_110 = tpu.memref_slice %arg7[%add3A_61, %dma_start3A_109] : memref<40960x16xf32, #tpu.memory_space<vmem_shared>> -> memref<64x16xf32, #tpu.memory_space<vmem_shared>>
      tpu.enqueue_dma source(%arg6 : memref<64x16xf32, #tpu.memory_space<vmem>>) target(%dma_start3A_110 : memref<64x16xf32, #tpu.memory_space<vmem_shared>>) target_semaphore(%run_scoped3A : memref<!tpu.dma_semaphore, #tpu.memory_space<semaphore_mem>>)
      %dma_wait3A = arith.constant 0 : i32
      %dma_wait3A_111 = tpu.memref_slice %arg7[%add3A_61, %dma_wait3A] : memref<40960x16xf32, #tpu.memory_space<vmem_shared>> -> memref<64x16xf32, #tpu.memory_space<vmem_shared>>
      %dma_wait3A_112 = arith.constant 0 : i32
      %dma_wait3A_113 = tpu.memref_slice %arg7[%add3A_61, %dma_wait3A_112] : memref<40960x16xf32, #tpu.memory_space<vmem_shared>> -> memref<64x16xf32, #tpu.memory_space<vmem_shared>>
      tpu.wait_dma2 semaphore(%run_scoped3A : memref<!tpu.dma_semaphore, #tpu.memory_space<semaphore_mem>>) src(%arg6 : memref<64x16xf32, #tpu.memory_space<vmem>>) dst(%dma_wait3A_113 : memref<64x16xf32, #tpu.memory_space<vmem_shared>>)
      tpu.yield
    }) : () -> ()
    %add3A_62 = arith.constant 1472 : i32
    %add3A_63 = arith.addi %mul3A_15, %add3A_62 : i32
    "tpu.region"() ({
      %run_scoped3A = tpu.sem_alloc : memref<!tpu.dma_semaphore, #tpu.memory_space<semaphore_mem>>
      %dma_start3A = arith.constant 0 : i32
      %dma_start3A_108 = tpu.memref_slice %arg7[%add3A_63, %dma_start3A] : memref<40960x16xf32, #tpu.memory_space<vmem_shared>> -> memref<64x16xf32, #tpu.memory_space<vmem_shared>>
      %dma_start3A_109 = arith.constant 0 : i32
      %dma_start3A_110 = tpu.memref_slice %arg7[%add3A_63, %dma_start3A_109] : memref<40960x16xf32, #tpu.memory_space<vmem_shared>> -> memref<64x16xf32, #tpu.memory_space<vmem_shared>>
      tpu.enqueue_dma source(%arg6 : memref<64x16xf32, #tpu.memory_space<vmem>>) target(%dma_start3A_110 : memref<64x16xf32, #tpu.memory_space<vmem_shared>>) target_semaphore(%run_scoped3A : memref<!tpu.dma_semaphore, #tpu.memory_space<semaphore_mem>>)
      %dma_wait3A = arith.constant 0 : i32
      %dma_wait3A_111 = tpu.memref_slice %arg7[%add3A_63, %dma_wait3A] : memref<40960x16xf32, #tpu.memory_space<vmem_shared>> -> memref<64x16xf32, #tpu.memory_space<vmem_shared>>
      %dma_wait3A_112 = arith.constant 0 : i32
      %dma_wait3A_113 = tpu.memref_slice %arg7[%add3A_63, %dma_wait3A_112] : memref<40960x16xf32, #tpu.memory_space<vmem_shared>> -> memref<64x16xf32, #tpu.memory_space<vmem_shared>>
      tpu.wait_dma2 semaphore(%run_scoped3A : memref<!tpu.dma_semaphore, #tpu.memory_space<semaphore_mem>>) src(%arg6 : memref<64x16xf32, #tpu.memory_space<vmem>>) dst(%dma_wait3A_113 : memref<64x16xf32, #tpu.memory_space<vmem_shared>>)
      tpu.yield
    }) : () -> ()
    %add3A_64 = arith.constant 1536 : i32
    %add3A_65 = arith.addi %mul3A_15, %add3A_64 : i32
    "tpu.region"() ({
      %run_scoped3A = tpu.sem_alloc : memref<!tpu.dma_semaphore, #tpu.memory_space<semaphore_mem>>
      %dma_start3A = arith.constant 0 : i32
      %dma_start3A_108 = tpu.memref_slice %arg7[%add3A_65, %dma_start3A] : memref<40960x16xf32, #tpu.memory_space<vmem_shared>> -> memref<64x16xf32, #tpu.memory_space<vmem_shared>>
      %dma_start3A_109 = arith.constant 0 : i32
      %dma_start3A_110 = tpu.memref_slice %arg7[%add3A_65, %dma_start3A_109] : memref<40960x16xf32, #tpu.memory_space<vmem_shared>> -> memref<64x16xf32, #tpu.memory_space<vmem_shared>>
      tpu.enqueue_dma source(%arg6 : memref<64x16xf32, #tpu.memory_space<vmem>>) target(%dma_start3A_110 : memref<64x16xf32, #tpu.memory_space<vmem_shared>>) target_semaphore(%run_scoped3A : memref<!tpu.dma_semaphore, #tpu.memory_space<semaphore_mem>>)
      %dma_wait3A = arith.constant 0 : i32
      %dma_wait3A_111 = tpu.memref_slice %arg7[%add3A_65, %dma_wait3A] : memref<40960x16xf32, #tpu.memory_space<vmem_shared>> -> memref<64x16xf32, #tpu.memory_space<vmem_shared>>
      %dma_wait3A_112 = arith.constant 0 : i32
      %dma_wait3A_113 = tpu.memref_slice %arg7[%add3A_65, %dma_wait3A_112] : memref<40960x16xf32, #tpu.memory_space<vmem_shared>> -> memref<64x16xf32, #tpu.memory_space<vmem_shared>>
      tpu.wait_dma2 semaphore(%run_scoped3A : memref<!tpu.dma_semaphore, #tpu.memory_space<semaphore_mem>>) src(%arg6 : memref<64x16xf32, #tpu.memory_space<vmem>>) dst(%dma_wait3A_113 : memref<64x16xf32, #tpu.memory_space<vmem_shared>>)
      tpu.yield
    }) : () -> ()
    %add3A_66 = arith.constant 1600 : i32
    %add3A_67 = arith.addi %mul3A_15, %add3A_66 : i32
    "tpu.region"() ({
      %run_scoped3A = tpu.sem_alloc : memref<!tpu.dma_semaphore, #tpu.memory_space<semaphore_mem>>
      %dma_start3A = arith.constant 0 : i32
      %dma_start3A_108 = tpu.memref_slice %arg7[%add3A_67, %dma_start3A] : memref<40960x16xf32, #tpu.memory_space<vmem_shared>> -> memref<64x16xf32, #tpu.memory_space<vmem_shared>>
      %dma_start3A_109 = arith.constant 0 : i32
      %dma_start3A_110 = tpu.memref_slice %arg7[%add3A_67, %dma_start3A_109] : memref<40960x16xf32, #tpu.memory_space<vmem_shared>> -> memref<64x16xf32, #tpu.memory_space<vmem_shared>>
      tpu.enqueue_dma source(%arg6 : memref<64x16xf32, #tpu.memory_space<vmem>>) target(%dma_start3A_110 : memref<64x16xf32, #tpu.memory_space<vmem_shared>>) target_semaphore(%run_scoped3A : memref<!tpu.dma_semaphore, #tpu.memory_space<semaphore_mem>>)
      %dma_wait3A = arith.constant 0 : i32
      %dma_wait3A_111 = tpu.memref_slice %arg7[%add3A_67, %dma_wait3A] : memref<40960x16xf32, #tpu.memory_space<vmem_shared>> -> memref<64x16xf32, #tpu.memory_space<vmem_shared>>
      %dma_wait3A_112 = arith.constant 0 : i32
      %dma_wait3A_113 = tpu.memref_slice %arg7[%add3A_67, %dma_wait3A_112] : memref<40960x16xf32, #tpu.memory_space<vmem_shared>> -> memref<64x16xf32, #tpu.memory_space<vmem_shared>>
      tpu.wait_dma2 semaphore(%run_scoped3A : memref<!tpu.dma_semaphore, #tpu.memory_space<semaphore_mem>>) src(%arg6 : memref<64x16xf32, #tpu.memory_space<vmem>>) dst(%dma_wait3A_113 : memref<64x16xf32, #tpu.memory_space<vmem_shared>>)
      tpu.yield
    }) : () -> ()
    %add3A_68 = arith.constant 1664 : i32
    %add3A_69 = arith.addi %mul3A_15, %add3A_68 : i32
    "tpu.region"() ({
      %run_scoped3A = tpu.sem_alloc : memref<!tpu.dma_semaphore, #tpu.memory_space<semaphore_mem>>
      %dma_start3A = arith.constant 0 : i32
      %dma_start3A_108 = tpu.memref_slice %arg7[%add3A_69, %dma_start3A] : memref<40960x16xf32, #tpu.memory_space<vmem_shared>> -> memref<64x16xf32, #tpu.memory_space<vmem_shared>>
      %dma_start3A_109 = arith.constant 0 : i32
      %dma_start3A_110 = tpu.memref_slice %arg7[%add3A_69, %dma_start3A_109] : memref<40960x16xf32, #tpu.memory_space<vmem_shared>> -> memref<64x16xf32, #tpu.memory_space<vmem_shared>>
      tpu.enqueue_dma source(%arg6 : memref<64x16xf32, #tpu.memory_space<vmem>>) target(%dma_start3A_110 : memref<64x16xf32, #tpu.memory_space<vmem_shared>>) target_semaphore(%run_scoped3A : memref<!tpu.dma_semaphore, #tpu.memory_space<semaphore_mem>>)
      %dma_wait3A = arith.constant 0 : i32
      %dma_wait3A_111 = tpu.memref_slice %arg7[%add3A_69, %dma_wait3A] : memref<40960x16xf32, #tpu.memory_space<vmem_shared>> -> memref<64x16xf32, #tpu.memory_space<vmem_shared>>
      %dma_wait3A_112 = arith.constant 0 : i32
      %dma_wait3A_113 = tpu.memref_slice %arg7[%add3A_69, %dma_wait3A_112] : memref<40960x16xf32, #tpu.memory_space<vmem_shared>> -> memref<64x16xf32, #tpu.memory_space<vmem_shared>>
      tpu.wait_dma2 semaphore(%run_scoped3A : memref<!tpu.dma_semaphore, #tpu.memory_space<semaphore_mem>>) src(%arg6 : memref<64x16xf32, #tpu.memory_space<vmem>>) dst(%dma_wait3A_113 : memref<64x16xf32, #tpu.memory_space<vmem_shared>>)
      tpu.yield
    }) : () -> ()
    %add3A_70 = arith.constant 1728 : i32
    %add3A_71 = arith.addi %mul3A_15, %add3A_70 : i32
    "tpu.region"() ({
      %run_scoped3A = tpu.sem_alloc : memref<!tpu.dma_semaphore, #tpu.memory_space<semaphore_mem>>
      %dma_start3A = arith.constant 0 : i32
      %dma_start3A_108 = tpu.memref_slice %arg7[%add3A_71, %dma_start3A] : memref<40960x16xf32, #tpu.memory_space<vmem_shared>> -> memref<64x16xf32, #tpu.memory_space<vmem_shared>>
      %dma_start3A_109 = arith.constant 0 : i32
      %dma_start3A_110 = tpu.memref_slice %arg7[%add3A_71, %dma_start3A_109] : memref<40960x16xf32, #tpu.memory_space<vmem_shared>> -> memref<64x16xf32, #tpu.memory_space<vmem_shared>>
      tpu.enqueue_dma source(%arg6 : memref<64x16xf32, #tpu.memory_space<vmem>>) target(%dma_start3A_110 : memref<64x16xf32, #tpu.memory_space<vmem_shared>>) target_semaphore(%run_scoped3A : memref<!tpu.dma_semaphore, #tpu.memory_space<semaphore_mem>>)
      %dma_wait3A = arith.constant 0 : i32
      %dma_wait3A_111 = tpu.memref_slice %arg7[%add3A_71, %dma_wait3A] : memref<40960x16xf32, #tpu.memory_space<vmem_shared>> -> memref<64x16xf32, #tpu.memory_space<vmem_shared>>
      %dma_wait3A_112 = arith.constant 0 : i32
      %dma_wait3A_113 = tpu.memref_slice %arg7[%add3A_71, %dma_wait3A_112] : memref<40960x16xf32, #tpu.memory_space<vmem_shared>> -> memref<64x16xf32, #tpu.memory_space<vmem_shared>>
      tpu.wait_dma2 semaphore(%run_scoped3A : memref<!tpu.dma_semaphore, #tpu.memory_space<semaphore_mem>>) src(%arg6 : memref<64x16xf32, #tpu.memory_space<vmem>>) dst(%dma_wait3A_113 : memref<64x16xf32, #tpu.memory_space<vmem_shared>>)
      tpu.yield
    }) : () -> ()
    %add3A_72 = arith.constant 1792 : i32
    %add3A_73 = arith.addi %mul3A_15, %add3A_72 : i32
    "tpu.region"() ({
      %run_scoped3A = tpu.sem_alloc : memref<!tpu.dma_semaphore, #tpu.memory_space<semaphore_mem>>
      %dma_start3A = arith.constant 0 : i32
      %dma_start3A_108 = tpu.memref_slice %arg7[%add3A_73, %dma_start3A] : memref<40960x16xf32, #tpu.memory_space<vmem_shared>> -> memref<64x16xf32, #tpu.memory_space<vmem_shared>>
      %dma_start3A_109 = arith.constant 0 : i32
      %dma_start3A_110 = tpu.memref_slice %arg7[%add3A_73, %dma_start3A_109] : memref<40960x16xf32, #tpu.memory_space<vmem_shared>> -> memref<64x16xf32, #tpu.memory_space<vmem_shared>>
      tpu.enqueue_dma source(%arg6 : memref<64x16xf32, #tpu.memory_space<vmem>>) target(%dma_start3A_110 : memref<64x16xf32, #tpu.memory_space<vmem_shared>>) target_semaphore(%run_scoped3A : memref<!tpu.dma_semaphore, #tpu.memory_space<semaphore_mem>>)
      %dma_wait3A = arith.constant 0 : i32
      %dma_wait3A_111 = tpu.memref_slice %arg7[%add3A_73, %dma_wait3A] : memref<40960x16xf32, #tpu.memory_space<vmem_shared>> -> memref<64x16xf32, #tpu.memory_space<vmem_shared>>
      %dma_wait3A_112 = arith.constant 0 : i32
      %dma_wait3A_113 = tpu.memref_slice %arg7[%add3A_73, %dma_wait3A_112] : memref<40960x16xf32, #tpu.memory_space<vmem_shared>> -> memref<64x16xf32, #tpu.memory_space<vmem_shared>>
      tpu.wait_dma2 semaphore(%run_scoped3A : memref<!tpu.dma_semaphore, #tpu.memory_space<semaphore_mem>>) src(%arg6 : memref<64x16xf32, #tpu.memory_space<vmem>>) dst(%dma_wait3A_113 : memref<64x16xf32, #tpu.memory_space<vmem_shared>>)
      tpu.yield
    }) : () -> ()
    %add3A_74 = arith.constant 1856 : i32
    %add3A_75 = arith.addi %mul3A_15, %add3A_74 : i32
    "tpu.region"() ({
      %run_scoped3A = tpu.sem_alloc : memref<!tpu.dma_semaphore, #tpu.memory_space<semaphore_mem>>
      %dma_start3A = arith.constant 0 : i32
      %dma_start3A_108 = tpu.memref_slice %arg7[%add3A_75, %dma_start3A] : memref<40960x16xf32, #tpu.memory_space<vmem_shared>> -> memref<64x16xf32, #tpu.memory_space<vmem_shared>>
      %dma_start3A_109 = arith.constant 0 : i32
      %dma_start3A_110 = tpu.memref_slice %arg7[%add3A_75, %dma_start3A_109] : memref<40960x16xf32, #tpu.memory_space<vmem_shared>> -> memref<64x16xf32, #tpu.memory_space<vmem_shared>>
      tpu.enqueue_dma source(%arg6 : memref<64x16xf32, #tpu.memory_space<vmem>>) target(%dma_start3A_110 : memref<64x16xf32, #tpu.memory_space<vmem_shared>>) target_semaphore(%run_scoped3A : memref<!tpu.dma_semaphore, #tpu.memory_space<semaphore_mem>>)
      %dma_wait3A = arith.constant 0 : i32
      %dma_wait3A_111 = tpu.memref_slice %arg7[%add3A_75, %dma_wait3A] : memref<40960x16xf32, #tpu.memory_space<vmem_shared>> -> memref<64x16xf32, #tpu.memory_space<vmem_shared>>
      %dma_wait3A_112 = arith.constant 0 : i32
      %dma_wait3A_113 = tpu.memref_slice %arg7[%add3A_75, %dma_wait3A_112] : memref<40960x16xf32, #tpu.memory_space<vmem_shared>> -> memref<64x16xf32, #tpu.memory_space<vmem_shared>>
      tpu.wait_dma2 semaphore(%run_scoped3A : memref<!tpu.dma_semaphore, #tpu.memory_space<semaphore_mem>>) src(%arg6 : memref<64x16xf32, #tpu.memory_space<vmem>>) dst(%dma_wait3A_113 : memref<64x16xf32, #tpu.memory_space<vmem_shared>>)
      tpu.yield
    }) : () -> ()
    %add3A_76 = arith.constant 1920 : i32
    %add3A_77 = arith.addi %mul3A_15, %add3A_76 : i32
    "tpu.region"() ({
      %run_scoped3A = tpu.sem_alloc : memref<!tpu.dma_semaphore, #tpu.memory_space<semaphore_mem>>
      %dma_start3A = arith.constant 0 : i32
      %dma_start3A_108 = tpu.memref_slice %arg7[%add3A_77, %dma_start3A] : memref<40960x16xf32, #tpu.memory_space<vmem_shared>> -> memref<64x16xf32, #tpu.memory_space<vmem_shared>>
      %dma_start3A_109 = arith.constant 0 : i32
      %dma_start3A_110 = tpu.memref_slice %arg7[%add3A_77, %dma_start3A_109] : memref<40960x16xf32, #tpu.memory_space<vmem_shared>> -> memref<64x16xf32, #tpu.memory_space<vmem_shared>>
      tpu.enqueue_dma source(%arg6 : memref<64x16xf32, #tpu.memory_space<vmem>>) target(%dma_start3A_110 : memref<64x16xf32, #tpu.memory_space<vmem_shared>>) target_semaphore(%run_scoped3A : memref<!tpu.dma_semaphore, #tpu.memory_space<semaphore_mem>>)
      %dma_wait3A = arith.constant 0 : i32
      %dma_wait3A_111 = tpu.memref_slice %arg7[%add3A_77, %dma_wait3A] : memref<40960x16xf32, #tpu.memory_space<vmem_shared>> -> memref<64x16xf32, #tpu.memory_space<vmem_shared>>
      %dma_wait3A_112 = arith.constant 0 : i32
      %dma_wait3A_113 = tpu.memref_slice %arg7[%add3A_77, %dma_wait3A_112] : memref<40960x16xf32, #tpu.memory_space<vmem_shared>> -> memref<64x16xf32, #tpu.memory_space<vmem_shared>>
      tpu.wait_dma2 semaphore(%run_scoped3A : memref<!tpu.dma_semaphore, #tpu.memory_space<semaphore_mem>>) src(%arg6 : memref<64x16xf32, #tpu.memory_space<vmem>>) dst(%dma_wait3A_113 : memref<64x16xf32, #tpu.memory_space<vmem_shared>>)
      tpu.yield
    }) : () -> ()
    %add3A_78 = arith.constant 1984 : i32
    %add3A_79 = arith.addi %mul3A_15, %add3A_78 : i32
    "tpu.region"() ({
      %run_scoped3A = tpu.sem_alloc : memref<!tpu.dma_semaphore, #tpu.memory_space<semaphore_mem>>
      %dma_start3A = arith.constant 0 : i32
      %dma_start3A_108 = tpu.memref_slice %arg7[%add3A_79, %dma_start3A] : memref<40960x16xf32, #tpu.memory_space<vmem_shared>> -> memref<64x16xf32, #tpu.memory_space<vmem_shared>>
      %dma_start3A_109 = arith.constant 0 : i32
      %dma_start3A_110 = tpu.memref_slice %arg7[%add3A_79, %dma_start3A_109] : memref<40960x16xf32, #tpu.memory_space<vmem_shared>> -> memref<64x16xf32, #tpu.memory_space<vmem_shared>>
      tpu.enqueue_dma source(%arg6 : memref<64x16xf32, #tpu.memory_space<vmem>>) target(%dma_start3A_110 : memref<64x16xf32, #tpu.memory_space<vmem_shared>>) target_semaphore(%run_scoped3A : memref<!tpu.dma_semaphore, #tpu.memory_space<semaphore_mem>>)
      %dma_wait3A = arith.constant 0 : i32
      %dma_wait3A_111 = tpu.memref_slice %arg7[%add3A_79, %dma_wait3A] : memref<40960x16xf32, #tpu.memory_space<vmem_shared>> -> memref<64x16xf32, #tpu.memory_space<vmem_shared>>
      %dma_wait3A_112 = arith.constant 0 : i32
      %dma_wait3A_113 = tpu.memref_slice %arg7[%add3A_79, %dma_wait3A_112] : memref<40960x16xf32, #tpu.memory_space<vmem_shared>> -> memref<64x16xf32, #tpu.memory_space<vmem_shared>>
      tpu.wait_dma2 semaphore(%run_scoped3A : memref<!tpu.dma_semaphore, #tpu.memory_space<semaphore_mem>>) src(%arg6 : memref<64x16xf32, #tpu.memory_space<vmem>>) dst(%dma_wait3A_113 : memref<64x16xf32, #tpu.memory_space<vmem_shared>>)
      tpu.yield
    }) : () -> ()
    %add3A_80 = arith.constant 2048 : i32
    %add3A_81 = arith.addi %mul3A_15, %add3A_80 : i32
    "tpu.region"() ({
      %run_scoped3A = tpu.sem_alloc : memref<!tpu.dma_semaphore, #tpu.memory_space<semaphore_mem>>
      %dma_start3A = arith.constant 0 : i32
      %dma_start3A_108 = tpu.memref_slice %arg7[%add3A_81, %dma_start3A] : memref<40960x16xf32, #tpu.memory_space<vmem_shared>> -> memref<64x16xf32, #tpu.memory_space<vmem_shared>>
      %dma_start3A_109 = arith.constant 0 : i32
      %dma_start3A_110 = tpu.memref_slice %arg7[%add3A_81, %dma_start3A_109] : memref<40960x16xf32, #tpu.memory_space<vmem_shared>> -> memref<64x16xf32, #tpu.memory_space<vmem_shared>>
      tpu.enqueue_dma source(%arg6 : memref<64x16xf32, #tpu.memory_space<vmem>>) target(%dma_start3A_110 : memref<64x16xf32, #tpu.memory_space<vmem_shared>>) target_semaphore(%run_scoped3A : memref<!tpu.dma_semaphore, #tpu.memory_space<semaphore_mem>>)
      %dma_wait3A = arith.constant 0 : i32
      %dma_wait3A_111 = tpu.memref_slice %arg7[%add3A_81, %dma_wait3A] : memref<40960x16xf32, #tpu.memory_space<vmem_shared>> -> memref<64x16xf32, #tpu.memory_space<vmem_shared>>
      %dma_wait3A_112 = arith.constant 0 : i32
      %dma_wait3A_113 = tpu.memref_slice %arg7[%add3A_81, %dma_wait3A_112] : memref<40960x16xf32, #tpu.memory_space<vmem_shared>> -> memref<64x16xf32, #tpu.memory_space<vmem_shared>>
      tpu.wait_dma2 semaphore(%run_scoped3A : memref<!tpu.dma_semaphore, #tpu.memory_space<semaphore_mem>>) src(%arg6 : memref<64x16xf32, #tpu.memory_space<vmem>>) dst(%dma_wait3A_113 : memref<64x16xf32, #tpu.memory_space<vmem_shared>>)
      tpu.yield
    }) : () -> ()
    %add3A_82 = arith.constant 2112 : i32
    %add3A_83 = arith.addi %mul3A_15, %add3A_82 : i32
    "tpu.region"() ({
      %run_scoped3A = tpu.sem_alloc : memref<!tpu.dma_semaphore, #tpu.memory_space<semaphore_mem>>
      %dma_start3A = arith.constant 0 : i32
      %dma_start3A_108 = tpu.memref_slice %arg7[%add3A_83, %dma_start3A] : memref<40960x16xf32, #tpu.memory_space<vmem_shared>> -> memref<64x16xf32, #tpu.memory_space<vmem_shared>>
      %dma_start3A_109 = arith.constant 0 : i32
      %dma_start3A_110 = tpu.memref_slice %arg7[%add3A_83, %dma_start3A_109] : memref<40960x16xf32, #tpu.memory_space<vmem_shared>> -> memref<64x16xf32, #tpu.memory_space<vmem_shared>>
      tpu.enqueue_dma source(%arg6 : memref<64x16xf32, #tpu.memory_space<vmem>>) target(%dma_start3A_110 : memref<64x16xf32, #tpu.memory_space<vmem_shared>>) target_semaphore(%run_scoped3A : memref<!tpu.dma_semaphore, #tpu.memory_space<semaphore_mem>>)
      %dma_wait3A = arith.constant 0 : i32
      %dma_wait3A_111 = tpu.memref_slice %arg7[%add3A_83, %dma_wait3A] : memref<40960x16xf32, #tpu.memory_space<vmem_shared>> -> memref<64x16xf32, #tpu.memory_space<vmem_shared>>
      %dma_wait3A_112 = arith.constant 0 : i32
      %dma_wait3A_113 = tpu.memref_slice %arg7[%add3A_83, %dma_wait3A_112] : memref<40960x16xf32, #tpu.memory_space<vmem_shared>> -> memref<64x16xf32, #tpu.memory_space<vmem_shared>>
      tpu.wait_dma2 semaphore(%run_scoped3A : memref<!tpu.dma_semaphore, #tpu.memory_space<semaphore_mem>>) src(%arg6 : memref<64x16xf32, #tpu.memory_space<vmem>>) dst(%dma_wait3A_113 : memref<64x16xf32, #tpu.memory_space<vmem_shared>>)
      tpu.yield
    }) : () -> ()
    %add3A_84 = arith.constant 2176 : i32
    %add3A_85 = arith.addi %mul3A_15, %add3A_84 : i32
    "tpu.region"() ({
      %run_scoped3A = tpu.sem_alloc : memref<!tpu.dma_semaphore, #tpu.memory_space<semaphore_mem>>
      %dma_start3A = arith.constant 0 : i32
      %dma_start3A_108 = tpu.memref_slice %arg7[%add3A_85, %dma_start3A] : memref<40960x16xf32, #tpu.memory_space<vmem_shared>> -> memref<64x16xf32, #tpu.memory_space<vmem_shared>>
      %dma_start3A_109 = arith.constant 0 : i32
      %dma_start3A_110 = tpu.memref_slice %arg7[%add3A_85, %dma_start3A_109] : memref<40960x16xf32, #tpu.memory_space<vmem_shared>> -> memref<64x16xf32, #tpu.memory_space<vmem_shared>>
      tpu.enqueue_dma source(%arg6 : memref<64x16xf32, #tpu.memory_space<vmem>>) target(%dma_start3A_110 : memref<64x16xf32, #tpu.memory_space<vmem_shared>>) target_semaphore(%run_scoped3A : memref<!tpu.dma_semaphore, #tpu.memory_space<semaphore_mem>>)
      %dma_wait3A = arith.constant 0 : i32
      %dma_wait3A_111 = tpu.memref_slice %arg7[%add3A_85, %dma_wait3A] : memref<40960x16xf32, #tpu.memory_space<vmem_shared>> -> memref<64x16xf32, #tpu.memory_space<vmem_shared>>
      %dma_wait3A_112 = arith.constant 0 : i32
      %dma_wait3A_113 = tpu.memref_slice %arg7[%add3A_85, %dma_wait3A_112] : memref<40960x16xf32, #tpu.memory_space<vmem_shared>> -> memref<64x16xf32, #tpu.memory_space<vmem_shared>>
      tpu.wait_dma2 semaphore(%run_scoped3A : memref<!tpu.dma_semaphore, #tpu.memory_space<semaphore_mem>>) src(%arg6 : memref<64x16xf32, #tpu.memory_space<vmem>>) dst(%dma_wait3A_113 : memref<64x16xf32, #tpu.memory_space<vmem_shared>>)
      tpu.yield
    }) : () -> ()
    %add3A_86 = arith.constant 2240 : i32
    %add3A_87 = arith.addi %mul3A_15, %add3A_86 : i32
    "tpu.region"() ({
      %run_scoped3A = tpu.sem_alloc : memref<!tpu.dma_semaphore, #tpu.memory_space<semaphore_mem>>
      %dma_start3A = arith.constant 0 : i32
      %dma_start3A_108 = tpu.memref_slice %arg7[%add3A_87, %dma_start3A] : memref<40960x16xf32, #tpu.memory_space<vmem_shared>> -> memref<64x16xf32, #tpu.memory_space<vmem_shared>>
      %dma_start3A_109 = arith.constant 0 : i32
      %dma_start3A_110 = tpu.memref_slice %arg7[%add3A_87, %dma_start3A_109] : memref<40960x16xf32, #tpu.memory_space<vmem_shared>> -> memref<64x16xf32, #tpu.memory_space<vmem_shared>>
      tpu.enqueue_dma source(%arg6 : memref<64x16xf32, #tpu.memory_space<vmem>>) target(%dma_start3A_110 : memref<64x16xf32, #tpu.memory_space<vmem_shared>>) target_semaphore(%run_scoped3A : memref<!tpu.dma_semaphore, #tpu.memory_space<semaphore_mem>>)
      %dma_wait3A = arith.constant 0 : i32
      %dma_wait3A_111 = tpu.memref_slice %arg7[%add3A_87, %dma_wait3A] : memref<40960x16xf32, #tpu.memory_space<vmem_shared>> -> memref<64x16xf32, #tpu.memory_space<vmem_shared>>
      %dma_wait3A_112 = arith.constant 0 : i32
      %dma_wait3A_113 = tpu.memref_slice %arg7[%add3A_87, %dma_wait3A_112] : memref<40960x16xf32, #tpu.memory_space<vmem_shared>> -> memref<64x16xf32, #tpu.memory_space<vmem_shared>>
      tpu.wait_dma2 semaphore(%run_scoped3A : memref<!tpu.dma_semaphore, #tpu.memory_space<semaphore_mem>>) src(%arg6 : memref<64x16xf32, #tpu.memory_space<vmem>>) dst(%dma_wait3A_113 : memref<64x16xf32, #tpu.memory_space<vmem_shared>>)
      tpu.yield
    }) : () -> ()
    %add3A_88 = arith.constant 2304 : i32
    %add3A_89 = arith.addi %mul3A_15, %add3A_88 : i32
    "tpu.region"() ({
      %run_scoped3A = tpu.sem_alloc : memref<!tpu.dma_semaphore, #tpu.memory_space<semaphore_mem>>
      %dma_start3A = arith.constant 0 : i32
      %dma_start3A_108 = tpu.memref_slice %arg7[%add3A_89, %dma_start3A] : memref<40960x16xf32, #tpu.memory_space<vmem_shared>> -> memref<64x16xf32, #tpu.memory_space<vmem_shared>>
      %dma_start3A_109 = arith.constant 0 : i32
      %dma_start3A_110 = tpu.memref_slice %arg7[%add3A_89, %dma_start3A_109] : memref<40960x16xf32, #tpu.memory_space<vmem_shared>> -> memref<64x16xf32, #tpu.memory_space<vmem_shared>>
      tpu.enqueue_dma source(%arg6 : memref<64x16xf32, #tpu.memory_space<vmem>>) target(%dma_start3A_110 : memref<64x16xf32, #tpu.memory_space<vmem_shared>>) target_semaphore(%run_scoped3A : memref<!tpu.dma_semaphore, #tpu.memory_space<semaphore_mem>>)
      %dma_wait3A = arith.constant 0 : i32
      %dma_wait3A_111 = tpu.memref_slice %arg7[%add3A_89, %dma_wait3A] : memref<40960x16xf32, #tpu.memory_space<vmem_shared>> -> memref<64x16xf32, #tpu.memory_space<vmem_shared>>
      %dma_wait3A_112 = arith.constant 0 : i32
      %dma_wait3A_113 = tpu.memref_slice %arg7[%add3A_89, %dma_wait3A_112] : memref<40960x16xf32, #tpu.memory_space<vmem_shared>> -> memref<64x16xf32, #tpu.memory_space<vmem_shared>>
      tpu.wait_dma2 semaphore(%run_scoped3A : memref<!tpu.dma_semaphore, #tpu.memory_space<semaphore_mem>>) src(%arg6 : memref<64x16xf32, #tpu.memory_space<vmem>>) dst(%dma_wait3A_113 : memref<64x16xf32, #tpu.memory_space<vmem_shared>>)
      tpu.yield
    }) : () -> ()
    %add3A_90 = arith.constant 2368 : i32
    %add3A_91 = arith.addi %mul3A_15, %add3A_90 : i32
    "tpu.region"() ({
      %run_scoped3A = tpu.sem_alloc : memref<!tpu.dma_semaphore, #tpu.memory_space<semaphore_mem>>
      %dma_start3A = arith.constant 0 : i32
      %dma_start3A_108 = tpu.memref_slice %arg7[%add3A_91, %dma_start3A] : memref<40960x16xf32, #tpu.memory_space<vmem_shared>> -> memref<64x16xf32, #tpu.memory_space<vmem_shared>>
      %dma_start3A_109 = arith.constant 0 : i32
      %dma_start3A_110 = tpu.memref_slice %arg7[%add3A_91, %dma_start3A_109] : memref<40960x16xf32, #tpu.memory_space<vmem_shared>> -> memref<64x16xf32, #tpu.memory_space<vmem_shared>>
      tpu.enqueue_dma source(%arg6 : memref<64x16xf32, #tpu.memory_space<vmem>>) target(%dma_start3A_110 : memref<64x16xf32, #tpu.memory_space<vmem_shared>>) target_semaphore(%run_scoped3A : memref<!tpu.dma_semaphore, #tpu.memory_space<semaphore_mem>>)
      %dma_wait3A = arith.constant 0 : i32
      %dma_wait3A_111 = tpu.memref_slice %arg7[%add3A_91, %dma_wait3A] : memref<40960x16xf32, #tpu.memory_space<vmem_shared>> -> memref<64x16xf32, #tpu.memory_space<vmem_shared>>
      %dma_wait3A_112 = arith.constant 0 : i32
      %dma_wait3A_113 = tpu.memref_slice %arg7[%add3A_91, %dma_wait3A_112] : memref<40960x16xf32, #tpu.memory_space<vmem_shared>> -> memref<64x16xf32, #tpu.memory_space<vmem_shared>>
      tpu.wait_dma2 semaphore(%run_scoped3A : memref<!tpu.dma_semaphore, #tpu.memory_space<semaphore_mem>>) src(%arg6 : memref<64x16xf32, #tpu.memory_space<vmem>>) dst(%dma_wait3A_113 : memref<64x16xf32, #tpu.memory_space<vmem_shared>>)
      tpu.yield
    }) : () -> ()
    %add3A_92 = arith.constant 2432 : i32
    %add3A_93 = arith.addi %mul3A_15, %add3A_92 : i32
    "tpu.region"() ({
      %run_scoped3A = tpu.sem_alloc : memref<!tpu.dma_semaphore, #tpu.memory_space<semaphore_mem>>
      %dma_start3A = arith.constant 0 : i32
      %dma_start3A_108 = tpu.memref_slice %arg7[%add3A_93, %dma_start3A] : memref<40960x16xf32, #tpu.memory_space<vmem_shared>> -> memref<64x16xf32, #tpu.memory_space<vmem_shared>>
      %dma_start3A_109 = arith.constant 0 : i32
      %dma_start3A_110 = tpu.memref_slice %arg7[%add3A_93, %dma_start3A_109] : memref<40960x16xf32, #tpu.memory_space<vmem_shared>> -> memref<64x16xf32, #tpu.memory_space<vmem_shared>>
      tpu.enqueue_dma source(%arg6 : memref<64x16xf32, #tpu.memory_space<vmem>>) target(%dma_start3A_110 : memref<64x16xf32, #tpu.memory_space<vmem_shared>>) target_semaphore(%run_scoped3A : memref<!tpu.dma_semaphore, #tpu.memory_space<semaphore_mem>>)
      %dma_wait3A = arith.constant 0 : i32
      %dma_wait3A_111 = tpu.memref_slice %arg7[%add3A_93, %dma_wait3A] : memref<40960x16xf32, #tpu.memory_space<vmem_shared>> -> memref<64x16xf32, #tpu.memory_space<vmem_shared>>
      %dma_wait3A_112 = arith.constant 0 : i32
      %dma_wait3A_113 = tpu.memref_slice %arg7[%add3A_93, %dma_wait3A_112] : memref<40960x16xf32, #tpu.memory_space<vmem_shared>> -> memref<64x16xf32, #tpu.memory_space<vmem_shared>>
      tpu.wait_dma2 semaphore(%run_scoped3A : memref<!tpu.dma_semaphore, #tpu.memory_space<semaphore_mem>>) src(%arg6 : memref<64x16xf32, #tpu.memory_space<vmem>>) dst(%dma_wait3A_113 : memref<64x16xf32, #tpu.memory_space<vmem_shared>>)
      tpu.yield
    }) : () -> ()
    %add3A_94 = arith.constant 2496 : i32
    %add3A_95 = arith.addi %mul3A_15, %add3A_94 : i32
    "tpu.region"() ({
      %run_scoped3A = tpu.sem_alloc : memref<!tpu.dma_semaphore, #tpu.memory_space<semaphore_mem>>
      %dma_start3A = arith.constant 0 : i32
      %dma_start3A_108 = tpu.memref_slice %arg7[%add3A_95, %dma_start3A] : memref<40960x16xf32, #tpu.memory_space<vmem_shared>> -> memref<64x16xf32, #tpu.memory_space<vmem_shared>>
      %dma_start3A_109 = arith.constant 0 : i32
      %dma_start3A_110 = tpu.memref_slice %arg7[%add3A_95, %dma_start3A_109] : memref<40960x16xf32, #tpu.memory_space<vmem_shared>> -> memref<64x16xf32, #tpu.memory_space<vmem_shared>>
      tpu.enqueue_dma source(%arg6 : memref<64x16xf32, #tpu.memory_space<vmem>>) target(%dma_start3A_110 : memref<64x16xf32, #tpu.memory_space<vmem_shared>>) target_semaphore(%run_scoped3A : memref<!tpu.dma_semaphore, #tpu.memory_space<semaphore_mem>>)
      %dma_wait3A = arith.constant 0 : i32
      %dma_wait3A_111 = tpu.memref_slice %arg7[%add3A_95, %dma_wait3A] : memref<40960x16xf32, #tpu.memory_space<vmem_shared>> -> memref<64x16xf32, #tpu.memory_space<vmem_shared>>
      %dma_wait3A_112 = arith.constant 0 : i32
      %dma_wait3A_113 = tpu.memref_slice %arg7[%add3A_95, %dma_wait3A_112] : memref<40960x16xf32, #tpu.memory_space<vmem_shared>> -> memref<64x16xf32, #tpu.memory_space<vmem_shared>>
      tpu.wait_dma2 semaphore(%run_scoped3A : memref<!tpu.dma_semaphore, #tpu.memory_space<semaphore_mem>>) src(%arg6 : memref<64x16xf32, #tpu.memory_space<vmem>>) dst(%dma_wait3A_113 : memref<64x16xf32, #tpu.memory_space<vmem_shared>>)
      tpu.yield
    }) : () -> ()
    "tpu.region"() ({
      %run_scoped3A = tpu.sem_alloc : memref<!tpu.dma_semaphore, #tpu.memory_space<semaphore_mem>>
      %dma_start3A = arith.constant 0 : i32
      %dma_start3A_108 = arith.constant 0 : i32
      %dma_start3A_109 = tpu.memref_slice %arg2[%add3A, %dma_start3A, %dma_start3A_108] : memref<32x80x128xi32, #tpu.memory_space<hbm>> -> memref<1x80x128xi32, #tpu.memory_space<hbm>>
      %dma_start3A_110 = tpu.memref_squeeze %dma_start3A_109 : memref<1x80x128xi32, #tpu.memory_space<hbm>> -> memref<80x128xi32, #tpu.memory_space<hbm>>
      %dma_start3A_111 = arith.constant 0 : i32
      %dma_start3A_112 = arith.constant 0 : i32
      %dma_start3A_113 = tpu.memref_slice %arg2[%add3A, %dma_start3A_111, %dma_start3A_112] : memref<32x80x128xi32, #tpu.memory_space<hbm>> -> memref<1x80x128xi32, #tpu.memory_space<hbm>>
      %dma_start3A_114 = tpu.memref_squeeze %dma_start3A_113 : memref<1x80x128xi32, #tpu.memory_space<hbm>> -> memref<80x128xi32, #tpu.memory_space<hbm>>
      tpu.enqueue_dma source(%dma_start3A_114 : memref<80x128xi32, #tpu.memory_space<hbm>>) target(%arg4 : memref<80x128xi32, #tpu.memory_space<vmem>>) target_semaphore(%run_scoped3A : memref<!tpu.dma_semaphore, #tpu.memory_space<semaphore_mem>>)
      %dma_wait3A = arith.constant 0 : i32
      %dma_wait3A_115 = arith.constant 0 : i32
      %dma_wait3A_116 = tpu.memref_slice %arg2[%add3A, %dma_wait3A, %dma_wait3A_115] : memref<32x80x128xi32, #tpu.memory_space<hbm>> -> memref<1x80x128xi32, #tpu.memory_space<hbm>>
      %dma_wait3A_117 = tpu.memref_squeeze %dma_wait3A_116 : memref<1x80x128xi32, #tpu.memory_space<hbm>> -> memref<80x128xi32, #tpu.memory_space<hbm>>
      %dma_wait3A_118 = arith.constant 0 : i32
      %dma_wait3A_119 = arith.constant 0 : i32
      %dma_wait3A_120 = tpu.memref_slice %arg2[%add3A, %dma_wait3A_118, %dma_wait3A_119] : memref<32x80x128xi32, #tpu.memory_space<hbm>> -> memref<1x80x128xi32, #tpu.memory_space<hbm>>
      %dma_wait3A_121 = tpu.memref_squeeze %dma_wait3A_120 : memref<1x80x128xi32, #tpu.memory_space<hbm>> -> memref<80x128xi32, #tpu.memory_space<hbm>>
      tpu.wait_dma2 semaphore(%run_scoped3A : memref<!tpu.dma_semaphore, #tpu.memory_space<semaphore_mem>>) src(%dma_wait3A_121 : memref<80x128xi32, #tpu.memory_space<hbm>>) dst(%arg4 : memref<80x128xi32, #tpu.memory_space<vmem>>)
      tpu.yield
    }) : () -> ()
    %barrier3A = arith.constant 0 : index
    tpu.barrier barrier_id(%barrier3A)
    %scan3A_96 = arith.constant 0 : i32
    %scan3A_97 = arith.constant 0 : i32
    %scan3A_98 = arith.constant 80 : i32
    %scan3A_99 = arith.addi %scan3A_97, %scan3A_98 : i32
    %scan3A_100 = arith.constant 1 : i32
    %scan3A_101 = scf.for %scan3A_108 = %scan3A_97 to %scan3A_99 step %scan3A_100 iter_args(%scan3A_109 = %scan3A_96) -> (i32)  : i32 {
      "tpu.region"() ({
        %run_scoped3A = tpu.sem_alloc : memref<!tpu.dma_semaphore, #tpu.memory_space<semaphore_mem>>
        %dma_start3A = arith.constant 0 : i32
        %dma_start3A_111 = tpu.memref_slice %arg4[%scan3A_108, %dma_start3A] : memref<80x128xi32, #tpu.memory_space<vmem>> -> memref<1x128xi32, #tpu.memory_space<vmem>>
        %dma_start3A_112 = tpu.memref_squeeze %dma_start3A_111 : memref<1x128xi32, #tpu.memory_space<vmem>> -> memref<128xi32, #tpu.memory_space<vmem>>
        %dma_start3A_113 = arith.constant 0 : i32
        %dma_start3A_114 = arith.constant 0 : i32
        %dma_start3A_115 = tpu.memref_slice %arg7[%dma_start3A_113, %dma_start3A_114] : memref<40960x16xf32, #tpu.memory_space<vmem_shared>> -> memref<40960x16xf32, #tpu.memory_space<vmem_shared>>
        tpu.enqueue_indirect_dma source(%arg5 : memref<128x16xf32, #tpu.memory_space<vmem>>) target(%dma_start3A_115 : memref<40960x16xf32, #tpu.memory_space<vmem_shared>>) offsets(%dma_start3A_112 : memref<128xi32, #tpu.memory_space<vmem>>) semaphore(%run_scoped3A : memref<!tpu.dma_semaphore, #tpu.memory_space<semaphore_mem>>) {add = true}
        %dma_wait3A = arith.constant 0 : i32
        %dma_wait3A_116 = tpu.memref_slice %arg4[%scan3A_108, %dma_wait3A] : memref<80x128xi32, #tpu.memory_space<vmem>> -> memref<1x128xi32, #tpu.memory_space<vmem>>
        %dma_wait3A_117 = tpu.memref_squeeze %dma_wait3A_116 : memref<1x128xi32, #tpu.memory_space<vmem>> -> memref<128xi32, #tpu.memory_space<vmem>>
        %dma_wait3A_118 = arith.constant 0 : i32
        %dma_wait3A_119 = arith.constant 0 : i32
        %dma_wait3A_120 = tpu.memref_slice %arg7[%dma_wait3A_118, %dma_wait3A_119] : memref<40960x16xf32, #tpu.memory_space<vmem_shared>> -> memref<40960x16xf32, #tpu.memory_space<vmem_shared>>
        tpu.wait_indirect_dma semaphore(%run_scoped3A : memref<!tpu.dma_semaphore, #tpu.memory_space<semaphore_mem>>) src(%arg5 : memref<128x16xf32, #tpu.memory_space<vmem>>) dst(%dma_wait3A_120 : memref<40960x16xf32, #tpu.memory_space<vmem_shared>>)
        tpu.yield
      }) : () -> ()
      %scan3A_110 = arith.constant 0 : i32
      scf.yield %scan3A_110 : i32
    }
    %scan3A_102 = arith.constant 80 : i32
    %barrier3A_103 = arith.constant 0 : index
    tpu.barrier barrier_id(%barrier3A_103)
    %mul3A_104 = arith.constant 2560 : i32
    %mul3A_105 = arith.muli %arg1, %mul3A_104 : i32
    %mul3A_106 = arith.constant 2560 : i32
    %mul3A_107 = arith.muli %arg1, %mul3A_106 : i32
    "tpu.region"() ({
      %run_scoped3A = tpu.sem_alloc : memref<!tpu.dma_semaphore, #tpu.memory_space<semaphore_mem>>
      %dma_start3A = arith.constant 0 : i32
      %dma_start3A_108 = tpu.memref_slice %arg3[%arg0, %mul3A_107, %dma_start3A] : memref<2x40960x16xf32, #tpu.memory_space<hbm>> -> memref<1x2560x16xf32, #tpu.memory_space<hbm>>
      %dma_start3A_109 = tpu.memref_squeeze %dma_start3A_108 : memref<1x2560x16xf32, #tpu.memory_space<hbm>> -> memref<2560x16xf32, #tpu.memory_space<hbm>>
      %dma_start3A_110 = arith.constant 0 : i32
      %dma_start3A_111 = tpu.memref_slice %arg7[%mul3A_105, %dma_start3A_110] : memref<40960x16xf32, #tpu.memory_space<vmem_shared>> -> memref<2560x16xf32, #tpu.memory_space<vmem_shared>>
      tpu.enqueue_dma source(%dma_start3A_111 : memref<2560x16xf32, #tpu.memory_space<vmem_shared>>) target(%dma_start3A_109 : memref<2560x16xf32, #tpu.memory_space<hbm>>) target_semaphore(%run_scoped3A : memref<!tpu.dma_semaphore, #tpu.memory_space<semaphore_mem>>)
      %dma_wait3A = arith.constant 0 : i32
      %dma_wait3A_112 = tpu.memref_slice %arg3[%arg0, %mul3A_107, %dma_wait3A] : memref<2x40960x16xf32, #tpu.memory_space<hbm>> -> memref<1x2560x16xf32, #tpu.memory_space<hbm>>
      %dma_wait3A_113 = tpu.memref_squeeze %dma_wait3A_112 : memref<1x2560x16xf32, #tpu.memory_space<hbm>> -> memref<2560x16xf32, #tpu.memory_space<hbm>>
      %dma_wait3A_114 = arith.constant 0 : i32
      %dma_wait3A_115 = tpu.memref_slice %arg7[%mul3A_105, %dma_wait3A_114] : memref<40960x16xf32, #tpu.memory_space<vmem_shared>> -> memref<2560x16xf32, #tpu.memory_space<vmem_shared>>
      tpu.wait_dma2 semaphore(%run_scoped3A : memref<!tpu.dma_semaphore, #tpu.memory_space<semaphore_mem>>) src(%dma_wait3A_115 : memref<2560x16xf32, #tpu.memory_space<vmem_shared>>) dst(%dma_wait3A_113 : memref<2560x16xf32, #tpu.memory_space<hbm>>)
      tpu.yield
    }) : () -> ()
    return
  }
}

#map = affine_map<(d0, d1) -> (0, 0)>
#map1 = affine_map<(d0, d1) -> (0, 0, 0)>
module attributes {stable_mosaic.version = 14 : i64} {
  func.func @_edge_body(%arg0: i32, %arg1: i32, %arg2: memref<40000x64xf32, #tpu.memory_space<hbm>>, %arg3: memref<40000x128xf32, #tpu.memory_space<hbm>>, %arg4: memref<2560x128xi32, #tpu.memory_space<hbm>>, %arg5: memref<2560x128xi32, #tpu.memory_space<hbm>>, %arg6: memref<2560x128xi32, #tpu.memory_space<hbm>>, %arg7: memref<2x10240x64xf32, #tpu.memory_space<hbm>>, %arg8: memref<108x128xi32, #tpu.memory_space<vmem>>, %arg9: memref<108x128xi32, #tpu.memory_space<vmem>>, %arg10: memref<108x128xi32, #tpu.memory_space<vmem>>, %arg11: memref<128x64xf32, #tpu.memory_space<vmem>>, %arg12: memref<128x128xf32, #tpu.memory_space<vmem>>, %arg13: memref<128x64xf32, #tpu.memory_space<vmem>>, %arg14: memref<64x64xf32, #tpu.memory_space<vmem>>, %arg15: memref<10240x64xf32, #tpu.memory_space<vmem_shared>>, %arg16: memref<!tpu.dma_semaphore, #tpu.memory_space<semaphore_mem>>, %arg17: memref<!tpu.dma_semaphore, #tpu.memory_space<semaphore_mem>>, %arg18: memref<!tpu.dma_semaphore, #tpu.memory_space<semaphore_mem>>, %arg19: memref<!tpu.dma_semaphore, #tpu.memory_space<semaphore_mem>>) attributes {dimension_semantics = [#tpu.dimension_semantics<core_parallel>, #tpu.dimension_semantics<subcore_parallel>], iteration_bounds = array<i64: 2, 16>, scalar_prefetch = 0 : i64, scratch_operands = 12 : i64, tpu.core_type = #tpu.core_type<sc_vector_subcore>, window_params = [{transform_indices = #map}, {transform_indices = #map}, {transform_indices = #map}, {transform_indices = #map}, {transform_indices = #map}, {transform_indices = #map1}]} {
    %scan3A = arith.constant 0 : i32
    %scan3A_0 = arith.constant 0 : i32
    %scan3A_1 = arith.constant 64 : i32
    %scan3A_2 = arith.addi %scan3A_0, %scan3A_1 : i32
    %scan3A_3 = arith.constant 1 : i32
    %scan3A_4 = scf.for %scan3A_55 = %scan3A_0 to %scan3A_2 step %scan3A_3 iter_args(%scan3A_56 = %scan3A) -> (i32)  : i32 {
      %broadcast_in_dim3A = arith.constant 0.000000e+00 : f32
      %broadcast_in_dim3A_57 = vector.broadcast %broadcast_in_dim3A : f32 to vector<16xf32>
      %swap3A = arith.index_cast %scan3A_55 : i32 to index
      %swap3A_58 = arith.constant 0 : index
      %swap3A_59 = tpu.vector_load %arg14[%swap3A, %swap3A_58] {strides = array<i32>} : memref<64x64xf32, #tpu.memory_space<vmem>>, vector<1x16xf32>,
      %swap3A_60 = vector.shape_cast %swap3A_59 : vector<1x16xf32> to vector<16xf32>
      %swap3A_61 = vector.shape_cast %broadcast_in_dim3A_57 : vector<16xf32> to vector<1x16xf32>
      tpu.vector_store %arg14[%swap3A, %swap3A_58], %swap3A_61 {strides = array<i32>} : memref<64x64xf32, #tpu.memory_space<vmem>>, vector<1x16xf32>,
      %broadcast_in_dim3A_62 = arith.constant 0.000000e+00 : f32
      %broadcast_in_dim3A_63 = vector.broadcast %broadcast_in_dim3A_62 : f32 to vector<16xf32>
      %swap3A_64 = arith.index_cast %scan3A_55 : i32 to index
      %swap3A_65 = arith.constant 16 : index
      %swap3A_66 = tpu.vector_load %arg14[%swap3A_64, %swap3A_65] {strides = array<i32>} : memref<64x64xf32, #tpu.memory_space<vmem>>, vector<1x16xf32>,
      %swap3A_67 = vector.shape_cast %swap3A_66 : vector<1x16xf32> to vector<16xf32>
      %swap3A_68 = vector.shape_cast %broadcast_in_dim3A_63 : vector<16xf32> to vector<1x16xf32>
      tpu.vector_store %arg14[%swap3A_64, %swap3A_65], %swap3A_68 {strides = array<i32>} : memref<64x64xf32, #tpu.memory_space<vmem>>, vector<1x16xf32>,
      %broadcast_in_dim3A_69 = arith.constant 0.000000e+00 : f32
      %broadcast_in_dim3A_70 = vector.broadcast %broadcast_in_dim3A_69 : f32 to vector<16xf32>
      %swap3A_71 = arith.index_cast %scan3A_55 : i32 to index
      %swap3A_72 = arith.constant 32 : index
      %swap3A_73 = tpu.vector_load %arg14[%swap3A_71, %swap3A_72] {strides = array<i32>} : memref<64x64xf32, #tpu.memory_space<vmem>>, vector<1x16xf32>,
      %swap3A_74 = vector.shape_cast %swap3A_73 : vector<1x16xf32> to vector<16xf32>
      %swap3A_75 = vector.shape_cast %broadcast_in_dim3A_70 : vector<16xf32> to vector<1x16xf32>
      tpu.vector_store %arg14[%swap3A_71, %swap3A_72], %swap3A_75 {strides = array<i32>} : memref<64x64xf32, #tpu.memory_space<vmem>>, vector<1x16xf32>,
      %broadcast_in_dim3A_76 = arith.constant 0.000000e+00 : f32
      %broadcast_in_dim3A_77 = vector.broadcast %broadcast_in_dim3A_76 : f32 to vector<16xf32>
      %swap3A_78 = arith.index_cast %scan3A_55 : i32 to index
      %swap3A_79 = arith.constant 48 : index
      %swap3A_80 = tpu.vector_load %arg14[%swap3A_78, %swap3A_79] {strides = array<i32>} : memref<64x64xf32, #tpu.memory_space<vmem>>, vector<1x16xf32>,
      %swap3A_81 = vector.shape_cast %swap3A_80 : vector<1x16xf32> to vector<16xf32>
      %swap3A_82 = vector.shape_cast %broadcast_in_dim3A_77 : vector<16xf32> to vector<1x16xf32>
      tpu.vector_store %arg14[%swap3A_78, %swap3A_79], %swap3A_82 {strides = array<i32>} : memref<64x64xf32, #tpu.memory_space<vmem>>, vector<1x16xf32>,
      %scan3A_83 = arith.constant 0 : i32
      scf.yield %scan3A_83 : i32
    }
    %scan3A_5 = arith.constant 64 : i32
    %mul3A = arith.constant 640 : i32
    %mul3A_6 = arith.muli %arg1, %mul3A : i32
    %add3A = arith.constant 0 : i32
    %add3A_7 = arith.addi %mul3A_6, %add3A : i32
    "tpu.region"() ({
      %run_scoped3A = tpu.sem_alloc : memref<!tpu.dma_semaphore, #tpu.memory_space<semaphore_mem>>
      %dma_start3A = arith.constant 0 : i32
      %dma_start3A_55 = tpu.memref_slice %arg15[%add3A_7, %dma_start3A] : memref<10240x64xf32, #tpu.memory_space<vmem_shared>> -> memref<64x64xf32, #tpu.memory_space<vmem_shared>>
      %dma_start3A_56 = arith.constant 0 : i32
      %dma_start3A_57 = tpu.memref_slice %arg15[%add3A_7, %dma_start3A_56] : memref<10240x64xf32, #tpu.memory_space<vmem_shared>> -> memref<64x64xf32, #tpu.memory_space<vmem_shared>>
      tpu.enqueue_dma source(%arg14 : memref<64x64xf32, #tpu.memory_space<vmem>>) target(%dma_start3A_57 : memref<64x64xf32, #tpu.memory_space<vmem_shared>>) target_semaphore(%run_scoped3A : memref<!tpu.dma_semaphore, #tpu.memory_space<semaphore_mem>>)
      %dma_wait3A = arith.constant 0 : i32
      %dma_wait3A_58 = tpu.memref_slice %arg15[%add3A_7, %dma_wait3A] : memref<10240x64xf32, #tpu.memory_space<vmem_shared>> -> memref<64x64xf32, #tpu.memory_space<vmem_shared>>
      %dma_wait3A_59 = arith.constant 0 : i32
      %dma_wait3A_60 = tpu.memref_slice %arg15[%add3A_7, %dma_wait3A_59] : memref<10240x64xf32, #tpu.memory_space<vmem_shared>> -> memref<64x64xf32, #tpu.memory_space<vmem_shared>>
      tpu.wait_dma2 semaphore(%run_scoped3A : memref<!tpu.dma_semaphore, #tpu.memory_space<semaphore_mem>>) src(%arg14 : memref<64x64xf32, #tpu.memory_space<vmem>>) dst(%dma_wait3A_60 : memref<64x64xf32, #tpu.memory_space<vmem_shared>>)
      tpu.yield
    }) : () -> ()
    %mul3A_8 = arith.constant 640 : i32
    %mul3A_9 = arith.muli %arg1, %mul3A_8 : i32
    %add3A_10 = arith.constant 64 : i32
    %add3A_11 = arith.addi %mul3A_9, %add3A_10 : i32
    "tpu.region"() ({
      %run_scoped3A = tpu.sem_alloc : memref<!tpu.dma_semaphore, #tpu.memory_space<semaphore_mem>>
      %dma_start3A = arith.constant 0 : i32
      %dma_start3A_55 = tpu.memref_slice %arg15[%add3A_11, %dma_start3A] : memref<10240x64xf32, #tpu.memory_space<vmem_shared>> -> memref<64x64xf32, #tpu.memory_space<vmem_shared>>
      %dma_start3A_56 = arith.constant 0 : i32
      %dma_start3A_57 = tpu.memref_slice %arg15[%add3A_11, %dma_start3A_56] : memref<10240x64xf32, #tpu.memory_space<vmem_shared>> -> memref<64x64xf32, #tpu.memory_space<vmem_shared>>
      tpu.enqueue_dma source(%arg14 : memref<64x64xf32, #tpu.memory_space<vmem>>) target(%dma_start3A_57 : memref<64x64xf32, #tpu.memory_space<vmem_shared>>) target_semaphore(%run_scoped3A : memref<!tpu.dma_semaphore, #tpu.memory_space<semaphore_mem>>)
      %dma_wait3A = arith.constant 0 : i32
      %dma_wait3A_58 = tpu.memref_slice %arg15[%add3A_11, %dma_wait3A] : memref<10240x64xf32, #tpu.memory_space<vmem_shared>> -> memref<64x64xf32, #tpu.memory_space<vmem_shared>>
      %dma_wait3A_59 = arith.constant 0 : i32
      %dma_wait3A_60 = tpu.memref_slice %arg15[%add3A_11, %dma_wait3A_59] : memref<10240x64xf32, #tpu.memory_space<vmem_shared>> -> memref<64x64xf32, #tpu.memory_space<vmem_shared>>
      tpu.wait_dma2 semaphore(%run_scoped3A : memref<!tpu.dma_semaphore, #tpu.memory_space<semaphore_mem>>) src(%arg14 : memref<64x64xf32, #tpu.memory_space<vmem>>) dst(%dma_wait3A_60 : memref<64x64xf32, #tpu.memory_space<vmem_shared>>)
      tpu.yield
    }) : () -> ()
    %mul3A_12 = arith.constant 640 : i32
    %mul3A_13 = arith.muli %arg1, %mul3A_12 : i32
    %add3A_14 = arith.constant 128 : i32
    %add3A_15 = arith.addi %mul3A_13, %add3A_14 : i32
    "tpu.region"() ({
      %run_scoped3A = tpu.sem_alloc : memref<!tpu.dma_semaphore, #tpu.memory_space<semaphore_mem>>
      %dma_start3A = arith.constant 0 : i32
      %dma_start3A_55 = tpu.memref_slice %arg15[%add3A_15, %dma_start3A] : memref<10240x64xf32, #tpu.memory_space<vmem_shared>> -> memref<64x64xf32, #tpu.memory_space<vmem_shared>>
      %dma_start3A_56 = arith.constant 0 : i32
      %dma_start3A_57 = tpu.memref_slice %arg15[%add3A_15, %dma_start3A_56] : memref<10240x64xf32, #tpu.memory_space<vmem_shared>> -> memref<64x64xf32, #tpu.memory_space<vmem_shared>>
      tpu.enqueue_dma source(%arg14 : memref<64x64xf32, #tpu.memory_space<vmem>>) target(%dma_start3A_57 : memref<64x64xf32, #tpu.memory_space<vmem_shared>>) target_semaphore(%run_scoped3A : memref<!tpu.dma_semaphore, #tpu.memory_space<semaphore_mem>>)
      %dma_wait3A = arith.constant 0 : i32
      %dma_wait3A_58 = tpu.memref_slice %arg15[%add3A_15, %dma_wait3A] : memref<10240x64xf32, #tpu.memory_space<vmem_shared>> -> memref<64x64xf32, #tpu.memory_space<vmem_shared>>
      %dma_wait3A_59 = arith.constant 0 : i32
      %dma_wait3A_60 = tpu.memref_slice %arg15[%add3A_15, %dma_wait3A_59] : memref<10240x64xf32, #tpu.memory_space<vmem_shared>> -> memref<64x64xf32, #tpu.memory_space<vmem_shared>>
      tpu.wait_dma2 semaphore(%run_scoped3A : memref<!tpu.dma_semaphore, #tpu.memory_space<semaphore_mem>>) src(%arg14 : memref<64x64xf32, #tpu.memory_space<vmem>>) dst(%dma_wait3A_60 : memref<64x64xf32, #tpu.memory_space<vmem_shared>>)
      tpu.yield
    }) : () -> ()
    %mul3A_16 = arith.constant 640 : i32
    %mul3A_17 = arith.muli %arg1, %mul3A_16 : i32
    %add3A_18 = arith.constant 192 : i32
    %add3A_19 = arith.addi %mul3A_17, %add3A_18 : i32
    "tpu.region"() ({
      %run_scoped3A = tpu.sem_alloc : memref<!tpu.dma_semaphore, #tpu.memory_space<semaphore_mem>>
      %dma_start3A = arith.constant 0 : i32
      %dma_start3A_55 = tpu.memref_slice %arg15[%add3A_19, %dma_start3A] : memref<10240x64xf32, #tpu.memory_space<vmem_shared>> -> memref<64x64xf32, #tpu.memory_space<vmem_shared>>
      %dma_start3A_56 = arith.constant 0 : i32
      %dma_start3A_57 = tpu.memref_slice %arg15[%add3A_19, %dma_start3A_56] : memref<10240x64xf32, #tpu.memory_space<vmem_shared>> -> memref<64x64xf32, #tpu.memory_space<vmem_shared>>
      tpu.enqueue_dma source(%arg14 : memref<64x64xf32, #tpu.memory_space<vmem>>) target(%dma_start3A_57 : memref<64x64xf32, #tpu.memory_space<vmem_shared>>) target_semaphore(%run_scoped3A : memref<!tpu.dma_semaphore, #tpu.memory_space<semaphore_mem>>)
      %dma_wait3A = arith.constant 0 : i32
      %dma_wait3A_58 = tpu.memref_slice %arg15[%add3A_19, %dma_wait3A] : memref<10240x64xf32, #tpu.memory_space<vmem_shared>> -> memref<64x64xf32, #tpu.memory_space<vmem_shared>>
      %dma_wait3A_59 = arith.constant 0 : i32
      %dma_wait3A_60 = tpu.memref_slice %arg15[%add3A_19, %dma_wait3A_59] : memref<10240x64xf32, #tpu.memory_space<vmem_shared>> -> memref<64x64xf32, #tpu.memory_space<vmem_shared>>
      tpu.wait_dma2 semaphore(%run_scoped3A : memref<!tpu.dma_semaphore, #tpu.memory_space<semaphore_mem>>) src(%arg14 : memref<64x64xf32, #tpu.memory_space<vmem>>) dst(%dma_wait3A_60 : memref<64x64xf32, #tpu.memory_space<vmem_shared>>)
      tpu.yield
    }) : () -> ()
    %mul3A_20 = arith.constant 640 : i32
    %mul3A_21 = arith.muli %arg1, %mul3A_20 : i32
    %add3A_22 = arith.constant 256 : i32
    %add3A_23 = arith.addi %mul3A_21, %add3A_22 : i32
    "tpu.region"() ({
      %run_scoped3A = tpu.sem_alloc : memref<!tpu.dma_semaphore, #tpu.memory_space<semaphore_mem>>
      %dma_start3A = arith.constant 0 : i32
      %dma_start3A_55 = tpu.memref_slice %arg15[%add3A_23, %dma_start3A] : memref<10240x64xf32, #tpu.memory_space<vmem_shared>> -> memref<64x64xf32, #tpu.memory_space<vmem_shared>>
      %dma_start3A_56 = arith.constant 0 : i32
      %dma_start3A_57 = tpu.memref_slice %arg15[%add3A_23, %dma_start3A_56] : memref<10240x64xf32, #tpu.memory_space<vmem_shared>> -> memref<64x64xf32, #tpu.memory_space<vmem_shared>>
      tpu.enqueue_dma source(%arg14 : memref<64x64xf32, #tpu.memory_space<vmem>>) target(%dma_start3A_57 : memref<64x64xf32, #tpu.memory_space<vmem_shared>>) target_semaphore(%run_scoped3A : memref<!tpu.dma_semaphore, #tpu.memory_space<semaphore_mem>>)
      %dma_wait3A = arith.constant 0 : i32
      %dma_wait3A_58 = tpu.memref_slice %arg15[%add3A_23, %dma_wait3A] : memref<10240x64xf32, #tpu.memory_space<vmem_shared>> -> memref<64x64xf32, #tpu.memory_space<vmem_shared>>
      %dma_wait3A_59 = arith.constant 0 : i32
      %dma_wait3A_60 = tpu.memref_slice %arg15[%add3A_23, %dma_wait3A_59] : memref<10240x64xf32, #tpu.memory_space<vmem_shared>> -> memref<64x64xf32, #tpu.memory_space<vmem_shared>>
      tpu.wait_dma2 semaphore(%run_scoped3A : memref<!tpu.dma_semaphore, #tpu.memory_space<semaphore_mem>>) src(%arg14 : memref<64x64xf32, #tpu.memory_space<vmem>>) dst(%dma_wait3A_60 : memref<64x64xf32, #tpu.memory_space<vmem_shared>>)
      tpu.yield
    }) : () -> ()
    %mul3A_24 = arith.constant 640 : i32
    %mul3A_25 = arith.muli %arg1, %mul3A_24 : i32
    %add3A_26 = arith.constant 320 : i32
    %add3A_27 = arith.addi %mul3A_25, %add3A_26 : i32
    "tpu.region"() ({
      %run_scoped3A = tpu.sem_alloc : memref<!tpu.dma_semaphore, #tpu.memory_space<semaphore_mem>>
      %dma_start3A = arith.constant 0 : i32
      %dma_start3A_55 = tpu.memref_slice %arg15[%add3A_27, %dma_start3A] : memref<10240x64xf32, #tpu.memory_space<vmem_shared>> -> memref<64x64xf32, #tpu.memory_space<vmem_shared>>
      %dma_start3A_56 = arith.constant 0 : i32
      %dma_start3A_57 = tpu.memref_slice %arg15[%add3A_27, %dma_start3A_56] : memref<10240x64xf32, #tpu.memory_space<vmem_shared>> -> memref<64x64xf32, #tpu.memory_space<vmem_shared>>
      tpu.enqueue_dma source(%arg14 : memref<64x64xf32, #tpu.memory_space<vmem>>) target(%dma_start3A_57 : memref<64x64xf32, #tpu.memory_space<vmem_shared>>) target_semaphore(%run_scoped3A : memref<!tpu.dma_semaphore, #tpu.memory_space<semaphore_mem>>)
      %dma_wait3A = arith.constant 0 : i32
      %dma_wait3A_58 = tpu.memref_slice %arg15[%add3A_27, %dma_wait3A] : memref<10240x64xf32, #tpu.memory_space<vmem_shared>> -> memref<64x64xf32, #tpu.memory_space<vmem_shared>>
      %dma_wait3A_59 = arith.constant 0 : i32
      %dma_wait3A_60 = tpu.memref_slice %arg15[%add3A_27, %dma_wait3A_59] : memref<10240x64xf32, #tpu.memory_space<vmem_shared>> -> memref<64x64xf32, #tpu.memory_space<vmem_shared>>
      tpu.wait_dma2 semaphore(%run_scoped3A : memref<!tpu.dma_semaphore, #tpu.memory_space<semaphore_mem>>) src(%arg14 : memref<64x64xf32, #tpu.memory_space<vmem>>) dst(%dma_wait3A_60 : memref<64x64xf32, #tpu.memory_space<vmem_shared>>)
      tpu.yield
    }) : () -> ()
    %mul3A_28 = arith.constant 640 : i32
    %mul3A_29 = arith.muli %arg1, %mul3A_28 : i32
    %add3A_30 = arith.constant 384 : i32
    %add3A_31 = arith.addi %mul3A_29, %add3A_30 : i32
    "tpu.region"() ({
      %run_scoped3A = tpu.sem_alloc : memref<!tpu.dma_semaphore, #tpu.memory_space<semaphore_mem>>
      %dma_start3A = arith.constant 0 : i32
      %dma_start3A_55 = tpu.memref_slice %arg15[%add3A_31, %dma_start3A] : memref<10240x64xf32, #tpu.memory_space<vmem_shared>> -> memref<64x64xf32, #tpu.memory_space<vmem_shared>>
      %dma_start3A_56 = arith.constant 0 : i32
      %dma_start3A_57 = tpu.memref_slice %arg15[%add3A_31, %dma_start3A_56] : memref<10240x64xf32, #tpu.memory_space<vmem_shared>> -> memref<64x64xf32, #tpu.memory_space<vmem_shared>>
      tpu.enqueue_dma source(%arg14 : memref<64x64xf32, #tpu.memory_space<vmem>>) target(%dma_start3A_57 : memref<64x64xf32, #tpu.memory_space<vmem_shared>>) target_semaphore(%run_scoped3A : memref<!tpu.dma_semaphore, #tpu.memory_space<semaphore_mem>>)
      %dma_wait3A = arith.constant 0 : i32
      %dma_wait3A_58 = tpu.memref_slice %arg15[%add3A_31, %dma_wait3A] : memref<10240x64xf32, #tpu.memory_space<vmem_shared>> -> memref<64x64xf32, #tpu.memory_space<vmem_shared>>
      %dma_wait3A_59 = arith.constant 0 : i32
      %dma_wait3A_60 = tpu.memref_slice %arg15[%add3A_31, %dma_wait3A_59] : memref<10240x64xf32, #tpu.memory_space<vmem_shared>> -> memref<64x64xf32, #tpu.memory_space<vmem_shared>>
      tpu.wait_dma2 semaphore(%run_scoped3A : memref<!tpu.dma_semaphore, #tpu.memory_space<semaphore_mem>>) src(%arg14 : memref<64x64xf32, #tpu.memory_space<vmem>>) dst(%dma_wait3A_60 : memref<64x64xf32, #tpu.memory_space<vmem_shared>>)
      tpu.yield
    }) : () -> ()
    %mul3A_32 = arith.constant 640 : i32
    %mul3A_33 = arith.muli %arg1, %mul3A_32 : i32
    %add3A_34 = arith.constant 448 : i32
    %add3A_35 = arith.addi %mul3A_33, %add3A_34 : i32
    "tpu.region"() ({
      %run_scoped3A = tpu.sem_alloc : memref<!tpu.dma_semaphore, #tpu.memory_space<semaphore_mem>>
      %dma_start3A = arith.constant 0 : i32
      %dma_start3A_55 = tpu.memref_slice %arg15[%add3A_35, %dma_start3A] : memref<10240x64xf32, #tpu.memory_space<vmem_shared>> -> memref<64x64xf32, #tpu.memory_space<vmem_shared>>
      %dma_start3A_56 = arith.constant 0 : i32
      %dma_start3A_57 = tpu.memref_slice %arg15[%add3A_35, %dma_start3A_56] : memref<10240x64xf32, #tpu.memory_space<vmem_shared>> -> memref<64x64xf32, #tpu.memory_space<vmem_shared>>
      tpu.enqueue_dma source(%arg14 : memref<64x64xf32, #tpu.memory_space<vmem>>) target(%dma_start3A_57 : memref<64x64xf32, #tpu.memory_space<vmem_shared>>) target_semaphore(%run_scoped3A : memref<!tpu.dma_semaphore, #tpu.memory_space<semaphore_mem>>)
      %dma_wait3A = arith.constant 0 : i32
      %dma_wait3A_58 = tpu.memref_slice %arg15[%add3A_35, %dma_wait3A] : memref<10240x64xf32, #tpu.memory_space<vmem_shared>> -> memref<64x64xf32, #tpu.memory_space<vmem_shared>>
      %dma_wait3A_59 = arith.constant 0 : i32
      %dma_wait3A_60 = tpu.memref_slice %arg15[%add3A_35, %dma_wait3A_59] : memref<10240x64xf32, #tpu.memory_space<vmem_shared>> -> memref<64x64xf32, #tpu.memory_space<vmem_shared>>
      tpu.wait_dma2 semaphore(%run_scoped3A : memref<!tpu.dma_semaphore, #tpu.memory_space<semaphore_mem>>) src(%arg14 : memref<64x64xf32, #tpu.memory_space<vmem>>) dst(%dma_wait3A_60 : memref<64x64xf32, #tpu.memory_space<vmem_shared>>)
      tpu.yield
    }) : () -> ()
    %mul3A_36 = arith.constant 640 : i32
    %mul3A_37 = arith.muli %arg1, %mul3A_36 : i32
    %add3A_38 = arith.constant 512 : i32
    %add3A_39 = arith.addi %mul3A_37, %add3A_38 : i32
    "tpu.region"() ({
      %run_scoped3A = tpu.sem_alloc : memref<!tpu.dma_semaphore, #tpu.memory_space<semaphore_mem>>
      %dma_start3A = arith.constant 0 : i32
      %dma_start3A_55 = tpu.memref_slice %arg15[%add3A_39, %dma_start3A] : memref<10240x64xf32, #tpu.memory_space<vmem_shared>> -> memref<64x64xf32, #tpu.memory_space<vmem_shared>>
      %dma_start3A_56 = arith.constant 0 : i32
      %dma_start3A_57 = tpu.memref_slice %arg15[%add3A_39, %dma_start3A_56] : memref<10240x64xf32, #tpu.memory_space<vmem_shared>> -> memref<64x64xf32, #tpu.memory_space<vmem_shared>>
      tpu.enqueue_dma source(%arg14 : memref<64x64xf32, #tpu.memory_space<vmem>>) target(%dma_start3A_57 : memref<64x64xf32, #tpu.memory_space<vmem_shared>>) target_semaphore(%run_scoped3A : memref<!tpu.dma_semaphore, #tpu.memory_space<semaphore_mem>>)
      %dma_wait3A = arith.constant 0 : i32
      %dma_wait3A_58 = tpu.memref_slice %arg15[%add3A_39, %dma_wait3A] : memref<10240x64xf32, #tpu.memory_space<vmem_shared>> -> memref<64x64xf32, #tpu.memory_space<vmem_shared>>
      %dma_wait3A_59 = arith.constant 0 : i32
      %dma_wait3A_60 = tpu.memref_slice %arg15[%add3A_39, %dma_wait3A_59] : memref<10240x64xf32, #tpu.memory_space<vmem_shared>> -> memref<64x64xf32, #tpu.memory_space<vmem_shared>>
      tpu.wait_dma2 semaphore(%run_scoped3A : memref<!tpu.dma_semaphore, #tpu.memory_space<semaphore_mem>>) src(%arg14 : memref<64x64xf32, #tpu.memory_space<vmem>>) dst(%dma_wait3A_60 : memref<64x64xf32, #tpu.memory_space<vmem_shared>>)
      tpu.yield
    }) : () -> ()
    %mul3A_40 = arith.constant 640 : i32
    %mul3A_41 = arith.muli %arg1, %mul3A_40 : i32
    %add3A_42 = arith.constant 576 : i32
    %add3A_43 = arith.addi %mul3A_41, %add3A_42 : i32
    "tpu.region"() ({
      %run_scoped3A = tpu.sem_alloc : memref<!tpu.dma_semaphore, #tpu.memory_space<semaphore_mem>>
      %dma_start3A = arith.constant 0 : i32
      %dma_start3A_55 = tpu.memref_slice %arg15[%add3A_43, %dma_start3A] : memref<10240x64xf32, #tpu.memory_space<vmem_shared>> -> memref<64x64xf32, #tpu.memory_space<vmem_shared>>
      %dma_start3A_56 = arith.constant 0 : i32
      %dma_start3A_57 = tpu.memref_slice %arg15[%add3A_43, %dma_start3A_56] : memref<10240x64xf32, #tpu.memory_space<vmem_shared>> -> memref<64x64xf32, #tpu.memory_space<vmem_shared>>
      tpu.enqueue_dma source(%arg14 : memref<64x64xf32, #tpu.memory_space<vmem>>) target(%dma_start3A_57 : memref<64x64xf32, #tpu.memory_space<vmem_shared>>) target_semaphore(%run_scoped3A : memref<!tpu.dma_semaphore, #tpu.memory_space<semaphore_mem>>)
      %dma_wait3A = arith.constant 0 : i32
      %dma_wait3A_58 = tpu.memref_slice %arg15[%add3A_43, %dma_wait3A] : memref<10240x64xf32, #tpu.memory_space<vmem_shared>> -> memref<64x64xf32, #tpu.memory_space<vmem_shared>>
      %dma_wait3A_59 = arith.constant 0 : i32
      %dma_wait3A_60 = tpu.memref_slice %arg15[%add3A_43, %dma_wait3A_59] : memref<10240x64xf32, #tpu.memory_space<vmem_shared>> -> memref<64x64xf32, #tpu.memory_space<vmem_shared>>
      tpu.wait_dma2 semaphore(%run_scoped3A : memref<!tpu.dma_semaphore, #tpu.memory_space<semaphore_mem>>) src(%arg14 : memref<64x64xf32, #tpu.memory_space<vmem>>) dst(%dma_wait3A_60 : memref<64x64xf32, #tpu.memory_space<vmem_shared>>)
      tpu.yield
    }) : () -> ()
    %eq3A = arith.constant 0 : i32
    %eq3A_44 = arith.cmpi eq, %arg0, %eq3A : i32
    %convert_element_type3A = arith.extui %eq3A_44 : i1 to i32
    %cond3A = arith.constant 0 : i32
    %cond3A_45 = arith.cmpi ne, %convert_element_type3A, %cond3A : i32
    scf.if %cond3A_45 {
      %mul3A_55 = arith.constant 108 : i32
      %mul3A_56 = arith.muli %arg1, %mul3A_55 : i32
      "tpu.region"() ({
        %run_scoped3A = tpu.sem_alloc : memref<!tpu.dma_semaphore, #tpu.memory_space<semaphore_mem>>
        %dma_start3A = arith.constant 0 : i32
        %dma_start3A_65 = arith.constant 0 : i32
        %dma_start3A_66 = tpu.memref_slice %arg8[%dma_start3A, %dma_start3A_65] : memref<108x128xi32, #tpu.memory_space<vmem>> -> memref<108x128xi32, #tpu.memory_space<vmem>>
        %dma_start3A_67 = arith.constant 0 : i32
        %dma_start3A_68 = tpu.memref_slice %arg4[%mul3A_56, %dma_start3A_67] : memref<2560x128xi32, #tpu.memory_space<hbm>> -> memref<108x128xi32, #tpu.memory_space<hbm>>
        %dma_start3A_69 = arith.constant 0 : i32
        %dma_start3A_70 = arith.constant 0 : i32
        %dma_start3A_71 = tpu.memref_slice %arg8[%dma_start3A_69, %dma_start3A_70] : memref<108x128xi32, #tpu.memory_space<vmem>> -> memref<108x128xi32, #tpu.memory_space<vmem>>
        %dma_start3A_72 = arith.constant 0 : i32
        %dma_start3A_73 = tpu.memref_slice %arg4[%mul3A_56, %dma_start3A_72] : memref<2560x128xi32, #tpu.memory_space<hbm>> -> memref<108x128xi32, #tpu.memory_space<hbm>>
        tpu.enqueue_dma source(%dma_start3A_73 : memref<108x128xi32, #tpu.memory_space<hbm>>) target(%dma_start3A_71 : memref<108x128xi32, #tpu.memory_space<vmem>>) target_semaphore(%run_scoped3A : memref<!tpu.dma_semaphore, #tpu.memory_space<semaphore_mem>>)
        %dma_wait3A = arith.constant 0 : i32
        %dma_wait3A_74 = arith.constant 0 : i32
        %dma_wait3A_75 = tpu.memref_slice %arg8[%dma_wait3A, %dma_wait3A_74] : memref<108x128xi32, #tpu.memory_space<vmem>> -> memref<108x128xi32, #tpu.memory_space<vmem>>
        %dma_wait3A_76 = arith.constant 0 : i32
        %dma_wait3A_77 = tpu.memref_slice %arg4[%mul3A_56, %dma_wait3A_76] : memref<2560x128xi32, #tpu.memory_space<hbm>> -> memref<108x128xi32, #tpu.memory_space<hbm>>
        %dma_wait3A_78 = arith.constant 0 : i32
        %dma_wait3A_79 = arith.constant 0 : i32
        %dma_wait3A_80 = tpu.memref_slice %arg8[%dma_wait3A_78, %dma_wait3A_79] : memref<108x128xi32, #tpu.memory_space<vmem>> -> memref<108x128xi32, #tpu.memory_space<vmem>>
        %dma_wait3A_81 = arith.constant 0 : i32
        %dma_wait3A_82 = tpu.memref_slice %arg4[%mul3A_56, %dma_wait3A_81] : memref<2560x128xi32, #tpu.memory_space<hbm>> -> memref<108x128xi32, #tpu.memory_space<hbm>>
        tpu.wait_dma2 semaphore(%run_scoped3A : memref<!tpu.dma_semaphore, #tpu.memory_space<semaphore_mem>>) src(%dma_wait3A_82 : memref<108x128xi32, #tpu.memory_space<hbm>>) dst(%dma_wait3A_80 : memref<108x128xi32, #tpu.memory_space<vmem>>)
        tpu.yield
      }) : () -> ()
      "tpu.region"() ({
        %run_scoped3A = tpu.sem_alloc : memref<!tpu.dma_semaphore, #tpu.memory_space<semaphore_mem>>
        %dma_start3A = arith.constant 0 : i32
        %dma_start3A_65 = arith.constant 0 : i32
        %dma_start3A_66 = tpu.memref_slice %arg9[%dma_start3A, %dma_start3A_65] : memref<108x128xi32, #tpu.memory_space<vmem>> -> memref<108x128xi32, #tpu.memory_space<vmem>>
        %dma_start3A_67 = arith.constant 0 : i32
        %dma_start3A_68 = tpu.memref_slice %arg5[%mul3A_56, %dma_start3A_67] : memref<2560x128xi32, #tpu.memory_space<hbm>> -> memref<108x128xi32, #tpu.memory_space<hbm>>
        %dma_start3A_69 = arith.constant 0 : i32
        %dma_start3A_70 = arith.constant 0 : i32
        %dma_start3A_71 = tpu.memref_slice %arg9[%dma_start3A_69, %dma_start3A_70] : memref<108x128xi32, #tpu.memory_space<vmem>> -> memref<108x128xi32, #tpu.memory_space<vmem>>
        %dma_start3A_72 = arith.constant 0 : i32
        %dma_start3A_73 = tpu.memref_slice %arg5[%mul3A_56, %dma_start3A_72] : memref<2560x128xi32, #tpu.memory_space<hbm>> -> memref<108x128xi32, #tpu.memory_space<hbm>>
        tpu.enqueue_dma source(%dma_start3A_73 : memref<108x128xi32, #tpu.memory_space<hbm>>) target(%dma_start3A_71 : memref<108x128xi32, #tpu.memory_space<vmem>>) target_semaphore(%run_scoped3A : memref<!tpu.dma_semaphore, #tpu.memory_space<semaphore_mem>>)
        %dma_wait3A = arith.constant 0 : i32
        %dma_wait3A_74 = arith.constant 0 : i32
        %dma_wait3A_75 = tpu.memref_slice %arg9[%dma_wait3A, %dma_wait3A_74] : memref<108x128xi32, #tpu.memory_space<vmem>> -> memref<108x128xi32, #tpu.memory_space<vmem>>
        %dma_wait3A_76 = arith.constant 0 : i32
        %dma_wait3A_77 = tpu.memref_slice %arg5[%mul3A_56, %dma_wait3A_76] : memref<2560x128xi32, #tpu.memory_space<hbm>> -> memref<108x128xi32, #tpu.memory_space<hbm>>
        %dma_wait3A_78 = arith.constant 0 : i32
        %dma_wait3A_79 = arith.constant 0 : i32
        %dma_wait3A_80 = tpu.memref_slice %arg9[%dma_wait3A_78, %dma_wait3A_79] : memref<108x128xi32, #tpu.memory_space<vmem>> -> memref<108x128xi32, #tpu.memory_space<vmem>>
        %dma_wait3A_81 = arith.constant 0 : i32
        %dma_wait3A_82 = tpu.memref_slice %arg5[%mul3A_56, %dma_wait3A_81] : memref<2560x128xi32, #tpu.memory_space<hbm>> -> memref<108x128xi32, #tpu.memory_space<hbm>>
        tpu.wait_dma2 semaphore(%run_scoped3A : memref<!tpu.dma_semaphore, #tpu.memory_space<semaphore_mem>>) src(%dma_wait3A_82 : memref<108x128xi32, #tpu.memory_space<hbm>>) dst(%dma_wait3A_80 : memref<108x128xi32, #tpu.memory_space<vmem>>)
        tpu.yield
      }) : () -> ()
      "tpu.region"() ({
        %run_scoped3A = tpu.sem_alloc : memref<!tpu.dma_semaphore, #tpu.memory_space<semaphore_mem>>
        %dma_start3A = arith.constant 0 : i32
        %dma_start3A_65 = arith.constant 0 : i32
        %dma_start3A_66 = tpu.memref_slice %arg10[%dma_start3A, %dma_start3A_65] : memref<108x128xi32, #tpu.memory_space<vmem>> -> memref<108x128xi32, #tpu.memory_space<vmem>>
        %dma_start3A_67 = arith.constant 0 : i32
        %dma_start3A_68 = tpu.memref_slice %arg6[%mul3A_56, %dma_start3A_67] : memref<2560x128xi32, #tpu.memory_space<hbm>> -> memref<108x128xi32, #tpu.memory_space<hbm>>
        %dma_start3A_69 = arith.constant 0 : i32
        %dma_start3A_70 = arith.constant 0 : i32
        %dma_start3A_71 = tpu.memref_slice %arg10[%dma_start3A_69, %dma_start3A_70] : memref<108x128xi32, #tpu.memory_space<vmem>> -> memref<108x128xi32, #tpu.memory_space<vmem>>
        %dma_start3A_72 = arith.constant 0 : i32
        %dma_start3A_73 = tpu.memref_slice %arg6[%mul3A_56, %dma_start3A_72] : memref<2560x128xi32, #tpu.memory_space<hbm>> -> memref<108x128xi32, #tpu.memory_space<hbm>>
        tpu.enqueue_dma source(%dma_start3A_73 : memref<108x128xi32, #tpu.memory_space<hbm>>) target(%dma_start3A_71 : memref<108x128xi32, #tpu.memory_space<vmem>>) target_semaphore(%run_scoped3A : memref<!tpu.dma_semaphore, #tpu.memory_space<semaphore_mem>>)
        %dma_wait3A = arith.constant 0 : i32
        %dma_wait3A_74 = arith.constant 0 : i32
        %dma_wait3A_75 = tpu.memref_slice %arg10[%dma_wait3A, %dma_wait3A_74] : memref<108x128xi32, #tpu.memory_space<vmem>> -> memref<108x128xi32, #tpu.memory_space<vmem>>
        %dma_wait3A_76 = arith.constant 0 : i32
        %dma_wait3A_77 = tpu.memref_slice %arg6[%mul3A_56, %dma_wait3A_76] : memref<2560x128xi32, #tpu.memory_space<hbm>> -> memref<108x128xi32, #tpu.memory_space<hbm>>
        %dma_wait3A_78 = arith.constant 0 : i32
        %dma_wait3A_79 = arith.constant 0 : i32
        %dma_wait3A_80 = tpu.memref_slice %arg10[%dma_wait3A_78, %dma_wait3A_79] : memref<108x128xi32, #tpu.memory_space<vmem>> -> memref<108x128xi32, #tpu.memory_space<vmem>>
        %dma_wait3A_81 = arith.constant 0 : i32
        %dma_wait3A_82 = tpu.memref_slice %arg6[%mul3A_56, %dma_wait3A_81] : memref<2560x128xi32, #tpu.memory_space<hbm>> -> memref<108x128xi32, #tpu.memory_space<hbm>>
        tpu.wait_dma2 semaphore(%run_scoped3A : memref<!tpu.dma_semaphore, #tpu.memory_space<semaphore_mem>>) src(%dma_wait3A_82 : memref<108x128xi32, #tpu.memory_space<hbm>>) dst(%dma_wait3A_80 : memref<108x128xi32, #tpu.memory_space<vmem>>)
        tpu.yield
      }) : () -> ()
      %barrier3A_57 = arith.constant 0 : index
      tpu.barrier barrier_id(%barrier3A_57)
      %scan3A_58 = arith.constant 0 : i32
      %scan3A_59 = arith.constant 0 : i32
      %scan3A_60 = arith.constant 108 : i32
      %scan3A_61 = arith.addi %scan3A_59, %scan3A_60 : i32
      %scan3A_62 = arith.constant 1 : i32
      %scan3A_63 = scf.for %scan3A_65 = %scan3A_59 to %scan3A_61 step %scan3A_62 iter_args(%scan3A_66 = %scan3A_58) -> (i32)  : i32 {
        %dma_start3A = arith.constant 0 : i32
        %dma_start3A_67 = arith.constant 0 : i32
        %dma_start3A_68 = tpu.memref_slice %arg11[%dma_start3A, %dma_start3A_67] : memref<128x64xf32, #tpu.memory_space<vmem>> -> memref<64x64xf32, #tpu.memory_space<vmem>>
        %dma_start3A_69 = arith.constant 0 : i32
        %dma_start3A_70 = tpu.memref_slice %arg8[%scan3A_65, %dma_start3A_69] : memref<108x128xi32, #tpu.memory_space<vmem>> -> memref<1x64xi32, #tpu.memory_space<vmem>>
        %dma_start3A_71 = tpu.memref_squeeze %dma_start3A_70 : memref<1x64xi32, #tpu.memory_space<vmem>> -> memref<64xi32, #tpu.memory_space<vmem>>
        %dma_start3A_72 = arith.constant 0 : i32
        %dma_start3A_73 = arith.constant 0 : i32
        %dma_start3A_74 = tpu.memref_slice %arg2[%dma_start3A_72, %dma_start3A_73] : memref<40000x64xf32, #tpu.memory_space<hbm>> -> memref<40000x64xf32, #tpu.memory_space<hbm>>
        tpu.enqueue_indirect_dma source(%dma_start3A_74 : memref<40000x64xf32, #tpu.memory_space<hbm>>) target(%dma_start3A_68 : memref<64x64xf32, #tpu.memory_space<vmem>>) offsets(%dma_start3A_71 : memref<64xi32, #tpu.memory_space<vmem>>) semaphore(%arg16 : memref<!tpu.dma_semaphore, #tpu.memory_space<semaphore_mem>>)
        %dma_start3A_75 = arith.constant 64 : i32
        %dma_start3A_76 = arith.constant 0 : i32
        %dma_start3A_77 = tpu.memref_slice %arg11[%dma_start3A_75, %dma_start3A_76] : memref<128x64xf32, #tpu.memory_space<vmem>> -> memref<64x64xf32, #tpu.memory_space<vmem>>
        %dma_start3A_78 = arith.constant 64 : i32
        %dma_start3A_79 = tpu.memref_slice %arg8[%scan3A_65, %dma_start3A_78] : memref<108x128xi32, #tpu.memory_space<vmem>> -> memref<1x64xi32, #tpu.memory_space<vmem>>
        %dma_start3A_80 = tpu.memref_squeeze %dma_start3A_79 : memref<1x64xi32, #tpu.memory_space<vmem>> -> memref<64xi32, #tpu.memory_space<vmem>>
        %dma_start3A_81 = arith.constant 0 : i32
        %dma_start3A_82 = arith.constant 0 : i32
        %dma_start3A_83 = tpu.memref_slice %arg2[%dma_start3A_81, %dma_start3A_82] : memref<40000x64xf32, #tpu.memory_space<hbm>> -> memref<40000x64xf32, #tpu.memory_space<hbm>>
        tpu.enqueue_indirect_dma source(%dma_start3A_83 : memref<40000x64xf32, #tpu.memory_space<hbm>>) target(%dma_start3A_77 : memref<64x64xf32, #tpu.memory_space<vmem>>) offsets(%dma_start3A_80 : memref<64xi32, #tpu.memory_space<vmem>>) semaphore(%arg17 : memref<!tpu.dma_semaphore, #tpu.memory_space<semaphore_mem>>)
        %dma_start3A_84 = arith.constant 0 : i32
        %dma_start3A_85 = arith.constant 0 : i32
        %dma_start3A_86 = tpu.memref_slice %arg12[%dma_start3A_84, %dma_start3A_85] : memref<128x128xf32, #tpu.memory_space<vmem>> -> memref<64x128xf32, #tpu.memory_space<vmem>>
        %dma_start3A_87 = arith.constant 0 : i32
        %dma_start3A_88 = tpu.memref_slice %arg9[%scan3A_65, %dma_start3A_87] : memref<108x128xi32, #tpu.memory_space<vmem>> -> memref<1x64xi32, #tpu.memory_space<vmem>>
        %dma_start3A_89 = tpu.memref_squeeze %dma_start3A_88 : memref<1x64xi32, #tpu.memory_space<vmem>> -> memref<64xi32, #tpu.memory_space<vmem>>
        %dma_start3A_90 = arith.constant 0 : i32
        %dma_start3A_91 = arith.constant 0 : i32
        %dma_start3A_92 = tpu.memref_slice %arg3[%dma_start3A_90, %dma_start3A_91] : memref<40000x128xf32, #tpu.memory_space<hbm>> -> memref<40000x128xf32, #tpu.memory_space<hbm>>
        tpu.enqueue_indirect_dma source(%dma_start3A_92 : memref<40000x128xf32, #tpu.memory_space<hbm>>) target(%dma_start3A_86 : memref<64x128xf32, #tpu.memory_space<vmem>>) offsets(%dma_start3A_89 : memref<64xi32, #tpu.memory_space<vmem>>) semaphore(%arg18 : memref<!tpu.dma_semaphore, #tpu.memory_space<semaphore_mem>>)
        %dma_start3A_93 = arith.constant 64 : i32
        %dma_start3A_94 = arith.constant 0 : i32
        %dma_start3A_95 = tpu.memref_slice %arg12[%dma_start3A_93, %dma_start3A_94] : memref<128x128xf32, #tpu.memory_space<vmem>> -> memref<64x128xf32, #tpu.memory_space<vmem>>
        %dma_start3A_96 = arith.constant 64 : i32
        %dma_start3A_97 = tpu.memref_slice %arg9[%scan3A_65, %dma_start3A_96] : memref<108x128xi32, #tpu.memory_space<vmem>> -> memref<1x64xi32, #tpu.memory_space<vmem>>
        %dma_start3A_98 = tpu.memref_squeeze %dma_start3A_97 : memref<1x64xi32, #tpu.memory_space<vmem>> -> memref<64xi32, #tpu.memory_space<vmem>>
        %dma_start3A_99 = arith.constant 0 : i32
        %dma_start3A_100 = arith.constant 0 : i32
        %dma_start3A_101 = tpu.memref_slice %arg3[%dma_start3A_99, %dma_start3A_100] : memref<40000x128xf32, #tpu.memory_space<hbm>> -> memref<40000x128xf32, #tpu.memory_space<hbm>>
        tpu.enqueue_indirect_dma source(%dma_start3A_101 : memref<40000x128xf32, #tpu.memory_space<hbm>>) target(%dma_start3A_95 : memref<64x128xf32, #tpu.memory_space<vmem>>) offsets(%dma_start3A_98 : memref<64xi32, #tpu.memory_space<vmem>>) semaphore(%arg19 : memref<!tpu.dma_semaphore, #tpu.memory_space<semaphore_mem>>)
        %dma_wait3A = arith.constant 0 : i32
        %dma_wait3A_102 = arith.constant 0 : i32
        %dma_wait3A_103 = tpu.memref_slice %arg11[%dma_wait3A, %dma_wait3A_102] : memref<128x64xf32, #tpu.memory_space<vmem>> -> memref<64x64xf32, #tpu.memory_space<vmem>>
        %dma_wait3A_104 = arith.constant 0 : i32
        %dma_wait3A_105 = tpu.memref_slice %arg8[%scan3A_65, %dma_wait3A_104] : memref<108x128xi32, #tpu.memory_space<vmem>> -> memref<1x64xi32, #tpu.memory_space<vmem>>
        %dma_wait3A_106 = tpu.memref_squeeze %dma_wait3A_105 : memref<1x64xi32, #tpu.memory_space<vmem>> -> memref<64xi32, #tpu.memory_space<vmem>>
        %dma_wait3A_107 = arith.constant 0 : i32
        %dma_wait3A_108 = arith.constant 0 : i32
        %dma_wait3A_109 = tpu.memref_slice %arg2[%dma_wait3A_107, %dma_wait3A_108] : memref<40000x64xf32, #tpu.memory_space<hbm>> -> memref<40000x64xf32, #tpu.memory_space<hbm>>
        tpu.wait_indirect_dma semaphore(%arg16 : memref<!tpu.dma_semaphore, #tpu.memory_space<semaphore_mem>>) src(%dma_wait3A_109 : memref<40000x64xf32, #tpu.memory_space<hbm>>) dst(%dma_wait3A_103 : memref<64x64xf32, #tpu.memory_space<vmem>>)
        %dma_wait3A_110 = arith.constant 0 : i32
        %dma_wait3A_111 = arith.constant 0 : i32
        %dma_wait3A_112 = tpu.memref_slice %arg12[%dma_wait3A_110, %dma_wait3A_111] : memref<128x128xf32, #tpu.memory_space<vmem>> -> memref<64x128xf32, #tpu.memory_space<vmem>>
        %dma_wait3A_113 = arith.constant 0 : i32
        %dma_wait3A_114 = tpu.memref_slice %arg9[%scan3A_65, %dma_wait3A_113] : memref<108x128xi32, #tpu.memory_space<vmem>> -> memref<1x64xi32, #tpu.memory_space<vmem>>
        %dma_wait3A_115 = tpu.memref_squeeze %dma_wait3A_114 : memref<1x64xi32, #tpu.memory_space<vmem>> -> memref<64xi32, #tpu.memory_space<vmem>>
        %dma_wait3A_116 = arith.constant 0 : i32
        %dma_wait3A_117 = arith.constant 0 : i32
        %dma_wait3A_118 = tpu.memref_slice %arg3[%dma_wait3A_116, %dma_wait3A_117] : memref<40000x128xf32, #tpu.memory_space<hbm>> -> memref<40000x128xf32, #tpu.memory_space<hbm>>
        tpu.wait_indirect_dma semaphore(%arg18 : memref<!tpu.dma_semaphore, #tpu.memory_space<semaphore_mem>>) src(%dma_wait3A_118 : memref<40000x128xf32, #tpu.memory_space<hbm>>) dst(%dma_wait3A_112 : memref<64x128xf32, #tpu.memory_space<vmem>>)
        %scan3A_119 = arith.constant 0 : i32
        %scan3A_120 = arith.constant 0 : i32
        %scan3A_121 = arith.constant 64 : i32
        %scan3A_122 = arith.addi %scan3A_120, %scan3A_121 : i32
        %scan3A_123 = arith.constant 1 : i32
        %scan3A_124 = scf.for %scan3A_152 = %scan3A_120 to %scan3A_122 step %scan3A_123 iter_args(%scan3A_153 = %scan3A_119) -> (i32)  : i32 {
          %get3A = arith.index_cast %scan3A_152 : i32 to index
          %get3A_154 = arith.constant 0 : index
          %get3A_155 = tpu.vector_load %arg11[%get3A, %get3A_154] {strides = array<i32>} : memref<128x64xf32, #tpu.memory_space<vmem>>, vector<1x16xf32>,
          %get3A_156 = vector.shape_cast %get3A_155 : vector<1x16xf32> to vector<16xf32>
          %get3A_157 = arith.index_cast %scan3A_152 : i32 to index
          %get3A_158 = arith.constant 0 : index
          %get3A_159 = tpu.vector_load %arg12[%get3A_157, %get3A_158] {strides = array<i32>} : memref<128x128xf32, #tpu.memory_space<vmem>>, vector<1x16xf32>,
          %get3A_160 = vector.shape_cast %get3A_159 : vector<1x16xf32> to vector<16xf32>
          %get3A_161 = arith.index_cast %scan3A_152 : i32 to index
          %get3A_162 = arith.constant 64 : index
          %get3A_163 = tpu.vector_load %arg12[%get3A_161, %get3A_162] {strides = array<i32>} : memref<128x128xf32, #tpu.memory_space<vmem>>, vector<1x16xf32>,
          %get3A_164 = vector.shape_cast %get3A_163 : vector<1x16xf32> to vector<16xf32>
          %mul3A_165 = arith.mulf %get3A_164, %get3A_156 : vector<16xf32>
          %add3A_166 = arith.addf %mul3A_165, %get3A_160 : vector<16xf32>
          %max3A = arith.constant 0.000000e+00 : f32
          %max3A_167 = vector.broadcast %max3A : f32 to vector<16xf32>
          %max3A_168 = arith.maximumf %add3A_166, %max3A_167 : vector<16xf32>
          %swap3A = arith.index_cast %scan3A_152 : i32 to index
          %swap3A_169 = arith.constant 0 : index
          %swap3A_170 = tpu.vector_load %arg13[%swap3A, %swap3A_169] {strides = array<i32>} : memref<128x64xf32, #tpu.memory_space<vmem>>, vector<1x16xf32>,
          %swap3A_171 = vector.shape_cast %swap3A_170 : vector<1x16xf32> to vector<16xf32>
          %swap3A_172 = vector.shape_cast %max3A_168 : vector<16xf32> to vector<1x16xf32>
          tpu.vector_store %arg13[%swap3A, %swap3A_169], %swap3A_172 {strides = array<i32>} : memref<128x64xf32, #tpu.memory_space<vmem>>, vector<1x16xf32>,
          %get3A_173 = arith.index_cast %scan3A_152 : i32 to index
          %get3A_174 = arith.constant 16 : index
          %get3A_175 = tpu.vector_load %arg11[%get3A_173, %get3A_174] {strides = array<i32>} : memref<128x64xf32, #tpu.memory_space<vmem>>, vector<1x16xf32>,
          %get3A_176 = vector.shape_cast %get3A_175 : vector<1x16xf32> to vector<16xf32>
          %get3A_177 = arith.index_cast %scan3A_152 : i32 to index
          %get3A_178 = arith.constant 16 : index
          %get3A_179 = tpu.vector_load %arg12[%get3A_177, %get3A_178] {strides = array<i32>} : memref<128x128xf32, #tpu.memory_space<vmem>>, vector<1x16xf32>,
          %get3A_180 = vector.shape_cast %get3A_179 : vector<1x16xf32> to vector<16xf32>
          %get3A_181 = arith.index_cast %scan3A_152 : i32 to index
          %get3A_182 = arith.constant 80 : index
          %get3A_183 = tpu.vector_load %arg12[%get3A_181, %get3A_182] {strides = array<i32>} : memref<128x128xf32, #tpu.memory_space<vmem>>, vector<1x16xf32>,
          %get3A_184 = vector.shape_cast %get3A_183 : vector<1x16xf32> to vector<16xf32>
          %mul3A_185 = arith.mulf %get3A_184, %get3A_176 : vector<16xf32>
          %add3A_186 = arith.addf %mul3A_185, %get3A_180 : vector<16xf32>
          %max3A_187 = arith.constant 0.000000e+00 : f32
          %max3A_188 = vector.broadcast %max3A_187 : f32 to vector<16xf32>
          %max3A_189 = arith.maximumf %add3A_186, %max3A_188 : vector<16xf32>
          %swap3A_190 = arith.index_cast %scan3A_152 : i32 to index
          %swap3A_191 = arith.constant 16 : index
          %swap3A_192 = tpu.vector_load %arg13[%swap3A_190, %swap3A_191] {strides = array<i32>} : memref<128x64xf32, #tpu.memory_space<vmem>>, vector<1x16xf32>,
          %swap3A_193 = vector.shape_cast %swap3A_192 : vector<1x16xf32> to vector<16xf32>
          %swap3A_194 = vector.shape_cast %max3A_189 : vector<16xf32> to vector<1x16xf32>
          tpu.vector_store %arg13[%swap3A_190, %swap3A_191], %swap3A_194 {strides = array<i32>} : memref<128x64xf32, #tpu.memory_space<vmem>>, vector<1x16xf32>,
          %get3A_195 = arith.index_cast %scan3A_152 : i32 to index
          %get3A_196 = arith.constant 32 : index
          %get3A_197 = tpu.vector_load %arg11[%get3A_195, %get3A_196] {strides = array<i32>} : memref<128x64xf32, #tpu.memory_space<vmem>>, vector<1x16xf32>,
          %get3A_198 = vector.shape_cast %get3A_197 : vector<1x16xf32> to vector<16xf32>
          %get3A_199 = arith.index_cast %scan3A_152 : i32 to index
          %get3A_200 = arith.constant 32 : index
          %get3A_201 = tpu.vector_load %arg12[%get3A_199, %get3A_200] {strides = array<i32>} : memref<128x128xf32, #tpu.memory_space<vmem>>, vector<1x16xf32>,
          %get3A_202 = vector.shape_cast %get3A_201 : vector<1x16xf32> to vector<16xf32>
          %get3A_203 = arith.index_cast %scan3A_152 : i32 to index
          %get3A_204 = arith.constant 96 : index
          %get3A_205 = tpu.vector_load %arg12[%get3A_203, %get3A_204] {strides = array<i32>} : memref<128x128xf32, #tpu.memory_space<vmem>>, vector<1x16xf32>,
          %get3A_206 = vector.shape_cast %get3A_205 : vector<1x16xf32> to vector<16xf32>
          %mul3A_207 = arith.mulf %get3A_206, %get3A_198 : vector<16xf32>
          %add3A_208 = arith.addf %mul3A_207, %get3A_202 : vector<16xf32>
          %max3A_209 = arith.constant 0.000000e+00 : f32
          %max3A_210 = vector.broadcast %max3A_209 : f32 to vector<16xf32>
          %max3A_211 = arith.maximumf %add3A_208, %max3A_210 : vector<16xf32>
          %swap3A_212 = arith.index_cast %scan3A_152 : i32 to index
          %swap3A_213 = arith.constant 32 : index
          %swap3A_214 = tpu.vector_load %arg13[%swap3A_212, %swap3A_213] {strides = array<i32>} : memref<128x64xf32, #tpu.memory_space<vmem>>, vector<1x16xf32>,
          %swap3A_215 = vector.shape_cast %swap3A_214 : vector<1x16xf32> to vector<16xf32>
          %swap3A_216 = vector.shape_cast %max3A_211 : vector<16xf32> to vector<1x16xf32>
          tpu.vector_store %arg13[%swap3A_212, %swap3A_213], %swap3A_216 {strides = array<i32>} : memref<128x64xf32, #tpu.memory_space<vmem>>, vector<1x16xf32>,
          %get3A_217 = arith.index_cast %scan3A_152 : i32 to index
          %get3A_218 = arith.constant 48 : index
          %get3A_219 = tpu.vector_load %arg11[%get3A_217, %get3A_218] {strides = array<i32>} : memref<128x64xf32, #tpu.memory_space<vmem>>, vector<1x16xf32>,
          %get3A_220 = vector.shape_cast %get3A_219 : vector<1x16xf32> to vector<16xf32>
          %get3A_221 = arith.index_cast %scan3A_152 : i32 to index
          %get3A_222 = arith.constant 48 : index
          %get3A_223 = tpu.vector_load %arg12[%get3A_221, %get3A_222] {strides = array<i32>} : memref<128x128xf32, #tpu.memory_space<vmem>>, vector<1x16xf32>,
          %get3A_224 = vector.shape_cast %get3A_223 : vector<1x16xf32> to vector<16xf32>
          %get3A_225 = arith.index_cast %scan3A_152 : i32 to index
          %get3A_226 = arith.constant 112 : index
          %get3A_227 = tpu.vector_load %arg12[%get3A_225, %get3A_226] {strides = array<i32>} : memref<128x128xf32, #tpu.memory_space<vmem>>, vector<1x16xf32>,
          %get3A_228 = vector.shape_cast %get3A_227 : vector<1x16xf32> to vector<16xf32>
          %mul3A_229 = arith.mulf %get3A_228, %get3A_220 : vector<16xf32>
          %add3A_230 = arith.addf %mul3A_229, %get3A_224 : vector<16xf32>
          %max3A_231 = arith.constant 0.000000e+00 : f32
          %max3A_232 = vector.broadcast %max3A_231 : f32 to vector<16xf32>
          %max3A_233 = arith.maximumf %add3A_230, %max3A_232 : vector<16xf32>
          %swap3A_234 = arith.index_cast %scan3A_152 : i32 to index
          %swap3A_235 = arith.constant 48 : index
          %swap3A_236 = tpu.vector_load %arg13[%swap3A_234, %swap3A_235] {strides = array<i32>} : memref<128x64xf32, #tpu.memory_space<vmem>>, vector<1x16xf32>,
          %swap3A_237 = vector.shape_cast %swap3A_236 : vector<1x16xf32> to vector<16xf32>
          %swap3A_238 = vector.shape_cast %max3A_233 : vector<16xf32> to vector<1x16xf32>
          tpu.vector_store %arg13[%swap3A_234, %swap3A_235], %swap3A_238 {strides = array<i32>} : memref<128x64xf32, #tpu.memory_space<vmem>>, vector<1x16xf32>,
          %scan3A_239 = arith.constant 0 : i32
          scf.yield %scan3A_239 : i32
        }
        %scan3A_125 = arith.constant 64 : i32
        %dma_wait3A_126 = arith.constant 64 : i32
        %dma_wait3A_127 = arith.constant 0 : i32
        %dma_wait3A_128 = tpu.memref_slice %arg11[%dma_wait3A_126, %dma_wait3A_127] : memref<128x64xf32, #tpu.memory_space<vmem>> -> memref<64x64xf32, #tpu.memory_space<vmem>>
        %dma_wait3A_129 = arith.constant 64 : i32
        %dma_wait3A_130 = tpu.memref_slice %arg8[%scan3A_65, %dma_wait3A_129] : memref<108x128xi32, #tpu.memory_space<vmem>> -> memref<1x64xi32, #tpu.memory_space<vmem>>
        %dma_wait3A_131 = tpu.memref_squeeze %dma_wait3A_130 : memref<1x64xi32, #tpu.memory_space<vmem>> -> memref<64xi32, #tpu.memory_space<vmem>>
        %dma_wait3A_132 = arith.constant 0 : i32
        %dma_wait3A_133 = arith.constant 0 : i32
        %dma_wait3A_134 = tpu.memref_slice %arg2[%dma_wait3A_132, %dma_wait3A_133] : memref<40000x64xf32, #tpu.memory_space<hbm>> -> memref<40000x64xf32, #tpu.memory_space<hbm>>
        tpu.wait_indirect_dma semaphore(%arg17 : memref<!tpu.dma_semaphore, #tpu.memory_space<semaphore_mem>>) src(%dma_wait3A_134 : memref<40000x64xf32, #tpu.memory_space<hbm>>) dst(%dma_wait3A_128 : memref<64x64xf32, #tpu.memory_space<vmem>>)
        %dma_wait3A_135 = arith.constant 64 : i32
        %dma_wait3A_136 = arith.constant 0 : i32
        %dma_wait3A_137 = tpu.memref_slice %arg12[%dma_wait3A_135, %dma_wait3A_136] : memref<128x128xf32, #tpu.memory_space<vmem>> -> memref<64x128xf32, #tpu.memory_space<vmem>>
        %dma_wait3A_138 = arith.constant 64 : i32
        %dma_wait3A_139 = tpu.memref_slice %arg9[%scan3A_65, %dma_wait3A_138] : memref<108x128xi32, #tpu.memory_space<vmem>> -> memref<1x64xi32, #tpu.memory_space<vmem>>
        %dma_wait3A_140 = tpu.memref_squeeze %dma_wait3A_139 : memref<1x64xi32, #tpu.memory_space<vmem>> -> memref<64xi32, #tpu.memory_space<vmem>>
        %dma_wait3A_141 = arith.constant 0 : i32
        %dma_wait3A_142 = arith.constant 0 : i32
        %dma_wait3A_143 = tpu.memref_slice %arg3[%dma_wait3A_141, %dma_wait3A_142] : memref<40000x128xf32, #tpu.memory_space<hbm>> -> memref<40000x128xf32, #tpu.memory_space<hbm>>
        tpu.wait_indirect_dma semaphore(%arg19 : memref<!tpu.dma_semaphore, #tpu.memory_space<semaphore_mem>>) src(%dma_wait3A_143 : memref<40000x128xf32, #tpu.memory_space<hbm>>) dst(%dma_wait3A_137 : memref<64x128xf32, #tpu.memory_space<vmem>>)
        %scan3A_144 = arith.constant 0 : i32
        %scan3A_145 = arith.constant 64 : i32
        %scan3A_146 = arith.constant 64 : i32
        %scan3A_147 = arith.addi %scan3A_145, %scan3A_146 : i32
        %scan3A_148 = arith.constant 1 : i32
        %scan3A_149 = scf.for %scan3A_152 = %scan3A_145 to %scan3A_147 step %scan3A_148 iter_args(%scan3A_153 = %scan3A_144) -> (i32)  : i32 {
          %get3A = arith.index_cast %scan3A_152 : i32 to index
          %get3A_154 = arith.constant 0 : index
          %get3A_155 = tpu.vector_load %arg11[%get3A, %get3A_154] {strides = array<i32>} : memref<128x64xf32, #tpu.memory_space<vmem>>, vector<1x16xf32>,
          %get3A_156 = vector.shape_cast %get3A_155 : vector<1x16xf32> to vector<16xf32>
          %get3A_157 = arith.index_cast %scan3A_152 : i32 to index
          %get3A_158 = arith.constant 0 : index
          %get3A_159 = tpu.vector_load %arg12[%get3A_157, %get3A_158] {strides = array<i32>} : memref<128x128xf32, #tpu.memory_space<vmem>>, vector<1x16xf32>,
          %get3A_160 = vector.shape_cast %get3A_159 : vector<1x16xf32> to vector<16xf32>
          %get3A_161 = arith.index_cast %scan3A_152 : i32 to index
          %get3A_162 = arith.constant 64 : index
          %get3A_163 = tpu.vector_load %arg12[%get3A_161, %get3A_162] {strides = array<i32>} : memref<128x128xf32, #tpu.memory_space<vmem>>, vector<1x16xf32>,
          %get3A_164 = vector.shape_cast %get3A_163 : vector<1x16xf32> to vector<16xf32>
          %mul3A_165 = arith.mulf %get3A_164, %get3A_156 : vector<16xf32>
          %add3A_166 = arith.addf %mul3A_165, %get3A_160 : vector<16xf32>
          %max3A = arith.constant 0.000000e+00 : f32
          %max3A_167 = vector.broadcast %max3A : f32 to vector<16xf32>
          %max3A_168 = arith.maximumf %add3A_166, %max3A_167 : vector<16xf32>
          %swap3A = arith.index_cast %scan3A_152 : i32 to index
          %swap3A_169 = arith.constant 0 : index
          %swap3A_170 = tpu.vector_load %arg13[%swap3A, %swap3A_169] {strides = array<i32>} : memref<128x64xf32, #tpu.memory_space<vmem>>, vector<1x16xf32>,
          %swap3A_171 = vector.shape_cast %swap3A_170 : vector<1x16xf32> to vector<16xf32>
          %swap3A_172 = vector.shape_cast %max3A_168 : vector<16xf32> to vector<1x16xf32>
          tpu.vector_store %arg13[%swap3A, %swap3A_169], %swap3A_172 {strides = array<i32>} : memref<128x64xf32, #tpu.memory_space<vmem>>, vector<1x16xf32>,
          %get3A_173 = arith.index_cast %scan3A_152 : i32 to index
          %get3A_174 = arith.constant 16 : index
          %get3A_175 = tpu.vector_load %arg11[%get3A_173, %get3A_174] {strides = array<i32>} : memref<128x64xf32, #tpu.memory_space<vmem>>, vector<1x16xf32>,
          %get3A_176 = vector.shape_cast %get3A_175 : vector<1x16xf32> to vector<16xf32>
          %get3A_177 = arith.index_cast %scan3A_152 : i32 to index
          %get3A_178 = arith.constant 16 : index
          %get3A_179 = tpu.vector_load %arg12[%get3A_177, %get3A_178] {strides = array<i32>} : memref<128x128xf32, #tpu.memory_space<vmem>>, vector<1x16xf32>,
          %get3A_180 = vector.shape_cast %get3A_179 : vector<1x16xf32> to vector<16xf32>
          %get3A_181 = arith.index_cast %scan3A_152 : i32 to index
          %get3A_182 = arith.constant 80 : index
          %get3A_183 = tpu.vector_load %arg12[%get3A_181, %get3A_182] {strides = array<i32>} : memref<128x128xf32, #tpu.memory_space<vmem>>, vector<1x16xf32>,
          %get3A_184 = vector.shape_cast %get3A_183 : vector<1x16xf32> to vector<16xf32>
          %mul3A_185 = arith.mulf %get3A_184, %get3A_176 : vector<16xf32>
          %add3A_186 = arith.addf %mul3A_185, %get3A_180 : vector<16xf32>
          %max3A_187 = arith.constant 0.000000e+00 : f32
          %max3A_188 = vector.broadcast %max3A_187 : f32 to vector<16xf32>
          %max3A_189 = arith.maximumf %add3A_186, %max3A_188 : vector<16xf32>
          %swap3A_190 = arith.index_cast %scan3A_152 : i32 to index
          %swap3A_191 = arith.constant 16 : index
          %swap3A_192 = tpu.vector_load %arg13[%swap3A_190, %swap3A_191] {strides = array<i32>} : memref<128x64xf32, #tpu.memory_space<vmem>>, vector<1x16xf32>,
          %swap3A_193 = vector.shape_cast %swap3A_192 : vector<1x16xf32> to vector<16xf32>
          %swap3A_194 = vector.shape_cast %max3A_189 : vector<16xf32> to vector<1x16xf32>
          tpu.vector_store %arg13[%swap3A_190, %swap3A_191], %swap3A_194 {strides = array<i32>} : memref<128x64xf32, #tpu.memory_space<vmem>>, vector<1x16xf32>,
          %get3A_195 = arith.index_cast %scan3A_152 : i32 to index
          %get3A_196 = arith.constant 32 : index
          %get3A_197 = tpu.vector_load %arg11[%get3A_195, %get3A_196] {strides = array<i32>} : memref<128x64xf32, #tpu.memory_space<vmem>>, vector<1x16xf32>,
          %get3A_198 = vector.shape_cast %get3A_197 : vector<1x16xf32> to vector<16xf32>
          %get3A_199 = arith.index_cast %scan3A_152 : i32 to index
          %get3A_200 = arith.constant 32 : index
          %get3A_201 = tpu.vector_load %arg12[%get3A_199, %get3A_200] {strides = array<i32>} : memref<128x128xf32, #tpu.memory_space<vmem>>, vector<1x16xf32>,
          %get3A_202 = vector.shape_cast %get3A_201 : vector<1x16xf32> to vector<16xf32>
          %get3A_203 = arith.index_cast %scan3A_152 : i32 to index
          %get3A_204 = arith.constant 96 : index
          %get3A_205 = tpu.vector_load %arg12[%get3A_203, %get3A_204] {strides = array<i32>} : memref<128x128xf32, #tpu.memory_space<vmem>>, vector<1x16xf32>,
          %get3A_206 = vector.shape_cast %get3A_205 : vector<1x16xf32> to vector<16xf32>
          %mul3A_207 = arith.mulf %get3A_206, %get3A_198 : vector<16xf32>
          %add3A_208 = arith.addf %mul3A_207, %get3A_202 : vector<16xf32>
          %max3A_209 = arith.constant 0.000000e+00 : f32
          %max3A_210 = vector.broadcast %max3A_209 : f32 to vector<16xf32>
          %max3A_211 = arith.maximumf %add3A_208, %max3A_210 : vector<16xf32>
          %swap3A_212 = arith.index_cast %scan3A_152 : i32 to index
          %swap3A_213 = arith.constant 32 : index
          %swap3A_214 = tpu.vector_load %arg13[%swap3A_212, %swap3A_213] {strides = array<i32>} : memref<128x64xf32, #tpu.memory_space<vmem>>, vector<1x16xf32>,
          %swap3A_215 = vector.shape_cast %swap3A_214 : vector<1x16xf32> to vector<16xf32>
          %swap3A_216 = vector.shape_cast %max3A_211 : vector<16xf32> to vector<1x16xf32>
          tpu.vector_store %arg13[%swap3A_212, %swap3A_213], %swap3A_216 {strides = array<i32>} : memref<128x64xf32, #tpu.memory_space<vmem>>, vector<1x16xf32>,
          %get3A_217 = arith.index_cast %scan3A_152 : i32 to index
          %get3A_218 = arith.constant 48 : index
          %get3A_219 = tpu.vector_load %arg11[%get3A_217, %get3A_218] {strides = array<i32>} : memref<128x64xf32, #tpu.memory_space<vmem>>, vector<1x16xf32>,
          %get3A_220 = vector.shape_cast %get3A_219 : vector<1x16xf32> to vector<16xf32>
          %get3A_221 = arith.index_cast %scan3A_152 : i32 to index
          %get3A_222 = arith.constant 48 : index
          %get3A_223 = tpu.vector_load %arg12[%get3A_221, %get3A_222] {strides = array<i32>} : memref<128x128xf32, #tpu.memory_space<vmem>>, vector<1x16xf32>,
          %get3A_224 = vector.shape_cast %get3A_223 : vector<1x16xf32> to vector<16xf32>
          %get3A_225 = arith.index_cast %scan3A_152 : i32 to index
          %get3A_226 = arith.constant 112 : index
          %get3A_227 = tpu.vector_load %arg12[%get3A_225, %get3A_226] {strides = array<i32>} : memref<128x128xf32, #tpu.memory_space<vmem>>, vector<1x16xf32>,
          %get3A_228 = vector.shape_cast %get3A_227 : vector<1x16xf32> to vector<16xf32>
          %mul3A_229 = arith.mulf %get3A_228, %get3A_220 : vector<16xf32>
          %add3A_230 = arith.addf %mul3A_229, %get3A_224 : vector<16xf32>
          %max3A_231 = arith.constant 0.000000e+00 : f32
          %max3A_232 = vector.broadcast %max3A_231 : f32 to vector<16xf32>
          %max3A_233 = arith.maximumf %add3A_230, %max3A_232 : vector<16xf32>
          %swap3A_234 = arith.index_cast %scan3A_152 : i32 to index
          %swap3A_235 = arith.constant 48 : index
          %swap3A_236 = tpu.vector_load %arg13[%swap3A_234, %swap3A_235] {strides = array<i32>} : memref<128x64xf32, #tpu.memory_space<vmem>>, vector<1x16xf32>,
          %swap3A_237 = vector.shape_cast %swap3A_236 : vector<1x16xf32> to vector<16xf32>
          %swap3A_238 = vector.shape_cast %max3A_233 : vector<16xf32> to vector<1x16xf32>
          tpu.vector_store %arg13[%swap3A_234, %swap3A_235], %swap3A_238 {strides = array<i32>} : memref<128x64xf32, #tpu.memory_space<vmem>>, vector<1x16xf32>,
          %scan3A_239 = arith.constant 0 : i32
          scf.yield %scan3A_239 : i32
        }
        %scan3A_150 = arith.constant 64 : i32
        "tpu.region"() ({
          %run_scoped3A = tpu.sem_alloc : memref<!tpu.dma_semaphore, #tpu.memory_space<semaphore_mem>>
          %dma_start3A_152 = arith.constant 0 : i32
          %dma_start3A_153 = tpu.memref_slice %arg10[%scan3A_65, %dma_start3A_152] : memref<108x128xi32, #tpu.memory_space<vmem>> -> memref<1x128xi32, #tpu.memory_space<vmem>>
          %dma_start3A_154 = tpu.memref_squeeze %dma_start3A_153 : memref<1x128xi32, #tpu.memory_space<vmem>> -> memref<128xi32, #tpu.memory_space<vmem>>
          %dma_start3A_155 = arith.constant 0 : i32
          %dma_start3A_156 = arith.constant 0 : i32
          %dma_start3A_157 = tpu.memref_slice %arg15[%dma_start3A_155, %dma_start3A_156] : memref<10240x64xf32, #tpu.memory_space<vmem_shared>> -> memref<10240x64xf32, #tpu.memory_space<vmem_shared>>
          tpu.enqueue_indirect_dma source(%arg13 : memref<128x64xf32, #tpu.memory_space<vmem>>) target(%dma_start3A_157 : memref<10240x64xf32, #tpu.memory_space<vmem_shared>>) offsets(%dma_start3A_154 : memref<128xi32, #tpu.memory_space<vmem>>) semaphore(%run_scoped3A : memref<!tpu.dma_semaphore, #tpu.memory_space<semaphore_mem>>) {add = true}
          %dma_wait3A_158 = arith.constant 0 : i32
          %dma_wait3A_159 = tpu.memref_slice %arg10[%scan3A_65, %dma_wait3A_158] : memref<108x128xi32, #tpu.memory_space<vmem>> -> memref<1x128xi32, #tpu.memory_space<vmem>>
          %dma_wait3A_160 = tpu.memref_squeeze %dma_wait3A_159 : memref<1x128xi32, #tpu.memory_space<vmem>> -> memref<128xi32, #tpu.memory_space<vmem>>
          %dma_wait3A_161 = arith.constant 0 : i32
          %dma_wait3A_162 = arith.constant 0 : i32
          %dma_wait3A_163 = tpu.memref_slice %arg15[%dma_wait3A_161, %dma_wait3A_162] : memref<10240x64xf32, #tpu.memory_space<vmem_shared>> -> memref<10240x64xf32, #tpu.memory_space<vmem_shared>>
          tpu.wait_indirect_dma semaphore(%run_scoped3A : memref<!tpu.dma_semaphore, #tpu.memory_space<semaphore_mem>>) src(%arg13 : memref<128x64xf32, #tpu.memory_space<vmem>>) dst(%dma_wait3A_163 : memref<10240x64xf32, #tpu.memory_space<vmem_shared>>)
          tpu.yield
        }) : () -> ()
        %scan3A_151 = arith.constant 0 : i32
        scf.yield %scan3A_151 : i32
      }
      %scan3A_64 = arith.constant 108 : i32
    } else {
    }
    %eq3A_46 = arith.constant 1 : i32
    %eq3A_47 = arith.cmpi eq, %arg0, %eq3A_46 : i32
    %convert_element_type3A_48 = arith.extui %eq3A_47 : i1 to i32
    %cond3A_49 = arith.constant 0 : i32
    %cond3A_50 = arith.cmpi ne, %convert_element_type3A_48, %cond3A_49 : i32
    scf.if %cond3A_50 {
      %mul3A_55 = arith.constant 52 : i32
      %mul3A_56 = arith.muli %arg1, %mul3A_55 : i32
      %add3A_57 = arith.constant 1728 : i32
      %add3A_58 = arith.addi %add3A_57, %mul3A_56 : i32
      "tpu.region"() ({
        %run_scoped3A = tpu.sem_alloc : memref<!tpu.dma_semaphore, #tpu.memory_space<semaphore_mem>>
        %dma_start3A = arith.constant 0 : i32
        %dma_start3A_67 = arith.constant 0 : i32
        %dma_start3A_68 = tpu.memref_slice %arg8[%dma_start3A, %dma_start3A_67] : memref<108x128xi32, #tpu.memory_space<vmem>> -> memref<52x128xi32, #tpu.memory_space<vmem>>
        %dma_start3A_69 = arith.constant 0 : i32
        %dma_start3A_70 = tpu.memref_slice %arg4[%add3A_58, %dma_start3A_69] : memref<2560x128xi32, #tpu.memory_space<hbm>> -> memref<52x128xi32, #tpu.memory_space<hbm>>
        %dma_start3A_71 = arith.constant 0 : i32
        %dma_start3A_72 = arith.constant 0 : i32
        %dma_start3A_73 = tpu.memref_slice %arg8[%dma_start3A_71, %dma_start3A_72] : memref<108x128xi32, #tpu.memory_space<vmem>> -> memref<52x128xi32, #tpu.memory_space<vmem>>
        %dma_start3A_74 = arith.constant 0 : i32
        %dma_start3A_75 = tpu.memref_slice %arg4[%add3A_58, %dma_start3A_74] : memref<2560x128xi32, #tpu.memory_space<hbm>> -> memref<52x128xi32, #tpu.memory_space<hbm>>
        tpu.enqueue_dma source(%dma_start3A_75 : memref<52x128xi32, #tpu.memory_space<hbm>>) target(%dma_start3A_73 : memref<52x128xi32, #tpu.memory_space<vmem>>) target_semaphore(%run_scoped3A : memref<!tpu.dma_semaphore, #tpu.memory_space<semaphore_mem>>)
        %dma_wait3A = arith.constant 0 : i32
        %dma_wait3A_76 = arith.constant 0 : i32
        %dma_wait3A_77 = tpu.memref_slice %arg8[%dma_wait3A, %dma_wait3A_76] : memref<108x128xi32, #tpu.memory_space<vmem>> -> memref<52x128xi32, #tpu.memory_space<vmem>>
        %dma_wait3A_78 = arith.constant 0 : i32
        %dma_wait3A_79 = tpu.memref_slice %arg4[%add3A_58, %dma_wait3A_78] : memref<2560x128xi32, #tpu.memory_space<hbm>> -> memref<52x128xi32, #tpu.memory_space<hbm>>
        %dma_wait3A_80 = arith.constant 0 : i32
        %dma_wait3A_81 = arith.constant 0 : i32
        %dma_wait3A_82 = tpu.memref_slice %arg8[%dma_wait3A_80, %dma_wait3A_81] : memref<108x128xi32, #tpu.memory_space<vmem>> -> memref<52x128xi32, #tpu.memory_space<vmem>>
        %dma_wait3A_83 = arith.constant 0 : i32
        %dma_wait3A_84 = tpu.memref_slice %arg4[%add3A_58, %dma_wait3A_83] : memref<2560x128xi32, #tpu.memory_space<hbm>> -> memref<52x128xi32, #tpu.memory_space<hbm>>
        tpu.wait_dma2 semaphore(%run_scoped3A : memref<!tpu.dma_semaphore, #tpu.memory_space<semaphore_mem>>) src(%dma_wait3A_84 : memref<52x128xi32, #tpu.memory_space<hbm>>) dst(%dma_wait3A_82 : memref<52x128xi32, #tpu.memory_space<vmem>>)
        tpu.yield
      }) : () -> ()
      "tpu.region"() ({
        %run_scoped3A = tpu.sem_alloc : memref<!tpu.dma_semaphore, #tpu.memory_space<semaphore_mem>>
        %dma_start3A = arith.constant 0 : i32
        %dma_start3A_67 = arith.constant 0 : i32
        %dma_start3A_68 = tpu.memref_slice %arg9[%dma_start3A, %dma_start3A_67] : memref<108x128xi32, #tpu.memory_space<vmem>> -> memref<52x128xi32, #tpu.memory_space<vmem>>
        %dma_start3A_69 = arith.constant 0 : i32
        %dma_start3A_70 = tpu.memref_slice %arg5[%add3A_58, %dma_start3A_69] : memref<2560x128xi32, #tpu.memory_space<hbm>> -> memref<52x128xi32, #tpu.memory_space<hbm>>
        %dma_start3A_71 = arith.constant 0 : i32
        %dma_start3A_72 = arith.constant 0 : i32
        %dma_start3A_73 = tpu.memref_slice %arg9[%dma_start3A_71, %dma_start3A_72] : memref<108x128xi32, #tpu.memory_space<vmem>> -> memref<52x128xi32, #tpu.memory_space<vmem>>
        %dma_start3A_74 = arith.constant 0 : i32
        %dma_start3A_75 = tpu.memref_slice %arg5[%add3A_58, %dma_start3A_74] : memref<2560x128xi32, #tpu.memory_space<hbm>> -> memref<52x128xi32, #tpu.memory_space<hbm>>
        tpu.enqueue_dma source(%dma_start3A_75 : memref<52x128xi32, #tpu.memory_space<hbm>>) target(%dma_start3A_73 : memref<52x128xi32, #tpu.memory_space<vmem>>) target_semaphore(%run_scoped3A : memref<!tpu.dma_semaphore, #tpu.memory_space<semaphore_mem>>)
        %dma_wait3A = arith.constant 0 : i32
        %dma_wait3A_76 = arith.constant 0 : i32
        %dma_wait3A_77 = tpu.memref_slice %arg9[%dma_wait3A, %dma_wait3A_76] : memref<108x128xi32, #tpu.memory_space<vmem>> -> memref<52x128xi32, #tpu.memory_space<vmem>>
        %dma_wait3A_78 = arith.constant 0 : i32
        %dma_wait3A_79 = tpu.memref_slice %arg5[%add3A_58, %dma_wait3A_78] : memref<2560x128xi32, #tpu.memory_space<hbm>> -> memref<52x128xi32, #tpu.memory_space<hbm>>
        %dma_wait3A_80 = arith.constant 0 : i32
        %dma_wait3A_81 = arith.constant 0 : i32
        %dma_wait3A_82 = tpu.memref_slice %arg9[%dma_wait3A_80, %dma_wait3A_81] : memref<108x128xi32, #tpu.memory_space<vmem>> -> memref<52x128xi32, #tpu.memory_space<vmem>>
        %dma_wait3A_83 = arith.constant 0 : i32
        %dma_wait3A_84 = tpu.memref_slice %arg5[%add3A_58, %dma_wait3A_83] : memref<2560x128xi32, #tpu.memory_space<hbm>> -> memref<52x128xi32, #tpu.memory_space<hbm>>
        tpu.wait_dma2 semaphore(%run_scoped3A : memref<!tpu.dma_semaphore, #tpu.memory_space<semaphore_mem>>) src(%dma_wait3A_84 : memref<52x128xi32, #tpu.memory_space<hbm>>) dst(%dma_wait3A_82 : memref<52x128xi32, #tpu.memory_space<vmem>>)
        tpu.yield
      }) : () -> ()
      "tpu.region"() ({
        %run_scoped3A = tpu.sem_alloc : memref<!tpu.dma_semaphore, #tpu.memory_space<semaphore_mem>>
        %dma_start3A = arith.constant 0 : i32
        %dma_start3A_67 = arith.constant 0 : i32
        %dma_start3A_68 = tpu.memref_slice %arg10[%dma_start3A, %dma_start3A_67] : memref<108x128xi32, #tpu.memory_space<vmem>> -> memref<52x128xi32, #tpu.memory_space<vmem>>
        %dma_start3A_69 = arith.constant 0 : i32
        %dma_start3A_70 = tpu.memref_slice %arg6[%add3A_58, %dma_start3A_69] : memref<2560x128xi32, #tpu.memory_space<hbm>> -> memref<52x128xi32, #tpu.memory_space<hbm>>
        %dma_start3A_71 = arith.constant 0 : i32
        %dma_start3A_72 = arith.constant 0 : i32
        %dma_start3A_73 = tpu.memref_slice %arg10[%dma_start3A_71, %dma_start3A_72] : memref<108x128xi32, #tpu.memory_space<vmem>> -> memref<52x128xi32, #tpu.memory_space<vmem>>
        %dma_start3A_74 = arith.constant 0 : i32
        %dma_start3A_75 = tpu.memref_slice %arg6[%add3A_58, %dma_start3A_74] : memref<2560x128xi32, #tpu.memory_space<hbm>> -> memref<52x128xi32, #tpu.memory_space<hbm>>
        tpu.enqueue_dma source(%dma_start3A_75 : memref<52x128xi32, #tpu.memory_space<hbm>>) target(%dma_start3A_73 : memref<52x128xi32, #tpu.memory_space<vmem>>) target_semaphore(%run_scoped3A : memref<!tpu.dma_semaphore, #tpu.memory_space<semaphore_mem>>)
        %dma_wait3A = arith.constant 0 : i32
        %dma_wait3A_76 = arith.constant 0 : i32
        %dma_wait3A_77 = tpu.memref_slice %arg10[%dma_wait3A, %dma_wait3A_76] : memref<108x128xi32, #tpu.memory_space<vmem>> -> memref<52x128xi32, #tpu.memory_space<vmem>>
        %dma_wait3A_78 = arith.constant 0 : i32
        %dma_wait3A_79 = tpu.memref_slice %arg6[%add3A_58, %dma_wait3A_78] : memref<2560x128xi32, #tpu.memory_space<hbm>> -> memref<52x128xi32, #tpu.memory_space<hbm>>
        %dma_wait3A_80 = arith.constant 0 : i32
        %dma_wait3A_81 = arith.constant 0 : i32
        %dma_wait3A_82 = tpu.memref_slice %arg10[%dma_wait3A_80, %dma_wait3A_81] : memref<108x128xi32, #tpu.memory_space<vmem>> -> memref<52x128xi32, #tpu.memory_space<vmem>>
        %dma_wait3A_83 = arith.constant 0 : i32
        %dma_wait3A_84 = tpu.memref_slice %arg6[%add3A_58, %dma_wait3A_83] : memref<2560x128xi32, #tpu.memory_space<hbm>> -> memref<52x128xi32, #tpu.memory_space<hbm>>
        tpu.wait_dma2 semaphore(%run_scoped3A : memref<!tpu.dma_semaphore, #tpu.memory_space<semaphore_mem>>) src(%dma_wait3A_84 : memref<52x128xi32, #tpu.memory_space<hbm>>) dst(%dma_wait3A_82 : memref<52x128xi32, #tpu.memory_space<vmem>>)
        tpu.yield
      }) : () -> ()
      %barrier3A_59 = arith.constant 0 : index
      tpu.barrier barrier_id(%barrier3A_59)
      %scan3A_60 = arith.constant 0 : i32
      %scan3A_61 = arith.constant 0 : i32
      %scan3A_62 = arith.constant 52 : i32
      %scan3A_63 = arith.addi %scan3A_61, %scan3A_62 : i32
      %scan3A_64 = arith.constant 1 : i32
      %scan3A_65 = scf.for %scan3A_67 = %scan3A_61 to %scan3A_63 step %scan3A_64 iter_args(%scan3A_68 = %scan3A_60) -> (i32)  : i32 {
        %dma_start3A = arith.constant 0 : i32
        %dma_start3A_69 = arith.constant 0 : i32
        %dma_start3A_70 = tpu.memref_slice %arg11[%dma_start3A, %dma_start3A_69] : memref<128x64xf32, #tpu.memory_space<vmem>> -> memref<64x64xf32, #tpu.memory_space<vmem>>
        %dma_start3A_71 = arith.constant 0 : i32
        %dma_start3A_72 = tpu.memref_slice %arg8[%scan3A_67, %dma_start3A_71] : memref<108x128xi32, #tpu.memory_space<vmem>> -> memref<1x64xi32, #tpu.memory_space<vmem>>
        %dma_start3A_73 = tpu.memref_squeeze %dma_start3A_72 : memref<1x64xi32, #tpu.memory_space<vmem>> -> memref<64xi32, #tpu.memory_space<vmem>>
        %dma_start3A_74 = arith.constant 0 : i32
        %dma_start3A_75 = arith.constant 0 : i32
        %dma_start3A_76 = tpu.memref_slice %arg2[%dma_start3A_74, %dma_start3A_75] : memref<40000x64xf32, #tpu.memory_space<hbm>> -> memref<40000x64xf32, #tpu.memory_space<hbm>>
        tpu.enqueue_indirect_dma source(%dma_start3A_76 : memref<40000x64xf32, #tpu.memory_space<hbm>>) target(%dma_start3A_70 : memref<64x64xf32, #tpu.memory_space<vmem>>) offsets(%dma_start3A_73 : memref<64xi32, #tpu.memory_space<vmem>>) semaphore(%arg16 : memref<!tpu.dma_semaphore, #tpu.memory_space<semaphore_mem>>)
        %dma_start3A_77 = arith.constant 64 : i32
        %dma_start3A_78 = arith.constant 0 : i32
        %dma_start3A_79 = tpu.memref_slice %arg11[%dma_start3A_77, %dma_start3A_78] : memref<128x64xf32, #tpu.memory_space<vmem>> -> memref<64x64xf32, #tpu.memory_space<vmem>>
        %dma_start3A_80 = arith.constant 64 : i32
        %dma_start3A_81 = tpu.memref_slice %arg8[%scan3A_67, %dma_start3A_80] : memref<108x128xi32, #tpu.memory_space<vmem>> -> memref<1x64xi32, #tpu.memory_space<vmem>>
        %dma_start3A_82 = tpu.memref_squeeze %dma_start3A_81 : memref<1x64xi32, #tpu.memory_space<vmem>> -> memref<64xi32, #tpu.memory_space<vmem>>
        %dma_start3A_83 = arith.constant 0 : i32
        %dma_start3A_84 = arith.constant 0 : i32
        %dma_start3A_85 = tpu.memref_slice %arg2[%dma_start3A_83, %dma_start3A_84] : memref<40000x64xf32, #tpu.memory_space<hbm>> -> memref<40000x64xf32, #tpu.memory_space<hbm>>
        tpu.enqueue_indirect_dma source(%dma_start3A_85 : memref<40000x64xf32, #tpu.memory_space<hbm>>) target(%dma_start3A_79 : memref<64x64xf32, #tpu.memory_space<vmem>>) offsets(%dma_start3A_82 : memref<64xi32, #tpu.memory_space<vmem>>) semaphore(%arg17 : memref<!tpu.dma_semaphore, #tpu.memory_space<semaphore_mem>>)
        %dma_start3A_86 = arith.constant 0 : i32
        %dma_start3A_87 = arith.constant 0 : i32
        %dma_start3A_88 = tpu.memref_slice %arg12[%dma_start3A_86, %dma_start3A_87] : memref<128x128xf32, #tpu.memory_space<vmem>> -> memref<64x128xf32, #tpu.memory_space<vmem>>
        %dma_start3A_89 = arith.constant 0 : i32
        %dma_start3A_90 = tpu.memref_slice %arg9[%scan3A_67, %dma_start3A_89] : memref<108x128xi32, #tpu.memory_space<vmem>> -> memref<1x64xi32, #tpu.memory_space<vmem>>
        %dma_start3A_91 = tpu.memref_squeeze %dma_start3A_90 : memref<1x64xi32, #tpu.memory_space<vmem>> -> memref<64xi32, #tpu.memory_space<vmem>>
        %dma_start3A_92 = arith.constant 0 : i32
        %dma_start3A_93 = arith.constant 0 : i32
        %dma_start3A_94 = tpu.memref_slice %arg3[%dma_start3A_92, %dma_start3A_93] : memref<40000x128xf32, #tpu.memory_space<hbm>> -> memref<40000x128xf32, #tpu.memory_space<hbm>>
        tpu.enqueue_indirect_dma source(%dma_start3A_94 : memref<40000x128xf32, #tpu.memory_space<hbm>>) target(%dma_start3A_88 : memref<64x128xf32, #tpu.memory_space<vmem>>) offsets(%dma_start3A_91 : memref<64xi32, #tpu.memory_space<vmem>>) semaphore(%arg18 : memref<!tpu.dma_semaphore, #tpu.memory_space<semaphore_mem>>)
        %dma_start3A_95 = arith.constant 64 : i32
        %dma_start3A_96 = arith.constant 0 : i32
        %dma_start3A_97 = tpu.memref_slice %arg12[%dma_start3A_95, %dma_start3A_96] : memref<128x128xf32, #tpu.memory_space<vmem>> -> memref<64x128xf32, #tpu.memory_space<vmem>>
        %dma_start3A_98 = arith.constant 64 : i32
        %dma_start3A_99 = tpu.memref_slice %arg9[%scan3A_67, %dma_start3A_98] : memref<108x128xi32, #tpu.memory_space<vmem>> -> memref<1x64xi32, #tpu.memory_space<vmem>>
        %dma_start3A_100 = tpu.memref_squeeze %dma_start3A_99 : memref<1x64xi32, #tpu.memory_space<vmem>> -> memref<64xi32, #tpu.memory_space<vmem>>
        %dma_start3A_101 = arith.constant 0 : i32
        %dma_start3A_102 = arith.constant 0 : i32
        %dma_start3A_103 = tpu.memref_slice %arg3[%dma_start3A_101, %dma_start3A_102] : memref<40000x128xf32, #tpu.memory_space<hbm>> -> memref<40000x128xf32, #tpu.memory_space<hbm>>
        tpu.enqueue_indirect_dma source(%dma_start3A_103 : memref<40000x128xf32, #tpu.memory_space<hbm>>) target(%dma_start3A_97 : memref<64x128xf32, #tpu.memory_space<vmem>>) offsets(%dma_start3A_100 : memref<64xi32, #tpu.memory_space<vmem>>) semaphore(%arg19 : memref<!tpu.dma_semaphore, #tpu.memory_space<semaphore_mem>>)
        %dma_wait3A = arith.constant 0 : i32
        %dma_wait3A_104 = arith.constant 0 : i32
        %dma_wait3A_105 = tpu.memref_slice %arg11[%dma_wait3A, %dma_wait3A_104] : memref<128x64xf32, #tpu.memory_space<vmem>> -> memref<64x64xf32, #tpu.memory_space<vmem>>
        %dma_wait3A_106 = arith.constant 0 : i32
        %dma_wait3A_107 = tpu.memref_slice %arg8[%scan3A_67, %dma_wait3A_106] : memref<108x128xi32, #tpu.memory_space<vmem>> -> memref<1x64xi32, #tpu.memory_space<vmem>>
        %dma_wait3A_108 = tpu.memref_squeeze %dma_wait3A_107 : memref<1x64xi32, #tpu.memory_space<vmem>> -> memref<64xi32, #tpu.memory_space<vmem>>
        %dma_wait3A_109 = arith.constant 0 : i32
        %dma_wait3A_110 = arith.constant 0 : i32
        %dma_wait3A_111 = tpu.memref_slice %arg2[%dma_wait3A_109, %dma_wait3A_110] : memref<40000x64xf32, #tpu.memory_space<hbm>> -> memref<40000x64xf32, #tpu.memory_space<hbm>>
        tpu.wait_indirect_dma semaphore(%arg16 : memref<!tpu.dma_semaphore, #tpu.memory_space<semaphore_mem>>) src(%dma_wait3A_111 : memref<40000x64xf32, #tpu.memory_space<hbm>>) dst(%dma_wait3A_105 : memref<64x64xf32, #tpu.memory_space<vmem>>)
        %dma_wait3A_112 = arith.constant 0 : i32
        %dma_wait3A_113 = arith.constant 0 : i32
        %dma_wait3A_114 = tpu.memref_slice %arg12[%dma_wait3A_112, %dma_wait3A_113] : memref<128x128xf32, #tpu.memory_space<vmem>> -> memref<64x128xf32, #tpu.memory_space<vmem>>
        %dma_wait3A_115 = arith.constant 0 : i32
        %dma_wait3A_116 = tpu.memref_slice %arg9[%scan3A_67, %dma_wait3A_115] : memref<108x128xi32, #tpu.memory_space<vmem>> -> memref<1x64xi32, #tpu.memory_space<vmem>>
        %dma_wait3A_117 = tpu.memref_squeeze %dma_wait3A_116 : memref<1x64xi32, #tpu.memory_space<vmem>> -> memref<64xi32, #tpu.memory_space<vmem>>
        %dma_wait3A_118 = arith.constant 0 : i32
        %dma_wait3A_119 = arith.constant 0 : i32
        %dma_wait3A_120 = tpu.memref_slice %arg3[%dma_wait3A_118, %dma_wait3A_119] : memref<40000x128xf32, #tpu.memory_space<hbm>> -> memref<40000x128xf32, #tpu.memory_space<hbm>>
        tpu.wait_indirect_dma semaphore(%arg18 : memref<!tpu.dma_semaphore, #tpu.memory_space<semaphore_mem>>) src(%dma_wait3A_120 : memref<40000x128xf32, #tpu.memory_space<hbm>>) dst(%dma_wait3A_114 : memref<64x128xf32, #tpu.memory_space<vmem>>)
        %scan3A_121 = arith.constant 0 : i32
        %scan3A_122 = arith.constant 0 : i32
        %scan3A_123 = arith.constant 64 : i32
        %scan3A_124 = arith.addi %scan3A_122, %scan3A_123 : i32
        %scan3A_125 = arith.constant 1 : i32
        %scan3A_126 = scf.for %scan3A_154 = %scan3A_122 to %scan3A_124 step %scan3A_125 iter_args(%scan3A_155 = %scan3A_121) -> (i32)  : i32 {
          %get3A = arith.index_cast %scan3A_154 : i32 to index
          %get3A_156 = arith.constant 0 : index
          %get3A_157 = tpu.vector_load %arg11[%get3A, %get3A_156] {strides = array<i32>} : memref<128x64xf32, #tpu.memory_space<vmem>>, vector<1x16xf32>,
          %get3A_158 = vector.shape_cast %get3A_157 : vector<1x16xf32> to vector<16xf32>
          %get3A_159 = arith.index_cast %scan3A_154 : i32 to index
          %get3A_160 = arith.constant 0 : index
          %get3A_161 = tpu.vector_load %arg12[%get3A_159, %get3A_160] {strides = array<i32>} : memref<128x128xf32, #tpu.memory_space<vmem>>, vector<1x16xf32>,
          %get3A_162 = vector.shape_cast %get3A_161 : vector<1x16xf32> to vector<16xf32>
          %get3A_163 = arith.index_cast %scan3A_154 : i32 to index
          %get3A_164 = arith.constant 64 : index
          %get3A_165 = tpu.vector_load %arg12[%get3A_163, %get3A_164] {strides = array<i32>} : memref<128x128xf32, #tpu.memory_space<vmem>>, vector<1x16xf32>,
          %get3A_166 = vector.shape_cast %get3A_165 : vector<1x16xf32> to vector<16xf32>
          %mul3A_167 = arith.mulf %get3A_166, %get3A_158 : vector<16xf32>
          %add3A_168 = arith.addf %mul3A_167, %get3A_162 : vector<16xf32>
          %max3A = arith.constant 0.000000e+00 : f32
          %max3A_169 = vector.broadcast %max3A : f32 to vector<16xf32>
          %max3A_170 = arith.maximumf %add3A_168, %max3A_169 : vector<16xf32>
          %swap3A = arith.index_cast %scan3A_154 : i32 to index
          %swap3A_171 = arith.constant 0 : index
          %swap3A_172 = tpu.vector_load %arg13[%swap3A, %swap3A_171] {strides = array<i32>} : memref<128x64xf32, #tpu.memory_space<vmem>>, vector<1x16xf32>,
          %swap3A_173 = vector.shape_cast %swap3A_172 : vector<1x16xf32> to vector<16xf32>
          %swap3A_174 = vector.shape_cast %max3A_170 : vector<16xf32> to vector<1x16xf32>
          tpu.vector_store %arg13[%swap3A, %swap3A_171], %swap3A_174 {strides = array<i32>} : memref<128x64xf32, #tpu.memory_space<vmem>>, vector<1x16xf32>,
          %get3A_175 = arith.index_cast %scan3A_154 : i32 to index
          %get3A_176 = arith.constant 16 : index
          %get3A_177 = tpu.vector_load %arg11[%get3A_175, %get3A_176] {strides = array<i32>} : memref<128x64xf32, #tpu.memory_space<vmem>>, vector<1x16xf32>,
          %get3A_178 = vector.shape_cast %get3A_177 : vector<1x16xf32> to vector<16xf32>
          %get3A_179 = arith.index_cast %scan3A_154 : i32 to index
          %get3A_180 = arith.constant 16 : index
          %get3A_181 = tpu.vector_load %arg12[%get3A_179, %get3A_180] {strides = array<i32>} : memref<128x128xf32, #tpu.memory_space<vmem>>, vector<1x16xf32>,
          %get3A_182 = vector.shape_cast %get3A_181 : vector<1x16xf32> to vector<16xf32>
          %get3A_183 = arith.index_cast %scan3A_154 : i32 to index
          %get3A_184 = arith.constant 80 : index
          %get3A_185 = tpu.vector_load %arg12[%get3A_183, %get3A_184] {strides = array<i32>} : memref<128x128xf32, #tpu.memory_space<vmem>>, vector<1x16xf32>,
          %get3A_186 = vector.shape_cast %get3A_185 : vector<1x16xf32> to vector<16xf32>
          %mul3A_187 = arith.mulf %get3A_186, %get3A_178 : vector<16xf32>
          %add3A_188 = arith.addf %mul3A_187, %get3A_182 : vector<16xf32>
          %max3A_189 = arith.constant 0.000000e+00 : f32
          %max3A_190 = vector.broadcast %max3A_189 : f32 to vector<16xf32>
          %max3A_191 = arith.maximumf %add3A_188, %max3A_190 : vector<16xf32>
          %swap3A_192 = arith.index_cast %scan3A_154 : i32 to index
          %swap3A_193 = arith.constant 16 : index
          %swap3A_194 = tpu.vector_load %arg13[%swap3A_192, %swap3A_193] {strides = array<i32>} : memref<128x64xf32, #tpu.memory_space<vmem>>, vector<1x16xf32>,
          %swap3A_195 = vector.shape_cast %swap3A_194 : vector<1x16xf32> to vector<16xf32>
          %swap3A_196 = vector.shape_cast %max3A_191 : vector<16xf32> to vector<1x16xf32>
          tpu.vector_store %arg13[%swap3A_192, %swap3A_193], %swap3A_196 {strides = array<i32>} : memref<128x64xf32, #tpu.memory_space<vmem>>, vector<1x16xf32>,
          %get3A_197 = arith.index_cast %scan3A_154 : i32 to index
          %get3A_198 = arith.constant 32 : index
          %get3A_199 = tpu.vector_load %arg11[%get3A_197, %get3A_198] {strides = array<i32>} : memref<128x64xf32, #tpu.memory_space<vmem>>, vector<1x16xf32>,
          %get3A_200 = vector.shape_cast %get3A_199 : vector<1x16xf32> to vector<16xf32>
          %get3A_201 = arith.index_cast %scan3A_154 : i32 to index
          %get3A_202 = arith.constant 32 : index
          %get3A_203 = tpu.vector_load %arg12[%get3A_201, %get3A_202] {strides = array<i32>} : memref<128x128xf32, #tpu.memory_space<vmem>>, vector<1x16xf32>,
          %get3A_204 = vector.shape_cast %get3A_203 : vector<1x16xf32> to vector<16xf32>
          %get3A_205 = arith.index_cast %scan3A_154 : i32 to index
          %get3A_206 = arith.constant 96 : index
          %get3A_207 = tpu.vector_load %arg12[%get3A_205, %get3A_206] {strides = array<i32>} : memref<128x128xf32, #tpu.memory_space<vmem>>, vector<1x16xf32>,
          %get3A_208 = vector.shape_cast %get3A_207 : vector<1x16xf32> to vector<16xf32>
          %mul3A_209 = arith.mulf %get3A_208, %get3A_200 : vector<16xf32>
          %add3A_210 = arith.addf %mul3A_209, %get3A_204 : vector<16xf32>
          %max3A_211 = arith.constant 0.000000e+00 : f32
          %max3A_212 = vector.broadcast %max3A_211 : f32 to vector<16xf32>
          %max3A_213 = arith.maximumf %add3A_210, %max3A_212 : vector<16xf32>
          %swap3A_214 = arith.index_cast %scan3A_154 : i32 to index
          %swap3A_215 = arith.constant 32 : index
          %swap3A_216 = tpu.vector_load %arg13[%swap3A_214, %swap3A_215] {strides = array<i32>} : memref<128x64xf32, #tpu.memory_space<vmem>>, vector<1x16xf32>,
          %swap3A_217 = vector.shape_cast %swap3A_216 : vector<1x16xf32> to vector<16xf32>
          %swap3A_218 = vector.shape_cast %max3A_213 : vector<16xf32> to vector<1x16xf32>
          tpu.vector_store %arg13[%swap3A_214, %swap3A_215], %swap3A_218 {strides = array<i32>} : memref<128x64xf32, #tpu.memory_space<vmem>>, vector<1x16xf32>,
          %get3A_219 = arith.index_cast %scan3A_154 : i32 to index
          %get3A_220 = arith.constant 48 : index
          %get3A_221 = tpu.vector_load %arg11[%get3A_219, %get3A_220] {strides = array<i32>} : memref<128x64xf32, #tpu.memory_space<vmem>>, vector<1x16xf32>,
          %get3A_222 = vector.shape_cast %get3A_221 : vector<1x16xf32> to vector<16xf32>
          %get3A_223 = arith.index_cast %scan3A_154 : i32 to index
          %get3A_224 = arith.constant 48 : index
          %get3A_225 = tpu.vector_load %arg12[%get3A_223, %get3A_224] {strides = array<i32>} : memref<128x128xf32, #tpu.memory_space<vmem>>, vector<1x16xf32>,
          %get3A_226 = vector.shape_cast %get3A_225 : vector<1x16xf32> to vector<16xf32>
          %get3A_227 = arith.index_cast %scan3A_154 : i32 to index
          %get3A_228 = arith.constant 112 : index
          %get3A_229 = tpu.vector_load %arg12[%get3A_227, %get3A_228] {strides = array<i32>} : memref<128x128xf32, #tpu.memory_space<vmem>>, vector<1x16xf32>,
          %get3A_230 = vector.shape_cast %get3A_229 : vector<1x16xf32> to vector<16xf32>
          %mul3A_231 = arith.mulf %get3A_230, %get3A_222 : vector<16xf32>
          %add3A_232 = arith.addf %mul3A_231, %get3A_226 : vector<16xf32>
          %max3A_233 = arith.constant 0.000000e+00 : f32
          %max3A_234 = vector.broadcast %max3A_233 : f32 to vector<16xf32>
          %max3A_235 = arith.maximumf %add3A_232, %max3A_234 : vector<16xf32>
          %swap3A_236 = arith.index_cast %scan3A_154 : i32 to index
          %swap3A_237 = arith.constant 48 : index
          %swap3A_238 = tpu.vector_load %arg13[%swap3A_236, %swap3A_237] {strides = array<i32>} : memref<128x64xf32, #tpu.memory_space<vmem>>, vector<1x16xf32>,
          %swap3A_239 = vector.shape_cast %swap3A_238 : vector<1x16xf32> to vector<16xf32>
          %swap3A_240 = vector.shape_cast %max3A_235 : vector<16xf32> to vector<1x16xf32>
          tpu.vector_store %arg13[%swap3A_236, %swap3A_237], %swap3A_240 {strides = array<i32>} : memref<128x64xf32, #tpu.memory_space<vmem>>, vector<1x16xf32>,
          %scan3A_241 = arith.constant 0 : i32
          scf.yield %scan3A_241 : i32
        }
        %scan3A_127 = arith.constant 64 : i32
        %dma_wait3A_128 = arith.constant 64 : i32
        %dma_wait3A_129 = arith.constant 0 : i32
        %dma_wait3A_130 = tpu.memref_slice %arg11[%dma_wait3A_128, %dma_wait3A_129] : memref<128x64xf32, #tpu.memory_space<vmem>> -> memref<64x64xf32, #tpu.memory_space<vmem>>
        %dma_wait3A_131 = arith.constant 64 : i32
        %dma_wait3A_132 = tpu.memref_slice %arg8[%scan3A_67, %dma_wait3A_131] : memref<108x128xi32, #tpu.memory_space<vmem>> -> memref<1x64xi32, #tpu.memory_space<vmem>>
        %dma_wait3A_133 = tpu.memref_squeeze %dma_wait3A_132 : memref<1x64xi32, #tpu.memory_space<vmem>> -> memref<64xi32, #tpu.memory_space<vmem>>
        %dma_wait3A_134 = arith.constant 0 : i32
        %dma_wait3A_135 = arith.constant 0 : i32
        %dma_wait3A_136 = tpu.memref_slice %arg2[%dma_wait3A_134, %dma_wait3A_135] : memref<40000x64xf32, #tpu.memory_space<hbm>> -> memref<40000x64xf32, #tpu.memory_space<hbm>>
        tpu.wait_indirect_dma semaphore(%arg17 : memref<!tpu.dma_semaphore, #tpu.memory_space<semaphore_mem>>) src(%dma_wait3A_136 : memref<40000x64xf32, #tpu.memory_space<hbm>>) dst(%dma_wait3A_130 : memref<64x64xf32, #tpu.memory_space<vmem>>)
        %dma_wait3A_137 = arith.constant 64 : i32
        %dma_wait3A_138 = arith.constant 0 : i32
        %dma_wait3A_139 = tpu.memref_slice %arg12[%dma_wait3A_137, %dma_wait3A_138] : memref<128x128xf32, #tpu.memory_space<vmem>> -> memref<64x128xf32, #tpu.memory_space<vmem>>
        %dma_wait3A_140 = arith.constant 64 : i32
        %dma_wait3A_141 = tpu.memref_slice %arg9[%scan3A_67, %dma_wait3A_140] : memref<108x128xi32, #tpu.memory_space<vmem>> -> memref<1x64xi32, #tpu.memory_space<vmem>>
        %dma_wait3A_142 = tpu.memref_squeeze %dma_wait3A_141 : memref<1x64xi32, #tpu.memory_space<vmem>> -> memref<64xi32, #tpu.memory_space<vmem>>
        %dma_wait3A_143 = arith.constant 0 : i32
        %dma_wait3A_144 = arith.constant 0 : i32
        %dma_wait3A_145 = tpu.memref_slice %arg3[%dma_wait3A_143, %dma_wait3A_144] : memref<40000x128xf32, #tpu.memory_space<hbm>> -> memref<40000x128xf32, #tpu.memory_space<hbm>>
        tpu.wait_indirect_dma semaphore(%arg19 : memref<!tpu.dma_semaphore, #tpu.memory_space<semaphore_mem>>) src(%dma_wait3A_145 : memref<40000x128xf32, #tpu.memory_space<hbm>>) dst(%dma_wait3A_139 : memref<64x128xf32, #tpu.memory_space<vmem>>)
        %scan3A_146 = arith.constant 0 : i32
        %scan3A_147 = arith.constant 64 : i32
        %scan3A_148 = arith.constant 64 : i32
        %scan3A_149 = arith.addi %scan3A_147, %scan3A_148 : i32
        %scan3A_150 = arith.constant 1 : i32
        %scan3A_151 = scf.for %scan3A_154 = %scan3A_147 to %scan3A_149 step %scan3A_150 iter_args(%scan3A_155 = %scan3A_146) -> (i32)  : i32 {
          %get3A = arith.index_cast %scan3A_154 : i32 to index
          %get3A_156 = arith.constant 0 : index
          %get3A_157 = tpu.vector_load %arg11[%get3A, %get3A_156] {strides = array<i32>} : memref<128x64xf32, #tpu.memory_space<vmem>>, vector<1x16xf32>,
          %get3A_158 = vector.shape_cast %get3A_157 : vector<1x16xf32> to vector<16xf32>
          %get3A_159 = arith.index_cast %scan3A_154 : i32 to index
          %get3A_160 = arith.constant 0 : index
          %get3A_161 = tpu.vector_load %arg12[%get3A_159, %get3A_160] {strides = array<i32>} : memref<128x128xf32, #tpu.memory_space<vmem>>, vector<1x16xf32>,
          %get3A_162 = vector.shape_cast %get3A_161 : vector<1x16xf32> to vector<16xf32>
          %get3A_163 = arith.index_cast %scan3A_154 : i32 to index
          %get3A_164 = arith.constant 64 : index
          %get3A_165 = tpu.vector_load %arg12[%get3A_163, %get3A_164] {strides = array<i32>} : memref<128x128xf32, #tpu.memory_space<vmem>>, vector<1x16xf32>,
          %get3A_166 = vector.shape_cast %get3A_165 : vector<1x16xf32> to vector<16xf32>
          %mul3A_167 = arith.mulf %get3A_166, %get3A_158 : vector<16xf32>
          %add3A_168 = arith.addf %mul3A_167, %get3A_162 : vector<16xf32>
          %max3A = arith.constant 0.000000e+00 : f32
          %max3A_169 = vector.broadcast %max3A : f32 to vector<16xf32>
          %max3A_170 = arith.maximumf %add3A_168, %max3A_169 : vector<16xf32>
          %swap3A = arith.index_cast %scan3A_154 : i32 to index
          %swap3A_171 = arith.constant 0 : index
          %swap3A_172 = tpu.vector_load %arg13[%swap3A, %swap3A_171] {strides = array<i32>} : memref<128x64xf32, #tpu.memory_space<vmem>>, vector<1x16xf32>,
          %swap3A_173 = vector.shape_cast %swap3A_172 : vector<1x16xf32> to vector<16xf32>
          %swap3A_174 = vector.shape_cast %max3A_170 : vector<16xf32> to vector<1x16xf32>
          tpu.vector_store %arg13[%swap3A, %swap3A_171], %swap3A_174 {strides = array<i32>} : memref<128x64xf32, #tpu.memory_space<vmem>>, vector<1x16xf32>,
          %get3A_175 = arith.index_cast %scan3A_154 : i32 to index
          %get3A_176 = arith.constant 16 : index
          %get3A_177 = tpu.vector_load %arg11[%get3A_175, %get3A_176] {strides = array<i32>} : memref<128x64xf32, #tpu.memory_space<vmem>>, vector<1x16xf32>,
          %get3A_178 = vector.shape_cast %get3A_177 : vector<1x16xf32> to vector<16xf32>
          %get3A_179 = arith.index_cast %scan3A_154 : i32 to index
          %get3A_180 = arith.constant 16 : index
          %get3A_181 = tpu.vector_load %arg12[%get3A_179, %get3A_180] {strides = array<i32>} : memref<128x128xf32, #tpu.memory_space<vmem>>, vector<1x16xf32>,
          %get3A_182 = vector.shape_cast %get3A_181 : vector<1x16xf32> to vector<16xf32>
          %get3A_183 = arith.index_cast %scan3A_154 : i32 to index
          %get3A_184 = arith.constant 80 : index
          %get3A_185 = tpu.vector_load %arg12[%get3A_183, %get3A_184] {strides = array<i32>} : memref<128x128xf32, #tpu.memory_space<vmem>>, vector<1x16xf32>,
          %get3A_186 = vector.shape_cast %get3A_185 : vector<1x16xf32> to vector<16xf32>
          %mul3A_187 = arith.mulf %get3A_186, %get3A_178 : vector<16xf32>
          %add3A_188 = arith.addf %mul3A_187, %get3A_182 : vector<16xf32>
          %max3A_189 = arith.constant 0.000000e+00 : f32
          %max3A_190 = vector.broadcast %max3A_189 : f32 to vector<16xf32>
          %max3A_191 = arith.maximumf %add3A_188, %max3A_190 : vector<16xf32>
          %swap3A_192 = arith.index_cast %scan3A_154 : i32 to index
          %swap3A_193 = arith.constant 16 : index
          %swap3A_194 = tpu.vector_load %arg13[%swap3A_192, %swap3A_193] {strides = array<i32>} : memref<128x64xf32, #tpu.memory_space<vmem>>, vector<1x16xf32>,
          %swap3A_195 = vector.shape_cast %swap3A_194 : vector<1x16xf32> to vector<16xf32>
          %swap3A_196 = vector.shape_cast %max3A_191 : vector<16xf32> to vector<1x16xf32>
          tpu.vector_store %arg13[%swap3A_192, %swap3A_193], %swap3A_196 {strides = array<i32>} : memref<128x64xf32, #tpu.memory_space<vmem>>, vector<1x16xf32>,
          %get3A_197 = arith.index_cast %scan3A_154 : i32 to index
          %get3A_198 = arith.constant 32 : index
          %get3A_199 = tpu.vector_load %arg11[%get3A_197, %get3A_198] {strides = array<i32>} : memref<128x64xf32, #tpu.memory_space<vmem>>, vector<1x16xf32>,
          %get3A_200 = vector.shape_cast %get3A_199 : vector<1x16xf32> to vector<16xf32>
          %get3A_201 = arith.index_cast %scan3A_154 : i32 to index
          %get3A_202 = arith.constant 32 : index
          %get3A_203 = tpu.vector_load %arg12[%get3A_201, %get3A_202] {strides = array<i32>} : memref<128x128xf32, #tpu.memory_space<vmem>>, vector<1x16xf32>,
          %get3A_204 = vector.shape_cast %get3A_203 : vector<1x16xf32> to vector<16xf32>
          %get3A_205 = arith.index_cast %scan3A_154 : i32 to index
          %get3A_206 = arith.constant 96 : index
          %get3A_207 = tpu.vector_load %arg12[%get3A_205, %get3A_206] {strides = array<i32>} : memref<128x128xf32, #tpu.memory_space<vmem>>, vector<1x16xf32>,
          %get3A_208 = vector.shape_cast %get3A_207 : vector<1x16xf32> to vector<16xf32>
          %mul3A_209 = arith.mulf %get3A_208, %get3A_200 : vector<16xf32>
          %add3A_210 = arith.addf %mul3A_209, %get3A_204 : vector<16xf32>
          %max3A_211 = arith.constant 0.000000e+00 : f32
          %max3A_212 = vector.broadcast %max3A_211 : f32 to vector<16xf32>
          %max3A_213 = arith.maximumf %add3A_210, %max3A_212 : vector<16xf32>
          %swap3A_214 = arith.index_cast %scan3A_154 : i32 to index
          %swap3A_215 = arith.constant 32 : index
          %swap3A_216 = tpu.vector_load %arg13[%swap3A_214, %swap3A_215] {strides = array<i32>} : memref<128x64xf32, #tpu.memory_space<vmem>>, vector<1x16xf32>,
          %swap3A_217 = vector.shape_cast %swap3A_216 : vector<1x16xf32> to vector<16xf32>
          %swap3A_218 = vector.shape_cast %max3A_213 : vector<16xf32> to vector<1x16xf32>
          tpu.vector_store %arg13[%swap3A_214, %swap3A_215], %swap3A_218 {strides = array<i32>} : memref<128x64xf32, #tpu.memory_space<vmem>>, vector<1x16xf32>,
          %get3A_219 = arith.index_cast %scan3A_154 : i32 to index
          %get3A_220 = arith.constant 48 : index
          %get3A_221 = tpu.vector_load %arg11[%get3A_219, %get3A_220] {strides = array<i32>} : memref<128x64xf32, #tpu.memory_space<vmem>>, vector<1x16xf32>,
          %get3A_222 = vector.shape_cast %get3A_221 : vector<1x16xf32> to vector<16xf32>
          %get3A_223 = arith.index_cast %scan3A_154 : i32 to index
          %get3A_224 = arith.constant 48 : index
          %get3A_225 = tpu.vector_load %arg12[%get3A_223, %get3A_224] {strides = array<i32>} : memref<128x128xf32, #tpu.memory_space<vmem>>, vector<1x16xf32>,
          %get3A_226 = vector.shape_cast %get3A_225 : vector<1x16xf32> to vector<16xf32>
          %get3A_227 = arith.index_cast %scan3A_154 : i32 to index
          %get3A_228 = arith.constant 112 : index
          %get3A_229 = tpu.vector_load %arg12[%get3A_227, %get3A_228] {strides = array<i32>} : memref<128x128xf32, #tpu.memory_space<vmem>>, vector<1x16xf32>,
          %get3A_230 = vector.shape_cast %get3A_229 : vector<1x16xf32> to vector<16xf32>
          %mul3A_231 = arith.mulf %get3A_230, %get3A_222 : vector<16xf32>
          %add3A_232 = arith.addf %mul3A_231, %get3A_226 : vector<16xf32>
          %max3A_233 = arith.constant 0.000000e+00 : f32
          %max3A_234 = vector.broadcast %max3A_233 : f32 to vector<16xf32>
          %max3A_235 = arith.maximumf %add3A_232, %max3A_234 : vector<16xf32>
          %swap3A_236 = arith.index_cast %scan3A_154 : i32 to index
          %swap3A_237 = arith.constant 48 : index
          %swap3A_238 = tpu.vector_load %arg13[%swap3A_236, %swap3A_237] {strides = array<i32>} : memref<128x64xf32, #tpu.memory_space<vmem>>, vector<1x16xf32>,
          %swap3A_239 = vector.shape_cast %swap3A_238 : vector<1x16xf32> to vector<16xf32>
          %swap3A_240 = vector.shape_cast %max3A_235 : vector<16xf32> to vector<1x16xf32>
          tpu.vector_store %arg13[%swap3A_236, %swap3A_237], %swap3A_240 {strides = array<i32>} : memref<128x64xf32, #tpu.memory_space<vmem>>, vector<1x16xf32>,
          %scan3A_241 = arith.constant 0 : i32
          scf.yield %scan3A_241 : i32
        }
        %scan3A_152 = arith.constant 64 : i32
        "tpu.region"() ({
          %run_scoped3A = tpu.sem_alloc : memref<!tpu.dma_semaphore, #tpu.memory_space<semaphore_mem>>
          %dma_start3A_154 = arith.constant 0 : i32
          %dma_start3A_155 = tpu.memref_slice %arg10[%scan3A_67, %dma_start3A_154] : memref<108x128xi32, #tpu.memory_space<vmem>> -> memref<1x128xi32, #tpu.memory_space<vmem>>
          %dma_start3A_156 = tpu.memref_squeeze %dma_start3A_155 : memref<1x128xi32, #tpu.memory_space<vmem>> -> memref<128xi32, #tpu.memory_space<vmem>>
          %dma_start3A_157 = arith.constant 0 : i32
          %dma_start3A_158 = arith.constant 0 : i32
          %dma_start3A_159 = tpu.memref_slice %arg15[%dma_start3A_157, %dma_start3A_158] : memref<10240x64xf32, #tpu.memory_space<vmem_shared>> -> memref<10240x64xf32, #tpu.memory_space<vmem_shared>>
          tpu.enqueue_indirect_dma source(%arg13 : memref<128x64xf32, #tpu.memory_space<vmem>>) target(%dma_start3A_159 : memref<10240x64xf32, #tpu.memory_space<vmem_shared>>) offsets(%dma_start3A_156 : memref<128xi32, #tpu.memory_space<vmem>>) semaphore(%run_scoped3A : memref<!tpu.dma_semaphore, #tpu.memory_space<semaphore_mem>>) {add = true}
          %dma_wait3A_160 = arith.constant 0 : i32
          %dma_wait3A_161 = tpu.memref_slice %arg10[%scan3A_67, %dma_wait3A_160] : memref<108x128xi32, #tpu.memory_space<vmem>> -> memref<1x128xi32, #tpu.memory_space<vmem>>
          %dma_wait3A_162 = tpu.memref_squeeze %dma_wait3A_161 : memref<1x128xi32, #tpu.memory_space<vmem>> -> memref<128xi32, #tpu.memory_space<vmem>>
          %dma_wait3A_163 = arith.constant 0 : i32
          %dma_wait3A_164 = arith.constant 0 : i32
          %dma_wait3A_165 = tpu.memref_slice %arg15[%dma_wait3A_163, %dma_wait3A_164] : memref<10240x64xf32, #tpu.memory_space<vmem_shared>> -> memref<10240x64xf32, #tpu.memory_space<vmem_shared>>
          tpu.wait_indirect_dma semaphore(%run_scoped3A : memref<!tpu.dma_semaphore, #tpu.memory_space<semaphore_mem>>) src(%arg13 : memref<128x64xf32, #tpu.memory_space<vmem>>) dst(%dma_wait3A_165 : memref<10240x64xf32, #tpu.memory_space<vmem_shared>>)
          tpu.yield
        }) : () -> ()
        %scan3A_153 = arith.constant 0 : i32
        scf.yield %scan3A_153 : i32
      }
      %scan3A_66 = arith.constant 52 : i32
    } else {
    }
    %barrier3A = arith.constant 0 : index
    tpu.barrier barrier_id(%barrier3A)
    %mul3A_51 = arith.constant 640 : i32
    %mul3A_52 = arith.muli %arg1, %mul3A_51 : i32
    %mul3A_53 = arith.constant 640 : i32
    %mul3A_54 = arith.muli %arg1, %mul3A_53 : i32
    "tpu.region"() ({
      %run_scoped3A = tpu.sem_alloc : memref<!tpu.dma_semaphore, #tpu.memory_space<semaphore_mem>>
      %dma_start3A = arith.constant 0 : i32
      %dma_start3A_55 = tpu.memref_slice %arg7[%arg0, %mul3A_54, %dma_start3A] : memref<2x10240x64xf32, #tpu.memory_space<hbm>> -> memref<1x640x64xf32, #tpu.memory_space<hbm>>
      %dma_start3A_56 = tpu.memref_squeeze %dma_start3A_55 : memref<1x640x64xf32, #tpu.memory_space<hbm>> -> memref<640x64xf32, #tpu.memory_space<hbm>>
      %dma_start3A_57 = arith.constant 0 : i32
      %dma_start3A_58 = tpu.memref_slice %arg15[%mul3A_52, %dma_start3A_57] : memref<10240x64xf32, #tpu.memory_space<vmem_shared>> -> memref<640x64xf32, #tpu.memory_space<vmem_shared>>
      tpu.enqueue_dma source(%dma_start3A_58 : memref<640x64xf32, #tpu.memory_space<vmem_shared>>) target(%dma_start3A_56 : memref<640x64xf32, #tpu.memory_space<hbm>>) target_semaphore(%run_scoped3A : memref<!tpu.dma_semaphore, #tpu.memory_space<semaphore_mem>>)
      %dma_wait3A = arith.constant 0 : i32
      %dma_wait3A_59 = tpu.memref_slice %arg7[%arg0, %mul3A_54, %dma_wait3A] : memref<2x10240x64xf32, #tpu.memory_space<hbm>> -> memref<1x640x64xf32, #tpu.memory_space<hbm>>
      %dma_wait3A_60 = tpu.memref_squeeze %dma_wait3A_59 : memref<1x640x64xf32, #tpu.memory_space<hbm>> -> memref<640x64xf32, #tpu.memory_space<hbm>>
      %dma_wait3A_61 = arith.constant 0 : i32
      %dma_wait3A_62 = tpu.memref_slice %arg15[%mul3A_52, %dma_wait3A_61] : memref<10240x64xf32, #tpu.memory_space<vmem_shared>> -> memref<640x64xf32, #tpu.memory_space<vmem_shared>>
      tpu.wait_dma2 semaphore(%run_scoped3A : memref<!tpu.dma_semaphore, #tpu.memory_space<semaphore_mem>>) src(%dma_wait3A_62 : memref<640x64xf32, #tpu.memory_space<vmem_shared>>) dst(%dma_wait3A_60 : memref<640x64xf32, #tpu.memory_space<hbm>>)
      tpu.yield
    }) : () -> ()
    return
  }
}

module attributes {stable_mosaic.version = 14 : i64} {
  func.func @_layer0_body(%arg0: i32, %arg1: memref<400x128xf32, #tpu.memory_space<vmem>>, %arg2: memref<2x400x4xf32, #tpu.memory_space<vmem>>, %arg3: memref<128x64xf32, #tpu.memory_space<vmem>>, %arg4: memref<1x64xf32, #tpu.memory_space<vmem>>, %arg5: memref<64x960xf32, #tpu.memory_space<vmem>>, %arg6: memref<1x512xf32, #tpu.memory_space<vmem>>, %arg7: memref<400x256xf32, #tpu.memory_space<vmem>>, %arg8: memref<400x512xf32, #tpu.memory_space<vmem>>, %arg9: memref<400x64xf32, #tpu.memory_space<vmem>>) attributes {dimension_semantics = [#tpu.dimension_semantics<arbitrary>], iteration_bounds = array<i64: 25>, scalar_prefetch = 0 : i64, scratch_operands = 0 : i64, tpu.core_type = #tpu.core_type<tc>, window_params = [{transform_indices = @transform_0, window_bounds = array<i64: 400, 128>}, {transform_indices = @transform_1, window_bounds = array<i64: 2, 400, 4>}, {pipeline_mode = #tpu.pipeline_mode<synchronous>, transform_indices = @transform_2, window_bounds = array<i64: 128, 64>}, {pipeline_mode = #tpu.pipeline_mode<synchronous>, transform_indices = @transform_3, window_bounds = array<i64: 1, 64>}, {pipeline_mode = #tpu.pipeline_mode<synchronous>, transform_indices = @transform_4, window_bounds = array<i64: 64, 960>}, {pipeline_mode = #tpu.pipeline_mode<synchronous>, transform_indices = @transform_5, window_bounds = array<i64: 1, 512>}, {transform_indices = @transform_6, window_bounds = array<i64: 400, 256>}, {transform_indices = @transform_7, window_bounds = array<i64: 400, 512>}, {transform_indices = @transform_8, window_bounds = array<i64: 400, 64>}]} {
    %get3A = arith.constant 0 : index
    %get3A_0 = arith.constant 0 : index
    %get3A_1 = vector.load %arg1[%get3A, %get3A_0] : memref<400x128xf32, #tpu.memory_space<vmem>>, vector<400x128xf32>
    %get3A_2 = arith.constant 0 : index
    %get3A_3 = arith.constant 0 : index
    %get3A_4 = vector.load %arg3[%get3A_2, %get3A_3] : memref<128x64xf32, #tpu.memory_space<vmem>>, vector<128x64xf32>
    %dot_general3A = arith.constant dense<0.000000e+00> : vector<400x64xf32>
    %dot_general3A_5 = tpu.matmul %get3A_1, %get3A_4, %dot_general3A {dimension_numbers = #tpu.dot_dimension_numbers<[1], [0], [0], [1], [0, 0, 1, 1], [], []>, transpose_lhs_hint = false} : vector<400x128xf32>, vector<128x64xf32>, vector<400x64xf32> -> vector<400x64xf32>
    %get3A_6 = arith.constant 0 : index
    %get3A_7 = arith.constant 0 : index
    %get3A_8 = vector.load %arg4[%get3A_6, %get3A_7] : memref<1x64xf32, #tpu.memory_space<vmem>>, vector<1x64xf32>
    %add3A = vector.broadcast %get3A_8 : vector<1x64xf32> to vector<400x64xf32>
    %add3A_9 = arith.addf %dot_general3A_5, %add3A : vector<400x64xf32>
    %get3A_10 = arith.constant 0 : index
    %get3A_11 = arith.constant 0 : index
    %get3A_12 = vector.load %arg5[%get3A_10, %get3A_11] : memref<64x960xf32, #tpu.memory_space<vmem>>, vector<64x960xf32>
    %dot_general3A_13 = arith.constant dense<0.000000e+00> : vector<400x960xf32>
    %dot_general3A_14 = tpu.matmul %add3A_9, %get3A_12, %dot_general3A_13 {dimension_numbers = #tpu.dot_dimension_numbers<[1], [0], [0], [1], [0, 0, 1, 1], [], []>, transpose_lhs_hint = false} : vector<400x64xf32>, vector<64x960xf32>, vector<400x960xf32> -> vector<400x960xf32>
    %slice3A = vector.extract_strided_slice %dot_general3A_14 {offsets = [0, 0], sizes = [400, 256], strides = [1, 1]} : vector<400x960xf32> to vector<400x256xf32>
    %swap3A = arith.constant 0 : index
    %swap3A_15 = arith.constant 0 : index
    %swap3A_16 = vector.load %arg7[%swap3A, %swap3A_15] : memref<400x256xf32, #tpu.memory_space<vmem>>, vector<400x256xf32>
    tpu.vector_store %arg7[%swap3A, %swap3A_15], %slice3A {strides = array<i32>} : memref<400x256xf32, #tpu.memory_space<vmem>>, vector<400x256xf32>,
    %slice3A_17 = vector.extract_strided_slice %dot_general3A_14 {offsets = [0, 768], sizes = [400, 128], strides = [1, 1]} : vector<400x960xf32> to vector<400x128xf32>
    %slice3A_18 = vector.extract_strided_slice %dot_general3A_14 {offsets = [0, 896], sizes = [400, 64], strides = [1, 1]} : vector<400x960xf32> to vector<400x64xf32>
    %slice3A_19 = vector.extract_strided_slice %slice3A_17 {offsets = [0, 64], sizes = [400, 64], strides = [1, 1]} : vector<400x128xf32> to vector<400x64xf32>
    %mul3A = arith.mulf %slice3A_19, %slice3A_18 : vector<400x64xf32>
    %slice3A_20 = vector.extract_strided_slice %slice3A_17 {offsets = [0, 0], sizes = [400, 64], strides = [1, 1]} : vector<400x128xf32> to vector<400x64xf32>
    %add3A_21 = arith.addf %mul3A, %slice3A_20 : vector<400x64xf32>
    %max3A = arith.constant 0.000000e+00 : f32
    %max3A_22 = vector.broadcast %max3A : f32 to vector<400x64xf32>
    %max3A_23 = arith.maximumf %add3A_21, %max3A_22 : vector<400x64xf32>
    %swap3A_24 = arith.constant 0 : index
    %swap3A_25 = arith.constant 0 : index
    %swap3A_26 = vector.load %arg9[%swap3A_24, %swap3A_25] : memref<400x64xf32, #tpu.memory_space<vmem>>, vector<400x64xf32>
    tpu.vector_store %arg9[%swap3A_24, %swap3A_25], %max3A_23 {strides = array<i32>} : memref<400x64xf32, #tpu.memory_space<vmem>>, vector<400x64xf32>,
    %get3A_27 = arith.constant 0 : index
    %get3A_28 = arith.constant 0 : index
    %get3A_29 = arith.constant 0 : index
    %get3A_30 = vector.load %arg2[%get3A_27, %get3A_28, %get3A_29] : memref<2x400x4xf32, #tpu.memory_space<vmem>>, vector<1x400x4xf32>
    %get3A_31 = vector.shape_cast %get3A_30 : vector<1x400x4xf32> to vector<400x4xf32>
    %get3A_32 = arith.constant 1 : index
    %get3A_33 = arith.constant 0 : index
    %get3A_34 = arith.constant 0 : index
    %get3A_35 = vector.load %arg2[%get3A_32, %get3A_33, %get3A_34] : memref<2x400x4xf32, #tpu.memory_space<vmem>>, vector<1x400x4xf32>
    %get3A_36 = vector.shape_cast %get3A_35 : vector<1x400x4xf32> to vector<400x4xf32>
    %add3A_37 = arith.addf %get3A_31, %get3A_36 : vector<400x4xf32>
    %slice3A_38 = vector.extract_strided_slice %add3A_37 {offsets = [0, 0], sizes = [400, 1], strides = [1, 1]} : vector<400x4xf32> to vector<400x1xf32>
    %max3A_39 = arith.constant 1.000000e+00 : f32
    %max3A_40 = vector.broadcast %max3A_39 : f32 to vector<400x1xf32>
    %max3A_41 = arith.maximumf %slice3A_38, %max3A_40 : vector<400x1xf32>
    %div3A = arith.constant 1.000000e+00 : f32
    %div3A_42 = vector.broadcast %div3A : f32 to vector<400x1xf32>
    %div3A_43 = arith.divf %div3A_42, %max3A_41 : vector<400x1xf32>
    %slice3A_44 = vector.extract_strided_slice %dot_general3A_14 {offsets = [0, 256], sizes = [400, 128], strides = [1, 1]} : vector<400x960xf32> to vector<400x128xf32>
    %get3A_45 = arith.constant 0 : index
    %get3A_46 = arith.constant 0 : index
    %get3A_47 = vector.load %arg6[%get3A_45, %get3A_46] : memref<1x512xf32, #tpu.memory_space<vmem>>, vector<1x128xf32>
    %get3A_48 = vector.shape_cast %get3A_47 : vector<1x128xf32> to vector<128xf32>
    %broadcast_in_dim3A = vector.shape_cast %get3A_48 : vector<128xf32> to vector<1x128xf32>
    %add3A_49 = vector.broadcast %broadcast_in_dim3A : vector<1x128xf32> to vector<400x128xf32>
    %add3A_50 = arith.addf %slice3A_44, %add3A_49 : vector<400x128xf32>
    %mul3A_51 = vector.broadcast %div3A_43 : vector<400x1xf32> to vector<400x128xf32>
    %mul3A_52 = arith.mulf %add3A_50, %mul3A_51 : vector<400x128xf32>
    %swap3A_53 = arith.constant 0 : index
    %swap3A_54 = arith.constant 0 : index
    %swap3A_55 = vector.load %arg8[%swap3A_53, %swap3A_54] : memref<400x512xf32, #tpu.memory_space<vmem>>, vector<400x128xf32>
    tpu.vector_store %arg8[%swap3A_53, %swap3A_54], %mul3A_52 {strides = array<i32>} : memref<400x512xf32, #tpu.memory_space<vmem>>, vector<400x128xf32>,
    %slice3A_56 = vector.extract_strided_slice %add3A_37 {offsets = [0, 1], sizes = [400, 1], strides = [1, 1]} : vector<400x4xf32> to vector<400x1xf32>
    %max3A_57 = arith.constant 1.000000e+00 : f32
    %max3A_58 = vector.broadcast %max3A_57 : f32 to vector<400x1xf32>
    %max3A_59 = arith.maximumf %slice3A_56, %max3A_58 : vector<400x1xf32>
    %div3A_60 = arith.constant 1.000000e+00 : f32
    %div3A_61 = vector.broadcast %div3A_60 : f32 to vector<400x1xf32>
    %div3A_62 = arith.divf %div3A_61, %max3A_59 : vector<400x1xf32>
    %slice3A_63 = vector.extract_strided_slice %dot_general3A_14 {offsets = [0, 384], sizes = [400, 128], strides = [1, 1]} : vector<400x960xf32> to vector<400x128xf32>
    %get3A_64 = arith.constant 0 : index
    %get3A_65 = arith.constant 128 : index
    %get3A_66 = vector.load %arg6[%get3A_64, %get3A_65] : memref<1x512xf32, #tpu.memory_space<vmem>>, vector<1x128xf32>
    %get3A_67 = vector.shape_cast %get3A_66 : vector<1x128xf32> to vector<128xf32>
    %broadcast_in_dim3A_68 = vector.shape_cast %get3A_67 : vector<128xf32> to vector<1x128xf32>
    %add3A_69 = vector.broadcast %broadcast_in_dim3A_68 : vector<1x128xf32> to vector<400x128xf32>
    %add3A_70 = arith.addf %slice3A_63, %add3A_69 : vector<400x128xf32>
    %mul3A_71 = vector.broadcast %div3A_62 : vector<400x1xf32> to vector<400x128xf32>
    %mul3A_72 = arith.mulf %add3A_70, %mul3A_71 : vector<400x128xf32>
    %swap3A_73 = arith.constant 0 : index
    %swap3A_74 = arith.constant 128 : index
    %swap3A_75 = vector.load %arg8[%swap3A_73, %swap3A_74] : memref<400x512xf32, #tpu.memory_space<vmem>>, vector<400x128xf32>
    tpu.vector_store %arg8[%swap3A_73, %swap3A_74], %mul3A_72 {strides = array<i32>} : memref<400x512xf32, #tpu.memory_space<vmem>>, vector<400x128xf32>,
    %slice3A_76 = vector.extract_strided_slice %add3A_37 {offsets = [0, 2], sizes = [400, 1], strides = [1, 1]} : vector<400x4xf32> to vector<400x1xf32>
    %max3A_77 = arith.constant 1.000000e+00 : f32
    %max3A_78 = vector.broadcast %max3A_77 : f32 to vector<400x1xf32>
    %max3A_79 = arith.maximumf %slice3A_76, %max3A_78 : vector<400x1xf32>
    %div3A_80 = arith.constant 1.000000e+00 : f32
    %div3A_81 = vector.broadcast %div3A_80 : f32 to vector<400x1xf32>
    %div3A_82 = arith.divf %div3A_81, %max3A_79 : vector<400x1xf32>
    %slice3A_83 = vector.extract_strided_slice %dot_general3A_14 {offsets = [0, 512], sizes = [400, 128], strides = [1, 1]} : vector<400x960xf32> to vector<400x128xf32>
    %get3A_84 = arith.constant 0 : index
    %get3A_85 = arith.constant 256 : index
    %get3A_86 = vector.load %arg6[%get3A_84, %get3A_85] : memref<1x512xf32, #tpu.memory_space<vmem>>, vector<1x128xf32>
    %get3A_87 = vector.shape_cast %get3A_86 : vector<1x128xf32> to vector<128xf32>
    %broadcast_in_dim3A_88 = vector.shape_cast %get3A_87 : vector<128xf32> to vector<1x128xf32>
    %add3A_89 = vector.broadcast %broadcast_in_dim3A_88 : vector<1x128xf32> to vector<400x128xf32>
    %add3A_90 = arith.addf %slice3A_83, %add3A_89 : vector<400x128xf32>
    %mul3A_91 = vector.broadcast %div3A_82 : vector<400x1xf32> to vector<400x128xf32>
    %mul3A_92 = arith.mulf %add3A_90, %mul3A_91 : vector<400x128xf32>
    %swap3A_93 = arith.constant 0 : index
    %swap3A_94 = arith.constant 256 : index
    %swap3A_95 = vector.load %arg8[%swap3A_93, %swap3A_94] : memref<400x512xf32, #tpu.memory_space<vmem>>, vector<400x128xf32>
    tpu.vector_store %arg8[%swap3A_93, %swap3A_94], %mul3A_92 {strides = array<i32>} : memref<400x512xf32, #tpu.memory_space<vmem>>, vector<400x128xf32>,
    %slice3A_96 = vector.extract_strided_slice %add3A_37 {offsets = [0, 3], sizes = [400, 1], strides = [1, 1]} : vector<400x4xf32> to vector<400x1xf32>
    %max3A_97 = arith.constant 1.000000e+00 : f32
    %max3A_98 = vector.broadcast %max3A_97 : f32 to vector<400x1xf32>
    %max3A_99 = arith.maximumf %slice3A_96, %max3A_98 : vector<400x1xf32>
    %div3A_100 = arith.constant 1.000000e+00 : f32
    %div3A_101 = vector.broadcast %div3A_100 : f32 to vector<400x1xf32>
    %div3A_102 = arith.divf %div3A_101, %max3A_99 : vector<400x1xf32>
    %slice3A_103 = vector.extract_strided_slice %dot_general3A_14 {offsets = [0, 640], sizes = [400, 128], strides = [1, 1]} : vector<400x960xf32> to vector<400x128xf32>
    %get3A_104 = arith.constant 0 : index
    %get3A_105 = arith.constant 384 : index
    %get3A_106 = vector.load %arg6[%get3A_104, %get3A_105] : memref<1x512xf32, #tpu.memory_space<vmem>>, vector<1x128xf32>
    %get3A_107 = vector.shape_cast %get3A_106 : vector<1x128xf32> to vector<128xf32>
    %broadcast_in_dim3A_108 = vector.shape_cast %get3A_107 : vector<128xf32> to vector<1x128xf32>
    %add3A_109 = vector.broadcast %broadcast_in_dim3A_108 : vector<1x128xf32> to vector<400x128xf32>
    %add3A_110 = arith.addf %slice3A_103, %add3A_109 : vector<400x128xf32>
    %mul3A_111 = vector.broadcast %div3A_102 : vector<400x1xf32> to vector<400x128xf32>
    %mul3A_112 = arith.mulf %add3A_110, %mul3A_111 : vector<400x128xf32>
    %swap3A_113 = arith.constant 0 : index
    %swap3A_114 = arith.constant 384 : index
    %swap3A_115 = vector.load %arg8[%swap3A_113, %swap3A_114] : memref<400x512xf32, #tpu.memory_space<vmem>>, vector<400x128xf32>
    tpu.vector_store %arg8[%swap3A_113, %swap3A_114], %mul3A_112 {strides = array<i32>} : memref<400x512xf32, #tpu.memory_space<vmem>>, vector<400x128xf32>,
    return
  }
  func.func @transform_0(%arg0: i32) -> (i32, i32) {
    %c0_i32 = arith.constant 0 : i32
    %c0_i32_0 = arith.constant 0 : i32
    return %arg0, %c0_i32 : i32, i32
  }
  func.func @transform_1(%arg0: i32) -> (i32, i32, i32) {
    %c0_i32 = arith.constant 0 : i32
    %c0_i32_0 = arith.constant 0 : i32
    %c0_i32_1 = arith.constant 0 : i32
    return %c0_i32, %arg0, %c0_i32_0 : i32, i32, i32
  }
  func.func @transform_2(%arg0: i32) -> (i32, i32) {
    %c0_i32 = arith.constant 0 : i32
    %c0_i32_0 = arith.constant 0 : i32
    %c0_i32_1 = arith.constant 0 : i32
    return %c0_i32, %c0_i32_0 : i32, i32
  }
  func.func @transform_3(%arg0: i32) -> (i32, i32) {
    %c0_i32 = arith.constant 0 : i32
    %c0_i32_0 = arith.constant 0 : i32
    %c0_i32_1 = arith.constant 0 : i32
    return %c0_i32, %c0_i32_0 : i32, i32
  }
  func.func @transform_4(%arg0: i32) -> (i32, i32) {
    %c0_i32 = arith.constant 0 : i32
    %c0_i32_0 = arith.constant 0 : i32
    %c0_i32_1 = arith.constant 0 : i32
    return %c0_i32, %c0_i32_0 : i32, i32
  }
  func.func @transform_5(%arg0: i32) -> (i32, i32) {
    %c0_i32 = arith.constant 0 : i32
    %c0_i32_0 = arith.constant 0 : i32
    %c0_i32_1 = arith.constant 0 : i32
    return %c0_i32, %c0_i32_0 : i32, i32
  }
  func.func @transform_6(%arg0: i32) -> (i32, i32) {
    %c0_i32 = arith.constant 0 : i32
    %c0_i32_0 = arith.constant 0 : i32
    return %arg0, %c0_i32 : i32, i32
  }
  func.func @transform_7(%arg0: i32) -> (i32, i32) {
    %c0_i32 = arith.constant 0 : i32
    %c0_i32_0 = arith.constant 0 : i32
    return %arg0, %c0_i32 : i32, i32
  }
  func.func @transform_8(%arg0: i32) -> (i32, i32) {
    %c0_i32 = arith.constant 0 : i32
    %c0_i32_0 = arith.constant 0 : i32
    return %arg0, %c0_i32 : i32, i32
  }
}

module attributes {stable_mosaic.version = 14 : i64} {
  func.func @_layer1_body(%arg0: i32, %arg1: memref<400x64xf32, #tpu.memory_space<vmem>>, %arg2: memref<2x400x64xf32, #tpu.memory_space<vmem>>, %arg3: memref<2x400x4xf32, #tpu.memory_space<vmem>>, %arg4: memref<1x64xf32, #tpu.memory_space<vmem>>, %arg5: memref<1x64xf32, #tpu.memory_space<vmem>>, %arg6: memref<64x960xf32, #tpu.memory_space<vmem>>, %arg7: memref<1x512xf32, #tpu.memory_space<vmem>>, %arg8: memref<400x256xf32, #tpu.memory_space<vmem>>, %arg9: memref<400x512xf32, #tpu.memory_space<vmem>>, %arg10: memref<400x64xf32, #tpu.memory_space<vmem>>) attributes {dimension_semantics = [#tpu.dimension_semantics<arbitrary>], iteration_bounds = array<i64: 25>, scalar_prefetch = 0 : i64, scratch_operands = 0 : i64, tpu.core_type = #tpu.core_type<tc>, window_params = [{transform_indices = @transform_0, window_bounds = array<i64: 400, 64>}, {transform_indices = @transform_1, window_bounds = array<i64: 2, 400, 64>}, {transform_indices = @transform_2, window_bounds = array<i64: 2, 400, 4>}, {pipeline_mode = #tpu.pipeline_mode<synchronous>, transform_indices = @transform_3, window_bounds = array<i64: 1, 64>}, {pipeline_mode = #tpu.pipeline_mode<synchronous>, transform_indices = @transform_4, window_bounds = array<i64: 1, 64>}, {pipeline_mode = #tpu.pipeline_mode<synchronous>, transform_indices = @transform_5, window_bounds = array<i64: 64, 960>}, {pipeline_mode = #tpu.pipeline_mode<synchronous>, transform_indices = @transform_6, window_bounds = array<i64: 1, 512>}, {transform_indices = @transform_7, window_bounds = array<i64: 400, 256>}, {transform_indices = @transform_8, window_bounds = array<i64: 400, 512>}, {transform_indices = @transform_9, window_bounds = array<i64: 400, 64>}]} {
    %get3A = arith.constant 0 : index
    %get3A_0 = arith.constant 0 : index
    %get3A_1 = vector.load %arg1[%get3A, %get3A_0] : memref<400x64xf32, #tpu.memory_space<vmem>>, vector<400x64xf32>
    %get3A_2 = arith.constant 0 : index
    %get3A_3 = arith.constant 0 : index
    %get3A_4 = arith.constant 0 : index
    %get3A_5 = vector.load %arg2[%get3A_2, %get3A_3, %get3A_4] : memref<2x400x64xf32, #tpu.memory_space<vmem>>, vector<1x400x64xf32>
    %get3A_6 = vector.shape_cast %get3A_5 : vector<1x400x64xf32> to vector<400x64xf32>
    %add3A = arith.addf %get3A_1, %get3A_6 : vector<400x64xf32>
    %get3A_7 = arith.constant 1 : index
    %get3A_8 = arith.constant 0 : index
    %get3A_9 = arith.constant 0 : index
    %get3A_10 = vector.load %arg2[%get3A_7, %get3A_8, %get3A_9] : memref<2x400x64xf32, #tpu.memory_space<vmem>>, vector<1x400x64xf32>
    %get3A_11 = vector.shape_cast %get3A_10 : vector<1x400x64xf32> to vector<400x64xf32>
    %add3A_12 = arith.addf %add3A, %get3A_11 : vector<400x64xf32>
    %get3A_13 = arith.constant 0 : index
    %get3A_14 = arith.constant 0 : index
    %get3A_15 = vector.load %arg4[%get3A_13, %get3A_14] : memref<1x64xf32, #tpu.memory_space<vmem>>, vector<1x64xf32>
    %mul3A = vector.broadcast %get3A_15 : vector<1x64xf32> to vector<400x64xf32>
    %mul3A_16 = arith.mulf %add3A_12, %mul3A : vector<400x64xf32>
    %get3A_17 = arith.constant 0 : index
    %get3A_18 = arith.constant 0 : index
    %get3A_19 = vector.load %arg5[%get3A_17, %get3A_18] : memref<1x64xf32, #tpu.memory_space<vmem>>, vector<1x64xf32>
    %add3A_20 = vector.broadcast %get3A_19 : vector<1x64xf32> to vector<400x64xf32>
    %add3A_21 = arith.addf %mul3A_16, %add3A_20 : vector<400x64xf32>
    %max3A = arith.constant 0.000000e+00 : f32
    %max3A_22 = vector.broadcast %max3A : f32 to vector<400x64xf32>
    %max3A_23 = arith.maximumf %add3A_21, %max3A_22 : vector<400x64xf32>
    %get3A_24 = arith.constant 0 : index
    %get3A_25 = arith.constant 0 : index
    %get3A_26 = vector.load %arg6[%get3A_24, %get3A_25] : memref<64x960xf32, #tpu.memory_space<vmem>>, vector<64x960xf32>
    %dot_general3A = arith.constant dense<0.000000e+00> : vector<400x960xf32>
    %dot_general3A_27 = tpu.matmul %max3A_23, %get3A_26, %dot_general3A {dimension_numbers = #tpu.dot_dimension_numbers<[1], [0], [0], [1], [0, 0, 1, 1], [], []>, transpose_lhs_hint = false} : vector<400x64xf32>, vector<64x960xf32>, vector<400x960xf32> -> vector<400x960xf32>
    %slice3A = vector.extract_strided_slice %dot_general3A_27 {offsets = [0, 0], sizes = [400, 256], strides = [1, 1]} : vector<400x960xf32> to vector<400x256xf32>
    %swap3A = arith.constant 0 : index
    %swap3A_28 = arith.constant 0 : index
    %swap3A_29 = vector.load %arg8[%swap3A, %swap3A_28] : memref<400x256xf32, #tpu.memory_space<vmem>>, vector<400x256xf32>
    tpu.vector_store %arg8[%swap3A, %swap3A_28], %slice3A {strides = array<i32>} : memref<400x256xf32, #tpu.memory_space<vmem>>, vector<400x256xf32>,
    %slice3A_30 = vector.extract_strided_slice %dot_general3A_27 {offsets = [0, 768], sizes = [400, 128], strides = [1, 1]} : vector<400x960xf32> to vector<400x128xf32>
    %slice3A_31 = vector.extract_strided_slice %dot_general3A_27 {offsets = [0, 896], sizes = [400, 64], strides = [1, 1]} : vector<400x960xf32> to vector<400x64xf32>
    %slice3A_32 = vector.extract_strided_slice %slice3A_30 {offsets = [0, 64], sizes = [400, 64], strides = [1, 1]} : vector<400x128xf32> to vector<400x64xf32>
    %mul3A_33 = arith.mulf %slice3A_32, %slice3A_31 : vector<400x64xf32>
    %slice3A_34 = vector.extract_strided_slice %slice3A_30 {offsets = [0, 0], sizes = [400, 64], strides = [1, 1]} : vector<400x128xf32> to vector<400x64xf32>
    %add3A_35 = arith.addf %mul3A_33, %slice3A_34 : vector<400x64xf32>
    %max3A_36 = arith.constant 0.000000e+00 : f32
    %max3A_37 = vector.broadcast %max3A_36 : f32 to vector<400x64xf32>
    %max3A_38 = arith.maximumf %add3A_35, %max3A_37 : vector<400x64xf32>
    %swap3A_39 = arith.constant 0 : index
    %swap3A_40 = arith.constant 0 : index
    %swap3A_41 = vector.load %arg10[%swap3A_39, %swap3A_40] : memref<400x64xf32, #tpu.memory_space<vmem>>, vector<400x64xf32>
    tpu.vector_store %arg10[%swap3A_39, %swap3A_40], %max3A_38 {strides = array<i32>} : memref<400x64xf32, #tpu.memory_space<vmem>>, vector<400x64xf32>,
    %get3A_42 = arith.constant 0 : index
    %get3A_43 = arith.constant 0 : index
    %get3A_44 = arith.constant 0 : index
    %get3A_45 = vector.load %arg3[%get3A_42, %get3A_43, %get3A_44] : memref<2x400x4xf32, #tpu.memory_space<vmem>>, vector<1x400x4xf32>
    %get3A_46 = vector.shape_cast %get3A_45 : vector<1x400x4xf32> to vector<400x4xf32>
    %get3A_47 = arith.constant 1 : index
    %get3A_48 = arith.constant 0 : index
    %get3A_49 = arith.constant 0 : index
    %get3A_50 = vector.load %arg3[%get3A_47, %get3A_48, %get3A_49] : memref<2x400x4xf32, #tpu.memory_space<vmem>>, vector<1x400x4xf32>
    %get3A_51 = vector.shape_cast %get3A_50 : vector<1x400x4xf32> to vector<400x4xf32>
    %add3A_52 = arith.addf %get3A_46, %get3A_51 : vector<400x4xf32>
    %slice3A_53 = vector.extract_strided_slice %add3A_52 {offsets = [0, 0], sizes = [400, 1], strides = [1, 1]} : vector<400x4xf32> to vector<400x1xf32>
    %max3A_54 = arith.constant 1.000000e+00 : f32
    %max3A_55 = vector.broadcast %max3A_54 : f32 to vector<400x1xf32>
    %max3A_56 = arith.maximumf %slice3A_53, %max3A_55 : vector<400x1xf32>
    %div3A = arith.constant 1.000000e+00 : f32
    %div3A_57 = vector.broadcast %div3A : f32 to vector<400x1xf32>
    %div3A_58 = arith.divf %div3A_57, %max3A_56 : vector<400x1xf32>
    %slice3A_59 = vector.extract_strided_slice %dot_general3A_27 {offsets = [0, 256], sizes = [400, 128], strides = [1, 1]} : vector<400x960xf32> to vector<400x128xf32>
    %get3A_60 = arith.constant 0 : index
    %get3A_61 = arith.constant 0 : index
    %get3A_62 = vector.load %arg7[%get3A_60, %get3A_61] : memref<1x512xf32, #tpu.memory_space<vmem>>, vector<1x128xf32>
    %get3A_63 = vector.shape_cast %get3A_62 : vector<1x128xf32> to vector<128xf32>
    %broadcast_in_dim3A = vector.shape_cast %get3A_63 : vector<128xf32> to vector<1x128xf32>
    %add3A_64 = vector.broadcast %broadcast_in_dim3A : vector<1x128xf32> to vector<400x128xf32>
    %add3A_65 = arith.addf %slice3A_59, %add3A_64 : vector<400x128xf32>
    %mul3A_66 = vector.broadcast %div3A_58 : vector<400x1xf32> to vector<400x128xf32>
    %mul3A_67 = arith.mulf %add3A_65, %mul3A_66 : vector<400x128xf32>
    %swap3A_68 = arith.constant 0 : index
    %swap3A_69 = arith.constant 0 : index
    %swap3A_70 = vector.load %arg9[%swap3A_68, %swap3A_69] : memref<400x512xf32, #tpu.memory_space<vmem>>, vector<400x128xf32>
    tpu.vector_store %arg9[%swap3A_68, %swap3A_69], %mul3A_67 {strides = array<i32>} : memref<400x512xf32, #tpu.memory_space<vmem>>, vector<400x128xf32>,
    %slice3A_71 = vector.extract_strided_slice %add3A_52 {offsets = [0, 1], sizes = [400, 1], strides = [1, 1]} : vector<400x4xf32> to vector<400x1xf32>
    %max3A_72 = arith.constant 1.000000e+00 : f32
    %max3A_73 = vector.broadcast %max3A_72 : f32 to vector<400x1xf32>
    %max3A_74 = arith.maximumf %slice3A_71, %max3A_73 : vector<400x1xf32>
    %div3A_75 = arith.constant 1.000000e+00 : f32
    %div3A_76 = vector.broadcast %div3A_75 : f32 to vector<400x1xf32>
    %div3A_77 = arith.divf %div3A_76, %max3A_74 : vector<400x1xf32>
    %slice3A_78 = vector.extract_strided_slice %dot_general3A_27 {offsets = [0, 384], sizes = [400, 128], strides = [1, 1]} : vector<400x960xf32> to vector<400x128xf32>
    %get3A_79 = arith.constant 0 : index
    %get3A_80 = arith.constant 128 : index
    %get3A_81 = vector.load %arg7[%get3A_79, %get3A_80] : memref<1x512xf32, #tpu.memory_space<vmem>>, vector<1x128xf32>
    %get3A_82 = vector.shape_cast %get3A_81 : vector<1x128xf32> to vector<128xf32>
    %broadcast_in_dim3A_83 = vector.shape_cast %get3A_82 : vector<128xf32> to vector<1x128xf32>
    %add3A_84 = vector.broadcast %broadcast_in_dim3A_83 : vector<1x128xf32> to vector<400x128xf32>
    %add3A_85 = arith.addf %slice3A_78, %add3A_84 : vector<400x128xf32>
    %mul3A_86 = vector.broadcast %div3A_77 : vector<400x1xf32> to vector<400x128xf32>
    %mul3A_87 = arith.mulf %add3A_85, %mul3A_86 : vector<400x128xf32>
    %swap3A_88 = arith.constant 0 : index
    %swap3A_89 = arith.constant 128 : index
    %swap3A_90 = vector.load %arg9[%swap3A_88, %swap3A_89] : memref<400x512xf32, #tpu.memory_space<vmem>>, vector<400x128xf32>
    tpu.vector_store %arg9[%swap3A_88, %swap3A_89], %mul3A_87 {strides = array<i32>} : memref<400x512xf32, #tpu.memory_space<vmem>>, vector<400x128xf32>,
    %slice3A_91 = vector.extract_strided_slice %add3A_52 {offsets = [0, 2], sizes = [400, 1], strides = [1, 1]} : vector<400x4xf32> to vector<400x1xf32>
    %max3A_92 = arith.constant 1.000000e+00 : f32
    %max3A_93 = vector.broadcast %max3A_92 : f32 to vector<400x1xf32>
    %max3A_94 = arith.maximumf %slice3A_91, %max3A_93 : vector<400x1xf32>
    %div3A_95 = arith.constant 1.000000e+00 : f32
    %div3A_96 = vector.broadcast %div3A_95 : f32 to vector<400x1xf32>
    %div3A_97 = arith.divf %div3A_96, %max3A_94 : vector<400x1xf32>
    %slice3A_98 = vector.extract_strided_slice %dot_general3A_27 {offsets = [0, 512], sizes = [400, 128], strides = [1, 1]} : vector<400x960xf32> to vector<400x128xf32>
    %get3A_99 = arith.constant 0 : index
    %get3A_100 = arith.constant 256 : index
    %get3A_101 = vector.load %arg7[%get3A_99, %get3A_100] : memref<1x512xf32, #tpu.memory_space<vmem>>, vector<1x128xf32>
    %get3A_102 = vector.shape_cast %get3A_101 : vector<1x128xf32> to vector<128xf32>
    %broadcast_in_dim3A_103 = vector.shape_cast %get3A_102 : vector<128xf32> to vector<1x128xf32>
    %add3A_104 = vector.broadcast %broadcast_in_dim3A_103 : vector<1x128xf32> to vector<400x128xf32>
    %add3A_105 = arith.addf %slice3A_98, %add3A_104 : vector<400x128xf32>
    %mul3A_106 = vector.broadcast %div3A_97 : vector<400x1xf32> to vector<400x128xf32>
    %mul3A_107 = arith.mulf %add3A_105, %mul3A_106 : vector<400x128xf32>
    %swap3A_108 = arith.constant 0 : index
    %swap3A_109 = arith.constant 256 : index
    %swap3A_110 = vector.load %arg9[%swap3A_108, %swap3A_109] : memref<400x512xf32, #tpu.memory_space<vmem>>, vector<400x128xf32>
    tpu.vector_store %arg9[%swap3A_108, %swap3A_109], %mul3A_107 {strides = array<i32>} : memref<400x512xf32, #tpu.memory_space<vmem>>, vector<400x128xf32>,
    %slice3A_111 = vector.extract_strided_slice %add3A_52 {offsets = [0, 3], sizes = [400, 1], strides = [1, 1]} : vector<400x4xf32> to vector<400x1xf32>
    %max3A_112 = arith.constant 1.000000e+00 : f32
    %max3A_113 = vector.broadcast %max3A_112 : f32 to vector<400x1xf32>
    %max3A_114 = arith.maximumf %slice3A_111, %max3A_113 : vector<400x1xf32>
    %div3A_115 = arith.constant 1.000000e+00 : f32
    %div3A_116 = vector.broadcast %div3A_115 : f32 to vector<400x1xf32>
    %div3A_117 = arith.divf %div3A_116, %max3A_114 : vector<400x1xf32>
    %slice3A_118 = vector.extract_strided_slice %dot_general3A_27 {offsets = [0, 640], sizes = [400, 128], strides = [1, 1]} : vector<400x960xf32> to vector<400x128xf32>
    %get3A_119 = arith.constant 0 : index
    %get3A_120 = arith.constant 384 : index
    %get3A_121 = vector.load %arg7[%get3A_119, %get3A_120] : memref<1x512xf32, #tpu.memory_space<vmem>>, vector<1x128xf32>
    %get3A_122 = vector.shape_cast %get3A_121 : vector<1x128xf32> to vector<128xf32>
    %broadcast_in_dim3A_123 = vector.shape_cast %get3A_122 : vector<128xf32> to vector<1x128xf32>
    %add3A_124 = vector.broadcast %broadcast_in_dim3A_123 : vector<1x128xf32> to vector<400x128xf32>
    %add3A_125 = arith.addf %slice3A_118, %add3A_124 : vector<400x128xf32>
    %mul3A_126 = vector.broadcast %div3A_117 : vector<400x1xf32> to vector<400x128xf32>
    %mul3A_127 = arith.mulf %add3A_125, %mul3A_126 : vector<400x128xf32>
    %swap3A_128 = arith.constant 0 : index
    %swap3A_129 = arith.constant 384 : index
    %swap3A_130 = vector.load %arg9[%swap3A_128, %swap3A_129] : memref<400x512xf32, #tpu.memory_space<vmem>>, vector<400x128xf32>
    tpu.vector_store %arg9[%swap3A_128, %swap3A_129], %mul3A_127 {strides = array<i32>} : memref<400x512xf32, #tpu.memory_space<vmem>>, vector<400x128xf32>,
    return
  }
  func.func @transform_0(%arg0: i32) -> (i32, i32) {
    %c0_i32 = arith.constant 0 : i32
    %c0_i32_0 = arith.constant 0 : i32
    return %arg0, %c0_i32 : i32, i32
  }
  func.func @transform_1(%arg0: i32) -> (i32, i32, i32) {
    %c0_i32 = arith.constant 0 : i32
    %c0_i32_0 = arith.constant 0 : i32
    %c0_i32_1 = arith.constant 0 : i32
    return %c0_i32, %arg0, %c0_i32_0 : i32, i32, i32
  }
  func.func @transform_2(%arg0: i32) -> (i32, i32, i32) {
    %c0_i32 = arith.constant 0 : i32
    %c0_i32_0 = arith.constant 0 : i32
    %c0_i32_1 = arith.constant 0 : i32
    return %c0_i32, %arg0, %c0_i32_0 : i32, i32, i32
  }
  func.func @transform_3(%arg0: i32) -> (i32, i32) {
    %c0_i32 = arith.constant 0 : i32
    %c0_i32_0 = arith.constant 0 : i32
    %c0_i32_1 = arith.constant 0 : i32
    return %c0_i32, %c0_i32_0 : i32, i32
  }
  func.func @transform_4(%arg0: i32) -> (i32, i32) {
    %c0_i32 = arith.constant 0 : i32
    %c0_i32_0 = arith.constant 0 : i32
    %c0_i32_1 = arith.constant 0 : i32
    return %c0_i32, %c0_i32_0 : i32, i32
  }
  func.func @transform_5(%arg0: i32) -> (i32, i32) {
    %c0_i32 = arith.constant 0 : i32
    %c0_i32_0 = arith.constant 0 : i32
    %c0_i32_1 = arith.constant 0 : i32
    return %c0_i32, %c0_i32_0 : i32, i32
  }
  func.func @transform_6(%arg0: i32) -> (i32, i32) {
    %c0_i32 = arith.constant 0 : i32
    %c0_i32_0 = arith.constant 0 : i32
    %c0_i32_1 = arith.constant 0 : i32
    return %c0_i32, %c0_i32_0 : i32, i32
  }
  func.func @transform_7(%arg0: i32) -> (i32, i32) {
    %c0_i32 = arith.constant 0 : i32
    %c0_i32_0 = arith.constant 0 : i32
    return %arg0, %c0_i32 : i32, i32
  }
  func.func @transform_8(%arg0: i32) -> (i32, i32) {
    %c0_i32 = arith.constant 0 : i32
    %c0_i32_0 = arith.constant 0 : i32
    return %arg0, %c0_i32 : i32, i32
  }
  func.func @transform_9(%arg0: i32) -> (i32, i32) {
    %c0_i32 = arith.constant 0 : i32
    %c0_i32_0 = arith.constant 0 : i32
    return %arg0, %c0_i32 : i32, i32
  }
}

module attributes {stable_mosaic.version = 14 : i64} {
  func.func @_head_body(%arg0: i32, %arg1: memref<400x64xf32, #tpu.memory_space<vmem>>, %arg2: memref<2x400x64xf32, #tpu.memory_space<vmem>>, %arg3: memref<1x1x400xi32, #tpu.memory_space<vmem>>, %arg4: memref<64x64xf32, #tpu.memory_space<vmem>>, %arg5: memref<1x64xf32, #tpu.memory_space<vmem>>, %arg6: memref<64x16xf32, #tpu.memory_space<vmem>>, %arg7: memref<1x16xf32, #tpu.memory_space<vmem>>, %arg8: memref<64x16xf32, #tpu.memory_space<vmem>>, %arg9: memref<64x64xf32, #tpu.memory_space<vmem>>) attributes {dimension_semantics = [#tpu.dimension_semantics<arbitrary>], iteration_bounds = array<i64: 25>, scalar_prefetch = 0 : i64, scratch_operands = 1 : i64, tpu.core_type = #tpu.core_type<tc>, window_params = [{transform_indices = @transform_0, window_bounds = array<i64: 400, 64>}, {transform_indices = @transform_1, window_bounds = array<i64: 2, 400, 64>}, {transform_indices = @transform_2, window_bounds = array<i64: 1, 1, 400>}, {pipeline_mode = #tpu.pipeline_mode<synchronous>, transform_indices = @transform_3, window_bounds = array<i64: 64, 64>}, {pipeline_mode = #tpu.pipeline_mode<synchronous>, transform_indices = @transform_4, window_bounds = array<i64: 1, 64>}, {pipeline_mode = #tpu.pipeline_mode<synchronous>, transform_indices = @transform_5, window_bounds = array<i64: 64, 16>}, {pipeline_mode = #tpu.pipeline_mode<synchronous>, transform_indices = @transform_6, window_bounds = array<i64: 1, 16>}, {pipeline_mode = #tpu.pipeline_mode<synchronous>, transform_indices = @transform_7, window_bounds = array<i64: 64, 16>}]} {
    %eq3A = arith.constant 0 : i32
    %eq3A_0 = arith.cmpi eq, %arg0, %eq3A : i32
    %convert_element_type3A = arith.extui %eq3A_0 : i1 to i32
    %cond3A = arith.constant 0 : i32
    %cond3A_1 = arith.cmpi ne, %convert_element_type3A, %cond3A : i32
    scf.if %cond3A_1 {
      %broadcast_in_dim3A = arith.constant 0.000000e+00 : f32
      %broadcast_in_dim3A_36 = vector.broadcast %broadcast_in_dim3A : f32 to vector<64x64xf32>
      %swap3A_37 = arith.constant 0 : index
      %swap3A_38 = arith.constant 0 : index
      %swap3A_39 = vector.load %arg9[%swap3A_37, %swap3A_38] : memref<64x64xf32, #tpu.memory_space<vmem>>, vector<64x64xf32>
      tpu.vector_store %arg9[%swap3A_37, %swap3A_38], %broadcast_in_dim3A_36 {strides = array<i32>} : memref<64x64xf32, #tpu.memory_space<vmem>>, vector<64x64xf32>,
    } else {
    }
    %get3A = arith.constant 0 : index
    %get3A_2 = arith.constant 0 : index
    %get3A_3 = vector.load %arg1[%get3A, %get3A_2] : memref<400x64xf32, #tpu.memory_space<vmem>>, vector<400x64xf32>
    %get3A_4 = arith.constant 0 : index
    %get3A_5 = arith.constant 0 : index
    %get3A_6 = arith.constant 0 : index
    %get3A_7 = vector.load %arg2[%get3A_4, %get3A_5, %get3A_6] : memref<2x400x64xf32, #tpu.memory_space<vmem>>, vector<1x400x64xf32>
    %get3A_8 = vector.shape_cast %get3A_7 : vector<1x400x64xf32> to vector<400x64xf32>
    %add3A = arith.addf %get3A_3, %get3A_8 : vector<400x64xf32>
    %get3A_9 = arith.constant 1 : index
    %get3A_10 = arith.constant 0 : index
    %get3A_11 = arith.constant 0 : index
    %get3A_12 = vector.load %arg2[%get3A_9, %get3A_10, %get3A_11] : memref<2x400x64xf32, #tpu.memory_space<vmem>>, vector<1x400x64xf32>
    %get3A_13 = vector.shape_cast %get3A_12 : vector<1x400x64xf32> to vector<400x64xf32>
    %add3A_14 = arith.addf %add3A, %get3A_13 : vector<400x64xf32>
    %get3A_15 = arith.constant 0 : index
    %get3A_16 = arith.constant 0 : index
    %get3A_17 = arith.constant 0 : index
    %get3A_18 = vector.load %arg3[%get3A_15, %get3A_16, %get3A_17] : memref<1x1x400xi32, #tpu.memory_space<vmem>>, vector<1x1x400xi32>
    %get3A_19 = vector.shape_cast %get3A_18 : vector<1x1x400xi32> to vector<1x400xi32>
    %iota3A = tpu.iota {dimensions = array<i32: 0>} : vector<64x400xi32>
    %eq3A_20 = vector.broadcast %get3A_19 : vector<1x400xi32> to vector<64x400xi32>
    %eq3A_21 = arith.cmpi eq, %eq3A_20, %iota3A : vector<64x400xi32>
    %convert_element_type3A_22 = arith.extui %eq3A_21 : vector<64x400xi1> to vector<64x400xi32>
    %convert_element_type3A_23 = arith.sitofp %convert_element_type3A_22 : vector<64x400xi32> to vector<64x400xf32>
    %get3A_24 = arith.constant 0 : index
    %get3A_25 = arith.constant 0 : index
    %get3A_26 = vector.load %arg9[%get3A_24, %get3A_25] : memref<64x64xf32, #tpu.memory_space<vmem>>, vector<64x64xf32>
    %dot_general3A = arith.constant dense<0.000000e+00> : vector<64x64xf32>
    %dot_general3A_27 = tpu.matmul %convert_element_type3A_23, %add3A_14, %dot_general3A {dimension_numbers = #tpu.dot_dimension_numbers<[1], [0], [0], [1], [0, 0, 1, 1], [], []>, transpose_lhs_hint = false} : vector<64x400xf32>, vector<400x64xf32>, vector<64x64xf32> -> vector<64x64xf32>
    %add3A_28 = arith.addf %get3A_26, %dot_general3A_27 : vector<64x64xf32>
    %swap3A = arith.constant 0 : index
    %swap3A_29 = arith.constant 0 : index
    %swap3A_30 = vector.load %arg9[%swap3A, %swap3A_29] : memref<64x64xf32, #tpu.memory_space<vmem>>, vector<64x64xf32>
    tpu.vector_store %arg9[%swap3A, %swap3A_29], %add3A_28 {strides = array<i32>} : memref<64x64xf32, #tpu.memory_space<vmem>>, vector<64x64xf32>,
    %eq3A_31 = arith.constant 24 : i32
    %eq3A_32 = arith.cmpi eq, %arg0, %eq3A_31 : i32
    %convert_element_type3A_33 = arith.extui %eq3A_32 : i1 to i32
    %cond3A_34 = arith.constant 0 : i32
    %cond3A_35 = arith.cmpi ne, %convert_element_type3A_33, %cond3A_34 : i32
    scf.if %cond3A_35 {
      %get3A_36 = arith.constant 0 : index
      %get3A_37 = arith.constant 0 : index
      %get3A_38 = vector.load %arg9[%get3A_36, %get3A_37] : memref<64x64xf32, #tpu.memory_space<vmem>>, vector<64x64xf32>
      %get3A_39 = arith.constant 0 : index
      %get3A_40 = arith.constant 0 : index
      %get3A_41 = vector.load %arg4[%get3A_39, %get3A_40] : memref<64x64xf32, #tpu.memory_space<vmem>>, vector<64x64xf32>
      %dot_general3A_42 = arith.constant dense<0.000000e+00> : vector<64x64xf32>
      %dot_general3A_43 = tpu.matmul %get3A_38, %get3A_41, %dot_general3A_42 {dimension_numbers = #tpu.dot_dimension_numbers<[1], [0], [0], [1], [0, 0, 1, 1], [], []>, transpose_lhs_hint = false} : vector<64x64xf32>, vector<64x64xf32>, vector<64x64xf32> -> vector<64x64xf32>
      %get3A_44 = arith.constant 0 : index
      %get3A_45 = arith.constant 0 : index
      %get3A_46 = vector.load %arg5[%get3A_44, %get3A_45] : memref<1x64xf32, #tpu.memory_space<vmem>>, vector<1x64xf32>
      %add3A_47 = vector.broadcast %get3A_46 : vector<1x64xf32> to vector<64x64xf32>
      %add3A_48 = arith.addf %dot_general3A_43, %add3A_47 : vector<64x64xf32>
      %max3A = arith.constant 0.000000e+00 : f32
      %max3A_49 = vector.broadcast %max3A : f32 to vector<64x64xf32>
      %max3A_50 = arith.maximumf %add3A_48, %max3A_49 : vector<64x64xf32>
      %get3A_51 = arith.constant 0 : index
      %get3A_52 = arith.constant 0 : index
      %get3A_53 = vector.load %arg6[%get3A_51, %get3A_52] : memref<64x16xf32, #tpu.memory_space<vmem>>, vector<64x16xf32>
      %dot_general3A_54 = arith.constant dense<0.000000e+00> : vector<64x16xf32>
      %dot_general3A_55 = tpu.matmul %max3A_50, %get3A_53, %dot_general3A_54 {dimension_numbers = #tpu.dot_dimension_numbers<[1], [0], [0], [1], [0, 0, 1, 1], [], []>, transpose_lhs_hint = false} : vector<64x64xf32>, vector<64x16xf32>, vector<64x16xf32> -> vector<64x16xf32>
      %get3A_56 = arith.constant 0 : index
      %get3A_57 = arith.constant 0 : index
      %get3A_58 = vector.load %arg7[%get3A_56, %get3A_57] : memref<1x16xf32, #tpu.memory_space<vmem>>, vector<1x16xf32>
      %add3A_59 = vector.broadcast %get3A_58 : vector<1x16xf32> to vector<64x16xf32>
      %add3A_60 = arith.addf %dot_general3A_55, %add3A_59 : vector<64x16xf32>
      %swap3A_61 = arith.constant 0 : index
      %swap3A_62 = arith.constant 0 : index
      %swap3A_63 = vector.load %arg8[%swap3A_61, %swap3A_62] : memref<64x16xf32, #tpu.memory_space<vmem>>, vector<64x16xf32>
      tpu.vector_store %arg8[%swap3A_61, %swap3A_62], %add3A_60 {strides = array<i32>} : memref<64x16xf32, #tpu.memory_space<vmem>>, vector<64x16xf32>,
    } else {
    }
    return
  }
  func.func @transform_0(%arg0: i32) -> (i32, i32) {
    %c0_i32 = arith.constant 0 : i32
    %c0_i32_0 = arith.constant 0 : i32
    return %arg0, %c0_i32 : i32, i32
  }
  func.func @transform_1(%arg0: i32) -> (i32, i32, i32) {
    %c0_i32 = arith.constant 0 : i32
    %c0_i32_0 = arith.constant 0 : i32
    %c0_i32_1 = arith.constant 0 : i32
    return %c0_i32, %arg0, %c0_i32_0 : i32, i32, i32
  }
  func.func @transform_2(%arg0: i32) -> (i32, i32, i32) {
    %c0_i32 = arith.constant 0 : i32
    %c0_i32_0 = arith.constant 0 : i32
    %c0_i32_1 = arith.constant 0 : i32
    return %arg0, %c0_i32, %c0_i32_0 : i32, i32, i32
  }
  func.func @transform_3(%arg0: i32) -> (i32, i32) {
    %c0_i32 = arith.constant 0 : i32
    %c0_i32_0 = arith.constant 0 : i32
    %c0_i32_1 = arith.constant 0 : i32
    return %c0_i32, %c0_i32_0 : i32, i32
  }
  func.func @transform_4(%arg0: i32) -> (i32, i32) {
    %c0_i32 = arith.constant 0 : i32
    %c0_i32_0 = arith.constant 0 : i32
    %c0_i32_1 = arith.constant 0 : i32
    return %c0_i32, %c0_i32_0 : i32, i32
  }
  func.func @transform_5(%arg0: i32) -> (i32, i32) {
    %c0_i32 = arith.constant 0 : i32
    %c0_i32_0 = arith.constant 0 : i32
    %c0_i32_1 = arith.constant 0 : i32
    return %c0_i32, %c0_i32_0 : i32, i32
  }
  func.func @transform_6(%arg0: i32) -> (i32, i32) {
    %c0_i32 = arith.constant 0 : i32
    %c0_i32_0 = arith.constant 0 : i32
    %c0_i32_1 = arith.constant 0 : i32
    return %c0_i32, %c0_i32_0 : i32, i32
  }
  func.func @transform_7(%arg0: i32) -> (i32, i32) {
    %c0_i32 = arith.constant 0 : i32
    %c0_i32_0 = arith.constant 0 : i32
    %c0_i32_1 = arith.constant 0 : i32
    return %c0_i32, %c0_i32_0 : i32, i32
  }
}

</mosaic_0001>

<sc_bundles>
// kernel: kernel.11.cloned.1.call-start
scs
__scs_entry_jumppad:
0x0: {  	(pc) =	sbr.rel $0x88, $3  }
0x1: {  	(tag) =	ssettag $0x0;
	lr =	simm.s32 $0x1  }
0x2: {  	[smem:$0x3F89] =	sst lr;
	_ =	strace $0xD0000000  }
0x3: {  	_ = 	snop  }
0x4: {  	_ = 	snop  }
0x5: {  	_ = 	snop  }
0x6: {  	_ = 	snop  }
0x7: {  	_ = 	snop  }
__scs_overlays_trampoline_lowered:
0x8: {  	[smem:$0x3F98] =	sst s0  }
0x9: {  	[smem:$0x3F99] =	sst s1  }
0xa: {  	[smem:$0x3F9A] =	sst s2  }
0xb: {  	[smem:$0x3F9B] =	sst s3  }
0xc: {  	[smem:$0x3F9C] =	sst s4  }
0xd: {  	[smem:$0x3F9D] =	sst s5  }
0xe: {  	[smem:$0x3F9E] =	sst s6  }
0xf: {  	[smem:$0x3F9F] =	sst s7  }
0x10: {  	[smem:$0x3FA0] =	sst s8  }
0x11: {  	[smem:$0x3FA1] =	sst s9;
	s0 =	simm.s32 @!p0 $0x0  }
0x12: {  	s1 =	sld [smem:$0x3F87];
	s0 =	simm.s32 @p0 $0x1  }
0x13: {  	[smem:$0x3FA2] =	sst s0;
	s0 =	simm.s32 @!p1 $0x0  }
0x14: {  	s2 =	sld [smem:$0x3F86];
	s0 =	simm.s32 @p1 $0x1  }
0x15: {  	[smem:$0x3FA3] =	sst s0;
	s0 =	simm.s32 @!p2 $0x0  }
0x16: {  	s3 =	sld [smem:$0x3FDB];
	s0 =	simm.s32 @p2 $0x1  }
0x17: {  	s4 =	simm.s32 $0x1BF5;
	[smem:$0x3FA5] =	sst s0  }
0x18: {  	s0 =	sld [smem:$0x3F88];
	_ =	swait.ge [sflag:s4], $0x0  }
0x19: {  	s7 =	sld [smem:$0x3F89]  }
0x1a: {  	s8 =	sadd.s32 $0xFFFFE003, lr  }
0x1b: {  	s9 =	sadd.s32 $0xFFFFFEF7, lr;
	s5 =	simm.s32 $0xFFFFFFFF;
	p2 =	slt.u32 s8, $0xFFFFF086  }
0x1c: {  	p1 =	slt.u32 s9, $0xF7A;
	s5 =	simm.s32 @!p2 $0x0  }
0x1d: {  	s5 =	simm.s32 @p1 $0x1;
	p0 =	seq.s32 s7, s2  }
0x1e: {  	s7 =	smul.u32 @!p0 $0xF7A, s2;
	p2 =	seq.s32 @!p0 s5, $0x0  }
0x1f: {  	s9 =	smul.u32 $0xF7A, s1;
	s8 =	simm.s32 @!p0 $0x1BF5;
	p2 =	por !p2, p0  }
0x20: {  	[sflag:s8] =	ssyncset.s32 @!p0 $0xFFFFF086;
	s6 =	sadd.s32 @!p0 s3, s7;
	s7 =	simm.s32 @!p0 $0x108  }
0x21: {  	s3 =	sadd.s32 s3, s9;
	s6 =	sadd.s32 @!p0 $0x88, s6;
	s7 =	simm.s32 @p2 $0x1082  }
0x22: {  	[simem:s7], [sflag:s8] =	dma.local @!p0 [hbm:s6], $0xF7A  }
0x23: {  	s9 =	sor.u32 $0xD0000000, s2;
	s6 =	simm.s32 $0x108;
	_ =	swait.ge @!p0 [sflag:s8], $0x0  }
0x24: {  	s3 =	sadd.s32 $0x88, s3;
	s6 =	simm.s32 @!p1 $0x1082;
	[sflag:s4] =	ssyncset.s32 $0xFFFFF086  }
0x25: {  	[simem:s6], [sflag:s4] =	dma.local [hbm:s3], $0xF7A  }
0x26: {  	[smem:$0x3F89] =	sst s1;
	(tag) =	ssettag s2;
	_ =	strace s9  }
0x27: {  	s1 =	sld [smem:$0x3F99]  }
0x28: {  	s2 =	sld [smem:$0x3F9A]  }
0x29: {  	s4 =	sld [smem:$0x3F9C]  }
0x2a: {  	p0 =	seq.s32 s5, $0x0;
	s5 =	sld [smem:$0x3F9D]  }
0x2b: {  	s6 =	sld [smem:$0x3F9E]  }
0x2c: {  	s7 =	sld [smem:$0x3F9F]  }
0x2d: {  	s3 =	simm.s32 $0x108;
	s8 =	sld [smem:$0x3FA0]  }
0x2e: {  	s3 =	simm.s32 @!p0 $0x1082;
	s9 =	sld [smem:$0x3FA1]  }
0x2f: {  	lr =	sadd.s32 s0, s3;
	s0 =	sld [smem:$0x3F98]  }
0x30: {  	s3 =	sld [smem:$0x3F9B]  }
0x31: {  	[smem:$0x3FA4] =	sst s10  }
0x32: {  	s10 =	sld [smem:$0x3FA2];
	_ =	sdelay $0x3  }
0x33: {  	p0 =	seq.s32 s10, $0x1;
	s10 =	sld [smem:$0x3FA4];
	_ =	sdelay $0x3  }
0x34: {  	[smem:$0x3FA4] =	sst s10  }
0x35: {  	s10 =	sld [smem:$0x3FA3];
	_ =	sdelay $0x3  }
0x36: {  	p1 =	seq.s32 s10, $0x1;
	s10 =	sld [smem:$0x3FA4];
	_ =	sdelay $0x3  }
0x37: {  	[smem:$0x3FA4] =	sst s10  }
0x38: {  	s10 =	sld [smem:$0x3FA5]  }
0x39: {  	_ = 	snop;
	(pc) =	sbr.ind lr, $3  }
0x3a: {  	_ = 	snop  }
0x3b: {  	_ = 	snop  }
0x3c: {  	p2 =	seq.s32 s10, $0x1;
	s10 =	sld [smem:$0x3FA4]  }
0x3d: {  	_ =	shalt  }
0x3e: {  	_ =	shalt  }
0x3f: {  	_ =	shalt  }
0x40: {  	_ =	shalt  }
0x41: {  	_ =	shalt  }
0x42: {  	_ =	shalt  }
0x43: {  	_ =	shalt  }
0x44: {  	_ =	shalt  }
0x45: {  	_ =	shalt  }
0x46: {  	_ =	shalt  }
0x47: {  	_ =	shalt  }
0x48: {  	_ =	shalt  }
0x49: {  	_ =	shalt  }
0x4a: {  	_ =	shalt  }
0x4b: {  	_ =	shalt  }
0x4c: {  	_ =	shalt  }
0x4d: {  	_ =	shalt  }
0x4e: {  	_ =	shalt  }
0x4f: {  	_ =	shalt  }
0x50: {  	_ =	shalt  }
0x51: {  	_ =	shalt  }
0x52: {  	_ =	shalt  }
0x53: {  	_ =	shalt  }
0x54: {  	_ =	shalt  }
0x55: {  	_ =	shalt  }
0x56: {  	_ =	shalt  }
0x57: {  	_ =	shalt  }
0x58: {  	_ =	shalt  }
0x59: {  	_ =	shalt  }
0x5a: {  	_ =	shalt  }
0x5b: {  	_ =	shalt  }
0x5c: {  	_ =	shalt  }
0x5d: {  	_ =	shalt  }
0x5e: {  	_ =	shalt  }
0x5f: {  	_ =	shalt  }
0x60: {  	_ =	shalt  }
0x61: {  	_ =	shalt  }
0x62: {  	_ =	shalt  }
0x63: {  	_ =	shalt  }
0x64: {  	_ =	shalt  }
0x65: {  	_ =	shalt  }
0x66: {  	_ =	shalt  }
0x67: {  	_ =	shalt  }
0x68: {  	_ =	shalt  }
0x69: {  	_ =	shalt  }
0x6a: {  	_ =	shalt  }
0x6b: {  	_ =	shalt  }
0x6c: {  	_ =	shalt  }
0x6d: {  	_ =	shalt  }
0x6e: {  	_ =	shalt  }
0x6f: {  	_ =	shalt  }
0x70: {  	_ =	shalt  }
0x71: {  	_ =	shalt  }
0x72: {  	_ =	shalt  }
0x73: {  	_ =	shalt  }
0x74: {  	_ =	shalt  }
0x75: {  	_ =	shalt  }
0x76: {  	_ =	shalt  }
0x77: {  	_ =	shalt  }
0x78: {  	_ =	shalt  }
0x79: {  	_ =	shalt  }
0x7a: {  	_ =	shalt  }
0x7b: {  	_ =	shalt  }
0x7c: {  	_ =	shalt  }
0x7d: {  	_ =	shalt  }
0x7e: {  	_ =	shalt  }
0x7f: {  	_ =	shalt  }
0x80: {  	_ =	shalt  }
0x81: {  	_ =	shalt  }
0x82: {  	_ =	shalt  }
0x83: {  	_ =	shalt  }
0x84: {  	_ =	shalt  }
0x85: {  	_ =	shalt  }
0x86: {  	_ =	shalt  }
0x87: {  	_ =	shalt  }
.Lfunc_end0:
.L_simem_size_0:
called_computation.1_lowered:
.L_overlay_start_0:
0x88: {  	s2 =	sld [smem:$0x3FD9]  }
0x89: {  	s3 =	sld [smem:$0x3FFE];
	_ =	sdelay $0x1  }
0x8a: {  	s1 =	srdreg.scid  }
0x8b: {  	s0 =	sand.u32 $0x1, s1  }
0x8c: {  	s16 =	sshll.u32 s0, $0xA;
	s2 =	sadd.s32 s3, s2  }
0x8d: {  	s2 =	sadd.s32 s2, s16  }
0x8e: {  	[smem:$0x3FB0] =	sst s2  }
0x8f: {  	_ = 	snop  }
0x90: {  	(tm) =	ssettm $0x1  }
0x91: {  	s17 =	sld [smem:$0x3FFB];
	_ =	sdelay $0x3  }
0x92: {  	_ =	strace s17  }
0x93: {  	s2 =	sld [smem:$0x3FFC];
	_ =	sdelay $0x3  }
0x94: {  	_ =	strace s2  }
0x95: {  	s2 =	sld [smem:$0x3FFD];
	_ =	sdelay $0x3  }
0x96: {  	_ =	strace s2  }
0x97: {  	_ =	strace $0x8FFFFFFF  }
0x98: {  	s18 =	sld [smem:$0x3FDB];
	_ =	sdelay $0x1  }
0x99: {  	s19 =	simm.s32 $_scs_section_size  }
0x9a: {  	s4 =	simm.s32 $_size__tile_overlayer_lowered;
	s5 =	simm.s32 $_tile_overlayer_lowered  }
0x9b: {  	s22 =	simm.s32 $0x1BFF;
	s21 =	sshll.u32 s5, $0x1;
	s2 =	sadd.s32 s19, s18  }
0x9c: {  	s6 =	simm.s32 $0x0;
	s20 =	sshll.u32 s4, $0x1;
	s4 =	sadd.s32 s21, s2  }
0x9d: {  	[timem:s6], [sflag:s22] =	dma.local [hbm:s4], s20  }
0x9e: {  	_ =	swait.ge [sflag:s22], s20  }
0x9f: {  	s3 =	ssub.s32 $0x0, s20;
	[sflag:s22] =	ssyncset.done $0x0  }
0xa0: {  	[sflag:s22] =	ssyncadd.s32 s3;
	_ =	sdelay $0x1  }
0xa1: {  	s23 =	simm.s32 $0x1B8B  }
0xa2: {  	_ =	swait.ge [sflag:s23], $0x1  }
0xa3: {  	[sflag:s23] =	ssyncset.done $0x0  }
0xa4: {  	s25 =	simm.s32 $0x1B8E;
	s24 =	sld [smem:$0x3FFE];
	[sflag:s23] =	ssyncadd.s32 $0xFFFFFFFF  }
0xa5: {  	s26 =	simm.s32 $execute0_lowered;
	[smem:$0x3FD2] =	sst s25  }
0xa6: {  	s4 =	sshll.u32 s26, $0x1;
	_ =	strace $0x80000049;
	[dreg:$0x1] =	wrdreg $0xFFFFFFFF  }
0xa7: {  	s28 =	simm.s32 $_size_execute0_lowered;
	s2 =	sadd.s32 s2, s4;
	[dreg:$0x0] =	wrdreg $0x0  }
0xa8: {  	s4 =	sshll.u32 s28, $0x1;
	[dreg:$0x2] =	wrdreg s2  }
0xa9: {  	[dreg:$0x3] =	wrdreg s4  }
0xaa: {  	[dreg:$0x4] =	wrdreg $0xC0  }
0xab: {  	_ =	task [dreg:s6], $0x5FFFF  }
0xac: {  	[dreg:$0x1] =	wrdreg $0xFFFFFFFF  }
0xad: {  	[dreg:$0x0] =	wrdreg $0x60  }
0xae: {  	[dreg:$0x2] =	wrdreg s24  }
0xaf: {  	[dreg:$0x3] =	wrdreg $0x132000  }
0xb0: {  	[dreg:$0x4] =	wrdreg $0x9  }
0xb1: {  	_ =	task.clear_ibuf [dreg:s6], $0x5FFFF;
	_ =	strace $0x90000049  }
0xb2: {  	s29 =	simm.s32 $0x9;
	_ =	strace $0x8000004B  }
0xb3: {  	_ =	swait.ge [sflag:s29], $0x1  }
0xb4: {  	[sflag:s29] =	ssyncadd.s32 $0xFFFFFFFF  }
0xb5: {  	_ =	strace $0x9000004B  }
0xb6: {  	_ =	sfence  }
0xb7: {  	s30 =	sld [smem:$0x0];
	_ =	sdelay $0x2  }
0xb8: {  	s31 =	sshll.u32 s1, $0xD;
	s1 =	sshrl.u32 s1, $0x2  }
0xb9: {  	s3 =	sand.u32 $0x4000, s31;
	s1 =	sadd.s32 s1, s30  }
0xba: {  	s0 =	sor.u32 s3, s0;
	s1 =	sshll.u32 s1, $0x11  }
0xbb: {  	s0 =	sor.u32 s1, s0  }
0xbc: {  	s0 =	sadd.s32 $0x8F2B, s0  }
0xbd: {  	[sflag:s0] =	ssyncadd.remote.s32 $0x1  }
0xbe: {  	_ =	sfence.sel $0xFFFF  }
0xbf: {  	[dreg:$0x0] =	wrdreg $0xFFFFFFFF;
	(pc) =	sbr.abs _section_cstart, $3  }
0xc0: {  	[dreg:$0x1] =	wrdreg $0xFFFFFFFF  }
0xc1: {  	_ =	task.clear_ibuf [dreg:s6], $0x2FFFF;
	_ =	strace $0x9FFFFFFF  }
0xc2: {  	(tm) =	ssettm $0x7FFFFFFF  }
0xc3: {  	_ =	shalt  }
tec
execute0_lowered:
.L_overlay_start_1:
0x0: {  	(tag) =	ssettag $0x1  }
0x1: {  	s0 =	rddreg [dreg:$0x0]  }
0x2: {  	s1 =	rddreg [dreg:$0x1]  }
0x3: {  	s3 =	simm.s32 $0x0;
	s2 =	srdreg.scid;
	s15 =	stileid.u32  }
0x4: {  	s29 =	simm.s32 $0x40;
	s30 =	simm.s32 $0xA200;
	s31 =	simm.s32 $0xB200  }
0x5: {  	s28 =	simm.s32 $0x1;
	[smem:$0x7FF] =	sst s3;
	s2 =	sand.u32 $0x1, s2  }
0x6: {  	s6 =	smul.u32 $0xA000, s15;
	s4 =	sadd.s32 $0x13EE00, s0;
	s5 =	sadd.s32 $0x18D000, s0  }
0x7: {  	s8 =	sadd.s32 $0x40800, s0;
	s9 =	smul.u32 $0x28000, s15;
	s16 =	sadd.s32 $0x4A800, s0  }
0x8: {  	s17 =	sadd.s32 $0xE800, s0;
	_ =	strace $0x8000004A;
	s7 =	smul.u32 $0xA0000, s2  }
0x9: {  	s10 =	ssub.s32 $0x2, s2;
	p0 =	seq.s32 s2, $0x1;
	s9 =	sshrl.u32 s9, $0x2  }
0xa: {  	s14 =	sshrl.u32 s10, $0x1;
	s7 =	sadd.s32 s6, s7;
	s9 =	sadd.s32 s9, s1  }
0xb: {  	s6 =	sadd.s32 s6, s1;
	s7 =	sshrl.u32 s7, $0x3;
	s18 =	sadd.s32 $0x1000, s9  }
0xc: {  	s19 =	sadd.s32 $0x2000, s9;
	s20 =	sadd.s32 $0x3000, s9;
	s21 =	sadd.s32 $0x4000, s9  }
0xd: {  	s11 =	sadd.s32 $0x5000, s9;
	s12 =	sadd.s32 $0x6000, s9;
	[dreg:$0x3] =	wrdreg s18  }
0xe: {  	s13 =	sadd.s32 $0x7000, s9;
	s0 =	sadd.s32 s7, s0;
	[dreg:$0x4] =	wrdreg s19  }
0xf: {  	s7 =	ssub.s32 s10, s14;
	[dreg:$0x5] =	wrdreg s20;
	s19 =	smul.u32 $0x6C0, s15  }
0x10: {  	[dreg:$0x6] =	wrdreg s21;
	s18 =	smul.u32 $0x1A00, s15;
	s14 =	sadd.s32 $0x8000, s9  }
0x11: {  	s15 =	sadd.s32 $0x9000, s9;
	s20 =	simm.s32 $0x10200;
	s23 =	sadd.s32 s8, s19  }
0x12: {  	s22 =	sshrl.u32 s18, $0x3;
	s24 =	sadd.s32 s16, s19;
	[dreg:$0x7] =	wrdreg s23  }
0x13: {  	s25 =	sadd.s32 s17, s19;
	s18 =	simm.s32 $0x4;
	[dreg:$0x8] =	wrdreg s24  }
0x14: {  	s19 =	simm.s32 $0x80;
	s2 =	sadd.s32 $0x6C00, s22;
	[dreg:$0x9] =	wrdreg s25  }
.Ltmp0:
0x15: {  	s22 =	sadd.s32 $0x18800, s0;
	s23 =	smax.u32 s7, $0x1;
	(pc) =	sbr.rel .LBB2_1-.Ltmp0, $4  }
0x16: {  	s24 =	simm.s32 $0x12200;
	s25 =	simm.s32 $0x5;
	s8 =	sadd.s32 s8, s2  }
0x17: {  	s0 =	simm.s32 $0xC200;
	s26 =	sadd.s32 s16, s2;
	[dreg:$0xa] =	wrdreg s8  }
0x18: {  	s2 =	sadd.s32 s17, s2;
	s16 =	simm.s32 $0x3;
	[dreg:$0xb] =	wrdreg s26  }
0x19: {  	v0 =	vimm.f32 $0.0e+00;
	s17 =	simm.s32 $0x2;
	[dreg:$0xc] =	wrdreg s2;
	s26 =	simm.s32 $0xE200  }
.LBB2_16:
0x1a: {  	s2 =	stileid.u32;
	s3 =	sadd.s32 $0x1, s3  }
0x1b: {  	[bflag:$0x0] =	sbarrier.arrive $0xFFFF;
	s2 =	sshll.u32 s2, $0x6;
	p1 =	sne.s32 s3, s23  }
.Ltmp1:
0x1c: {  	s7 =	sshrl.u32 s6, $0x3;
	s2 =	sor.u32 $0x1C05, s2;
	(pc) =	sbr.rel @!p1 .LBB2_17-.Ltmp1, $4  }
0x1d: {  	[hbm:s22], [sflag:s2] =	dma.local [spmem:s7], $0x1400  }
0x1e: {  	_ =	swait.ge [sflag:s25], $0x1400  }
0x1f: {  	[sflag:s25] =	ssyncset.done $0x0  }
0x20: {  	[sflag:s25] =	ssyncadd.s32 $0xFFFFEC00  }
.LBB2_1:
0x21: {  	s7 =	simm.s32 $0x100;
	s2 =	simm.s32 $0x0  }
.LBB2_2:
0x22: {  	p1 =	sne.s32 s7, $0x3F00;
	[tilespmem:s2+$0x12230] =	vst v0;
	s8 =	smov.u32 s7;
	s7 =	sadd.s32 $0x100, s7  }
.Ltmp2:
0x23: {  	[tilespmem:s2+$0x12220] =	vst v0;
	(pc) =	sbr.rel @p1 .LBB2_2-.Ltmp2, $3  }
0x24: {  	[tilespmem:s2+$0x12200] =	vst v0  }
0x25: {  	[tilespmem:s2+$0x12210] =	vst v0;
	_ =	sdelay $0x1  }
0x26: {  	s2 =	sshra.s32 s8, $0x2  }
0x27: {  	[tilespmem:s2+$0x12230] =	vst v0  }
0x28: {  	[tilespmem:s2+$0x12220] =	vst v0  }
0x29: {  	[tilespmem:s2+$0x12200] =	vst v0  }
0x2a: {  	[tilespmem:s2+$0x12210] =	vst v0  }
0x2b: {  	[spmem:s6] =	stream.linear.scatter [tilespmem:s24], [sflag:$0x5], $0x1000, $0x38;
	[tilespmem:$0x1D200] =	vst v63  }
0x2c: {  	_ =	swait.ge [sflag:s25], $0x1000  }
0x2d: {  	[sflag:s25] =	ssyncset.done $0x0  }
0x2e: {  	s8 =	rddreg [dreg:$0x3];
	[sflag:s25] =	ssyncadd.s32 $0xFFFFF000  }
0x2f: {  	[spmem:s8] =	stream.linear.scatter [tilespmem:s24], [sflag:$0x5], $0x1000, $0x38;
	[tilespmem:$0x1D200] =	vst v63  }
0x30: {  	_ =	swait.ge [sflag:s25], $0x1000  }
0x31: {  	[sflag:s25] =	ssyncset.done $0x0  }
0x32: {  	s9 =	rddreg [dreg:$0x4];
	[sflag:s25] =	ssyncadd.s32 $0xFFFFF000  }
0x33: {  	[spmem:s9] =	stream.linear.scatter [tilespmem:s24], [sflag:$0x5], $0x1000, $0x38;
	[tilespmem:$0x1D200] =	vst v63  }
0x34: {  	_ =	swait.ge [sflag:s25], $0x1000  }
0x35: {  	[sflag:s25] =	ssyncset.done $0x0  }
0x36: {  	s10 =	rddreg [dreg:$0x5];
	[sflag:s25] =	ssyncadd.s32 $0xFFFFF000  }
0x37: {  	[spmem:s10] =	stream.linear.scatter [tilespmem:s24], [sflag:$0x5], $0x1000, $0x38;
	[tilespmem:$0x1D200] =	vst v63  }
0x38: {  	_ =	swait.ge [sflag:s25], $0x1000  }
0x39: {  	[sflag:s25] =	ssyncset.done $0x0  }
0x3a: {  	s21 =	rddreg [dreg:$0x6];
	[sflag:s25] =	ssyncadd.s32 $0xFFFFF000  }
0x3b: {  	[spmem:s21] =	stream.linear.scatter [tilespmem:s24], [sflag:$0x5], $0x1000, $0x38;
	[tilespmem:$0x1D200] =	vst v63  }
0x3c: {  	_ =	swait.ge [sflag:s25], $0x1000  }
0x3d: {  	[sflag:s25] =	ssyncset.done $0x0  }
0x3e: {  	[sflag:s25] =	ssyncadd.s32 $0xFFFFF000  }
0x3f: {  	[spmem:s11] =	stream.linear.scatter [tilespmem:s24], [sflag:$0x5], $0x1000, $0x38;
	[tilespmem:$0x1D200] =	vst v63  }
0x40: {  	_ =	swait.ge [sflag:s25], $0x1000  }
0x41: {  	[sflag:s25] =	ssyncset.done $0x0  }
0x42: {  	[sflag:s25] =	ssyncadd.s32 $0xFFFFF000  }
0x43: {  	[spmem:s12] =	stream.linear.scatter [tilespmem:s24], [sflag:$0x5], $0x1000, $0x38;
	[tilespmem:$0x1D200] =	vst v63  }
0x44: {  	_ =	swait.ge [sflag:s25], $0x1000  }
0x45: {  	[sflag:s25] =	ssyncset.done $0x0  }
0x46: {  	[sflag:s25] =	ssyncadd.s32 $0xFFFFF000  }
0x47: {  	[spmem:s13] =	stream.linear.scatter [tilespmem:s24], [sflag:$0x5], $0x1000, $0x38;
	[tilespmem:$0x1D200] =	vst v63  }
0x48: {  	_ =	swait.ge [sflag:s25], $0x1000  }
0x49: {  	[sflag:s25] =	ssyncset.done $0x0  }
0x4a: {  	[sflag:s25] =	ssyncadd.s32 $0xFFFFF000  }
0x4b: {  	[spmem:s14] =	stream.linear.scatter [tilespmem:s24], [sflag:$0x5], $0x1000, $0x38;
	[tilespmem:$0x1D200] =	vst v63  }
0x4c: {  	_ =	swait.ge [sflag:s25], $0x1000  }
0x4d: {  	[sflag:s25] =	ssyncset.done $0x0  }
.Ltmp3:
0x4e: {  	[sflag:s25] =	ssyncadd.s32 $0xFFFFF000;
	(pc) =	sbr.rel @!p0 .LBB2_4-.Ltmp3, $4  }
0x4f: {  	[spmem:s15] =	stream.linear.scatter [tilespmem:s24], [sflag:$0x5], $0x1000, $0x38;
	[tilespmem:$0x1D200] =	vst v63  }
0x50: {  	_ =	swait.ge [sflag:s25], $0x1000  }
0x51: {  	[sflag:s25] =	ssyncset.done $0x0  }
0x52: {  	s21 =	simm.s32 $0x0;
	[sflag:s25] =	ssyncadd.s32 $0xFFFFF000  }
0x53: {  	s2 =	rddreg [dreg:$0xa]  }
0x54: {  	[tilespmem:s21], [sflag:$0x5] =	stream.linear.gather [hbm4b:s2+s21], $0x1A00, $0x38;
	[tilespmem:$0x1D200] =	vst v63  }
0x55: {  	_ =	swait.ge [sflag:s25], $0x1A00  }
0x56: {  	[sflag:s25] =	ssyncset.done $0x0  }
0x57: {  	s7 =	simm.s32 $0x3600;
	s8 =	rddreg [dreg:$0xb];
	[sflag:s25] =	ssyncadd.s32 $0xFFFFE600  }
0x58: {  	[tilespmem:s7], [sflag:$0x5] =	stream.linear.gather [hbm4b:s8+s21], $0x1A00, $0x38;
	[tilespmem:$0x1D200] =	vst v63  }
0x59: {  	_ =	swait.ge [sflag:s25], $0x1A00  }
0x5a: {  	[sflag:s25] =	ssyncset.done $0x0  }
0x5b: {  	s10 =	simm.s32 $0x6C00;
	s9 =	rddreg [dreg:$0xc];
	[sflag:s25] =	ssyncadd.s32 $0xFFFFE600  }
0x5c: {  	[tilespmem:s10], [sflag:$0x5] =	stream.linear.gather [hbm4b:s9+s21], $0x1A00, $0x38;
	[tilespmem:$0x1D200] =	vst v63  }
0x5d: {  	_ =	swait.ge [sflag:s25], $0x1A00  }
0x5e: {  	[sflag:s25] =	ssyncset.done $0x0  }
0x5f: {  	[sflag:s25] =	ssyncadd.s32 $0xFFFFE600  }
0x60: {  	[bflag:$0x0] =	sbarrier.arrive $0xFFFF  }
.LBB2_11:
0x61: {  	s2 =	sshll.u32 s21, $0x7  }
0x62: {  	[tilespmem:s30], [sflag:$0x1] =	stream.indirect.gather [hbm4b:s4+s29], $0x40, s2, s29, $0xb8;
	[tilespmem:$0x1D200] =	vst v63  }
0x63: {  	s7 =	sor.u32 $0x40, s2  }
0x64: {  	[tilespmem:s31], [sflag:$0x2] =	stream.indirect.gather [hbm4b:s4+s29], $0x40, s7, s29, $0xb8;
	[tilespmem:$0x1D200] =	vst v63  }
0x65: {  	s9 =	sadd.s32 $0x3600, s2  }
0x66: {  	[tilespmem:s0], [sflag:$0x3] =	stream.indirect.gather [hbm4b:s5+s29], $0x80, s9, s29, $0xb8;
	[tilespmem:$0x1D200] =	vst v63  }
0x67: {  	s10 =	sadd.s32 $0x3640, s2  }
0x68: {  	[tilespmem:s26], [sflag:$0x4] =	stream.indirect.gather [hbm4b:s5+s29], $0x80, s10, s29, $0xb8;
	[tilespmem:$0x1D200] =	vst v63  }
0x69: {  	_ =	swait.ge [sflag:s28], $0x1000  }
0x6a: {  	[sflag:s28] =	ssyncset.done $0x0  }
0x6b: {  	[sflag:s28] =	ssyncadd.s32 $0xFFFFF000  }
0x6c: {  	_ =	swait.ge [sflag:s16], $0x2000  }
0x6d: {  	[sflag:s16] =	ssyncset.done $0x0  }
0x6e: {  	s7 =	simm.s32 $0x0;
	[sflag:s16] =	ssyncadd.s32 $0xFFFFE000  }
0x6f: {  	s8 =	simm.s32 $0xC240;
	s9 =	simm.s32 $0x100;
	v1 =	vld [tilespmem:s7+$0xA200]  }
.LBB2_12:
0x70: {  	p1 =	sne.s32 s9, $0x3F00;
	v2 =	vld [tilespmem:s8+$0x0]  }
0x71: {  	v3 =	vld [tilespmem:s8+$0xFFFFFFC0];
	_ =	sdelay $0x3  }
0x72: {  	v1 =	vmul.f32 v2, v1;
	_ =	sdelay $0x1  }
0x73: {  	v1 =	vadd.f32 v1, v3;
	_ =	sdelay $0x1  }
0x74: {  	v1 =	vmax.f32 v1, $0.0e+00  }
0x75: {  	[tilespmem:s7+$0x10200] =	vst v1;
	v1 =	vld [tilespmem:s7+$0xA210]  }
0x76: {  	v2 =	vld [tilespmem:s8+$0x10];
	_ =	sdelay $0x1  }
0x77: {  	v3 =	vld [tilespmem:s8+$0xFFFFFFD0];
	_ =	sdelay $0x2  }
0x78: {  	v1 =	vmul.f32 v2, v1;
	_ =	sdelay $0x1  }
0x79: {  	v1 =	vadd.f32 v1, v3;
	_ =	sdelay $0x1  }
0x7a: {  	v1 =	vmax.f32 v1, $0.0e+00  }
0x7b: {  	[tilespmem:s7+$0x10210] =	vst v1;
	v1 =	vld [tilespmem:s7+$0xA220]  }
0x7c: {  	v2 =	vld [tilespmem:s8+$0x20];
	_ =	sdelay $0x1  }
0x7d: {  	v3 =	vld [tilespmem:s8+$0xFFFFFFE0];
	_ =	sdelay $0x2  }
0x7e: {  	v1 =	vmul.f32 v2, v1;
	_ =	sdelay $0x1  }
0x7f: {  	v1 =	vadd.f32 v1, v3;
	_ =	sdelay $0x1  }
0x80: {  	v1 =	vmax.f32 v1, $0.0e+00  }
0x81: {  	[tilespmem:s7+$0x10220] =	vst v1;
	v1 =	vld [tilespmem:s7+$0xA230]  }
0x82: {  	v2 =	vld [tilespmem:s8+$0x30]  }
0x83: {  	v3 =	vld [tilespmem:s8+$0xFFFFFFF0];
	_ =	sdelay $0x3  }
0x84: {  	v1 =	vmul.f32 v2, v1  }
.Ltmp4:
0x85: {  	(pc) =	sbr.rel @p1 .LBB2_12-.Ltmp4, $3  }
0x86: {  	v1 =	vadd.f32 v1, v3;
	_ =	sdelay $0x1  }
0x87: {  	s10 =	sshra.s32 s9, $0x2;
	v2 =	vmax.f32 v1, $0.0e+00  }
0x88: {  	s9 =	sadd.s32 $0x100, s9;
	s8 =	sadd.s32 $0x80, s8;
	v1 =	vld [tilespmem:s10+$0xA200];
	[tilespmem:s7+$0x10230] =	vst v2;
	s7 =	smov.u32 s10  }
0x89: {  	v2 =	vld [tilespmem:s8+$0x0];
	_ =	sdelay $0x1  }
0x8a: {  	v3 =	vld [tilespmem:s8+$0xFFFFFFC0];
	_ =	sdelay $0x2  }
0x8b: {  	v1 =	vmul.f32 v2, v1;
	_ =	sdelay $0x1  }
0x8c: {  	v1 =	vadd.f32 v1, v3;
	_ =	sdelay $0x1  }
0x8d: {  	v1 =	vmax.f32 v1, $0.0e+00  }
0x8e: {  	[tilespmem:s7+$0x10200] =	vst v1;
	v1 =	vld [tilespmem:s7+$0xA210]  }
0x8f: {  	v2 =	vld [tilespmem:s8+$0x10];
	_ =	sdelay $0x1  }
0x90: {  	v3 =	vld [tilespmem:s8+$0xFFFFFFD0];
	_ =	sdelay $0x2  }
0x91: {  	v1 =	vmul.f32 v2, v1;
	_ =	sdelay $0x1  }
0x92: {  	v1 =	vadd.f32 v1, v3;
	_ =	sdelay $0x1  }
0x93: {  	v1 =	vmax.f32 v1, $0.0e+00  }
0x94: {  	[tilespmem:s7+$0x10210] =	vst v1;
	v1 =	vld [tilespmem:s7+$0xA220]  }
0x95: {  	v2 =	vld [tilespmem:s8+$0x20];
	_ =	sdelay $0x1  }
0x96: {  	v3 =	vld [tilespmem:s8+$0xFFFFFFE0];
	_ =	sdelay $0x2  }
0x97: {  	v1 =	vmul.f32 v2, v1;
	_ =	sdelay $0x1  }
0x98: {  	v1 =	vadd.f32 v1, v3;
	_ =	sdelay $0x1  }
0x99: {  	v1 =	vmax.f32 v1, $0.0e+00  }
0x9a: {  	[tilespmem:s7+$0x10220] =	vst v1;
	v1 =	vld [tilespmem:s7+$0xA230]  }
0x9b: {  	v2 =	vld [tilespmem:s8+$0x30];
	_ =	sdelay $0x1  }
0x9c: {  	v3 =	vld [tilespmem:s8+$0xFFFFFFF0];
	_ =	sdelay $0x2  }
0x9d: {  	v1 =	vmul.f32 v2, v1;
	_ =	sdelay $0x1  }
0x9e: {  	v1 =	vadd.f32 v1, v3;
	_ =	sdelay $0x1  }
0x9f: {  	v1 =	vmax.f32 v1, $0.0e+00  }
0xa0: {  	[tilespmem:s7+$0x10230] =	vst v1  }
0xa1: {  	_ =	swait.ge [sflag:s17], $0x1000  }
0xa2: {  	[sflag:s17] =	ssyncset.done $0x0  }
0xa3: {  	[sflag:s17] =	ssyncadd.s32 $0xFFFFF000  }
0xa4: {  	_ =	swait.ge [sflag:s18], $0x2000  }
0xa5: {  	[sflag:s18] =	ssyncset.done $0x0  }
0xa6: {  	s7 =	simm.s32 $0x0;
	[sflag:s18] =	ssyncadd.s32 $0xFFFFE000  }
0xa7: {  	s9 =	simm.s32 $0x100;
	s8 =	simm.s32 $0xE270;
	v1 =	vld [tilespmem:s7+$0xB200]  }
.LBB2_14:
0xa8: {  	p1 =	sne.s32 s9, $0x3F00;
	v2 =	vld [tilespmem:s8+$0xFFFFFFD0]  }
0xa9: {  	v3 =	vld [tilespmem:s8+$0xFFFFFF90];
	_ =	sdelay $0x3  }
0xaa: {  	v1 =	vmul.f32 v2, v1;
	_ =	sdelay $0x1  }
0xab: {  	v1 =	vadd.f32 v1, v3;
	_ =	sdelay $0x1  }
0xac: {  	v1 =	vmax.f32 v1, $0.0e+00  }
0xad: {  	[tilespmem:s7+$0x11200] =	vst v1;
	v1 =	vld [tilespmem:s7+$0xB210]  }
0xae: {  	v2 =	vld [tilespmem:s8+$0xFFFFFFE0];
	_ =	sdelay $0x1  }
0xaf: {  	v3 =	vld [tilespmem:s8+$0xFFFFFFA0];
	_ =	sdelay $0x2  }
0xb0: {  	v1 =	vmul.f32 v2, v1;
	_ =	sdelay $0x1  }
0xb1: {  	v1 =	vadd.f32 v1, v3;
	_ =	sdelay $0x1  }
0xb2: {  	v1 =	vmax.f32 v1, $0.0e+00  }
0xb3: {  	[tilespmem:s7+$0x11210] =	vst v1;
	v1 =	vld [tilespmem:s7+$0xB220]  }
0xb4: {  	v2 =	vld [tilespmem:s8+$0xFFFFFFF0];
	_ =	sdelay $0x1  }
0xb5: {  	v3 =	vld [tilespmem:s8+$0xFFFFFFB0];
	_ =	sdelay $0x2  }
0xb6: {  	v1 =	vmul.f32 v2, v1;
	_ =	sdelay $0x1  }
0xb7: {  	v1 =	vadd.f32 v1, v3;
	_ =	sdelay $0x1  }
0xb8: {  	v1 =	vmax.f32 v1, $0.0e+00  }
0xb9: {  	[tilespmem:s7+$0x11220] =	vst v1;
	v1 =	vld [tilespmem:s7+$0xB230]  }
0xba: {  	v2 =	vld [tilespmem:s8+$0x0]  }
0xbb: {  	v3 =	vld [tilespmem:s8+$0xFFFFFFC0];
	_ =	sdelay $0x3  }
0xbc: {  	v1 =	vmul.f32 v2, v1  }
.Ltmp5:
0xbd: {  	(pc) =	sbr.rel @p1 .LBB2_14-.Ltmp5, $3  }
0xbe: {  	v1 =	vadd.f32 v1, v3;
	_ =	sdelay $0x1  }
0xbf: {  	s10 =	sshra.s32 s9, $0x2;
	v2 =	vmax.f32 v1, $0.0e+00  }
0xc0: {  	s9 =	sadd.s32 $0x100, s9;
	s8 =	sadd.s32 $0x80, s8;
	v1 =	vld [tilespmem:s10+$0xB200];
	[tilespmem:s7+$0x11230] =	vst v2;
	s7 =	smov.u32 s10  }
0xc1: {  	v2 =	vld [tilespmem:s8+$0xFFFFFFD0];
	_ =	sdelay $0x1  }
0xc2: {  	v3 =	vld [tilespmem:s8+$0xFFFFFF90];
	_ =	sdelay $0x2  }
0xc3: {  	v1 =	vmul.f32 v2, v1;
	_ =	sdelay $0x1  }
0xc4: {  	v1 =	vadd.f32 v1, v3;
	_ =	sdelay $0x1  }
0xc5: {  	v1 =	vmax.f32 v1, $0.0e+00  }
0xc6: {  	[tilespmem:s7+$0x11200] =	vst v1;
	v1 =	vld [tilespmem:s7+$0xB210]  }
0xc7: {  	v2 =	vld [tilespmem:s8+$0xFFFFFFE0];
	_ =	sdelay $0x1  }
0xc8: {  	v3 =	vld [tilespmem:s8+$0xFFFFFFA0];
	_ =	sdelay $0x2  }
0xc9: {  	v1 =	vmul.f32 v2, v1;
	_ =	sdelay $0x1  }
0xca: {  	v1 =	vadd.f32 v1, v3;
	_ =	sdelay $0x1  }
0xcb: {  	v1 =	vmax.f32 v1, $0.0e+00  }
0xcc: {  	[tilespmem:s7+$0x11210] =	vst v1;
	v1 =	vld [tilespmem:s7+$0xB220]  }
0xcd: {  	v2 =	vld [tilespmem:s8+$0xFFFFFFF0];
	_ =	sdelay $0x1  }
0xce: {  	v3 =	vld [tilespmem:s8+$0xFFFFFFB0];
	_ =	sdelay $0x2  }
0xcf: {  	v1 =	vmul.f32 v2, v1;
	_ =	sdelay $0x1  }
0xd0: {  	v1 =	vadd.f32 v1, v3;
	_ =	sdelay $0x1  }
0xd1: {  	v1 =	vmax.f32 v1, $0.0e+00  }
0xd2: {  	[tilespmem:s7+$0x11220] =	vst v1;
	v1 =	vld [tilespmem:s7+$0xB230]  }
0xd3: {  	v2 =	vld [tilespmem:s8+$0x0];
	_ =	sdelay $0x1  }
0xd4: {  	v3 =	vld [tilespmem:s8+$0xFFFFFFC0];
	_ =	sdelay $0x2  }
0xd5: {  	v1 =	vmul.f32 v2, v1;
	_ =	sdelay $0x1  }
0xd6: {  	v1 =	vadd.f32 v1, v3;
	_ =	sdelay $0x1  }
0xd7: {  	s21 =	sadd.s32 $0x1, s21;
	v1 =	vmax.f32 v1, $0.0e+00  }
0xd8: {  	s2 =	sadd.s32 $0x6C00, s2;
	p1 =	sne.s32 s21, $0x34;
	[tilespmem:s7+$0x11230] =	vst v1  }
0xd9: {  	[spmem:s1] =	stream.indirect.scatter.add.f32 [tilespmem:s20], [sflag:$0x5], $0x40, s2, s19, $0xb8;
	[tilespmem:$0x1D200] =	vst v63  }
.Ltmp6:
0xda: {  	_ = 	snop;
	(pc) =	sbr.rel @p1 .LBB2_11-.Ltmp6, $4  }
.Ltmp7:
0xdb: {  	_ = 	snop;
	(pc) =	sbr.rel @!p1 .LBB2_16-.Ltmp7, $4  }
0xdc: {  	_ =	swait.ge [sflag:s25], $0x2000  }
0xdd: {  	[sflag:s25] =	ssyncset.done $0x0  }
0xde: {  	[sflag:s25] =	ssyncadd.s32 $0xFFFFE000  }
0xdf: {  	_ = 	snop  }
.LBB2_4:
0xe0: {  	s2 =	rddreg [dreg:$0x7]  }
0xe1: {  	[tilespmem:s21], [sflag:$0x5] =	stream.linear.gather [hbm4b:s2+s21], $0x3600, $0x38;
	[tilespmem:$0x1D200] =	vst v63  }
0xe2: {  	_ =	swait.ge [sflag:s25], $0x3600  }
0xe3: {  	[sflag:s25] =	ssyncset.done $0x0  }
0xe4: {  	s7 =	simm.s32 $0x3600;
	s8 =	rddreg [dreg:$0x8];
	[sflag:s25] =	ssyncadd.s32 $0xFFFFCA00  }
0xe5: {  	[tilespmem:s7], [sflag:$0x5] =	stream.linear.gather [hbm4b:s8+s21], $0x3600, $0x38;
	[tilespmem:$0x1D200] =	vst v63  }
0xe6: {  	_ =	swait.ge [sflag:s25], $0x3600  }
0xe7: {  	[sflag:s25] =	ssyncset.done $0x0  }
0xe8: {  	s10 =	simm.s32 $0x6C00;
	s9 =	rddreg [dreg:$0x9];
	[sflag:s25] =	ssyncadd.s32 $0xFFFFCA00  }
0xe9: {  	[tilespmem:s10], [sflag:$0x5] =	stream.linear.gather [hbm4b:s9+s21], $0x3600, $0x38;
	[tilespmem:$0x1D200] =	vst v63  }
0xea: {  	_ =	swait.ge [sflag:s25], $0x3600  }
0xeb: {  	[sflag:s25] =	ssyncset.done $0x0  }
0xec: {  	[sflag:s25] =	ssyncadd.s32 $0xFFFFCA00  }
0xed: {  	[bflag:$0x0] =	sbarrier.arrive $0xFFFF  }
.LBB2_5:
0xee: {  	s2 =	sshll.u32 s21, $0x7  }
0xef: {  	[tilespmem:s30], [sflag:$0x1] =	stream.indirect.gather [hbm4b:s4+s29], $0x40, s2, s29, $0xb8;
	[tilespmem:$0x1D200] =	vst v63  }
0xf0: {  	s7 =	sor.u32 $0x40, s2  }
0xf1: {  	[tilespmem:s31], [sflag:$0x2] =	stream.indirect.gather [hbm4b:s4+s29], $0x40, s7, s29, $0xb8;
	[tilespmem:$0x1D200] =	vst v63  }
0xf2: {  	s9 =	sadd.s32 $0x3600, s2  }
0xf3: {  	[tilespmem:s0], [sflag:$0x3] =	stream.indirect.gather [hbm4b:s5+s29], $0x80, s9, s29, $0xb8;
	[tilespmem:$0x1D200] =	vst v63  }
0xf4: {  	s10 =	sadd.s32 $0x3640, s2  }
0xf5: {  	[tilespmem:s26], [sflag:$0x4] =	stream.indirect.gather [hbm4b:s5+s29], $0x80, s10, s29, $0xb8;
	[tilespmem:$0x1D200] =	vst v63  }
0xf6: {  	_ =	swait.ge [sflag:s28], $0x1000  }
0xf7: {  	[sflag:s28] =	ssyncset.done $0x0  }
0xf8: {  	[sflag:s28] =	ssyncadd.s32 $0xFFFFF000  }
0xf9: {  	_ =	swait.ge [sflag:s16], $0x2000  }
0xfa: {  	[sflag:s16] =	ssyncset.done $0x0  }
0xfb: {  	s7 =	simm.s32 $0x0;
	[sflag:s16] =	ssyncadd.s32 $0xFFFFE000  }
0xfc: {  	s8 =	simm.s32 $0xC240;
	s9 =	simm.s32 $0x100;
	v1 =	vld [tilespmem:s7+$0xA200]  }
.LBB2_6:
0xfd: {  	p1 =	sne.s32 s9, $0x3F00;
	v2 =	vld [tilespmem:s8+$0x0]  }
0xfe: {  	v3 =	vld [tilespmem:s8+$0xFFFFFFC0];
	_ =	sdelay $0x3  }
0xff: {  	v1 =	vmul.f32 v2, v1;
	_ =	sdelay $0x1  }
0x100: {  	v1 =	vadd.f32 v1, v3;
	_ =	sdelay $0x1  }
0x101: {  	v1 =	vmax.f32 v1, $0.0e+00  }
0x102: {  	[tilespmem:s7+$0x10200] =	vst v1;
	v1 =	vld [tilespmem:s7+$0xA210]  }
0x103: {  	v2 =	vld [tilespmem:s8+$0x10];
	_ =	sdelay $0x1  }
0x104: {  	v3 =	vld [tilespmem:s8+$0xFFFFFFD0];
	_ =	sdelay $0x2  }
0x105: {  	v1 =	vmul.f32 v2, v1;
	_ =	sdelay $0x1  }
0x106: {  	v1 =	vadd.f32 v1, v3;
	_ =	sdelay $0x1  }
0x107: {  	v1 =	vmax.f32 v1, $0.0e+00  }
0x108: {  	[tilespmem:s7+$0x10210] =	vst v1;
	v1 =	vld [tilespmem:s7+$0xA220]  }
0x109: {  	v2 =	vld [tilespmem:s8+$0x20];
	_ =	sdelay $0x1  }
0x10a: {  	v3 =	vld [tilespmem:s8+$0xFFFFFFE0];
	_ =	sdelay $0x2  }
0x10b: {  	v1 =	vmul.f32 v2, v1;
	_ =	sdelay $0x1  }
0x10c: {  	v1 =	vadd.f32 v1, v3;
	_ =	sdelay $0x1  }
0x10d: {  	v1 =	vmax.f32 v1, $0.0e+00  }
0x10e: {  	[tilespmem:s7+$0x10220] =	vst v1;
	v1 =	vld [tilespmem:s7+$0xA230]  }
0x10f: {  	v2 =	vld [tilespmem:s8+$0x30]  }
0x110: {  	v3 =	vld [tilespmem:s8+$0xFFFFFFF0];
	_ =	sdelay $0x3  }
0x111: {  	v1 =	vmul.f32 v2, v1  }
.Ltmp8:
0x112: {  	(pc) =	sbr.rel @p1 .LBB2_6-.Ltmp8, $3  }
0x113: {  	v1 =	vadd.f32 v1, v3;
	_ =	sdelay $0x1  }
0x114: {  	s10 =	sshra.s32 s9, $0x2;
	v2 =	vmax.f32 v1, $0.0e+00  }
0x115: {  	s9 =	sadd.s32 $0x100, s9;
	s8 =	sadd.s32 $0x80, s8;
	v1 =	vld [tilespmem:s10+$0xA200];
	[tilespmem:s7+$0x10230] =	vst v2;
	s7 =	smov.u32 s10  }
0x116: {  	v2 =	vld [tilespmem:s8+$0x0];
	_ =	sdelay $0x1  }
0x117: {  	v3 =	vld [tilespmem:s8+$0xFFFFFFC0];
	_ =	sdelay $0x2  }
0x118: {  	v1 =	vmul.f32 v2, v1;
	_ =	sdelay $0x1  }
0x119: {  	v1 =	vadd.f32 v1, v3;
	_ =	sdelay $0x1  }
0x11a: {  	v1 =	vmax.f32 v1, $0.0e+00  }
0x11b: {  	[tilespmem:s7+$0x10200] =	vst v1;
	v1 =	vld [tilespmem:s7+$0xA210]  }
0x11c: {  	v2 =	vld [tilespmem:s8+$0x10];
	_ =	sdelay $0x1  }
0x11d: {  	v3 =	vld [tilespmem:s8+$0xFFFFFFD0];
	_ =	sdelay $0x2  }
0x11e: {  	v1 =	vmul.f32 v2, v1;
	_ =	sdelay $0x1  }
0x11f: {  	v1 =	vadd.f32 v1, v3;
	_ =	sdelay $0x1  }
0x120: {  	v1 =	vmax.f32 v1, $0.0e+00  }
0x121: {  	[tilespmem:s7+$0x10210] =	vst v1;
	v1 =	vld [tilespmem:s7+$0xA220]  }
0x122: {  	v2 =	vld [tilespmem:s8+$0x20];
	_ =	sdelay $0x1  }
0x123: {  	v3 =	vld [tilespmem:s8+$0xFFFFFFE0];
	_ =	sdelay $0x2  }
0x124: {  	v1 =	vmul.f32 v2, v1;
	_ =	sdelay $0x1  }
0x125: {  	v1 =	vadd.f32 v1, v3;
	_ =	sdelay $0x1  }
0x126: {  	v1 =	vmax.f32 v1, $0.0e+00  }
0x127: {  	[tilespmem:s7+$0x10220] =	vst v1;
	v1 =	vld [tilespmem:s7+$0xA230]  }
0x128: {  	v2 =	vld [tilespmem:s8+$0x30];
	_ =	sdelay $0x1  }
0x129: {  	v3 =	vld [tilespmem:s8+$0xFFFFFFF0];
	_ =	sdelay $0x2  }
0x12a: {  	v1 =	vmul.f32 v2, v1;
	_ =	sdelay $0x1  }
0x12b: {  	v1 =	vadd.f32 v1, v3;
	_ =	sdelay $0x1  }
0x12c: {  	v1 =	vmax.f32 v1, $0.0e+00  }
0x12d: {  	[tilespmem:s7+$0x10230] =	vst v1  }
0x12e: {  	_ =	swait.ge [sflag:s17], $0x1000  }
0x12f: {  	[sflag:s17] =	ssyncset.done $0x0  }
0x130: {  	[sflag:s17] =	ssyncadd.s32 $0xFFFFF000  }
0x131: {  	_ =	swait.ge [sflag:s18], $0x2000  }
0x132: {  	[sflag:s18] =	ssyncset.done $0x0  }
0x133: {  	s7 =	simm.s32 $0x0;
	[sflag:s18] =	ssyncadd.s32 $0xFFFFE000  }
0x134: {  	s9 =	simm.s32 $0x100;
	s8 =	simm.s32 $0xE270;
	v1 =	vld [tilespmem:s7+$0xB200]  }
.LBB2_8:
0x135: {  	p1 =	sne.s32 s9, $0x3F00;
	v2 =	vld [tilespmem:s8+$0xFFFFFFD0]  }
0x136: {  	v3 =	vld [tilespmem:s8+$0xFFFFFF90];
	_ =	sdelay $0x3  }
0x137: {  	v1 =	vmul.f32 v2, v1;
	_ =	sdelay $0x1  }
0x138: {  	v1 =	vadd.f32 v1, v3;
	_ =	sdelay $0x1  }
0x139: {  	v1 =	vmax.f32 v1, $0.0e+00  }
0x13a: {  	[tilespmem:s7+$0x11200] =	vst v1;
	v1 =	vld [tilespmem:s7+$0xB210]  }
0x13b: {  	v2 =	vld [tilespmem:s8+$0xFFFFFFE0];
	_ =	sdelay $0x1  }
0x13c: {  	v3 =	vld [tilespmem:s8+$0xFFFFFFA0];
	_ =	sdelay $0x2  }
0x13d: {  	v1 =	vmul.f32 v2, v1;
	_ =	sdelay $0x1  }
0x13e: {  	v1 =	vadd.f32 v1, v3;
	_ =	sdelay $0x1  }
0x13f: {  	v1 =	vmax.f32 v1, $0.0e+00  }
0x140: {  	[tilespmem:s7+$0x11210] =	vst v1;
	v1 =	vld [tilespmem:s7+$0xB220]  }
0x141: {  	v2 =	vld [tilespmem:s8+$0xFFFFFFF0];
	_ =	sdelay $0x1  }
0x142: {  	v3 =	vld [tilespmem:s8+$0xFFFFFFB0];
	_ =	sdelay $0x2  }
0x143: {  	v1 =	vmul.f32 v2, v1;
	_ =	sdelay $0x1  }
0x144: {  	v1 =	vadd.f32 v1, v3;
	_ =	sdelay $0x1  }
0x145: {  	v1 =	vmax.f32 v1, $0.0e+00  }
0x146: {  	[tilespmem:s7+$0x11220] =	vst v1;
	v1 =	vld [tilespmem:s7+$0xB230]  }
0x147: {  	v2 =	vld [tilespmem:s8+$0x0]  }
0x148: {  	v3 =	vld [tilespmem:s8+$0xFFFFFFC0];
	_ =	sdelay $0x3  }
0x149: {  	v1 =	vmul.f32 v2, v1  }
.Ltmp9:
0x14a: {  	(pc) =	sbr.rel @p1 .LBB2_8-.Ltmp9, $3  }
0x14b: {  	v1 =	vadd.f32 v1, v3;
	_ =	sdelay $0x1  }
0x14c: {  	s10 =	sshra.s32 s9, $0x2;
	v2 =	vmax.f32 v1, $0.0e+00  }
0x14d: {  	s9 =	sadd.s32 $0x100, s9;
	s8 =	sadd.s32 $0x80, s8;
	v1 =	vld [tilespmem:s10+$0xB200];
	[tilespmem:s7+$0x11230] =	vst v2;
	s7 =	smov.u32 s10  }
0x14e: {  	v2 =	vld [tilespmem:s8+$0xFFFFFFD0];
	_ =	sdelay $0x1  }
0x14f: {  	v3 =	vld [tilespmem:s8+$0xFFFFFF90];
	_ =	sdelay $0x2  }
0x150: {  	v1 =	vmul.f32 v2, v1;
	_ =	sdelay $0x1  }
0x151: {  	v1 =	vadd.f32 v1, v3;
	_ =	sdelay $0x1  }
0x152: {  	v1 =	vmax.f32 v1, $0.0e+00  }
0x153: {  	[tilespmem:s7+$0x11200] =	vst v1;
	v1 =	vld [tilespmem:s7+$0xB210]  }
0x154: {  	v2 =	vld [tilespmem:s8+$0xFFFFFFE0];
	_ =	sdelay $0x1  }
0x155: {  	v3 =	vld [tilespmem:s8+$0xFFFFFFA0];
	_ =	sdelay $0x2  }
0x156: {  	v1 =	vmul.f32 v2, v1;
	_ =	sdelay $0x1  }
0x157: {  	v1 =	vadd.f32 v1, v3;
	_ =	sdelay $0x1  }
0x158: {  	v1 =	vmax.f32 v1, $0.0e+00  }
0x159: {  	[tilespmem:s7+$0x11210] =	vst v1;
	v1 =	vld [tilespmem:s7+$0xB220]  }
0x15a: {  	v2 =	vld [tilespmem:s8+$0xFFFFFFF0];
	_ =	sdelay $0x1  }
0x15b: {  	v3 =	vld [tilespmem:s8+$0xFFFFFFB0];
	_ =	sdelay $0x2  }
0x15c: {  	v1 =	vmul.f32 v2, v1;
	_ =	sdelay $0x1  }
0x15d: {  	v1 =	vadd.f32 v1, v3;
	_ =	sdelay $0x1  }
0x15e: {  	v1 =	vmax.f32 v1, $0.0e+00  }
0x15f: {  	[tilespmem:s7+$0x11220] =	vst v1;
	v1 =	vld [tilespmem:s7+$0xB230]  }
0x160: {  	v2 =	vld [tilespmem:s8+$0x0];
	_ =	sdelay $0x1  }
0x161: {  	v3 =	vld [tilespmem:s8+$0xFFFFFFC0];
	_ =	sdelay $0x2  }
0x162: {  	v1 =	vmul.f32 v2, v1;
	_ =	sdelay $0x1  }
0x163: {  	v1 =	vadd.f32 v1, v3;
	_ =	sdelay $0x1  }
0x164: {  	s21 =	sadd.s32 $0x1, s21;
	v1 =	vmax.f32 v1, $0.0e+00  }
0x165: {  	s2 =	sadd.s32 $0x6C00, s2;
	p1 =	seq.s32 s21, $0x6C;
	[tilespmem:s7+$0x11230] =	vst v1  }
0x166: {  	[spmem:s1] =	stream.indirect.scatter.add.f32 [tilespmem:s20], [sflag:$0x5], $0x40, s2, s19, $0xb8;
	[tilespmem:$0x1D200] =	vst v63  }
.Ltmp10:
0x167: {  	_ = 	snop;
	(pc) =	sbr.rel @!p1 .LBB2_5-.Ltmp10, $4  }
.Ltmp11:
0x168: {  	_ = 	snop;
	(pc) =	sbr.rel @p1 .LBB2_16-.Ltmp11, $4  }
0x169: {  	_ =	swait.ge [sflag:s25], $0x2000  }
0x16a: {  	[sflag:s25] =	ssyncset.done $0x0  }
0x16b: {  	[sflag:s25] =	ssyncadd.s32 $0xFFFFE000  }
0x16c: {  	_ = 	snop  }
.LBB2_17:
0x16d: {  	_ =	sfence.sel $0x180000  }
0x16e: {  	[bflag:$0x0] =	sbarrier.arrive $0xFFFF  }
0x16f: {  	_ =	strace $0x9000004A  }
0x170: {  	s0 =	stileid.u32;
	[bflag:$0x2] =	sbarrier.arrive $0xFFFF  }
0x171: {  	p0 =	sne.s32 s0, $0x0;
	s0 =	rddreg [dreg:$0x2]  }
0x172: {  	s0 =	sadd.s32 @!p0 $0x100000, s0  }
0x173: {  	[sflag:s0] =	ssyncadd.tile.s32 @!p0 $0x1;
	_ =	shalt  }
.Lfunc_end2:
_tile_overlayer_lowered:
.L_overlay_start_2:
0x174: {  	(tag) =	ssettag $0x2  }
0x175: {  	s0 =	rddreg [dreg:$0x0];
	s2 =	stileid.u32  }
0x176: {  	s1 =	rddreg [dreg:$0x1];
	p0 =	sne.s32 s2, $0x0  }
0x177: {  	s3 =	rddreg [dreg:$0x2];
	[bflag:$0x3] =	sbarrier.arrive $0xFFFF;
	s2 =	simm.s32 @!p0 $0x1C05  }
0x178: {  	[timem:s3], [sflag:s2] =	dma.local @!p0 [hbm:s0], s1  }
0x179: {  	s0 =	simm.s32 @!p0 $0x5  }
0x17a: {  	_ =	swait.ge @!p0 [sflag:s0], s1  }
0x17b: {  	s1 =	ssub.s32 @!p0 $0x0, s1;
	[sflag:s0] =	ssyncset.done @!p0 $0x0  }
0x17c: {  	[sflag:s0] =	ssyncadd.s32 @!p0 s1  }
0x17d: {  	[bflag:$0x3] =	sbarrier.arrive $0xFFFF  }
0x17e: {  	_ =	shalt  }

// kernel: kernel.14.cloned.1.call-start
scs
__scs_entry_jumppad:
0x0: {  	(pc) =	sbr.rel $0x88, $3  }
0x1: {  	(tag) =	ssettag $0x0;
	lr =	simm.s32 $0x1  }
0x2: {  	[smem:$0x3F89] =	sst lr;
	_ =	strace $0xD0000000  }
0x3: {  	_ = 	snop  }
0x4: {  	_ = 	snop  }
0x5: {  	_ = 	snop  }
0x6: {  	_ = 	snop  }
0x7: {  	_ = 	snop  }
__scs_overlays_trampoline_lowered:
0x8: {  	[smem:$0x3F98] =	sst s0  }
0x9: {  	[smem:$0x3F99] =	sst s1  }
0xa: {  	[smem:$0x3F9A] =	sst s2  }
0xb: {  	[smem:$0x3F9B] =	sst s3  }
0xc: {  	[smem:$0x3F9C] =	sst s4  }
0xd: {  	[smem:$0x3F9D] =	sst s5  }
0xe: {  	[smem:$0x3F9E] =	sst s6  }
0xf: {  	[smem:$0x3F9F] =	sst s7  }
0x10: {  	[smem:$0x3FA0] =	sst s8  }
0x11: {  	[smem:$0x3FA1] =	sst s9;
	s0 =	simm.s32 @!p0 $0x0  }
0x12: {  	s1 =	sld [smem:$0x3F87];
	s0 =	simm.s32 @p0 $0x1  }
0x13: {  	[smem:$0x3FA2] =	sst s0;
	s0 =	simm.s32 @!p1 $0x0  }
0x14: {  	s2 =	sld [smem:$0x3F86];
	s0 =	simm.s32 @p1 $0x1  }
0x15: {  	[smem:$0x3FA3] =	sst s0;
	s0 =	simm.s32 @!p2 $0x0  }
0x16: {  	s3 =	sld [smem:$0x3FDB];
	s0 =	simm.s32 @p2 $0x1  }
0x17: {  	s4 =	simm.s32 $0x1BF5;
	[smem:$0x3FA5] =	sst s0  }
0x18: {  	s0 =	sld [smem:$0x3F88];
	_ =	swait.ge [sflag:s4], $0x0  }
0x19: {  	s7 =	sld [smem:$0x3F89]  }
0x1a: {  	s8 =	sadd.s32 $0xFFFFE003, lr  }
0x1b: {  	s9 =	sadd.s32 $0xFFFFFEF7, lr;
	s5 =	simm.s32 $0xFFFFFFFF;
	p2 =	slt.u32 s8, $0xFFFFF086  }
0x1c: {  	p1 =	slt.u32 s9, $0xF7A;
	s5 =	simm.s32 @!p2 $0x0  }
0x1d: {  	s5 =	simm.s32 @p1 $0x1;
	p0 =	seq.s32 s7, s2  }
0x1e: {  	s7 =	smul.u32 @!p0 $0xF7A, s2;
	p2 =	seq.s32 @!p0 s5, $0x0  }
0x1f: {  	s9 =	smul.u32 $0xF7A, s1;
	s8 =	simm.s32 @!p0 $0x1BF5;
	p2 =	por !p2, p0  }
0x20: {  	[sflag:s8] =	ssyncset.s32 @!p0 $0xFFFFF086;
	s6 =	sadd.s32 @!p0 s3, s7;
	s7 =	simm.s32 @!p0 $0x108  }
0x21: {  	s3 =	sadd.s32 s3, s9;
	s6 =	sadd.s32 @!p0 $0x88, s6;
	s7 =	simm.s32 @p2 $0x1082  }
0x22: {  	[simem:s7], [sflag:s8] =	dma.local @!p0 [hbm:s6], $0xF7A  }
0x23: {  	s9 =	sor.u32 $0xD0000000, s2;
	s6 =	simm.s32 $0x108;
	_ =	swait.ge @!p0 [sflag:s8], $0x0  }
0x24: {  	s3 =	sadd.s32 $0x88, s3;
	s6 =	simm.s32 @!p1 $0x1082;
	[sflag:s4] =	ssyncset.s32 $0xFFFFF086  }
0x25: {  	[simem:s6], [sflag:s4] =	dma.local [hbm:s3], $0xF7A  }
0x26: {  	[smem:$0x3F89] =	sst s1;
	(tag) =	ssettag s2;
	_ =	strace s9  }
0x27: {  	s1 =	sld [smem:$0x3F99]  }
0x28: {  	s2 =	sld [smem:$0x3F9A]  }
0x29: {  	s4 =	sld [smem:$0x3F9C]  }
0x2a: {  	p0 =	seq.s32 s5, $0x0;
	s5 =	sld [smem:$0x3F9D]  }
0x2b: {  	s6 =	sld [smem:$0x3F9E]  }
0x2c: {  	s7 =	sld [smem:$0x3F9F]  }
0x2d: {  	s3 =	simm.s32 $0x108;
	s8 =	sld [smem:$0x3FA0]  }
0x2e: {  	s3 =	simm.s32 @!p0 $0x1082;
	s9 =	sld [smem:$0x3FA1]  }
0x2f: {  	lr =	sadd.s32 s0, s3;
	s0 =	sld [smem:$0x3F98]  }
0x30: {  	s3 =	sld [smem:$0x3F9B]  }
0x31: {  	[smem:$0x3FA4] =	sst s10  }
0x32: {  	s10 =	sld [smem:$0x3FA2];
	_ =	sdelay $0x3  }
0x33: {  	p0 =	seq.s32 s10, $0x1;
	s10 =	sld [smem:$0x3FA4];
	_ =	sdelay $0x3  }
0x34: {  	[smem:$0x3FA4] =	sst s10  }
0x35: {  	s10 =	sld [smem:$0x3FA3];
	_ =	sdelay $0x3  }
0x36: {  	p1 =	seq.s32 s10, $0x1;
	s10 =	sld [smem:$0x3FA4];
	_ =	sdelay $0x3  }
0x37: {  	[smem:$0x3FA4] =	sst s10  }
0x38: {  	s10 =	sld [smem:$0x3FA5]  }
0x39: {  	_ = 	snop;
	(pc) =	sbr.ind lr, $3  }
0x3a: {  	_ = 	snop  }
0x3b: {  	_ = 	snop  }
0x3c: {  	p2 =	seq.s32 s10, $0x1;
	s10 =	sld [smem:$0x3FA4]  }
0x3d: {  	_ =	shalt  }
0x3e: {  	_ =	shalt  }
0x3f: {  	_ =	shalt  }
0x40: {  	_ =	shalt  }
0x41: {  	_ =	shalt  }
0x42: {  	_ =	shalt  }
0x43: {  	_ =	shalt  }
0x44: {  	_ =	shalt  }
0x45: {  	_ =	shalt  }
0x46: {  	_ =	shalt  }
0x47: {  	_ =	shalt  }
0x48: {  	_ =	shalt  }
0x49: {  	_ =	shalt  }
0x4a: {  	_ =	shalt  }
0x4b: {  	_ =	shalt  }
0x4c: {  	_ =	shalt  }
0x4d: {  	_ =	shalt  }
0x4e: {  	_ =	shalt  }
0x4f: {  	_ =	shalt  }
0x50: {  	_ =	shalt  }
0x51: {  	_ =	shalt  }
0x52: {  	_ =	shalt  }
0x53: {  	_ =	shalt  }
0x54: {  	_ =	shalt  }
0x55: {  	_ =	shalt  }
0x56: {  	_ =	shalt  }
0x57: {  	_ =	shalt  }
0x58: {  	_ =	shalt  }
0x59: {  	_ =	shalt  }
0x5a: {  	_ =	shalt  }
0x5b: {  	_ =	shalt  }
0x5c: {  	_ =	shalt  }
0x5d: {  	_ =	shalt  }
0x5e: {  	_ =	shalt  }
0x5f: {  	_ =	shalt  }
0x60: {  	_ =	shalt  }
0x61: {  	_ =	shalt  }
0x62: {  	_ =	shalt  }
0x63: {  	_ =	shalt  }
0x64: {  	_ =	shalt  }
0x65: {  	_ =	shalt  }
0x66: {  	_ =	shalt  }
0x67: {  	_ =	shalt  }
0x68: {  	_ =	shalt  }
0x69: {  	_ =	shalt  }
0x6a: {  	_ =	shalt  }
0x6b: {  	_ =	shalt  }
0x6c: {  	_ =	shalt  }
0x6d: {  	_ =	shalt  }
0x6e: {  	_ =	shalt  }
0x6f: {  	_ =	shalt  }
0x70: {  	_ =	shalt  }
0x71: {  	_ =	shalt  }
0x72: {  	_ =	shalt  }
0x73: {  	_ =	shalt  }
0x74: {  	_ =	shalt  }
0x75: {  	_ =	shalt  }
0x76: {  	_ =	shalt  }
0x77: {  	_ =	shalt  }
0x78: {  	_ =	shalt  }
0x79: {  	_ =	shalt  }
0x7a: {  	_ =	shalt  }
0x7b: {  	_ =	shalt  }
0x7c: {  	_ =	shalt  }
0x7d: {  	_ =	shalt  }
0x7e: {  	_ =	shalt  }
0x7f: {  	_ =	shalt  }
0x80: {  	_ =	shalt  }
0x81: {  	_ =	shalt  }
0x82: {  	_ =	shalt  }
0x83: {  	_ =	shalt  }
0x84: {  	_ =	shalt  }
0x85: {  	_ =	shalt  }
0x86: {  	_ =	shalt  }
0x87: {  	_ =	shalt  }
.Lfunc_end0:
.L_simem_size_0:
called_computation.2_lowered:
.L_overlay_start_0:
0x88: {  	s2 =	sld [smem:$0x3FD9]  }
0x89: {  	s3 =	sld [smem:$0x3FFE];
	_ =	sdelay $0x1  }
0x8a: {  	s1 =	srdreg.scid  }
0x8b: {  	s0 =	sand.u32 $0x1, s1  }
0x8c: {  	s16 =	sshll.u32 s0, $0xA;
	s2 =	sadd.s32 s3, s2  }
0x8d: {  	s2 =	sadd.s32 s2, s16  }
0x8e: {  	[smem:$0x3FB0] =	sst s2  }
0x8f: {  	_ = 	snop  }
0x90: {  	(tm) =	ssettm $0x1  }
0x91: {  	s17 =	sld [smem:$0x3FFB];
	_ =	sdelay $0x3  }
0x92: {  	_ =	strace s17  }
0x93: {  	s2 =	sld [smem:$0x3FFC];
	_ =	sdelay $0x3  }
0x94: {  	_ =	strace s2  }
0x95: {  	s2 =	sld [smem:$0x3FFD];
	_ =	sdelay $0x3  }
0x96: {  	_ =	strace s2  }
0x97: {  	_ =	strace $0x8FFFFFFF  }
0x98: {  	s18 =	sld [smem:$0x3FDB];
	_ =	sdelay $0x1  }
0x99: {  	s19 =	simm.s32 $_scs_section_size  }
0x9a: {  	s4 =	simm.s32 $_size__tile_overlayer_lowered;
	s5 =	simm.s32 $_tile_overlayer_lowered  }
0x9b: {  	s22 =	simm.s32 $0x1BFF;
	s21 =	sshll.u32 s5, $0x1;
	s2 =	sadd.s32 s19, s18  }
0x9c: {  	s6 =	simm.s32 $0x0;
	s20 =	sshll.u32 s4, $0x1;
	s4 =	sadd.s32 s21, s2  }
0x9d: {  	[timem:s6], [sflag:s22] =	dma.local [hbm:s4], s20  }
0x9e: {  	_ =	swait.ge [sflag:s22], s20  }
0x9f: {  	s3 =	ssub.s32 $0x0, s20;
	[sflag:s22] =	ssyncset.done $0x0  }
0xa0: {  	[sflag:s22] =	ssyncadd.s32 s3;
	_ =	sdelay $0x1  }
0xa1: {  	s23 =	simm.s32 $0x1B8B  }
0xa2: {  	_ =	swait.ge [sflag:s23], $0x1  }
0xa3: {  	[sflag:s23] =	ssyncset.done $0x0  }
0xa4: {  	s25 =	simm.s32 $0x1B8E;
	s24 =	sld [smem:$0x3FFE];
	[sflag:s23] =	ssyncadd.s32 $0xFFFFFFFF  }
0xa5: {  	s26 =	simm.s32 $execute0_lowered;
	[smem:$0x3FD2] =	sst s25  }
0xa6: {  	s4 =	sshll.u32 s26, $0x1;
	_ =	strace $0x8000004C;
	[dreg:$0x1] =	wrdreg $0xFFFFFFFF  }
0xa7: {  	s28 =	simm.s32 $_size_execute0_lowered;
	s2 =	sadd.s32 s2, s4;
	[dreg:$0x0] =	wrdreg $0x0  }
0xa8: {  	s4 =	sshll.u32 s28, $0x1;
	[dreg:$0x2] =	wrdreg s2  }
0xa9: {  	[dreg:$0x3] =	wrdreg s4  }
0xaa: {  	[dreg:$0x4] =	wrdreg $0xC0  }
0xab: {  	_ =	task [dreg:s6], $0x5FFFF  }
0xac: {  	[dreg:$0x1] =	wrdreg $0xFFFFFFFF  }
0xad: {  	[dreg:$0x0] =	wrdreg $0x60  }
0xae: {  	[dreg:$0x2] =	wrdreg s24  }
0xaf: {  	[dreg:$0x3] =	wrdreg $0x132000  }
0xb0: {  	[dreg:$0x4] =	wrdreg $0x9  }
0xb1: {  	_ =	task.clear_ibuf [dreg:s6], $0x5FFFF;
	_ =	strace $0x9000004C  }
0xb2: {  	s29 =	simm.s32 $0x9;
	_ =	strace $0x8000004E  }
0xb3: {  	_ =	swait.ge [sflag:s29], $0x1  }
0xb4: {  	[sflag:s29] =	ssyncadd.s32 $0xFFFFFFFF  }
0xb5: {  	_ =	strace $0x9000004E  }
0xb6: {  	_ =	sfence  }
0xb7: {  	s30 =	sld [smem:$0x0];
	_ =	sdelay $0x2  }
0xb8: {  	s31 =	sshll.u32 s1, $0xD;
	s1 =	sshrl.u32 s1, $0x2  }
0xb9: {  	s3 =	sand.u32 $0x4000, s31;
	s1 =	sadd.s32 s1, s30  }
0xba: {  	s0 =	sor.u32 s3, s0;
	s1 =	sshll.u32 s1, $0x11  }
0xbb: {  	s0 =	sor.u32 s1, s0  }
0xbc: {  	s0 =	sadd.s32 $0x8F2B, s0  }
0xbd: {  	[sflag:s0] =	ssyncadd.remote.s32 $0x1  }
0xbe: {  	_ =	sfence.sel $0xFFFF  }
0xbf: {  	[dreg:$0x0] =	wrdreg $0xFFFFFFFF;
	(pc) =	sbr.abs _section_cstart, $3  }
0xc0: {  	[dreg:$0x1] =	wrdreg $0xFFFFFFFF  }
0xc1: {  	_ =	task.clear_ibuf [dreg:s6], $0x2FFFF;
	_ =	strace $0x9FFFFFFF  }
0xc2: {  	(tm) =	ssettm $0x7FFFFFFF  }
0xc3: {  	_ =	shalt  }
tec
execute0_lowered:
.L_overlay_start_1:
0x0: {  	(tag) =	ssettag $0x1  }
0x1: {  	s0 =	rddreg [dreg:$0x0]  }
0x2: {  	s2 =	rddreg [dreg:$0x1]  }
0x3: {  	s3 =	simm.s32 $0x0;
	s1 =	srdreg.scid;
	s15 =	stileid.u32  }
0x4: {  	s29 =	simm.s32 $0x40;
	s30 =	simm.s32 $0xA200;
	s31 =	simm.s32 $0xB200  }
0x5: {  	s28 =	simm.s32 $0x1;
	[smem:$0x7FF] =	sst s3;
	s1 =	sand.u32 $0x1, s1  }
0x6: {  	s6 =	smul.u32 $0xA000, s15;
	s4 =	sadd.s32 $0x54800, s0;
	s5 =	sadd.s32 $0x18D000, s0  }
0x7: {  	s8 =	sadd.s32 $0x40800, s0;
	s9 =	smul.u32 $0x28000, s15;
	s16 =	sadd.s32 $0x4A800, s0  }
0x8: {  	s17 =	sadd.s32 $0xE800, s0;
	_ =	strace $0x8000004D;
	s7 =	smul.u32 $0xA0000, s1  }
0x9: {  	s10 =	ssub.s32 $0x2, s1;
	p0 =	seq.s32 s1, $0x1;
	s9 =	sshrl.u32 s9, $0x2  }
0xa: {  	s14 =	sshrl.u32 s10, $0x1;
	s7 =	sadd.s32 s6, s7;
	s9 =	sadd.s32 s9, s2  }
0xb: {  	s6 =	sadd.s32 s6, s2;
	s7 =	sshrl.u32 s7, $0x3;
	s18 =	sadd.s32 $0x1000, s9  }
0xc: {  	s19 =	sadd.s32 $0x2000, s9;
	s20 =	sadd.s32 $0x3000, s9;
	s21 =	sadd.s32 $0x4000, s9  }
0xd: {  	s11 =	sadd.s32 $0x5000, s9;
	s12 =	sadd.s32 $0x6000, s9;
	[dreg:$0x3] =	wrdreg s18  }
0xe: {  	s13 =	sadd.s32 $0x7000, s9;
	s0 =	sadd.s32 s7, s0;
	[dreg:$0x4] =	wrdreg s19  }
0xf: {  	s7 =	ssub.s32 s10, s14;
	[dreg:$0x5] =	wrdreg s20;
	s19 =	smul.u32 $0x6C0, s15  }
0x10: {  	[dreg:$0x6] =	wrdreg s21;
	s18 =	smul.u32 $0x1A00, s15;
	s14 =	sadd.s32 $0x8000, s9  }
0x11: {  	s15 =	sadd.s32 $0x9000, s9;
	s20 =	simm.s32 $0x10200;
	s23 =	sadd.s32 s8, s19  }
0x12: {  	s22 =	sshrl.u32 s18, $0x3;
	s24 =	sadd.s32 s16, s19;
	[dreg:$0x7] =	wrdreg s23  }
0x13: {  	s25 =	sadd.s32 s17, s19;
	s18 =	simm.s32 $0x4;
	[dreg:$0x8] =	wrdreg s24  }
0x14: {  	s19 =	simm.s32 $0x80;
	s1 =	sadd.s32 $0x6C00, s22;
	[dreg:$0x9] =	wrdreg s25  }
.Ltmp0:
0x15: {  	s22 =	sadd.s32 $0x18800, s0;
	s23 =	smax.u32 s7, $0x1;
	(pc) =	sbr.rel .LBB2_1-.Ltmp0, $4  }
0x16: {  	s24 =	simm.s32 $0x12200;
	s25 =	simm.s32 $0x5;
	s8 =	sadd.s32 s8, s1  }
0x17: {  	s0 =	simm.s32 $0xC200;
	s26 =	sadd.s32 s16, s1;
	[dreg:$0xa] =	wrdreg s8  }
0x18: {  	s1 =	sadd.s32 s17, s1;
	s16 =	simm.s32 $0x3;
	[dreg:$0xb] =	wrdreg s26  }
0x19: {  	v0 =	vimm.f32 $0.0e+00;
	s17 =	simm.s32 $0x2;
	[dreg:$0xc] =	wrdreg s1;
	s26 =	simm.s32 $0xE200  }
.LBB2_16:
0x1a: {  	s1 =	stileid.u32;
	s3 =	sadd.s32 $0x1, s3  }
0x1b: {  	[bflag:$0x0] =	sbarrier.arrive $0xFFFF;
	s1 =	sshll.u32 s1, $0x6;
	p1 =	sne.s32 s3, s23  }
.Ltmp1:
0x1c: {  	s7 =	sshrl.u32 s6, $0x3;
	s1 =	sor.u32 $0x1C05, s1;
	(pc) =	sbr.rel @!p1 .LBB2_17-.Ltmp1, $4  }
0x1d: {  	[hbm:s22], [sflag:s1] =	dma.local [spmem:s7], $0x1400  }
0x1e: {  	_ =	swait.ge [sflag:s25], $0x1400  }
0x1f: {  	[sflag:s25] =	ssyncset.done $0x0  }
0x20: {  	[sflag:s25] =	ssyncadd.s32 $0xFFFFEC00  }
.LBB2_1:
0x21: {  	s7 =	simm.s32 $0x100;
	s1 =	simm.s32 $0x0  }
.LBB2_2:
0x22: {  	p1 =	sne.s32 s7, $0x3F00;
	[tilespmem:s1+$0x12230] =	vst v0;
	s8 =	smov.u32 s7;
	s7 =	sadd.s32 $0x100, s7  }
.Ltmp2:
0x23: {  	[tilespmem:s1+$0x12220] =	vst v0;
	(pc) =	sbr.rel @p1 .LBB2_2-.Ltmp2, $3  }
0x24: {  	[tilespmem:s1+$0x12200] =	vst v0  }
0x25: {  	[tilespmem:s1+$0x12210] =	vst v0;
	_ =	sdelay $0x1  }
0x26: {  	s1 =	sshra.s32 s8, $0x2  }
0x27: {  	[tilespmem:s1+$0x12230] =	vst v0  }
0x28: {  	[tilespmem:s1+$0x12220] =	vst v0  }
0x29: {  	[tilespmem:s1+$0x12200] =	vst v0  }
0x2a: {  	[tilespmem:s1+$0x12210] =	vst v0  }
0x2b: {  	[spmem:s6] =	stream.linear.scatter [tilespmem:s24], [sflag:$0x5], $0x1000, $0x38;
	[tilespmem:$0x1D200] =	vst v63  }
0x2c: {  	_ =	swait.ge [sflag:s25], $0x1000  }
0x2d: {  	[sflag:s25] =	ssyncset.done $0x0  }
0x2e: {  	s8 =	rddreg [dreg:$0x3];
	[sflag:s25] =	ssyncadd.s32 $0xFFFFF000  }
0x2f: {  	[spmem:s8] =	stream.linear.scatter [tilespmem:s24], [sflag:$0x5], $0x1000, $0x38;
	[tilespmem:$0x1D200] =	vst v63  }
0x30: {  	_ =	swait.ge [sflag:s25], $0x1000  }
0x31: {  	[sflag:s25] =	ssyncset.done $0x0  }
0x32: {  	s9 =	rddreg [dreg:$0x4];
	[sflag:s25] =	ssyncadd.s32 $0xFFFFF000  }
0x33: {  	[spmem:s9] =	stream.linear.scatter [tilespmem:s24], [sflag:$0x5], $0x1000, $0x38;
	[tilespmem:$0x1D200] =	vst v63  }
0x34: {  	_ =	swait.ge [sflag:s25], $0x1000  }
0x35: {  	[sflag:s25] =	ssyncset.done $0x0  }
0x36: {  	s10 =	rddreg [dreg:$0x5];
	[sflag:s25] =	ssyncadd.s32 $0xFFFFF000  }
0x37: {  	[spmem:s10] =	stream.linear.scatter [tilespmem:s24], [sflag:$0x5], $0x1000, $0x38;
	[tilespmem:$0x1D200] =	vst v63  }
0x38: {  	_ =	swait.ge [sflag:s25], $0x1000  }
0x39: {  	[sflag:s25] =	ssyncset.done $0x0  }
0x3a: {  	s21 =	rddreg [dreg:$0x6];
	[sflag:s25] =	ssyncadd.s32 $0xFFFFF000  }
0x3b: {  	[spmem:s21] =	stream.linear.scatter [tilespmem:s24], [sflag:$0x5], $0x1000, $0x38;
	[tilespmem:$0x1D200] =	vst v63  }
0x3c: {  	_ =	swait.ge [sflag:s25], $0x1000  }
0x3d: {  	[sflag:s25] =	ssyncset.done $0x0  }
0x3e: {  	[sflag:s25] =	ssyncadd.s32 $0xFFFFF000  }
0x3f: {  	[spmem:s11] =	stream.linear.scatter [tilespmem:s24], [sflag:$0x5], $0x1000, $0x38;
	[tilespmem:$0x1D200] =	vst v63  }
0x40: {  	_ =	swait.ge [sflag:s25], $0x1000  }
0x41: {  	[sflag:s25] =	ssyncset.done $0x0  }
0x42: {  	[sflag:s25] =	ssyncadd.s32 $0xFFFFF000  }
0x43: {  	[spmem:s12] =	stream.linear.scatter [tilespmem:s24], [sflag:$0x5], $0x1000, $0x38;
	[tilespmem:$0x1D200] =	vst v63  }
0x44: {  	_ =	swait.ge [sflag:s25], $0x1000  }
0x45: {  	[sflag:s25] =	ssyncset.done $0x0  }
0x46: {  	[sflag:s25] =	ssyncadd.s32 $0xFFFFF000  }
0x47: {  	[spmem:s13] =	stream.linear.scatter [tilespmem:s24], [sflag:$0x5], $0x1000, $0x38;
	[tilespmem:$0x1D200] =	vst v63  }
0x48: {  	_ =	swait.ge [sflag:s25], $0x1000  }
0x49: {  	[sflag:s25] =	ssyncset.done $0x0  }
0x4a: {  	[sflag:s25] =	ssyncadd.s32 $0xFFFFF000  }
0x4b: {  	[spmem:s14] =	stream.linear.scatter [tilespmem:s24], [sflag:$0x5], $0x1000, $0x38;
	[tilespmem:$0x1D200] =	vst v63  }
0x4c: {  	_ =	swait.ge [sflag:s25], $0x1000  }
0x4d: {  	[sflag:s25] =	ssyncset.done $0x0  }
.Ltmp3:
0x4e: {  	[sflag:s25] =	ssyncadd.s32 $0xFFFFF000;
	(pc) =	sbr.rel @!p0 .LBB2_4-.Ltmp3, $4  }
0x4f: {  	[spmem:s15] =	stream.linear.scatter [tilespmem:s24], [sflag:$0x5], $0x1000, $0x38;
	[tilespmem:$0x1D200] =	vst v63  }
0x50: {  	_ =	swait.ge [sflag:s25], $0x1000  }
0x51: {  	[sflag:s25] =	ssyncset.done $0x0  }
0x52: {  	s21 =	simm.s32 $0x0;
	[sflag:s25] =	ssyncadd.s32 $0xFFFFF000  }
0x53: {  	s1 =	rddreg [dreg:$0xa]  }
0x54: {  	[tilespmem:s21], [sflag:$0x5] =	stream.linear.gather [hbm4b:s1+s21], $0x1A00, $0x38;
	[tilespmem:$0x1D200] =	vst v63  }
0x55: {  	_ =	swait.ge [sflag:s25], $0x1A00  }
0x56: {  	[sflag:s25] =	ssyncset.done $0x0  }
0x57: {  	s7 =	simm.s32 $0x3600;
	s8 =	rddreg [dreg:$0xb];
	[sflag:s25] =	ssyncadd.s32 $0xFFFFE600  }
0x58: {  	[tilespmem:s7], [sflag:$0x5] =	stream.linear.gather [hbm4b:s8+s21], $0x1A00, $0x38;
	[tilespmem:$0x1D200] =	vst v63  }
0x59: {  	_ =	swait.ge [sflag:s25], $0x1A00  }
0x5a: {  	[sflag:s25] =	ssyncset.done $0x0  }
0x5b: {  	s10 =	simm.s32 $0x6C00;
	s9 =	rddreg [dreg:$0xc];
	[sflag:s25] =	ssyncadd.s32 $0xFFFFE600  }
0x5c: {  	[tilespmem:s10], [sflag:$0x5] =	stream.linear.gather [hbm4b:s9+s21], $0x1A00, $0x38;
	[tilespmem:$0x1D200] =	vst v63  }
0x5d: {  	_ =	swait.ge [sflag:s25], $0x1A00  }
0x5e: {  	[sflag:s25] =	ssyncset.done $0x0  }
0x5f: {  	[sflag:s25] =	ssyncadd.s32 $0xFFFFE600  }
0x60: {  	[bflag:$0x0] =	sbarrier.arrive $0xFFFF  }
.LBB2_11:
0x61: {  	s1 =	sshll.u32 s21, $0x7  }
0x62: {  	[tilespmem:s30], [sflag:$0x1] =	stream.indirect.gather [hbm4b:s4+s29], $0x40, s1, s29, $0xb8;
	[tilespmem:$0x1D200] =	vst v63  }
0x63: {  	s7 =	sor.u32 $0x40, s1  }
0x64: {  	[tilespmem:s31], [sflag:$0x2] =	stream.indirect.gather [hbm4b:s4+s29], $0x40, s7, s29, $0xb8;
	[tilespmem:$0x1D200] =	vst v63  }
0x65: {  	s9 =	sadd.s32 $0x3600, s1  }
0x66: {  	[tilespmem:s0], [sflag:$0x3] =	stream.indirect.gather [hbm4b:s5+s29], $0x80, s9, s29, $0xb8;
	[tilespmem:$0x1D200] =	vst v63  }
0x67: {  	s10 =	sadd.s32 $0x3640, s1  }
0x68: {  	[tilespmem:s26], [sflag:$0x4] =	stream.indirect.gather [hbm4b:s5+s29], $0x80, s10, s29, $0xb8;
	[tilespmem:$0x1D200] =	vst v63  }
0x69: {  	_ =	swait.ge [sflag:s28], $0x1000  }
0x6a: {  	[sflag:s28] =	ssyncset.done $0x0  }
0x6b: {  	[sflag:s28] =	ssyncadd.s32 $0xFFFFF000  }
0x6c: {  	_ =	swait.ge [sflag:s16], $0x2000  }
0x6d: {  	[sflag:s16] =	ssyncset.done $0x0  }
0x6e: {  	s7 =	simm.s32 $0x0;
	[sflag:s16] =	ssyncadd.s32 $0xFFFFE000  }
0x6f: {  	s8 =	simm.s32 $0xC240;
	s9 =	simm.s32 $0x100;
	v1 =	vld [tilespmem:s7+$0xA200]  }
.LBB2_12:
0x70: {  	p1 =	sne.s32 s9, $0x3F00;
	v2 =	vld [tilespmem:s8+$0x0]  }
0x71: {  	v3 =	vld [tilespmem:s8+$0xFFFFFFC0];
	_ =	sdelay $0x3  }
0x72: {  	v1 =	vmul.f32 v2, v1;
	_ =	sdelay $0x1  }
0x73: {  	v1 =	vadd.f32 v1, v3;
	_ =	sdelay $0x1  }
0x74: {  	v1 =	vmax.f32 v1, $0.0e+00  }
0x75: {  	[tilespmem:s7+$0x10200] =	vst v1;
	v1 =	vld [tilespmem:s7+$0xA210]  }
0x76: {  	v2 =	vld [tilespmem:s8+$0x10];
	_ =	sdelay $0x1  }
0x77: {  	v3 =	vld [tilespmem:s8+$0xFFFFFFD0];
	_ =	sdelay $0x2  }
0x78: {  	v1 =	vmul.f32 v2, v1;
	_ =	sdelay $0x1  }
0x79: {  	v1 =	vadd.f32 v1, v3;
	_ =	sdelay $0x1  }
0x7a: {  	v1 =	vmax.f32 v1, $0.0e+00  }
0x7b: {  	[tilespmem:s7+$0x10210] =	vst v1;
	v1 =	vld [tilespmem:s7+$0xA220]  }
0x7c: {  	v2 =	vld [tilespmem:s8+$0x20];
	_ =	sdelay $0x1  }
0x7d: {  	v3 =	vld [tilespmem:s8+$0xFFFFFFE0];
	_ =	sdelay $0x2  }
0x7e: {  	v1 =	vmul.f32 v2, v1;
	_ =	sdelay $0x1  }
0x7f: {  	v1 =	vadd.f32 v1, v3;
	_ =	sdelay $0x1  }
0x80: {  	v1 =	vmax.f32 v1, $0.0e+00  }
0x81: {  	[tilespmem:s7+$0x10220] =	vst v1;
	v1 =	vld [tilespmem:s7+$0xA230]  }
0x82: {  	v2 =	vld [tilespmem:s8+$0x30]  }
0x83: {  	v3 =	vld [tilespmem:s8+$0xFFFFFFF0];
	_ =	sdelay $0x3  }
0x84: {  	v1 =	vmul.f32 v2, v1  }
.Ltmp4:
0x85: {  	(pc) =	sbr.rel @p1 .LBB2_12-.Ltmp4, $3  }
0x86: {  	v1 =	vadd.f32 v1, v3;
	_ =	sdelay $0x1  }
0x87: {  	s10 =	sshra.s32 s9, $0x2;
	v2 =	vmax.f32 v1, $0.0e+00  }
0x88: {  	s9 =	sadd.s32 $0x100, s9;
	s8 =	sadd.s32 $0x80, s8;
	v1 =	vld [tilespmem:s10+$0xA200];
	[tilespmem:s7+$0x10230] =	vst v2;
	s7 =	smov.u32 s10  }
0x89: {  	v2 =	vld [tilespmem:s8+$0x0];
	_ =	sdelay $0x1  }
0x8a: {  	v3 =	vld [tilespmem:s8+$0xFFFFFFC0];
	_ =	sdelay $0x2  }
0x8b: {  	v1 =	vmul.f32 v2, v1;
	_ =	sdelay $0x1  }
0x8c: {  	v1 =	vadd.f32 v1, v3;
	_ =	sdelay $0x1  }
0x8d: {  	v1 =	vmax.f32 v1, $0.0e+00  }
0x8e: {  	[tilespmem:s7+$0x10200] =	vst v1;
	v1 =	vld [tilespmem:s7+$0xA210]  }
0x8f: {  	v2 =	vld [tilespmem:s8+$0x10];
	_ =	sdelay $0x1  }
0x90: {  	v3 =	vld [tilespmem:s8+$0xFFFFFFD0];
	_ =	sdelay $0x2  }
0x91: {  	v1 =	vmul.f32 v2, v1;
	_ =	sdelay $0x1  }
0x92: {  	v1 =	vadd.f32 v1, v3;
	_ =	sdelay $0x1  }
0x93: {  	v1 =	vmax.f32 v1, $0.0e+00  }
0x94: {  	[tilespmem:s7+$0x10210] =	vst v1;
	v1 =	vld [tilespmem:s7+$0xA220]  }
0x95: {  	v2 =	vld [tilespmem:s8+$0x20];
	_ =	sdelay $0x1  }
0x96: {  	v3 =	vld [tilespmem:s8+$0xFFFFFFE0];
	_ =	sdelay $0x2  }
0x97: {  	v1 =	vmul.f32 v2, v1;
	_ =	sdelay $0x1  }
0x98: {  	v1 =	vadd.f32 v1, v3;
	_ =	sdelay $0x1  }
0x99: {  	v1 =	vmax.f32 v1, $0.0e+00  }
0x9a: {  	[tilespmem:s7+$0x10220] =	vst v1;
	v1 =	vld [tilespmem:s7+$0xA230]  }
0x9b: {  	v2 =	vld [tilespmem:s8+$0x30];
	_ =	sdelay $0x1  }
0x9c: {  	v3 =	vld [tilespmem:s8+$0xFFFFFFF0];
	_ =	sdelay $0x2  }
0x9d: {  	v1 =	vmul.f32 v2, v1;
	_ =	sdelay $0x1  }
0x9e: {  	v1 =	vadd.f32 v1, v3;
	_ =	sdelay $0x1  }
0x9f: {  	v1 =	vmax.f32 v1, $0.0e+00  }
0xa0: {  	[tilespmem:s7+$0x10230] =	vst v1  }
0xa1: {  	_ =	swait.ge [sflag:s17], $0x1000  }
0xa2: {  	[sflag:s17] =	ssyncset.done $0x0  }
0xa3: {  	[sflag:s17] =	ssyncadd.s32 $0xFFFFF000  }
0xa4: {  	_ =	swait.ge [sflag:s18], $0x2000  }
0xa5: {  	[sflag:s18] =	ssyncset.done $0x0  }
0xa6: {  	s7 =	simm.s32 $0x0;
	[sflag:s18] =	ssyncadd.s32 $0xFFFFE000  }
0xa7: {  	s9 =	simm.s32 $0x100;
	s8 =	simm.s32 $0xE270;
	v1 =	vld [tilespmem:s7+$0xB200]  }
.LBB2_14:
0xa8: {  	p1 =	sne.s32 s9, $0x3F00;
	v2 =	vld [tilespmem:s8+$0xFFFFFFD0]  }
0xa9: {  	v3 =	vld [tilespmem:s8+$0xFFFFFF90];
	_ =	sdelay $0x3  }
0xaa: {  	v1 =	vmul.f32 v2, v1;
	_ =	sdelay $0x1  }
0xab: {  	v1 =	vadd.f32 v1, v3;
	_ =	sdelay $0x1  }
0xac: {  	v1 =	vmax.f32 v1, $0.0e+00  }
0xad: {  	[tilespmem:s7+$0x11200] =	vst v1;
	v1 =	vld [tilespmem:s7+$0xB210]  }
0xae: {  	v2 =	vld [tilespmem:s8+$0xFFFFFFE0];
	_ =	sdelay $0x1  }
0xaf: {  	v3 =	vld [tilespmem:s8+$0xFFFFFFA0];
	_ =	sdelay $0x2  }
0xb0: {  	v1 =	vmul.f32 v2, v1;
	_ =	sdelay $0x1  }
0xb1: {  	v1 =	vadd.f32 v1, v3;
	_ =	sdelay $0x1  }
0xb2: {  	v1 =	vmax.f32 v1, $0.0e+00  }
0xb3: {  	[tilespmem:s7+$0x11210] =	vst v1;
	v1 =	vld [tilespmem:s7+$0xB220]  }
0xb4: {  	v2 =	vld [tilespmem:s8+$0xFFFFFFF0];
	_ =	sdelay $0x1  }
0xb5: {  	v3 =	vld [tilespmem:s8+$0xFFFFFFB0];
	_ =	sdelay $0x2  }
0xb6: {  	v1 =	vmul.f32 v2, v1;
	_ =	sdelay $0x1  }
0xb7: {  	v1 =	vadd.f32 v1, v3;
	_ =	sdelay $0x1  }
0xb8: {  	v1 =	vmax.f32 v1, $0.0e+00  }
0xb9: {  	[tilespmem:s7+$0x11220] =	vst v1;
	v1 =	vld [tilespmem:s7+$0xB230]  }
0xba: {  	v2 =	vld [tilespmem:s8+$0x0]  }
0xbb: {  	v3 =	vld [tilespmem:s8+$0xFFFFFFC0];
	_ =	sdelay $0x3  }
0xbc: {  	v1 =	vmul.f32 v2, v1  }
.Ltmp5:
0xbd: {  	(pc) =	sbr.rel @p1 .LBB2_14-.Ltmp5, $3  }
0xbe: {  	v1 =	vadd.f32 v1, v3;
	_ =	sdelay $0x1  }
0xbf: {  	s10 =	sshra.s32 s9, $0x2;
	v2 =	vmax.f32 v1, $0.0e+00  }
0xc0: {  	s9 =	sadd.s32 $0x100, s9;
	s8 =	sadd.s32 $0x80, s8;
	v1 =	vld [tilespmem:s10+$0xB200];
	[tilespmem:s7+$0x11230] =	vst v2;
	s7 =	smov.u32 s10  }
0xc1: {  	v2 =	vld [tilespmem:s8+$0xFFFFFFD0];
	_ =	sdelay $0x1  }
0xc2: {  	v3 =	vld [tilespmem:s8+$0xFFFFFF90];
	_ =	sdelay $0x2  }
0xc3: {  	v1 =	vmul.f32 v2, v1;
	_ =	sdelay $0x1  }
0xc4: {  	v1 =	vadd.f32 v1, v3;
	_ =	sdelay $0x1  }
0xc5: {  	v1 =	vmax.f32 v1, $0.0e+00  }
0xc6: {  	[tilespmem:s7+$0x11200] =	vst v1;
	v1 =	vld [tilespmem:s7+$0xB210]  }
0xc7: {  	v2 =	vld [tilespmem:s8+$0xFFFFFFE0];
	_ =	sdelay $0x1  }
0xc8: {  	v3 =	vld [tilespmem:s8+$0xFFFFFFA0];
	_ =	sdelay $0x2  }
0xc9: {  	v1 =	vmul.f32 v2, v1;
	_ =	sdelay $0x1  }
0xca: {  	v1 =	vadd.f32 v1, v3;
	_ =	sdelay $0x1  }
0xcb: {  	v1 =	vmax.f32 v1, $0.0e+00  }
0xcc: {  	[tilespmem:s7+$0x11210] =	vst v1;
	v1 =	vld [tilespmem:s7+$0xB220]  }
0xcd: {  	v2 =	vld [tilespmem:s8+$0xFFFFFFF0];
	_ =	sdelay $0x1  }
0xce: {  	v3 =	vld [tilespmem:s8+$0xFFFFFFB0];
	_ =	sdelay $0x2  }
0xcf: {  	v1 =	vmul.f32 v2, v1;
	_ =	sdelay $0x1  }
0xd0: {  	v1 =	vadd.f32 v1, v3;
	_ =	sdelay $0x1  }
0xd1: {  	v1 =	vmax.f32 v1, $0.0e+00  }
0xd2: {  	[tilespmem:s7+$0x11220] =	vst v1;
	v1 =	vld [tilespmem:s7+$0xB230]  }
0xd3: {  	v2 =	vld [tilespmem:s8+$0x0];
	_ =	sdelay $0x1  }
0xd4: {  	v3 =	vld [tilespmem:s8+$0xFFFFFFC0];
	_ =	sdelay $0x2  }
0xd5: {  	v1 =	vmul.f32 v2, v1;
	_ =	sdelay $0x1  }
0xd6: {  	v1 =	vadd.f32 v1, v3;
	_ =	sdelay $0x1  }
0xd7: {  	s21 =	sadd.s32 $0x1, s21;
	v1 =	vmax.f32 v1, $0.0e+00  }
0xd8: {  	s1 =	sadd.s32 $0x6C00, s1;
	p1 =	sne.s32 s21, $0x34;
	[tilespmem:s7+$0x11230] =	vst v1  }
0xd9: {  	[spmem:s2] =	stream.indirect.scatter.add.f32 [tilespmem:s20], [sflag:$0x5], $0x40, s1, s19, $0xb8;
	[tilespmem:$0x1D200] =	vst v63  }
.Ltmp6:
0xda: {  	_ = 	snop;
	(pc) =	sbr.rel @p1 .LBB2_11-.Ltmp6, $4  }
.Ltmp7:
0xdb: {  	_ = 	snop;
	(pc) =	sbr.rel @!p1 .LBB2_16-.Ltmp7, $4  }
0xdc: {  	_ =	swait.ge [sflag:s25], $0x2000  }
0xdd: {  	[sflag:s25] =	ssyncset.done $0x0  }
0xde: {  	[sflag:s25] =	ssyncadd.s32 $0xFFFFE000  }
0xdf: {  	_ = 	snop  }
.LBB2_4:
0xe0: {  	s1 =	rddreg [dreg:$0x7]  }
0xe1: {  	[tilespmem:s21], [sflag:$0x5] =	stream.linear.gather [hbm4b:s1+s21], $0x3600, $0x38;
	[tilespmem:$0x1D200] =	vst v63  }
0xe2: {  	_ =	swait.ge [sflag:s25], $0x3600  }
0xe3: {  	[sflag:s25] =	ssyncset.done $0x0  }
0xe4: {  	s7 =	simm.s32 $0x3600;
	s8 =	rddreg [dreg:$0x8];
	[sflag:s25] =	ssyncadd.s32 $0xFFFFCA00  }
0xe5: {  	[tilespmem:s7], [sflag:$0x5] =	stream.linear.gather [hbm4b:s8+s21], $0x3600, $0x38;
	[tilespmem:$0x1D200] =	vst v63  }
0xe6: {  	_ =	swait.ge [sflag:s25], $0x3600  }
0xe7: {  	[sflag:s25] =	ssyncset.done $0x0  }
0xe8: {  	s10 =	simm.s32 $0x6C00;
	s9 =	rddreg [dreg:$0x9];
	[sflag:s25] =	ssyncadd.s32 $0xFFFFCA00  }
0xe9: {  	[tilespmem:s10], [sflag:$0x5] =	stream.linear.gather [hbm4b:s9+s21], $0x3600, $0x38;
	[tilespmem:$0x1D200] =	vst v63  }
0xea: {  	_ =	swait.ge [sflag:s25], $0x3600  }
0xeb: {  	[sflag:s25] =	ssyncset.done $0x0  }
0xec: {  	[sflag:s25] =	ssyncadd.s32 $0xFFFFCA00  }
0xed: {  	[bflag:$0x0] =	sbarrier.arrive $0xFFFF  }
.LBB2_5:
0xee: {  	s1 =	sshll.u32 s21, $0x7  }
0xef: {  	[tilespmem:s30], [sflag:$0x1] =	stream.indirect.gather [hbm4b:s4+s29], $0x40, s1, s29, $0xb8;
	[tilespmem:$0x1D200] =	vst v63  }
0xf0: {  	s7 =	sor.u32 $0x40, s1  }
0xf1: {  	[tilespmem:s31], [sflag:$0x2] =	stream.indirect.gather [hbm4b:s4+s29], $0x40, s7, s29, $0xb8;
	[tilespmem:$0x1D200] =	vst v63  }
0xf2: {  	s9 =	sadd.s32 $0x3600, s1  }
0xf3: {  	[tilespmem:s0], [sflag:$0x3] =	stream.indirect.gather [hbm4b:s5+s29], $0x80, s9, s29, $0xb8;
	[tilespmem:$0x1D200] =	vst v63  }
0xf4: {  	s10 =	sadd.s32 $0x3640, s1  }
0xf5: {  	[tilespmem:s26], [sflag:$0x4] =	stream.indirect.gather [hbm4b:s5+s29], $0x80, s10, s29, $0xb8;
	[tilespmem:$0x1D200] =	vst v63  }
0xf6: {  	_ =	swait.ge [sflag:s28], $0x1000  }
0xf7: {  	[sflag:s28] =	ssyncset.done $0x0  }
0xf8: {  	[sflag:s28] =	ssyncadd.s32 $0xFFFFF000  }
0xf9: {  	_ =	swait.ge [sflag:s16], $0x2000  }
0xfa: {  	[sflag:s16] =	ssyncset.done $0x0  }
0xfb: {  	s7 =	simm.s32 $0x0;
	[sflag:s16] =	ssyncadd.s32 $0xFFFFE000  }
0xfc: {  	s8 =	simm.s32 $0xC240;
	s9 =	simm.s32 $0x100;
	v1 =	vld [tilespmem:s7+$0xA200]  }
.LBB2_6:
0xfd: {  	p1 =	sne.s32 s9, $0x3F00;
	v2 =	vld [tilespmem:s8+$0x0]  }
0xfe: {  	v3 =	vld [tilespmem:s8+$0xFFFFFFC0];
	_ =	sdelay $0x3  }
0xff: {  	v1 =	vmul.f32 v2, v1;
	_ =	sdelay $0x1  }
0x100: {  	v1 =	vadd.f32 v1, v3;
	_ =	sdelay $0x1  }
0x101: {  	v1 =	vmax.f32 v1, $0.0e+00  }
0x102: {  	[tilespmem:s7+$0x10200] =	vst v1;
	v1 =	vld [tilespmem:s7+$0xA210]  }
0x103: {  	v2 =	vld [tilespmem:s8+$0x10];
	_ =	sdelay $0x1  }
0x104: {  	v3 =	vld [tilespmem:s8+$0xFFFFFFD0];
	_ =	sdelay $0x2  }
0x105: {  	v1 =	vmul.f32 v2, v1;
	_ =	sdelay $0x1  }
0x106: {  	v1 =	vadd.f32 v1, v3;
	_ =	sdelay $0x1  }
0x107: {  	v1 =	vmax.f32 v1, $0.0e+00  }
0x108: {  	[tilespmem:s7+$0x10210] =	vst v1;
	v1 =	vld [tilespmem:s7+$0xA220]  }
0x109: {  	v2 =	vld [tilespmem:s8+$0x20];
	_ =	sdelay $0x1  }
0x10a: {  	v3 =	vld [tilespmem:s8+$0xFFFFFFE0];
	_ =	sdelay $0x2  }
0x10b: {  	v1 =	vmul.f32 v2, v1;
	_ =	sdelay $0x1  }
0x10c: {  	v1 =	vadd.f32 v1, v3;
	_ =	sdelay $0x1  }
0x10d: {  	v1 =	vmax.f32 v1, $0.0e+00  }
0x10e: {  	[tilespmem:s7+$0x10220] =	vst v1;
	v1 =	vld [tilespmem:s7+$0xA230]  }
0x10f: {  	v2 =	vld [tilespmem:s8+$0x30]  }
0x110: {  	v3 =	vld [tilespmem:s8+$0xFFFFFFF0];
	_ =	sdelay $0x3  }
0x111: {  	v1 =	vmul.f32 v2, v1  }
.Ltmp8:
0x112: {  	(pc) =	sbr.rel @p1 .LBB2_6-.Ltmp8, $3  }
0x113: {  	v1 =	vadd.f32 v1, v3;
	_ =	sdelay $0x1  }
0x114: {  	s10 =	sshra.s32 s9, $0x2;
	v2 =	vmax.f32 v1, $0.0e+00  }
0x115: {  	s9 =	sadd.s32 $0x100, s9;
	s8 =	sadd.s32 $0x80, s8;
	v1 =	vld [tilespmem:s10+$0xA200];
	[tilespmem:s7+$0x10230] =	vst v2;
	s7 =	smov.u32 s10  }
0x116: {  	v2 =	vld [tilespmem:s8+$0x0];
	_ =	sdelay $0x1  }
0x117: {  	v3 =	vld [tilespmem:s8+$0xFFFFFFC0];
	_ =	sdelay $0x2  }
0x118: {  	v1 =	vmul.f32 v2, v1;
	_ =	sdelay $0x1  }
0x119: {  	v1 =	vadd.f32 v1, v3;
	_ =	sdelay $0x1  }
0x11a: {  	v1 =	vmax.f32 v1, $0.0e+00  }
0x11b: {  	[tilespmem:s7+$0x10200] =	vst v1;
	v1 =	vld [tilespmem:s7+$0xA210]  }
0x11c: {  	v2 =	vld [tilespmem:s8+$0x10];
	_ =	sdelay $0x1  }
0x11d: {  	v3 =	vld [tilespmem:s8+$0xFFFFFFD0];
	_ =	sdelay $0x2  }
0x11e: {  	v1 =	vmul.f32 v2, v1;
	_ =	sdelay $0x1  }
0x11f: {  	v1 =	vadd.f32 v1, v3;
	_ =	sdelay $0x1  }
0x120: {  	v1 =	vmax.f32 v1, $0.0e+00  }
0x121: {  	[tilespmem:s7+$0x10210] =	vst v1;
	v1 =	vld [tilespmem:s7+$0xA220]  }
0x122: {  	v2 =	vld [tilespmem:s8+$0x20];
	_ =	sdelay $0x1  }
0x123: {  	v3 =	vld [tilespmem:s8+$0xFFFFFFE0];
	_ =	sdelay $0x2  }
0x124: {  	v1 =	vmul.f32 v2, v1;
	_ =	sdelay $0x1  }
0x125: {  	v1 =	vadd.f32 v1, v3;
	_ =	sdelay $0x1  }
0x126: {  	v1 =	vmax.f32 v1, $0.0e+00  }
0x127: {  	[tilespmem:s7+$0x10220] =	vst v1;
	v1 =	vld [tilespmem:s7+$0xA230]  }
0x128: {  	v2 =	vld [tilespmem:s8+$0x30];
	_ =	sdelay $0x1  }
0x129: {  	v3 =	vld [tilespmem:s8+$0xFFFFFFF0];
	_ =	sdelay $0x2  }
0x12a: {  	v1 =	vmul.f32 v2, v1;
	_ =	sdelay $0x1  }
0x12b: {  	v1 =	vadd.f32 v1, v3;
	_ =	sdelay $0x1  }
0x12c: {  	v1 =	vmax.f32 v1, $0.0e+00  }
0x12d: {  	[tilespmem:s7+$0x10230] =	vst v1  }
0x12e: {  	_ =	swait.ge [sflag:s17], $0x1000  }
0x12f: {  	[sflag:s17] =	ssyncset.done $0x0  }
0x130: {  	[sflag:s17] =	ssyncadd.s32 $0xFFFFF000  }
0x131: {  	_ =	swait.ge [sflag:s18], $0x2000  }
0x132: {  	[sflag:s18] =	ssyncset.done $0x0  }
0x133: {  	s7 =	simm.s32 $0x0;
	[sflag:s18] =	ssyncadd.s32 $0xFFFFE000  }
0x134: {  	s9 =	simm.s32 $0x100;
	s8 =	simm.s32 $0xE270;
	v1 =	vld [tilespmem:s7+$0xB200]  }
.LBB2_8:
0x135: {  	p1 =	sne.s32 s9, $0x3F00;
	v2 =	vld [tilespmem:s8+$0xFFFFFFD0]  }
0x136: {  	v3 =	vld [tilespmem:s8+$0xFFFFFF90];
	_ =	sdelay $0x3  }
0x137: {  	v1 =	vmul.f32 v2, v1;
	_ =	sdelay $0x1  }
0x138: {  	v1 =	vadd.f32 v1, v3;
	_ =	sdelay $0x1  }
0x139: {  	v1 =	vmax.f32 v1, $0.0e+00  }
0x13a: {  	[tilespmem:s7+$0x11200] =	vst v1;
	v1 =	vld [tilespmem:s7+$0xB210]  }
0x13b: {  	v2 =	vld [tilespmem:s8+$0xFFFFFFE0];
	_ =	sdelay $0x1  }
0x13c: {  	v3 =	vld [tilespmem:s8+$0xFFFFFFA0];
	_ =	sdelay $0x2  }
0x13d: {  	v1 =	vmul.f32 v2, v1;
	_ =	sdelay $0x1  }
0x13e: {  	v1 =	vadd.f32 v1, v3;
	_ =	sdelay $0x1  }
0x13f: {  	v1 =	vmax.f32 v1, $0.0e+00  }
0x140: {  	[tilespmem:s7+$0x11210] =	vst v1;
	v1 =	vld [tilespmem:s7+$0xB220]  }
0x141: {  	v2 =	vld [tilespmem:s8+$0xFFFFFFF0];
	_ =	sdelay $0x1  }
0x142: {  	v3 =	vld [tilespmem:s8+$0xFFFFFFB0];
	_ =	sdelay $0x2  }
0x143: {  	v1 =	vmul.f32 v2, v1;
	_ =	sdelay $0x1  }
0x144: {  	v1 =	vadd.f32 v1, v3;
	_ =	sdelay $0x1  }
0x145: {  	v1 =	vmax.f32 v1, $0.0e+00  }
0x146: {  	[tilespmem:s7+$0x11220] =	vst v1;
	v1 =	vld [tilespmem:s7+$0xB230]  }
0x147: {  	v2 =	vld [tilespmem:s8+$0x0]  }
0x148: {  	v3 =	vld [tilespmem:s8+$0xFFFFFFC0];
	_ =	sdelay $0x3  }
0x149: {  	v1 =	vmul.f32 v2, v1  }
.Ltmp9:
0x14a: {  	(pc) =	sbr.rel @p1 .LBB2_8-.Ltmp9, $3  }
0x14b: {  	v1 =	vadd.f32 v1, v3;
	_ =	sdelay $0x1  }
0x14c: {  	s10 =	sshra.s32 s9, $0x2;
	v2 =	vmax.f32 v1, $0.0e+00  }
0x14d: {  	s9 =	sadd.s32 $0x100, s9;
	s8 =	sadd.s32 $0x80, s8;
	v1 =	vld [tilespmem:s10+$0xB200];
	[tilespmem:s7+$0x11230] =	vst v2;
	s7 =	smov.u32 s10  }
0x14e: {  	v2 =	vld [tilespmem:s8+$0xFFFFFFD0];
	_ =	sdelay $0x1  }
0x14f: {  	v3 =	vld [tilespmem:s8+$0xFFFFFF90];
	_ =	sdelay $0x2  }
0x150: {  	v1 =	vmul.f32 v2, v1;
	_ =	sdelay $0x1  }
0x151: {  	v1 =	vadd.f32 v1, v3;
	_ =	sdelay $0x1  }
0x152: {  	v1 =	vmax.f32 v1, $0.0e+00  }
0x153: {  	[tilespmem:s7+$0x11200] =	vst v1;
	v1 =	vld [tilespmem:s7+$0xB210]  }
0x154: {  	v2 =	vld [tilespmem:s8+$0xFFFFFFE0];
	_ =	sdelay $0x1  }
0x155: {  	v3 =	vld [tilespmem:s8+$0xFFFFFFA0];
	_ =	sdelay $0x2  }
0x156: {  	v1 =	vmul.f32 v2, v1;
	_ =	sdelay $0x1  }
0x157: {  	v1 =	vadd.f32 v1, v3;
	_ =	sdelay $0x1  }
0x158: {  	v1 =	vmax.f32 v1, $0.0e+00  }
0x159: {  	[tilespmem:s7+$0x11210] =	vst v1;
	v1 =	vld [tilespmem:s7+$0xB220]  }
0x15a: {  	v2 =	vld [tilespmem:s8+$0xFFFFFFF0];
	_ =	sdelay $0x1  }
0x15b: {  	v3 =	vld [tilespmem:s8+$0xFFFFFFB0];
	_ =	sdelay $0x2  }
0x15c: {  	v1 =	vmul.f32 v2, v1;
	_ =	sdelay $0x1  }
0x15d: {  	v1 =	vadd.f32 v1, v3;
	_ =	sdelay $0x1  }
0x15e: {  	v1 =	vmax.f32 v1, $0.0e+00  }
0x15f: {  	[tilespmem:s7+$0x11220] =	vst v1;
	v1 =	vld [tilespmem:s7+$0xB230]  }
0x160: {  	v2 =	vld [tilespmem:s8+$0x0];
	_ =	sdelay $0x1  }
0x161: {  	v3 =	vld [tilespmem:s8+$0xFFFFFFC0];
	_ =	sdelay $0x2  }
0x162: {  	v1 =	vmul.f32 v2, v1;
	_ =	sdelay $0x1  }
0x163: {  	v1 =	vadd.f32 v1, v3;
	_ =	sdelay $0x1  }
0x164: {  	s21 =	sadd.s32 $0x1, s21;
	v1 =	vmax.f32 v1, $0.0e+00  }
0x165: {  	s1 =	sadd.s32 $0x6C00, s1;
	p1 =	seq.s32 s21, $0x6C;
	[tilespmem:s7+$0x11230] =	vst v1  }
0x166: {  	[spmem:s2] =	stream.indirect.scatter.add.f32 [tilespmem:s20], [sflag:$0x5], $0x40, s1, s19, $0xb8;
	[tilespmem:$0x1D200] =	vst v63  }
.Ltmp10:
0x167: {  	_ = 	snop;
	(pc) =	sbr.rel @!p1 .LBB2_5-.Ltmp10, $4  }
.Ltmp11:
0x168: {  	_ = 	snop;
	(pc) =	sbr.rel @p1 .LBB2_16-.Ltmp11, $4  }
0x169: {  	_ =	swait.ge [sflag:s25], $0x2000  }
0x16a: {  	[sflag:s25] =	ssyncset.done $0x0  }
0x16b: {  	[sflag:s25] =	ssyncadd.s32 $0xFFFFE000  }
0x16c: {  	_ = 	snop  }
.LBB2_17:
0x16d: {  	_ =	sfence.sel $0x180000  }
0x16e: {  	[bflag:$0x0] =	sbarrier.arrive $0xFFFF  }
0x16f: {  	_ =	strace $0x9000004D  }
0x170: {  	s0 =	stileid.u32;
	[bflag:$0x2] =	sbarrier.arrive $0xFFFF  }
0x171: {  	p0 =	sne.s32 s0, $0x0;
	s0 =	rddreg [dreg:$0x2]  }
0x172: {  	s0 =	sadd.s32 @!p0 $0x100000, s0  }
0x173: {  	[sflag:s0] =	ssyncadd.tile.s32 @!p0 $0x1;
	_ =	shalt  }
.Lfunc_end2:
_tile_overlayer_lowered:
.L_overlay_start_2:
0x174: {  	(tag) =	ssettag $0x2  }
0x175: {  	s0 =	rddreg [dreg:$0x0];
	s2 =	stileid.u32  }
0x176: {  	s1 =	rddreg [dreg:$0x1];
	p0 =	sne.s32 s2, $0x0  }
0x177: {  	s3 =	rddreg [dreg:$0x2];
	[bflag:$0x3] =	sbarrier.arrive $0xFFFF;
	s2 =	simm.s32 @!p0 $0x1C05  }
0x178: {  	[timem:s3], [sflag:s2] =	dma.local @!p0 [hbm:s0], s1  }
0x179: {  	s0 =	simm.s32 @!p0 $0x5  }
0x17a: {  	_ =	swait.ge @!p0 [sflag:s0], s1  }
0x17b: {  	s1 =	ssub.s32 @!p0 $0x0, s1;
	[sflag:s0] =	ssyncset.done @!p0 $0x0  }
0x17c: {  	[sflag:s0] =	ssyncadd.s32 @!p0 s1  }
0x17d: {  	[bflag:$0x3] =	sbarrier.arrive $0xFFFF  }
0x17e: {  	_ =	shalt  }

// kernel: kernel.8.cloned.1.call-start
scs
__scs_entry_jumppad:
0x0: {  	(pc) =	sbr.rel $0x88, $3  }
0x1: {  	(tag) =	ssettag $0x0;
	lr =	simm.s32 $0x1  }
0x2: {  	[smem:$0x3F89] =	sst lr;
	_ =	strace $0xD0000000  }
0x3: {  	_ = 	snop  }
0x4: {  	_ = 	snop  }
0x5: {  	_ = 	snop  }
0x6: {  	_ = 	snop  }
0x7: {  	_ = 	snop  }
__scs_overlays_trampoline_lowered:
0x8: {  	[smem:$0x3F98] =	sst s0  }
0x9: {  	[smem:$0x3F99] =	sst s1  }
0xa: {  	[smem:$0x3F9A] =	sst s2  }
0xb: {  	[smem:$0x3F9B] =	sst s3  }
0xc: {  	[smem:$0x3F9C] =	sst s4  }
0xd: {  	[smem:$0x3F9D] =	sst s5  }
0xe: {  	[smem:$0x3F9E] =	sst s6  }
0xf: {  	[smem:$0x3F9F] =	sst s7  }
0x10: {  	[smem:$0x3FA0] =	sst s8  }
0x11: {  	[smem:$0x3FA1] =	sst s9;
	s0 =	simm.s32 @!p0 $0x0  }
0x12: {  	s1 =	sld [smem:$0x3F87];
	s0 =	simm.s32 @p0 $0x1  }
0x13: {  	[smem:$0x3FA2] =	sst s0;
	s0 =	simm.s32 @!p1 $0x0  }
0x14: {  	s2 =	sld [smem:$0x3F86];
	s0 =	simm.s32 @p1 $0x1  }
0x15: {  	[smem:$0x3FA3] =	sst s0;
	s0 =	simm.s32 @!p2 $0x0  }
0x16: {  	s3 =	sld [smem:$0x3FDB];
	s0 =	simm.s32 @p2 $0x1  }
0x17: {  	s4 =	simm.s32 $0x1BF5;
	[smem:$0x3FA5] =	sst s0  }
0x18: {  	s0 =	sld [smem:$0x3F88];
	_ =	swait.ge [sflag:s4], $0x0  }
0x19: {  	s7 =	sld [smem:$0x3F89]  }
0x1a: {  	s8 =	sadd.s32 $0xFFFFE003, lr  }
0x1b: {  	s9 =	sadd.s32 $0xFFFFFEF7, lr;
	s5 =	simm.s32 $0xFFFFFFFF;
	p2 =	slt.u32 s8, $0xFFFFF086  }
0x1c: {  	p1 =	slt.u32 s9, $0xF7A;
	s5 =	simm.s32 @!p2 $0x0  }
0x1d: {  	s5 =	simm.s32 @p1 $0x1;
	p0 =	seq.s32 s7, s2  }
0x1e: {  	s7 =	smul.u32 @!p0 $0xF7A, s2;
	p2 =	seq.s32 @!p0 s5, $0x0  }
0x1f: {  	s9 =	smul.u32 $0xF7A, s1;
	s8 =	simm.s32 @!p0 $0x1BF5;
	p2 =	por !p2, p0  }
0x20: {  	[sflag:s8] =	ssyncset.s32 @!p0 $0xFFFFF086;
	s6 =	sadd.s32 @!p0 s3, s7;
	s7 =	simm.s32 @!p0 $0x108  }
0x21: {  	s3 =	sadd.s32 s3, s9;
	s6 =	sadd.s32 @!p0 $0x88, s6;
	s7 =	simm.s32 @p2 $0x1082  }
0x22: {  	[simem:s7], [sflag:s8] =	dma.local @!p0 [hbm:s6], $0xF7A  }
0x23: {  	s9 =	sor.u32 $0xD0000000, s2;
	s6 =	simm.s32 $0x108;
	_ =	swait.ge @!p0 [sflag:s8], $0x0  }
0x24: {  	s3 =	sadd.s32 $0x88, s3;
	s6 =	simm.s32 @!p1 $0x1082;
	[sflag:s4] =	ssyncset.s32 $0xFFFFF086  }
0x25: {  	[simem:s6], [sflag:s4] =	dma.local [hbm:s3], $0xF7A  }
0x26: {  	[smem:$0x3F89] =	sst s1;
	(tag) =	ssettag s2;
	_ =	strace s9  }
0x27: {  	s1 =	sld [smem:$0x3F99]  }
0x28: {  	s2 =	sld [smem:$0x3F9A]  }
0x29: {  	s4 =	sld [smem:$0x3F9C]  }
0x2a: {  	p0 =	seq.s32 s5, $0x0;
	s5 =	sld [smem:$0x3F9D]  }
0x2b: {  	s6 =	sld [smem:$0x3F9E]  }
0x2c: {  	s7 =	sld [smem:$0x3F9F]  }
0x2d: {  	s3 =	simm.s32 $0x108;
	s8 =	sld [smem:$0x3FA0]  }
0x2e: {  	s3 =	simm.s32 @!p0 $0x1082;
	s9 =	sld [smem:$0x3FA1]  }
0x2f: {  	lr =	sadd.s32 s0, s3;
	s0 =	sld [smem:$0x3F98]  }
0x30: {  	s3 =	sld [smem:$0x3F9B]  }
0x31: {  	[smem:$0x3FA4] =	sst s10  }
0x32: {  	s10 =	sld [smem:$0x3FA2];
	_ =	sdelay $0x3  }
0x33: {  	p0 =	seq.s32 s10, $0x1;
	s10 =	sld [smem:$0x3FA4];
	_ =	sdelay $0x3  }
0x34: {  	[smem:$0x3FA4] =	sst s10  }
0x35: {  	s10 =	sld [smem:$0x3FA3];
	_ =	sdelay $0x3  }
0x36: {  	p1 =	seq.s32 s10, $0x1;
	s10 =	sld [smem:$0x3FA4];
	_ =	sdelay $0x3  }
0x37: {  	[smem:$0x3FA4] =	sst s10  }
0x38: {  	s10 =	sld [smem:$0x3FA5]  }
0x39: {  	_ = 	snop;
	(pc) =	sbr.ind lr, $3  }
0x3a: {  	_ = 	snop  }
0x3b: {  	_ = 	snop  }
0x3c: {  	p2 =	seq.s32 s10, $0x1;
	s10 =	sld [smem:$0x3FA4]  }
0x3d: {  	_ =	shalt  }
0x3e: {  	_ =	shalt  }
0x3f: {  	_ =	shalt  }
0x40: {  	_ =	shalt  }
0x41: {  	_ =	shalt  }
0x42: {  	_ =	shalt  }
0x43: {  	_ =	shalt  }
0x44: {  	_ =	shalt  }
0x45: {  	_ =	shalt  }
0x46: {  	_ =	shalt  }
0x47: {  	_ =	shalt  }
0x48: {  	_ =	shalt  }
0x49: {  	_ =	shalt  }
0x4a: {  	_ =	shalt  }
0x4b: {  	_ =	shalt  }
0x4c: {  	_ =	shalt  }
0x4d: {  	_ =	shalt  }
0x4e: {  	_ =	shalt  }
0x4f: {  	_ =	shalt  }
0x50: {  	_ =	shalt  }
0x51: {  	_ =	shalt  }
0x52: {  	_ =	shalt  }
0x53: {  	_ =	shalt  }
0x54: {  	_ =	shalt  }
0x55: {  	_ =	shalt  }
0x56: {  	_ =	shalt  }
0x57: {  	_ =	shalt  }
0x58: {  	_ =	shalt  }
0x59: {  	_ =	shalt  }
0x5a: {  	_ =	shalt  }
0x5b: {  	_ =	shalt  }
0x5c: {  	_ =	shalt  }
0x5d: {  	_ =	shalt  }
0x5e: {  	_ =	shalt  }
0x5f: {  	_ =	shalt  }
0x60: {  	_ =	shalt  }
0x61: {  	_ =	shalt  }
0x62: {  	_ =	shalt  }
0x63: {  	_ =	shalt  }
0x64: {  	_ =	shalt  }
0x65: {  	_ =	shalt  }
0x66: {  	_ =	shalt  }
0x67: {  	_ =	shalt  }
0x68: {  	_ =	shalt  }
0x69: {  	_ =	shalt  }
0x6a: {  	_ =	shalt  }
0x6b: {  	_ =	shalt  }
0x6c: {  	_ =	shalt  }
0x6d: {  	_ =	shalt  }
0x6e: {  	_ =	shalt  }
0x6f: {  	_ =	shalt  }
0x70: {  	_ =	shalt  }
0x71: {  	_ =	shalt  }
0x72: {  	_ =	shalt  }
0x73: {  	_ =	shalt  }
0x74: {  	_ =	shalt  }
0x75: {  	_ =	shalt  }
0x76: {  	_ =	shalt  }
0x77: {  	_ =	shalt  }
0x78: {  	_ =	shalt  }
0x79: {  	_ =	shalt  }
0x7a: {  	_ =	shalt  }
0x7b: {  	_ =	shalt  }
0x7c: {  	_ =	shalt  }
0x7d: {  	_ =	shalt  }
0x7e: {  	_ =	shalt  }
0x7f: {  	_ =	shalt  }
0x80: {  	_ =	shalt  }
0x81: {  	_ =	shalt  }
0x82: {  	_ =	shalt  }
0x83: {  	_ =	shalt  }
0x84: {  	_ =	shalt  }
0x85: {  	_ =	shalt  }
0x86: {  	_ =	shalt  }
0x87: {  	_ =	shalt  }
.Lfunc_end0:
.L_simem_size_0:
called_computation_lowered:
.L_overlay_start_0:
0x88: {  	s2 =	sld [smem:$0x3FD9]  }
0x89: {  	s3 =	sld [smem:$0x3FFE];
	_ =	sdelay $0x1  }
0x8a: {  	s1 =	srdreg.scid  }
0x8b: {  	s0 =	sand.u32 $0x1, s1  }
0x8c: {  	s16 =	sshll.u32 s0, $0xA;
	s2 =	sadd.s32 s3, s2  }
0x8d: {  	s2 =	sadd.s32 s2, s16  }
0x8e: {  	[smem:$0x3FB0] =	sst s2  }
0x8f: {  	_ = 	snop  }
0x90: {  	(tm) =	ssettm $0x1  }
0x91: {  	s17 =	sld [smem:$0x3FFB];
	_ =	sdelay $0x3  }
0x92: {  	_ =	strace s17  }
0x93: {  	s2 =	sld [smem:$0x3FFC];
	_ =	sdelay $0x3  }
0x94: {  	_ =	strace s2  }
0x95: {  	s2 =	sld [smem:$0x3FFD];
	_ =	sdelay $0x3  }
0x96: {  	_ =	strace s2  }
0x97: {  	_ =	strace $0x8FFFFFFF  }
0x98: {  	s18 =	sld [smem:$0x3FDB];
	_ =	sdelay $0x1  }
0x99: {  	s19 =	simm.s32 $_scs_section_size  }
0x9a: {  	s4 =	simm.s32 $_size__tile_overlayer_lowered;
	s5 =	simm.s32 $_tile_overlayer_lowered  }
0x9b: {  	s22 =	simm.s32 $0x1BFF;
	s21 =	sshll.u32 s5, $0x1;
	s2 =	sadd.s32 s19, s18  }
0x9c: {  	s6 =	simm.s32 $0x0;
	s20 =	sshll.u32 s4, $0x1;
	s4 =	sadd.s32 s21, s2  }
0x9d: {  	[timem:s6], [sflag:s22] =	dma.local [hbm:s4], s20  }
0x9e: {  	_ =	swait.ge [sflag:s22], s20  }
0x9f: {  	s3 =	ssub.s32 $0x0, s20;
	[sflag:s22] =	ssyncset.done $0x0  }
0xa0: {  	[sflag:s22] =	ssyncadd.s32 s3;
	_ =	sdelay $0x1  }
0xa1: {  	s23 =	simm.s32 $0x1B8B  }
0xa2: {  	_ =	swait.ge [sflag:s23], $0x1  }
0xa3: {  	[sflag:s23] =	ssyncset.done $0x0  }
0xa4: {  	s25 =	simm.s32 $0x1B8E;
	s24 =	sld [smem:$0x3FFE];
	[sflag:s23] =	ssyncadd.s32 $0xFFFFFFFF  }
0xa5: {  	s26 =	simm.s32 $execute0_lowered;
	[smem:$0x3FD2] =	sst s25  }
0xa6: {  	s4 =	sshll.u32 s26, $0x1;
	_ =	strace $0x80000046;
	[dreg:$0x1] =	wrdreg $0xFFFFFFFF  }
0xa7: {  	s28 =	simm.s32 $_size_execute0_lowered;
	s2 =	sadd.s32 s2, s4;
	[dreg:$0x0] =	wrdreg $0x0  }
0xa8: {  	s4 =	sshll.u32 s28, $0x1;
	[dreg:$0x2] =	wrdreg s2  }
0xa9: {  	[dreg:$0x3] =	wrdreg s4  }
0xaa: {  	[dreg:$0x4] =	wrdreg $0xC0  }
0xab: {  	_ =	task [dreg:s6], $0x5FFFF  }
0xac: {  	[dreg:$0x1] =	wrdreg $0xFFFFFFFF  }
0xad: {  	[dreg:$0x0] =	wrdreg $0x60  }
0xae: {  	[dreg:$0x2] =	wrdreg s24  }
0xaf: {  	[dreg:$0x3] =	wrdreg $0x34000  }
0xb0: {  	[dreg:$0x4] =	wrdreg $0x9  }
0xb1: {  	_ =	task.clear_ibuf [dreg:s6], $0x5FFFF;
	_ =	strace $0x90000046  }
0xb2: {  	s29 =	simm.s32 $0x9;
	_ =	strace $0x80000048  }
0xb3: {  	_ =	swait.ge [sflag:s29], $0x1  }
0xb4: {  	[sflag:s29] =	ssyncadd.s32 $0xFFFFFFFF  }
0xb5: {  	_ =	strace $0x90000048  }
0xb6: {  	_ =	sfence  }
0xb7: {  	s30 =	sld [smem:$0x0];
	_ =	sdelay $0x2  }
0xb8: {  	s31 =	sshll.u32 s1, $0xD;
	s1 =	sshrl.u32 s1, $0x2  }
0xb9: {  	s3 =	sand.u32 $0x4000, s31;
	s1 =	sadd.s32 s1, s30  }
0xba: {  	s0 =	sor.u32 s3, s0;
	s1 =	sshll.u32 s1, $0x11  }
0xbb: {  	s0 =	sor.u32 s1, s0  }
0xbc: {  	s0 =	sadd.s32 $0x8F2B, s0  }
0xbd: {  	[sflag:s0] =	ssyncadd.remote.s32 $0x1  }
0xbe: {  	_ =	sfence.sel $0xFFFF  }
0xbf: {  	[dreg:$0x0] =	wrdreg $0xFFFFFFFF;
	(pc) =	sbr.abs _section_cstart, $3  }
0xc0: {  	[dreg:$0x1] =	wrdreg $0xFFFFFFFF  }
0xc1: {  	_ =	task.clear_ibuf [dreg:s6], $0x2FFFF;
	_ =	strace $0x9FFFFFFF  }
0xc2: {  	(tm) =	ssettm $0x7FFFFFFF  }
0xc3: {  	_ =	shalt  }
tec
execute0_lowered:
.L_overlay_start_1:
0x0: {  	(tag) =	ssettag $0x1  }
0x1: {  	s7 =	stileid.u32  }
0x2: {  	s5 =	smul.u32 $0xA000, s7  }
0x3: {  	s1 =	sshll.u32 s7, $0x1;
	s7 =	smul.u32 $0x28000, s7  }
0x4: {  	s0 =	srdreg.scid;
	s2 =	rddreg [dreg:$0x1]  }
0x5: {  	s3 =	simm.s32 $0x0;
	s0 =	sand.u32 $0x1, s0;
	s24 =	sshrl.u32 s7, $0x2  }
0x6: {  	[smem:$0x7FF] =	sst s3;
	s6 =	smul.u32 $0xA0000, s0;
	s15 =	sadd.s32 s24, s2  }
0x7: {  	s4 =	rddreg [dreg:$0x0];
	_ =	strace $0x80000047;
	s26 =	sadd.s32 $0x400, s15  }
0x8: {  	s23 =	sadd.s32 s5, s6;
	s6 =	sadd.s32 $0x1000, s15;
	[dreg:$0x3] =	wrdreg s26  }
0x9: {  	s1 =	sor.u32 s0, s1;
	s7 =	sadd.s32 $0x1400, s15;
	[dreg:$0x6] =	wrdreg s6  }
0xa: {  	s0 =	ssub.s32 $0x2, s0;
	s8 =	sadd.s32 $0x1800, s15;
	[dreg:$0x7] =	wrdreg s7  }
0xb: {  	s1 =	smul.u32 $0x500, s1;
	s9 =	sadd.s32 $0x1C00, s15;
	[dreg:$0x8] =	wrdreg s8  }
0xc: {  	s25 =	sshrl.u32 s0, $0x1;
	s10 =	sadd.s32 $0x2000, s15;
	[dreg:$0x9] =	wrdreg s9  }
0xd: {  	s18 =	ssub.s32 s0, s25;
	s11 =	sadd.s32 $0x2400, s15;
	[dreg:$0xa] =	wrdreg s10  }
0xe: {  	s16 =	sadd.s32 s1, s4;
	s12 =	sadd.s32 $0x2800, s15;
	[dreg:$0xb] =	wrdreg s11  }
0xf: {  	s1 =	sshrl.u32 s23, $0x3;
	s13 =	sadd.s32 $0x2C00, s15;
	[dreg:$0xc] =	wrdreg s12  }
0x10: {  	s14 =	sadd.s32 $0x3000, s15;
	s19 =	sadd.s32 $0x3400, s15;
	[dreg:$0xd] =	wrdreg s13  }
0x11: {  	s20 =	sadd.s32 $0x3800, s15;
	s21 =	sadd.s32 $0x3C00, s15;
	[dreg:$0xe] =	wrdreg s14  }
0x12: {  	s22 =	sadd.s32 $0x4000, s15;
	s23 =	sadd.s32 $0x4400, s15;
	[dreg:$0xf] =	wrdreg s19  }
0x13: {  	s24 =	sadd.s32 $0x4800, s15;
	s25 =	sadd.s32 $0x4C00, s15;
	[dreg:$0x10] =	wrdreg s20  }
0x14: {  	s28 =	sadd.s32 $0x5C00, s15;
	s29 =	sadd.s32 $0x6000, s15;
	[dreg:$0x11] =	wrdreg s21  }
0x15: {  	s30 =	sadd.s32 $0x6400, s15;
	s31 =	sadd.s32 $0x6800, s15;
	[dreg:$0x12] =	wrdreg s22  }
0x16: {  	s0 =	sadd.s32 $0x7000, s15;
	s18 =	smax.u32 s18, $0x1;
	[dreg:$0x13] =	wrdreg s23  }
0x17: {  	s17 =	sadd.s32 s1, s4;
	s4 =	sadd.s32 s5, s2;
	[dreg:$0x14] =	wrdreg s24  }
0x18: {  	s1 =	sadd.s32 $0x800, s15;
	s5 =	sadd.s32 $0xC00, s15;
	[dreg:$0x15] =	wrdreg s25  }
0x19: {  	s26 =	sadd.s32 $0x5000, s15;
	s25 =	sadd.s32 $0x5400, s15;
	s6 =	sadd.s32 $0x7800, s15  }
0x1a: {  	s7 =	sadd.s32 $0x7C00, s15;
	s8 =	sadd.s32 $0x8000, s15;
	s9 =	sadd.s32 $0x8400, s15  }
0x1b: {  	s10 =	sadd.s32 $0x8800, s15;
	s11 =	sadd.s32 $0x8C00, s15;
	s12 =	sadd.s32 $0x9000, s15  }
0x1c: {  	s13 =	sadd.s32 $0x9400, s15;
	s14 =	sadd.s32 $0x9800, s15;
	s16 =	sadd.s32 $0x4800, s16  }
0x1d: {  	s19 =	simm.s32 $0x3000;
	s20 =	simm.s32 $0x1;
	[dreg:$0x4] =	wrdreg s1  }
0x1e: {  	s21 =	simm.s32 $0x80;
	s22 =	simm.s32 $0x2800;
	[dreg:$0x5] =	wrdreg s5  }
0x1f: {  	[dreg:$0x16] =	wrdreg s26;
	s26 =	sadd.s32 $0x5800, s15;
	s1 =	sadd.s32 $0x6C00, s15  }
0x20: {  	v0 =	vimm.f32 $0.0e+00;
	v1 =	vimm.f32 $1.000000000e+00;
	s5 =	sadd.s32 $0x7400, s15;
	s15 =	sadd.s32 $0x9C00, s15;
	s17 =	sadd.s32 $0x18800, s17  }
.LBB2_1:
0x21: {  	s23 =	simm.s32 $0x0  }
.LBB2_2:
0x22: {  	p0 =	sne.s32 s23, $0xFC0  }
.Ltmp0:
0x23: {  	_ = 	snop;
	(pc) =	sbr.rel @p0 .LBB2_2-.Ltmp0, $3  }
0x24: {  	_ =	sdelay $0x1  }
0x25: {  	s24 =	sshra.s32 s23, $0x2  }
0x26: {  	s23 =	sadd.s32 $0x40, s23;
	[tilespmem:s24+$0x3000] =	vst v0  }
0x27: {  	s23 =	simm.s32 $0x40;
	s24 =	simm.s32 $0x0  }
.LBB2_4:
0x28: {  	p0 =	sne.s32 s23, $0x1FC0;
	[tilespmem:s24+$0x2800] =	vst v1;
	s24 =	smov.u32 s23;
	s23 =	sadd.s32 $0x40, s23  }
.Ltmp1:
0x29: {  	(pc) =	sbr.rel @p0 .LBB2_4-.Ltmp1, $2  }
0x2a: {  	_ =	sdelay $0x2  }
0x2b: {  	s24 =	sshra.s32 s24, $0x2  }
0x2c: {  	[tilespmem:s24+$0x2800] =	vst v1  }
0x2d: {  	[spmem:s4] =	stream.linear.scatter [tilespmem:s19], [sflag:$0x1], $0x400, $0x38;
	[tilespmem:$0xD400] =	vst v63  }
0x2e: {  	_ =	swait.ge [sflag:s20], $0x400  }
0x2f: {  	[sflag:s20] =	ssyncset.done $0x0  }
0x30: {  	s23 =	rddreg [dreg:$0x3];
	[sflag:s20] =	ssyncadd.s32 $0xFFFFFC00  }
0x31: {  	[spmem:s23] =	stream.linear.scatter [tilespmem:s19], [sflag:$0x1], $0x400, $0x38;
	[tilespmem:$0xD400] =	vst v63  }
0x32: {  	_ =	swait.ge [sflag:s20], $0x400  }
0x33: {  	[sflag:s20] =	ssyncset.done $0x0  }
0x34: {  	s24 =	rddreg [dreg:$0x4];
	[sflag:s20] =	ssyncadd.s32 $0xFFFFFC00  }
0x35: {  	[spmem:s24] =	stream.linear.scatter [tilespmem:s19], [sflag:$0x1], $0x400, $0x38;
	[tilespmem:$0xD400] =	vst v63  }
0x36: {  	_ =	swait.ge [sflag:s20], $0x400  }
0x37: {  	[sflag:s20] =	ssyncset.done $0x0  }
0x38: {  	s24 =	rddreg [dreg:$0x5];
	[sflag:s20] =	ssyncadd.s32 $0xFFFFFC00  }
0x39: {  	[spmem:s24] =	stream.linear.scatter [tilespmem:s19], [sflag:$0x1], $0x400, $0x38;
	[tilespmem:$0xD400] =	vst v63  }
0x3a: {  	_ =	swait.ge [sflag:s20], $0x400  }
0x3b: {  	[sflag:s20] =	ssyncset.done $0x0  }
0x3c: {  	s24 =	rddreg [dreg:$0x6];
	[sflag:s20] =	ssyncadd.s32 $0xFFFFFC00  }
0x3d: {  	[spmem:s24] =	stream.linear.scatter [tilespmem:s19], [sflag:$0x1], $0x400, $0x38;
	[tilespmem:$0xD400] =	vst v63  }
0x3e: {  	_ =	swait.ge [sflag:s20], $0x400  }
0x3f: {  	[sflag:s20] =	ssyncset.done $0x0  }
0x40: {  	s24 =	rddreg [dreg:$0x7];
	[sflag:s20] =	ssyncadd.s32 $0xFFFFFC00  }
0x41: {  	[spmem:s24] =	stream.linear.scatter [tilespmem:s19], [sflag:$0x1], $0x400, $0x38;
	[tilespmem:$0xD400] =	vst v63  }
0x42: {  	_ =	swait.ge [sflag:s20], $0x400  }
0x43: {  	[sflag:s20] =	ssyncset.done $0x0  }
0x44: {  	s24 =	rddreg [dreg:$0x8];
	[sflag:s20] =	ssyncadd.s32 $0xFFFFFC00  }
0x45: {  	[spmem:s24] =	stream.linear.scatter [tilespmem:s19], [sflag:$0x1], $0x400, $0x38;
	[tilespmem:$0xD400] =	vst v63  }
0x46: {  	_ =	swait.ge [sflag:s20], $0x400  }
0x47: {  	[sflag:s20] =	ssyncset.done $0x0  }
0x48: {  	s24 =	rddreg [dreg:$0x9];
	[sflag:s20] =	ssyncadd.s32 $0xFFFFFC00  }
0x49: {  	[spmem:s24] =	stream.linear.scatter [tilespmem:s19], [sflag:$0x1], $0x400, $0x38;
	[tilespmem:$0xD400] =	vst v63  }
0x4a: {  	_ =	swait.ge [sflag:s20], $0x400  }
0x4b: {  	[sflag:s20] =	ssyncset.done $0x0  }
0x4c: {  	s24 =	rddreg [dreg:$0xa];
	[sflag:s20] =	ssyncadd.s32 $0xFFFFFC00  }
0x4d: {  	[spmem:s24] =	stream.linear.scatter [tilespmem:s19], [sflag:$0x1], $0x400, $0x38;
	[tilespmem:$0xD400] =	vst v63  }
0x4e: {  	_ =	swait.ge [sflag:s20], $0x400  }
0x4f: {  	[sflag:s20] =	ssyncset.done $0x0  }
0x50: {  	s24 =	rddreg [dreg:$0xb];
	[sflag:s20] =	ssyncadd.s32 $0xFFFFFC00  }
0x51: {  	[spmem:s24] =	stream.linear.scatter [tilespmem:s19], [sflag:$0x1], $0x400, $0x38;
	[tilespmem:$0xD400] =	vst v63  }
0x52: {  	_ =	swait.ge [sflag:s20], $0x400  }
0x53: {  	[sflag:s20] =	ssyncset.done $0x0  }
0x54: {  	s24 =	rddreg [dreg:$0xc];
	[sflag:s20] =	ssyncadd.s32 $0xFFFFFC00  }
0x55: {  	[spmem:s24] =	stream.linear.scatter [tilespmem:s19], [sflag:$0x1], $0x400, $0x38;
	[tilespmem:$0xD400] =	vst v63  }
0x56: {  	_ =	swait.ge [sflag:s20], $0x400  }
0x57: {  	[sflag:s20] =	ssyncset.done $0x0  }
0x58: {  	s24 =	rddreg [dreg:$0xd];
	[sflag:s20] =	ssyncadd.s32 $0xFFFFFC00  }
0x59: {  	[spmem:s24] =	stream.linear.scatter [tilespmem:s19], [sflag:$0x1], $0x400, $0x38;
	[tilespmem:$0xD400] =	vst v63  }
0x5a: {  	_ =	swait.ge [sflag:s20], $0x400  }
0x5b: {  	[sflag:s20] =	ssyncset.done $0x0  }
0x5c: {  	s24 =	rddreg [dreg:$0xe];
	[sflag:s20] =	ssyncadd.s32 $0xFFFFFC00  }
0x5d: {  	[spmem:s24] =	stream.linear.scatter [tilespmem:s19], [sflag:$0x1], $0x400, $0x38;
	[tilespmem:$0xD400] =	vst v63  }
0x5e: {  	_ =	swait.ge [sflag:s20], $0x400  }
0x5f: {  	[sflag:s20] =	ssyncset.done $0x0  }
0x60: {  	s24 =	rddreg [dreg:$0xf];
	[sflag:s20] =	ssyncadd.s32 $0xFFFFFC00  }
0x61: {  	[spmem:s24] =	stream.linear.scatter [tilespmem:s19], [sflag:$0x1], $0x400, $0x38;
	[tilespmem:$0xD400] =	vst v63  }
0x62: {  	_ =	swait.ge [sflag:s20], $0x400  }
0x63: {  	[sflag:s20] =	ssyncset.done $0x0  }
0x64: {  	s24 =	rddreg [dreg:$0x10];
	[sflag:s20] =	ssyncadd.s32 $0xFFFFFC00  }
0x65: {  	[spmem:s24] =	stream.linear.scatter [tilespmem:s19], [sflag:$0x1], $0x400, $0x38;
	[tilespmem:$0xD400] =	vst v63  }
0x66: {  	_ =	swait.ge [sflag:s20], $0x400  }
0x67: {  	[sflag:s20] =	ssyncset.done $0x0  }
0x68: {  	s24 =	rddreg [dreg:$0x11];
	[sflag:s20] =	ssyncadd.s32 $0xFFFFFC00  }
0x69: {  	[spmem:s24] =	stream.linear.scatter [tilespmem:s19], [sflag:$0x1], $0x400, $0x38;
	[tilespmem:$0xD400] =	vst v63  }
0x6a: {  	_ =	swait.ge [sflag:s20], $0x400  }
0x6b: {  	[sflag:s20] =	ssyncset.done $0x0  }
0x6c: {  	s24 =	rddreg [dreg:$0x12];
	[sflag:s20] =	ssyncadd.s32 $0xFFFFFC00  }
0x6d: {  	[spmem:s24] =	stream.linear.scatter [tilespmem:s19], [sflag:$0x1], $0x400, $0x38;
	[tilespmem:$0xD400] =	vst v63  }
0x6e: {  	_ =	swait.ge [sflag:s20], $0x400  }
0x6f: {  	[sflag:s20] =	ssyncset.done $0x0  }
0x70: {  	s24 =	rddreg [dreg:$0x13];
	[sflag:s20] =	ssyncadd.s32 $0xFFFFFC00  }
0x71: {  	[spmem:s24] =	stream.linear.scatter [tilespmem:s19], [sflag:$0x1], $0x400, $0x38;
	[tilespmem:$0xD400] =	vst v63  }
0x72: {  	_ =	swait.ge [sflag:s20], $0x400  }
0x73: {  	[sflag:s20] =	ssyncset.done $0x0  }
0x74: {  	s24 =	rddreg [dreg:$0x14];
	[sflag:s20] =	ssyncadd.s32 $0xFFFFFC00  }
0x75: {  	[spmem:s24] =	stream.linear.scatter [tilespmem:s19], [sflag:$0x1], $0x400, $0x38;
	[tilespmem:$0xD400] =	vst v63  }
0x76: {  	_ =	swait.ge [sflag:s20], $0x400  }
0x77: {  	[sflag:s20] =	ssyncset.done $0x0  }
0x78: {  	s24 =	rddreg [dreg:$0x15];
	[sflag:s20] =	ssyncadd.s32 $0xFFFFFC00  }
0x79: {  	[spmem:s24] =	stream.linear.scatter [tilespmem:s19], [sflag:$0x1], $0x400, $0x38;
	[tilespmem:$0xD400] =	vst v63  }
0x7a: {  	_ =	swait.ge [sflag:s20], $0x400  }
0x7b: {  	[sflag:s20] =	ssyncset.done $0x0  }
0x7c: {  	s24 =	rddreg [dreg:$0x16];
	[sflag:s20] =	ssyncadd.s32 $0xFFFFFC00  }
0x7d: {  	[spmem:s24] =	stream.linear.scatter [tilespmem:s19], [sflag:$0x1], $0x400, $0x38;
	[tilespmem:$0xD400] =	vst v63  }
0x7e: {  	_ =	swait.ge [sflag:s20], $0x400  }
0x7f: {  	[sflag:s20] =	ssyncset.done $0x0  }
0x80: {  	[sflag:s20] =	ssyncadd.s32 $0xFFFFFC00  }
0x81: {  	[spmem:s25] =	stream.linear.scatter [tilespmem:s19], [sflag:$0x1], $0x400, $0x38;
	[tilespmem:$0xD400] =	vst v63  }
0x82: {  	_ =	swait.ge [sflag:s20], $0x400  }
0x83: {  	[sflag:s20] =	ssyncset.done $0x0  }
0x84: {  	[sflag:s20] =	ssyncadd.s32 $0xFFFFFC00  }
0x85: {  	[spmem:s26] =	stream.linear.scatter [tilespmem:s19], [sflag:$0x1], $0x400, $0x38;
	[tilespmem:$0xD400] =	vst v63  }
0x86: {  	_ =	swait.ge [sflag:s20], $0x400  }
0x87: {  	[sflag:s20] =	ssyncset.done $0x0  }
0x88: {  	[sflag:s20] =	ssyncadd.s32 $0xFFFFFC00  }
0x89: {  	[spmem:s28] =	stream.linear.scatter [tilespmem:s19], [sflag:$0x1], $0x400, $0x38;
	[tilespmem:$0xD400] =	vst v63  }
0x8a: {  	_ =	swait.ge [sflag:s20], $0x400  }
0x8b: {  	[sflag:s20] =	ssyncset.done $0x0  }
0x8c: {  	[sflag:s20] =	ssyncadd.s32 $0xFFFFFC00  }
0x8d: {  	[spmem:s29] =	stream.linear.scatter [tilespmem:s19], [sflag:$0x1], $0x400, $0x38;
	[tilespmem:$0xD400] =	vst v63  }
0x8e: {  	_ =	swait.ge [sflag:s20], $0x400  }
0x8f: {  	[sflag:s20] =	ssyncset.done $0x0  }
0x90: {  	[sflag:s20] =	ssyncadd.s32 $0xFFFFFC00  }
0x91: {  	[spmem:s30] =	stream.linear.scatter [tilespmem:s19], [sflag:$0x1], $0x400, $0x38;
	[tilespmem:$0xD400] =	vst v63  }
0x92: {  	_ =	swait.ge [sflag:s20], $0x400  }
0x93: {  	[sflag:s20] =	ssyncset.done $0x0  }
0x94: {  	[sflag:s20] =	ssyncadd.s32 $0xFFFFFC00  }
0x95: {  	[spmem:s31] =	stream.linear.scatter [tilespmem:s19], [sflag:$0x1], $0x400, $0x38;
	[tilespmem:$0xD400] =	vst v63  }
0x96: {  	_ =	swait.ge [sflag:s20], $0x400  }
0x97: {  	[sflag:s20] =	ssyncset.done $0x0  }
0x98: {  	[sflag:s20] =	ssyncadd.s32 $0xFFFFFC00  }
0x99: {  	[spmem:s1] =	stream.linear.scatter [tilespmem:s19], [sflag:$0x1], $0x400, $0x38;
	[tilespmem:$0xD400] =	vst v63  }
0x9a: {  	_ =	swait.ge [sflag:s20], $0x400  }
0x9b: {  	[sflag:s20] =	ssyncset.done $0x0  }
0x9c: {  	[sflag:s20] =	ssyncadd.s32 $0xFFFFFC00  }
0x9d: {  	[spmem:s0] =	stream.linear.scatter [tilespmem:s19], [sflag:$0x1], $0x400, $0x38;
	[tilespmem:$0xD400] =	vst v63  }
0x9e: {  	_ =	swait.ge [sflag:s20], $0x400  }
0x9f: {  	[sflag:s20] =	ssyncset.done $0x0  }
0xa0: {  	[sflag:s20] =	ssyncadd.s32 $0xFFFFFC00  }
0xa1: {  	[spmem:s5] =	stream.linear.scatter [tilespmem:s19], [sflag:$0x1], $0x400, $0x38;
	[tilespmem:$0xD400] =	vst v63  }
0xa2: {  	_ =	swait.ge [sflag:s20], $0x400  }
0xa3: {  	[sflag:s20] =	ssyncset.done $0x0  }
0xa4: {  	[sflag:s20] =	ssyncadd.s32 $0xFFFFFC00  }
0xa5: {  	[spmem:s6] =	stream.linear.scatter [tilespmem:s19], [sflag:$0x1], $0x400, $0x38;
	[tilespmem:$0xD400] =	vst v63  }
0xa6: {  	_ =	swait.ge [sflag:s20], $0x400  }
0xa7: {  	[sflag:s20] =	ssyncset.done $0x0  }
0xa8: {  	[sflag:s20] =	ssyncadd.s32 $0xFFFFFC00  }
0xa9: {  	[spmem:s7] =	stream.linear.scatter [tilespmem:s19], [sflag:$0x1], $0x400, $0x38;
	[tilespmem:$0xD400] =	vst v63  }
0xaa: {  	_ =	swait.ge [sflag:s20], $0x400  }
0xab: {  	[sflag:s20] =	ssyncset.done $0x0  }
0xac: {  	[sflag:s20] =	ssyncadd.s32 $0xFFFFFC00  }
0xad: {  	[spmem:s8] =	stream.linear.scatter [tilespmem:s19], [sflag:$0x1], $0x400, $0x38;
	[tilespmem:$0xD400] =	vst v63  }
0xae: {  	_ =	swait.ge [sflag:s20], $0x400  }
0xaf: {  	[sflag:s20] =	ssyncset.done $0x0  }
0xb0: {  	[sflag:s20] =	ssyncadd.s32 $0xFFFFFC00  }
0xb1: {  	[spmem:s9] =	stream.linear.scatter [tilespmem:s19], [sflag:$0x1], $0x400, $0x38;
	[tilespmem:$0xD400] =	vst v63  }
0xb2: {  	_ =	swait.ge [sflag:s20], $0x400  }
0xb3: {  	[sflag:s20] =	ssyncset.done $0x0  }
0xb4: {  	[sflag:s20] =	ssyncadd.s32 $0xFFFFFC00  }
0xb5: {  	[spmem:s10] =	stream.linear.scatter [tilespmem:s19], [sflag:$0x1], $0x400, $0x38;
	[tilespmem:$0xD400] =	vst v63  }
0xb6: {  	_ =	swait.ge [sflag:s20], $0x400  }
0xb7: {  	[sflag:s20] =	ssyncset.done $0x0  }
0xb8: {  	[sflag:s20] =	ssyncadd.s32 $0xFFFFFC00  }
0xb9: {  	[spmem:s11] =	stream.linear.scatter [tilespmem:s19], [sflag:$0x1], $0x400, $0x38;
	[tilespmem:$0xD400] =	vst v63  }
0xba: {  	_ =	swait.ge [sflag:s20], $0x400  }
0xbb: {  	[sflag:s20] =	ssyncset.done $0x0  }
0xbc: {  	[sflag:s20] =	ssyncadd.s32 $0xFFFFFC00  }
0xbd: {  	[spmem:s12] =	stream.linear.scatter [tilespmem:s19], [sflag:$0x1], $0x400, $0x38;
	[tilespmem:$0xD400] =	vst v63  }
0xbe: {  	_ =	swait.ge [sflag:s20], $0x400  }
0xbf: {  	[sflag:s20] =	ssyncset.done $0x0  }
0xc0: {  	[sflag:s20] =	ssyncadd.s32 $0xFFFFFC00  }
0xc1: {  	[spmem:s13] =	stream.linear.scatter [tilespmem:s19], [sflag:$0x1], $0x400, $0x38;
	[tilespmem:$0xD400] =	vst v63  }
0xc2: {  	_ =	swait.ge [sflag:s20], $0x400  }
0xc3: {  	[sflag:s20] =	ssyncset.done $0x0  }
0xc4: {  	[sflag:s20] =	ssyncadd.s32 $0xFFFFFC00  }
0xc5: {  	[spmem:s14] =	stream.linear.scatter [tilespmem:s19], [sflag:$0x1], $0x400, $0x38;
	[tilespmem:$0xD400] =	vst v63  }
0xc6: {  	_ =	swait.ge [sflag:s20], $0x400  }
0xc7: {  	[sflag:s20] =	ssyncset.done $0x0  }
0xc8: {  	[sflag:s20] =	ssyncadd.s32 $0xFFFFFC00  }
0xc9: {  	[spmem:s15] =	stream.linear.scatter [tilespmem:s19], [sflag:$0x1], $0x400, $0x38;
	[tilespmem:$0xD400] =	vst v63  }
0xca: {  	_ =	swait.ge [sflag:s20], $0x400  }
0xcb: {  	[sflag:s20] =	ssyncset.done $0x0  }
0xcc: {  	s24 =	simm.s32 $0x0;
	[sflag:s20] =	ssyncadd.s32 $0xFFFFFC00  }
0xcd: {  	[tilespmem:s24], [sflag:$0x1] =	stream.linear.gather [hbm4b:s16+s24], $0x2800, $0x38;
	[tilespmem:$0xD400] =	vst v63  }
0xce: {  	_ =	swait.ge [sflag:s20], $0x2800  }
0xcf: {  	[sflag:s20] =	ssyncset.done $0x0  }
0xd0: {  	[sflag:s20] =	ssyncadd.s32 $0xFFFFD800  }
0xd1: {  	s24 =	simm.s32 $0x0;
	[bflag:$0x0] =	sbarrier.arrive $0xFFFF  }
0xd2: {  	[spmem:s2] =	stream.indirect.scatter.add.f32 [tilespmem:s22], [sflag:$0x1], $0x10, s24, s21, $0xb8;
	[tilespmem:$0xD400] =	vst v63  }
0xd3: {  	_ =	swait.ge [sflag:s20], $0x800  }
0xd4: {  	s23 =	simm.s32 $0x200;
	[sflag:s20] =	ssyncset.done $0x0  }
.LBB2_6:
0xd5: {  	s24 =	sshra.s32 s23, $0x2;
	[sflag:s20] =	ssyncadd.s32 $0xFFFFF800;
	p0 =	sne.s32 s23, $0x9E00  }
0xd6: {  	[spmem:s2] =	stream.indirect.scatter.add.f32 [tilespmem:s22], [sflag:$0x1], $0x10, s24, s21, $0xb8;
	[tilespmem:$0xD400] =	vst v63  }
.Ltmp2:
0xd7: {  	_ = 	snop;
	(pc) =	sbr.rel @p0 .LBB2_6-.Ltmp2, $4  }
0xd8: {  	_ = 	snop  }
0xd9: {  	s23 =	sadd.s32 $0x200, s23  }
0xda: {  	_ =	swait.ge [sflag:s20], $0x800  }
0xdb: {  	[sflag:s20] =	ssyncset.done $0x0  }
0xdc: {  	[sflag:s20] =	ssyncadd.s32 $0xFFFFF800;
	s23 =	stileid.u32;
	s3 =	sadd.s32 $0x1, s3  }
0xdd: {  	s24 =	sshrl.u32 s4, $0x3;
	s23 =	sshll.u32 s23, $0x6;
	p0 =	sne.s32 s3, s18  }
.Ltmp3:
0xde: {  	[bflag:$0x0] =	sbarrier.arrive $0xFFFF;
	s23 =	sor.u32 $0x1C01, s23;
	(pc) =	sbr.rel @p0 .LBB2_1-.Ltmp3, $4  }
0xdf: {  	[hbm:s17], [sflag:s23] =	dma.local [spmem:s24], $0x1400  }
0xe0: {  	_ =	swait.ge [sflag:s20], $0x1400  }
0xe1: {  	[sflag:s20] =	ssyncset.done $0x0  }
0xe2: {  	[sflag:s20] =	ssyncadd.s32 $0xFFFFEC00  }
0xe3: {  	_ =	sfence.sel $0x180000  }
0xe4: {  	[bflag:$0x0] =	sbarrier.arrive $0xFFFF  }
0xe5: {  	_ =	strace $0x90000047  }
0xe6: {  	s0 =	stileid.u32;
	[bflag:$0x2] =	sbarrier.arrive $0xFFFF  }
0xe7: {  	p0 =	sne.s32 s0, $0x0;
	s0 =	rddreg [dreg:$0x2]  }
0xe8: {  	s0 =	sadd.s32 @!p0 $0x100000, s0  }
0xe9: {  	[sflag:s0] =	ssyncadd.tile.s32 @!p0 $0x1;
	_ =	shalt  }
.Lfunc_end2:
_tile_overlayer_lowered:
.L_overlay_start_2:
0xea: {  	(tag) =	ssettag $0x2  }
0xeb: {  	s0 =	rddreg [dreg:$0x0];
	s2 =	stileid.u32  }
0xec: {  	s1 =	rddreg [dreg:$0x1];
	p0 =	sne.s32 s2, $0x0  }
0xed: {  	s3 =	rddreg [dreg:$0x2];
	[bflag:$0x3] =	sbarrier.arrive $0xFFFF;
	s2 =	simm.s32 @!p0 $0x1C01  }
0xee: {  	[timem:s3], [sflag:s2] =	dma.local @!p0 [hbm:s0], s1  }
0xef: {  	s0 =	simm.s32 @!p0 $0x1  }
0xf0: {  	_ =	swait.ge @!p0 [sflag:s0], s1  }
0xf1: {  	s1 =	ssub.s32 @!p0 $0x0, s1;
	[sflag:s0] =	ssyncset.done @!p0 $0x0  }
0xf2: {  	[sflag:s0] =	ssyncadd.s32 @!p0 s1  }
0xf3: {  	[bflag:$0x3] =	sbarrier.arrive $0xFFFF  }
0xf4: {  	_ =	shalt  }

</sc_bundles>
